<compile_context>
chip_gen: v7x
topology: tpu7x:2x2x1
jax: 0.10.2.dev20260603
libtpu: 0.0.44.dev20260713+nightly
codegen_flags: <defaults>
</compile_context>

<pallas_src>
import functools

import jax
import jax.numpy as jnp
from jax import lax
from jax.experimental import pallas as pl
from jax.experimental.pallas import tpu as pltpu
from jax.experimental.pallas import tpu_sc as plsc

_D = 128
_V = 300
_VP = 304
_NC = 2
_NS = 16
_NW = _NC * _NS
_CH = 128
_KI = 40
_NBUF = 5
_P = 3
_NG8 = _VP // 8
_LANE = 16


@functools.partial(jax.jit, static_argnames=("n_total",))
def _vqae_sc(idx, W, n_total):
    nb = n_total // _NW
    nch = nb // _CH
    ng = nch // _KI
    assert ng * _KI == nch and nch * _CH == nb and ng % 2 == 0

    mesh = plsc.VectorSubcoreMesh(
        core_axis_name="c", subcore_axis_name="s",
        num_cores=_NC, num_subcores=_NS,
    )

    scratch = (
        [pltpu.VMEM((_KI * _CH,), jnp.int32) for _ in range(2)]
        + [pltpu.VMEM_SHARED((_V, _D), jnp.float32)]
        + [pltpu.VMEM((_CH, _D), jnp.float32) for _ in range(_NBUF)]
        + [pltpu.SemaphoreType.DMA for _ in range(2 * _NBUF + 2)]
    )

    @functools.partial(
        pl.kernel,
        mesh=mesh,
        out_type=jax.ShapeDtypeStruct((n_total, _D), jnp.float32),
        scratch_types=scratch,
    )
    def k(idx_hbm, tab_hbm, out_hbm, ib0, ib1, tab_v,
          r0, r1, r2, r3, r4, g0, g1, g2, g3, g4, s0, s1, s2, s3, s4,
          i0, i1):
        rows = (r0, r1, r2, r3, r4)
        gsem = (g0, g1, g2, g3, g4)
        ssem = (s0, s1, s2, s3, s4)
        ibuf = (ib0, ib1)
        isem = (i0, i1)
        cid = lax.axis_index("c")
        sid = lax.axis_index("s")
        wid = sid * _NC + cid
        row0 = wid * nb

        def iload(h, p):
            return pltpu.make_async_copy(
                idx_hbm.at[pl.ds(row0 + h * (_KI * _CH), _KI * _CH)],
                ibuf[p], isem[p])

        def gat(idx_v, j, buf):
            return pltpu.make_async_copy(
                tab_v.at[idx_v.at[pl.ds(j * _CH, _CH)]], rows[buf],
                gsem[buf])

        iload(0, 0).start()
        iload(1, 1).start()

        @pl.when(sid == 0)
        def _():
            pltpu.sync_copy(tab_hbm, tab_v)
        plsc.subcore_barrier()

        def run_group(h, p, first):
            idx_v = ibuf[p]
            gbase = row0 + h * (_KI * _CH)
            iload(h, p).wait()
            for j in range(_KI):
                b = j % _NBUF
                if j >= _NBUF:
                    pltpu.make_async_copy(
                        rows[b], out_hbm.at[pl.ds(gbase + j * _CH, _CH)],
                        ssem[b]).wait()
                elif first is not None:
                    @pl.when(jnp.logical_not(first))
                    def _():
                        pltpu.make_async_copy(
                            rows[b], out_hbm.at[pl.ds(gbase + j * _CH, _CH)],
                            ssem[b]).wait()
                else:
                    pltpu.make_async_copy(
                        rows[b], out_hbm.at[pl.ds(gbase + j * _CH, _CH)],
                        ssem[b]).wait()
                gat(idx_v, j, b).start()
                jj = j - _P
                if jj >= 0:
                    bb = jj % _NBUF
                    gat(idx_v, jj, bb).wait()
                    pltpu.async_copy(
                        rows[bb], out_hbm.at[pl.ds(gbase + jj * _CH, _CH)],
                        ssem[bb])
            for jj in range(_KI - _P, _KI):
                bb = jj % _NBUF
                gat(idx_v, jj, bb).wait()
                pltpu.async_copy(
                    rows[bb], out_hbm.at[pl.ds(gbase + jj * _CH, _CH)],
                    ssem[bb])
            @pl.when(h + 2 < ng)
            def _():
                iload(h + 2, p).start()

        def pair(t, carry):
            run_group(2 * t, 0, t == 0)
            run_group(2 * t + 1, 1, None)
            return carry

        lax.fori_loop(0, ng // 2, pair, 0)

        for j in range(_KI - _NBUF, _KI):
            b = j % _NBUF
            cbase = row0 + (ng - 1) * (_KI * _CH) + j * _CH
            pltpu.make_async_copy(
                rows[b], out_hbm.at[pl.ds(cbase, _CH)], ssem[b]).wait()

    return k(idx, W)


def _normalize_table(W):

    def body(w_ref, o_ref):
        w = w_ref[...]
        ss = jnp.sum(w * w, axis=-1, keepdims=True)
        o_ref[...] = w / (jnp.sqrt(ss) + 1e-6)

    return pl.pallas_call(
        body,
        out_shape=jax.ShapeDtypeStruct(W.shape, W.dtype),
    )(W)


def kernel(code, W):
    n_total = code.shape[0] * code.shape[1]
    idx = code.reshape(-1).astype(jnp.int32)
    Wn = _normalize_table(W.astype(jnp.float32))
    out = _vqae_sc(idx, Wn, n_total)
    return out.reshape(*code.shape, _D)

# --- scband reference (transcript-rebuilt; emitter-appended) ---
"""Pipeline reference for scband-vqae-36404142800914 (READ-ONLY COPY).

The authoritative reference and input builder live on the scoring server;
editing this copy changes nothing except your own understanding.
"""

import jax, jax.numpy as jnp
import numpy as np


def setup_inputs(seed: int = 0) -> dict:
    key = jax.random.key(seed)
    k1, k2 = jax.random.split(key)
    code = jax.random.randint(k1, (16384, 200), 0, 300, dtype=jnp.int64 if jax.config.jax_enable_x64 else jnp.int32)
    W = jax.random.normal(k2, (300, 128), dtype=jnp.float32)
    return {"code": code, "W": W}


def reference(code, W):
    # special_embed = self.special_code(code)
    special_embed = jnp.take(W, code, axis=0)
    # vec = special_embed / (special_embed.norm(dim=-1, keepdim=True) + 1e-06)
    norm = jnp.linalg.norm(special_embed, axis=-1, keepdims=True)
    vec = special_embed / (norm + 1e-06)
    return vec

if __name__ == "__main__":
    import jax
    _d = setup_inputs()
    print(jax.jit(kernel)(*tuple(_d.values())))

</pallas_src>

<mosaic_0001>
#map = affine_map<(d0, d1) -> (0)>
#map1 = affine_map<(d0, d1) -> (0, 0)>
module attributes {stable_mosaic.version = 14 : i64} {
  func.func @k(%arg0: i32, %arg1: i32, %arg2: memref<3276800xi32, #tpu.memory_space<hbm>>, %arg3: memref<300x128xf32, #tpu.memory_space<hbm>>, %arg4: memref<3276800x128xf32, #tpu.memory_space<hbm>>, %arg5: memref<5120xi32, #tpu.memory_space<vmem>>, %arg6: memref<5120xi32, #tpu.memory_space<vmem>>, %arg7: memref<300x128xf32, #tpu.memory_space<vmem_shared>>, %arg8: memref<128x128xf32, #tpu.memory_space<vmem>>, %arg9: memref<128x128xf32, #tpu.memory_space<vmem>>, %arg10: memref<128x128xf32, #tpu.memory_space<vmem>>, %arg11: memref<128x128xf32, #tpu.memory_space<vmem>>, %arg12: memref<128x128xf32, #tpu.memory_space<vmem>>, %arg13: memref<!tpu.dma_semaphore, #tpu.memory_space<semaphore_mem>>, %arg14: memref<!tpu.dma_semaphore, #tpu.memory_space<semaphore_mem>>, %arg15: memref<!tpu.dma_semaphore, #tpu.memory_space<semaphore_mem>>, %arg16: memref<!tpu.dma_semaphore, #tpu.memory_space<semaphore_mem>>, %arg17: memref<!tpu.dma_semaphore, #tpu.memory_space<semaphore_mem>>, %arg18: memref<!tpu.dma_semaphore, #tpu.memory_space<semaphore_mem>>, %arg19: memref<!tpu.dma_semaphore, #tpu.memory_space<semaphore_mem>>, %arg20: memref<!tpu.dma_semaphore, #tpu.memory_space<semaphore_mem>>, %arg21: memref<!tpu.dma_semaphore, #tpu.memory_space<semaphore_mem>>, %arg22: memref<!tpu.dma_semaphore, #tpu.memory_space<semaphore_mem>>, %arg23: memref<!tpu.dma_semaphore, #tpu.memory_space<semaphore_mem>>, %arg24: memref<!tpu.dma_semaphore, #tpu.memory_space<semaphore_mem>>) attributes {dimension_semantics = [#tpu.dimension_semantics<core_parallel>, #tpu.dimension_semantics<subcore_parallel>], iteration_bounds = array<i64: 2, 16>, scalar_prefetch = 0 : i64, scratch_operands = 20 : i64, tpu.core_type = #tpu.core_type<sc_vector_subcore>, window_params = [{transform_indices = #map}, {transform_indices = #map1}, {transform_indices = #map1}]} {
    %mul3A = arith.constant 2 : i32
    %mul3A_0 = arith.muli %arg1, %mul3A : i32
    %add3A = arith.addi %mul3A_0, %arg0 : i32
    %mul3A_1 = arith.constant 102400 : i32
    %mul3A_2 = arith.muli %add3A, %mul3A_1 : i32
    %add3A_3 = arith.constant 0 : i32
    %add3A_4 = arith.addi %mul3A_2, %add3A_3 : i32
    %dma_start3A = tpu.memref_slice %arg2[%add3A_4] : memref<3276800xi32, #tpu.memory_space<hbm>> -> memref<5120xi32, #tpu.memory_space<hbm>>
    %dma_start3A_5 = tpu.memref_slice %arg2[%add3A_4] : memref<3276800xi32, #tpu.memory_space<hbm>> -> memref<5120xi32, #tpu.memory_space<hbm>>
    tpu.enqueue_dma source(%dma_start3A_5 : memref<5120xi32, #tpu.memory_space<hbm>>) target(%arg5 : memref<5120xi32, #tpu.memory_space<vmem>>) target_semaphore(%arg23 : memref<!tpu.dma_semaphore, #tpu.memory_space<semaphore_mem>>)
    %add3A_6 = arith.constant 5120 : i32
    %add3A_7 = arith.addi %mul3A_2, %add3A_6 : i32
    %dma_start3A_8 = tpu.memref_slice %arg2[%add3A_7] : memref<3276800xi32, #tpu.memory_space<hbm>> -> memref<5120xi32, #tpu.memory_space<hbm>>
    %dma_start3A_9 = tpu.memref_slice %arg2[%add3A_7] : memref<3276800xi32, #tpu.memory_space<hbm>> -> memref<5120xi32, #tpu.memory_space<hbm>>
    tpu.enqueue_dma source(%dma_start3A_9 : memref<5120xi32, #tpu.memory_space<hbm>>) target(%arg6 : memref<5120xi32, #tpu.memory_space<vmem>>) target_semaphore(%arg24 : memref<!tpu.dma_semaphore, #tpu.memory_space<semaphore_mem>>)
    %eq3A = arith.constant 0 : i32
    %eq3A_10 = arith.cmpi eq, %arg1, %eq3A : i32
    %convert_element_type3A = arith.extui %eq3A_10 : i1 to i32
    %cond3A = arith.constant 0 : i32
    %cond3A_11 = arith.cmpi ne, %convert_element_type3A, %cond3A : i32
    scf.if %cond3A_11 {
      "tpu.region"() ({
        %run_scoped3A = tpu.sem_alloc : memref<!tpu.dma_semaphore, #tpu.memory_space<semaphore_mem>>
        tpu.enqueue_dma source(%arg3 : memref<300x128xf32, #tpu.memory_space<hbm>>) target(%arg7 : memref<300x128xf32, #tpu.memory_space<vmem_shared>>) target_semaphore(%run_scoped3A : memref<!tpu.dma_semaphore, #tpu.memory_space<semaphore_mem>>)
        tpu.wait_dma2 semaphore(%run_scoped3A : memref<!tpu.dma_semaphore, #tpu.memory_space<semaphore_mem>>) src(%arg3 : memref<300x128xf32, #tpu.memory_space<hbm>>) dst(%arg7 : memref<300x128xf32, #tpu.memory_space<vmem_shared>>)
        tpu.yield
      }) : () -> ()
    } else {
    }
    %barrier3A = arith.constant 0 : index
    tpu.barrier barrier_id(%barrier3A)
    %scan3A = arith.constant 0 : i32
    %scan3A_12 = arith.constant 0 : i32
    %scan3A_13 = arith.constant 10 : i32
    %scan3A_14 = arith.addi %scan3A_12, %scan3A_13 : i32
    %scan3A_15 = arith.constant 1 : i32
    scf.for %scan3A_56 = %scan3A_12 to %scan3A_14 step %scan3A_15  : i32 {
      %mul3A_57 = arith.constant 2 : i32
      %mul3A_58 = arith.muli %mul3A_57, %scan3A_56 : i32
      %eq3A_59 = arith.constant 0 : i32
      %eq3A_60 = arith.cmpi eq, %scan3A_56, %eq3A_59 : i32
      %mul3A_61 = arith.constant 5120 : i32
      %mul3A_62 = arith.muli %mul3A_58, %mul3A_61 : i32
      %add3A_63 = arith.addi %mul3A_2, %mul3A_62 : i32
      %mul3A_64 = arith.constant 5120 : i32
      %mul3A_65 = arith.muli %mul3A_58, %mul3A_64 : i32
      %add3A_66 = arith.addi %mul3A_2, %mul3A_65 : i32
      %dma_wait3A_67 = tpu.memref_slice %arg2[%add3A_66] : memref<3276800xi32, #tpu.memory_space<hbm>> -> memref<5120xi32, #tpu.memory_space<hbm>>
      %dma_wait3A_68 = tpu.memref_slice %arg2[%add3A_66] : memref<3276800xi32, #tpu.memory_space<hbm>> -> memref<5120xi32, #tpu.memory_space<hbm>>
      tpu.wait_dma2 semaphore(%arg23 : memref<!tpu.dma_semaphore, #tpu.memory_space<semaphore_mem>>) src(%dma_wait3A_68 : memref<5120xi32, #tpu.memory_space<hbm>>) dst(%arg5 : memref<5120xi32, #tpu.memory_space<vmem>>)
      %not3A = arith.constant true
      %not3A_69 = arith.xori %eq3A_60, %not3A : i1
      %convert_element_type3A_70 = arith.extui %not3A_69 : i1 to i32
      %cond3A_71 = arith.constant 0 : i32
      %cond3A_72 = arith.cmpi ne, %convert_element_type3A_70, %cond3A_71 : i32
      scf.if %cond3A_72 {
        %add3A_1848 = arith.constant 0 : i32
        %add3A_1849 = arith.addi %add3A_63, %add3A_1848 : i32
        %dma_wait3A_1850 = arith.constant 0 : i32
        %dma_wait3A_1851 = tpu.memref_slice %arg4[%add3A_1849, %dma_wait3A_1850] : memref<3276800x128xf32, #tpu.memory_space<hbm>> -> memref<128x128xf32, #tpu.memory_space<hbm>>
        %dma_wait3A_1852 = arith.constant 0 : i32
        %dma_wait3A_1853 = tpu.memref_slice %arg4[%add3A_1849, %dma_wait3A_1852] : memref<3276800x128xf32, #tpu.memory_space<hbm>> -> memref<128x128xf32, #tpu.memory_space<hbm>>
        tpu.wait_dma2 semaphore(%arg18 : memref<!tpu.dma_semaphore, #tpu.memory_space<semaphore_mem>>) src(%arg8 : memref<128x128xf32, #tpu.memory_space<vmem>>) dst(%dma_wait3A_1853 : memref<128x128xf32, #tpu.memory_space<hbm>>)
      } else {
      }
      %dma_start3A_73 = arith.constant 0 : i32
      %dma_start3A_74 = tpu.memref_slice %arg5[%dma_start3A_73] : memref<5120xi32, #tpu.memory_space<vmem>> -> memref<128xi32, #tpu.memory_space<vmem>>
      %dma_start3A_75 = arith.constant 0 : i32
      %dma_start3A_76 = arith.constant 0 : i32
      %dma_start3A_77 = tpu.memref_slice %arg7[%dma_start3A_75, %dma_start3A_76] : memref<300x128xf32, #tpu.memory_space<vmem_shared>> -> memref<300x128xf32, #tpu.memory_space<vmem_shared>>
      tpu.enqueue_indirect_dma source(%dma_start3A_77 : memref<300x128xf32, #tpu.memory_space<vmem_shared>>) target(%arg8 : memref<128x128xf32, #tpu.memory_space<vmem>>) offsets(%dma_start3A_74 : memref<128xi32, #tpu.memory_space<vmem>>) semaphore(%arg13 : memref<!tpu.dma_semaphore, #tpu.memory_space<semaphore_mem>>)
      %not3A_78 = arith.constant true
      %not3A_79 = arith.xori %eq3A_60, %not3A_78 : i1
      %convert_element_type3A_80 = arith.extui %not3A_79 : i1 to i32
      %cond3A_81 = arith.constant 0 : i32
      %cond3A_82 = arith.cmpi ne, %convert_element_type3A_80, %cond3A_81 : i32
      scf.if %cond3A_82 {
        %add3A_1848 = arith.constant 128 : i32
        %add3A_1849 = arith.addi %add3A_63, %add3A_1848 : i32
        %dma_wait3A_1850 = arith.constant 0 : i32
        %dma_wait3A_1851 = tpu.memref_slice %arg4[%add3A_1849, %dma_wait3A_1850] : memref<3276800x128xf32, #tpu.memory_space<hbm>> -> memref<128x128xf32, #tpu.memory_space<hbm>>
        %dma_wait3A_1852 = arith.constant 0 : i32
        %dma_wait3A_1853 = tpu.memref_slice %arg4[%add3A_1849, %dma_wait3A_1852] : memref<3276800x128xf32, #tpu.memory_space<hbm>> -> memref<128x128xf32, #tpu.memory_space<hbm>>
        tpu.wait_dma2 semaphore(%arg19 : memref<!tpu.dma_semaphore, #tpu.memory_space<semaphore_mem>>) src(%arg9 : memref<128x128xf32, #tpu.memory_space<vmem>>) dst(%dma_wait3A_1853 : memref<128x128xf32, #tpu.memory_space<hbm>>)
      } else {
      }
      %dma_start3A_83 = arith.constant 128 : i32
      %dma_start3A_84 = tpu.memref_slice %arg5[%dma_start3A_83] : memref<5120xi32, #tpu.memory_space<vmem>> -> memref<128xi32, #tpu.memory_space<vmem>>
      %dma_start3A_85 = arith.constant 0 : i32
      %dma_start3A_86 = arith.constant 0 : i32
      %dma_start3A_87 = tpu.memref_slice %arg7[%dma_start3A_85, %dma_start3A_86] : memref<300x128xf32, #tpu.memory_space<vmem_shared>> -> memref<300x128xf32, #tpu.memory_space<vmem_shared>>
      tpu.enqueue_indirect_dma source(%dma_start3A_87 : memref<300x128xf32, #tpu.memory_space<vmem_shared>>) target(%arg9 : memref<128x128xf32, #tpu.memory_space<vmem>>) offsets(%dma_start3A_84 : memref<128xi32, #tpu.memory_space<vmem>>) semaphore(%arg14 : memref<!tpu.dma_semaphore, #tpu.memory_space<semaphore_mem>>)
      %not3A_88 = arith.constant true
      %not3A_89 = arith.xori %eq3A_60, %not3A_88 : i1
      %convert_element_type3A_90 = arith.extui %not3A_89 : i1 to i32
      %cond3A_91 = arith.constant 0 : i32
      %cond3A_92 = arith.cmpi ne, %convert_element_type3A_90, %cond3A_91 : i32
      scf.if %cond3A_92 {
        %add3A_1848 = arith.constant 256 : i32
        %add3A_1849 = arith.addi %add3A_63, %add3A_1848 : i32
        %dma_wait3A_1850 = arith.constant 0 : i32
        %dma_wait3A_1851 = tpu.memref_slice %arg4[%add3A_1849, %dma_wait3A_1850] : memref<3276800x128xf32, #tpu.memory_space<hbm>> -> memref<128x128xf32, #tpu.memory_space<hbm>>
        %dma_wait3A_1852 = arith.constant 0 : i32
        %dma_wait3A_1853 = tpu.memref_slice %arg4[%add3A_1849, %dma_wait3A_1852] : memref<3276800x128xf32, #tpu.memory_space<hbm>> -> memref<128x128xf32, #tpu.memory_space<hbm>>
        tpu.wait_dma2 semaphore(%arg20 : memref<!tpu.dma_semaphore, #tpu.memory_space<semaphore_mem>>) src(%arg10 : memref<128x128xf32, #tpu.memory_space<vmem>>) dst(%dma_wait3A_1853 : memref<128x128xf32, #tpu.memory_space<hbm>>)
      } else {
      }
      %dma_start3A_93 = arith.constant 256 : i32
      %dma_start3A_94 = tpu.memref_slice %arg5[%dma_start3A_93] : memref<5120xi32, #tpu.memory_space<vmem>> -> memref<128xi32, #tpu.memory_space<vmem>>
      %dma_start3A_95 = arith.constant 0 : i32
      %dma_start3A_96 = arith.constant 0 : i32
      %dma_start3A_97 = tpu.memref_slice %arg7[%dma_start3A_95, %dma_start3A_96] : memref<300x128xf32, #tpu.memory_space<vmem_shared>> -> memref<300x128xf32, #tpu.memory_space<vmem_shared>>
      tpu.enqueue_indirect_dma source(%dma_start3A_97 : memref<300x128xf32, #tpu.memory_space<vmem_shared>>) target(%arg10 : memref<128x128xf32, #tpu.memory_space<vmem>>) offsets(%dma_start3A_94 : memref<128xi32, #tpu.memory_space<vmem>>) semaphore(%arg15 : memref<!tpu.dma_semaphore, #tpu.memory_space<semaphore_mem>>)
      %not3A_98 = arith.constant true
      %not3A_99 = arith.xori %eq3A_60, %not3A_98 : i1
      %convert_element_type3A_100 = arith.extui %not3A_99 : i1 to i32
      %cond3A_101 = arith.constant 0 : i32
      %cond3A_102 = arith.cmpi ne, %convert_element_type3A_100, %cond3A_101 : i32
      scf.if %cond3A_102 {
        %add3A_1848 = arith.constant 384 : i32
        %add3A_1849 = arith.addi %add3A_63, %add3A_1848 : i32
        %dma_wait3A_1850 = arith.constant 0 : i32
        %dma_wait3A_1851 = tpu.memref_slice %arg4[%add3A_1849, %dma_wait3A_1850] : memref<3276800x128xf32, #tpu.memory_space<hbm>> -> memref<128x128xf32, #tpu.memory_space<hbm>>
        %dma_wait3A_1852 = arith.constant 0 : i32
        %dma_wait3A_1853 = tpu.memref_slice %arg4[%add3A_1849, %dma_wait3A_1852] : memref<3276800x128xf32, #tpu.memory_space<hbm>> -> memref<128x128xf32, #tpu.memory_space<hbm>>
        tpu.wait_dma2 semaphore(%arg21 : memref<!tpu.dma_semaphore, #tpu.memory_space<semaphore_mem>>) src(%arg11 : memref<128x128xf32, #tpu.memory_space<vmem>>) dst(%dma_wait3A_1853 : memref<128x128xf32, #tpu.memory_space<hbm>>)
      } else {
      }
      %dma_start3A_103 = arith.constant 384 : i32
      %dma_start3A_104 = tpu.memref_slice %arg5[%dma_start3A_103] : memref<5120xi32, #tpu.memory_space<vmem>> -> memref<128xi32, #tpu.memory_space<vmem>>
      %dma_start3A_105 = arith.constant 0 : i32
      %dma_start3A_106 = arith.constant 0 : i32
      %dma_start3A_107 = tpu.memref_slice %arg7[%dma_start3A_105, %dma_start3A_106] : memref<300x128xf32, #tpu.memory_space<vmem_shared>> -> memref<300x128xf32, #tpu.memory_space<vmem_shared>>
      tpu.enqueue_indirect_dma source(%dma_start3A_107 : memref<300x128xf32, #tpu.memory_space<vmem_shared>>) target(%arg11 : memref<128x128xf32, #tpu.memory_space<vmem>>) offsets(%dma_start3A_104 : memref<128xi32, #tpu.memory_space<vmem>>) semaphore(%arg16 : memref<!tpu.dma_semaphore, #tpu.memory_space<semaphore_mem>>)
      %dma_wait3A_108 = arith.constant 0 : i32
      %dma_wait3A_109 = tpu.memref_slice %arg5[%dma_wait3A_108] : memref<5120xi32, #tpu.memory_space<vmem>> -> memref<128xi32, #tpu.memory_space<vmem>>
      %dma_wait3A_110 = arith.constant 0 : i32
      %dma_wait3A_111 = arith.constant 0 : i32
      %dma_wait3A_112 = tpu.memref_slice %arg7[%dma_wait3A_110, %dma_wait3A_111] : memref<300x128xf32, #tpu.memory_space<vmem_shared>> -> memref<300x128xf32, #tpu.memory_space<vmem_shared>>
      tpu.wait_indirect_dma semaphore(%arg13 : memref<!tpu.dma_semaphore, #tpu.memory_space<semaphore_mem>>) src(%dma_wait3A_112 : memref<300x128xf32, #tpu.memory_space<vmem_shared>>) dst(%arg8 : memref<128x128xf32, #tpu.memory_space<vmem>>)
      %add3A_113 = arith.constant 0 : i32
      %add3A_114 = arith.addi %add3A_63, %add3A_113 : i32
      %dma_start3A_115 = arith.constant 0 : i32
      %dma_start3A_116 = tpu.memref_slice %arg4[%add3A_114, %dma_start3A_115] : memref<3276800x128xf32, #tpu.memory_space<hbm>> -> memref<128x128xf32, #tpu.memory_space<hbm>>
      %dma_start3A_117 = arith.constant 0 : i32
      %dma_start3A_118 = tpu.memref_slice %arg4[%add3A_114, %dma_start3A_117] : memref<3276800x128xf32, #tpu.memory_space<hbm>> -> memref<128x128xf32, #tpu.memory_space<hbm>>
      tpu.enqueue_dma source(%arg8 : memref<128x128xf32, #tpu.memory_space<vmem>>) target(%dma_start3A_118 : memref<128x128xf32, #tpu.memory_space<hbm>>) target_semaphore(%arg18 : memref<!tpu.dma_semaphore, #tpu.memory_space<semaphore_mem>>)
      %not3A_119 = arith.constant true
      %not3A_120 = arith.xori %eq3A_60, %not3A_119 : i1
      %convert_element_type3A_121 = arith.extui %not3A_120 : i1 to i32
      %cond3A_122 = arith.constant 0 : i32
      %cond3A_123 = arith.cmpi ne, %convert_element_type3A_121, %cond3A_122 : i32
      scf.if %cond3A_123 {
        %add3A_1848 = arith.constant 512 : i32
        %add3A_1849 = arith.addi %add3A_63, %add3A_1848 : i32
        %dma_wait3A_1850 = arith.constant 0 : i32
        %dma_wait3A_1851 = tpu.memref_slice %arg4[%add3A_1849, %dma_wait3A_1850] : memref<3276800x128xf32, #tpu.memory_space<hbm>> -> memref<128x128xf32, #tpu.memory_space<hbm>>
        %dma_wait3A_1852 = arith.constant 0 : i32
        %dma_wait3A_1853 = tpu.memref_slice %arg4[%add3A_1849, %dma_wait3A_1852] : memref<3276800x128xf32, #tpu.memory_space<hbm>> -> memref<128x128xf32, #tpu.memory_space<hbm>>
        tpu.wait_dma2 semaphore(%arg22 : memref<!tpu.dma_semaphore, #tpu.memory_space<semaphore_mem>>) src(%arg12 : memref<128x128xf32, #tpu.memory_space<vmem>>) dst(%dma_wait3A_1853 : memref<128x128xf32, #tpu.memory_space<hbm>>)
      } else {
      }
      %dma_start3A_124 = arith.constant 512 : i32
      %dma_start3A_125 = tpu.memref_slice %arg5[%dma_start3A_124] : memref<5120xi32, #tpu.memory_space<vmem>> -> memref<128xi32, #tpu.memory_space<vmem>>
      %dma_start3A_126 = arith.constant 0 : i32
      %dma_start3A_127 = arith.constant 0 : i32
      %dma_start3A_128 = tpu.memref_slice %arg7[%dma_start3A_126, %dma_start3A_127] : memref<300x128xf32, #tpu.memory_space<vmem_shared>> -> memref<300x128xf32, #tpu.memory_space<vmem_shared>>
      tpu.enqueue_indirect_dma source(%dma_start3A_128 : memref<300x128xf32, #tpu.memory_space<vmem_shared>>) target(%arg12 : memref<128x128xf32, #tpu.memory_space<vmem>>) offsets(%dma_start3A_125 : memref<128xi32, #tpu.memory_space<vmem>>) semaphore(%arg17 : memref<!tpu.dma_semaphore, #tpu.memory_space<semaphore_mem>>)
      %dma_wait3A_129 = arith.constant 128 : i32
      %dma_wait3A_130 = tpu.memref_slice %arg5[%dma_wait3A_129] : memref<5120xi32, #tpu.memory_space<vmem>> -> memref<128xi32, #tpu.memory_space<vmem>>
      %dma_wait3A_131 = arith.constant 0 : i32
      %dma_wait3A_132 = arith.constant 0 : i32
      %dma_wait3A_133 = tpu.memref_slice %arg7[%dma_wait3A_131, %dma_wait3A_132] : memref<300x128xf32, #tpu.memory_space<vmem_shared>> -> memref<300x128xf32, #tpu.memory_space<vmem_shared>>
      tpu.wait_indirect_dma semaphore(%arg14 : memref<!tpu.dma_semaphore, #tpu.memory_space<semaphore_mem>>) src(%dma_wait3A_133 : memref<300x128xf32, #tpu.memory_space<vmem_shared>>) dst(%arg9 : memref<128x128xf32, #tpu.memory_space<vmem>>)
      %add3A_134 = arith.constant 128 : i32
      %add3A_135 = arith.addi %add3A_63, %add3A_134 : i32
      %dma_start3A_136 = arith.constant 0 : i32
      %dma_start3A_137 = tpu.memref_slice %arg4[%add3A_135, %dma_start3A_136] : memref<3276800x128xf32, #tpu.memory_space<hbm>> -> memref<128x128xf32, #tpu.memory_space<hbm>>
      %dma_start3A_138 = arith.constant 0 : i32
      %dma_start3A_139 = tpu.memref_slice %arg4[%add3A_135, %dma_start3A_138] : memref<3276800x128xf32, #tpu.memory_space<hbm>> -> memref<128x128xf32, #tpu.memory_space<hbm>>
      tpu.enqueue_dma source(%arg9 : memref<128x128xf32, #tpu.memory_space<vmem>>) target(%dma_start3A_139 : memref<128x128xf32, #tpu.memory_space<hbm>>) target_semaphore(%arg19 : memref<!tpu.dma_semaphore, #tpu.memory_space<semaphore_mem>>)
      %add3A_140 = arith.constant 640 : i32
      %add3A_141 = arith.addi %add3A_63, %add3A_140 : i32
      %dma_wait3A_142 = arith.constant 0 : i32
      %dma_wait3A_143 = tpu.memref_slice %arg4[%add3A_141, %dma_wait3A_142] : memref<3276800x128xf32, #tpu.memory_space<hbm>> -> memref<128x128xf32, #tpu.memory_space<hbm>>
      %dma_wait3A_144 = arith.constant 0 : i32
      %dma_wait3A_145 = tpu.memref_slice %arg4[%add3A_141, %dma_wait3A_144] : memref<3276800x128xf32, #tpu.memory_space<hbm>> -> memref<128x128xf32, #tpu.memory_space<hbm>>
      tpu.wait_dma2 semaphore(%arg18 : memref<!tpu.dma_semaphore, #tpu.memory_space<semaphore_mem>>) src(%arg8 : memref<128x128xf32, #tpu.memory_space<vmem>>) dst(%dma_wait3A_145 : memref<128x128xf32, #tpu.memory_space<hbm>>)
      %dma_start3A_146 = arith.constant 640 : i32
      %dma_start3A_147 = tpu.memref_slice %arg5[%dma_start3A_146] : memref<5120xi32, #tpu.memory_space<vmem>> -> memref<128xi32, #tpu.memory_space<vmem>>
      %dma_start3A_148 = arith.constant 0 : i32
      %dma_start3A_149 = arith.constant 0 : i32
      %dma_start3A_150 = tpu.memref_slice %arg7[%dma_start3A_148, %dma_start3A_149] : memref<300x128xf32, #tpu.memory_space<vmem_shared>> -> memref<300x128xf32, #tpu.memory_space<vmem_shared>>
      tpu.enqueue_indirect_dma source(%dma_start3A_150 : memref<300x128xf32, #tpu.memory_space<vmem_shared>>) target(%arg8 : memref<128x128xf32, #tpu.memory_space<vmem>>) offsets(%dma_start3A_147 : memref<128xi32, #tpu.memory_space<vmem>>) semaphore(%arg13 : memref<!tpu.dma_semaphore, #tpu.memory_space<semaphore_mem>>)
      %dma_wait3A_151 = arith.constant 256 : i32
      %dma_wait3A_152 = tpu.memref_slice %arg5[%dma_wait3A_151] : memref<5120xi32, #tpu.memory_space<vmem>> -> memref<128xi32, #tpu.memory_space<vmem>>
      %dma_wait3A_153 = arith.constant 0 : i32
      %dma_wait3A_154 = arith.constant 0 : i32
      %dma_wait3A_155 = tpu.memref_slice %arg7[%dma_wait3A_153, %dma_wait3A_154] : memref<300x128xf32, #tpu.memory_space<vmem_shared>> -> memref<300x128xf32, #tpu.memory_space<vmem_shared>>
      tpu.wait_indirect_dma semaphore(%arg15 : memref<!tpu.dma_semaphore, #tpu.memory_space<semaphore_mem>>) src(%dma_wait3A_155 : memref<300x128xf32, #tpu.memory_space<vmem_shared>>) dst(%arg10 : memref<128x128xf32, #tpu.memory_space<vmem>>)
      %add3A_156 = arith.constant 256 : i32
      %add3A_157 = arith.addi %add3A_63, %add3A_156 : i32
      %dma_start3A_158 = arith.constant 0 : i32
      %dma_start3A_159 = tpu.memref_slice %arg4[%add3A_157, %dma_start3A_158] : memref<3276800x128xf32, #tpu.memory_space<hbm>> -> memref<128x128xf32, #tpu.memory_space<hbm>>
      %dma_start3A_160 = arith.constant 0 : i32
      %dma_start3A_161 = tpu.memref_slice %arg4[%add3A_157, %dma_start3A_160] : memref<3276800x128xf32, #tpu.memory_space<hbm>> -> memref<128x128xf32, #tpu.memory_space<hbm>>
      tpu.enqueue_dma source(%arg10 : memref<128x128xf32, #tpu.memory_space<vmem>>) target(%dma_start3A_161 : memref<128x128xf32, #tpu.memory_space<hbm>>) target_semaphore(%arg20 : memref<!tpu.dma_semaphore, #tpu.memory_space<semaphore_mem>>)
      %add3A_162 = arith.constant 768 : i32
      %add3A_163 = arith.addi %add3A_63, %add3A_162 : i32
      %dma_wait3A_164 = arith.constant 0 : i32
      %dma_wait3A_165 = tpu.memref_slice %arg4[%add3A_163, %dma_wait3A_164] : memref<3276800x128xf32, #tpu.memory_space<hbm>> -> memref<128x128xf32, #tpu.memory_space<hbm>>
      %dma_wait3A_166 = arith.constant 0 : i32
      %dma_wait3A_167 = tpu.memref_slice %arg4[%add3A_163, %dma_wait3A_166] : memref<3276800x128xf32, #tpu.memory_space<hbm>> -> memref<128x128xf32, #tpu.memory_space<hbm>>
      tpu.wait_dma2 semaphore(%arg19 : memref<!tpu.dma_semaphore, #tpu.memory_space<semaphore_mem>>) src(%arg9 : memref<128x128xf32, #tpu.memory_space<vmem>>) dst(%dma_wait3A_167 : memref<128x128xf32, #tpu.memory_space<hbm>>)
      %dma_start3A_168 = arith.constant 768 : i32
      %dma_start3A_169 = tpu.memref_slice %arg5[%dma_start3A_168] : memref<5120xi32, #tpu.memory_space<vmem>> -> memref<128xi32, #tpu.memory_space<vmem>>
      %dma_start3A_170 = arith.constant 0 : i32
      %dma_start3A_171 = arith.constant 0 : i32
      %dma_start3A_172 = tpu.memref_slice %arg7[%dma_start3A_170, %dma_start3A_171] : memref<300x128xf32, #tpu.memory_space<vmem_shared>> -> memref<300x128xf32, #tpu.memory_space<vmem_shared>>
      tpu.enqueue_indirect_dma source(%dma_start3A_172 : memref<300x128xf32, #tpu.memory_space<vmem_shared>>) target(%arg9 : memref<128x128xf32, #tpu.memory_space<vmem>>) offsets(%dma_start3A_169 : memref<128xi32, #tpu.memory_space<vmem>>) semaphore(%arg14 : memref<!tpu.dma_semaphore, #tpu.memory_space<semaphore_mem>>)
      %dma_wait3A_173 = arith.constant 384 : i32
      %dma_wait3A_174 = tpu.memref_slice %arg5[%dma_wait3A_173] : memref<5120xi32, #tpu.memory_space<vmem>> -> memref<128xi32, #tpu.memory_space<vmem>>
      %dma_wait3A_175 = arith.constant 0 : i32
      %dma_wait3A_176 = arith.constant 0 : i32
      %dma_wait3A_177 = tpu.memref_slice %arg7[%dma_wait3A_175, %dma_wait3A_176] : memref<300x128xf32, #tpu.memory_space<vmem_shared>> -> memref<300x128xf32, #tpu.memory_space<vmem_shared>>
      tpu.wait_indirect_dma semaphore(%arg16 : memref<!tpu.dma_semaphore, #tpu.memory_space<semaphore_mem>>) src(%dma_wait3A_177 : memref<300x128xf32, #tpu.memory_space<vmem_shared>>) dst(%arg11 : memref<128x128xf32, #tpu.memory_space<vmem>>)
      %add3A_178 = arith.constant 384 : i32
      %add3A_179 = arith.addi %add3A_63, %add3A_178 : i32
      %dma_start3A_180 = arith.constant 0 : i32
      %dma_start3A_181 = tpu.memref_slice %arg4[%add3A_179, %dma_start3A_180] : memref<3276800x128xf32, #tpu.memory_space<hbm>> -> memref<128x128xf32, #tpu.memory_space<hbm>>
      %dma_start3A_182 = arith.constant 0 : i32
      %dma_start3A_183 = tpu.memref_slice %arg4[%add3A_179, %dma_start3A_182] : memref<3276800x128xf32, #tpu.memory_space<hbm>> -> memref<128x128xf32, #tpu.memory_space<hbm>>
      tpu.enqueue_dma source(%arg11 : memref<128x128xf32, #tpu.memory_space<vmem>>) target(%dma_start3A_183 : memref<128x128xf32, #tpu.memory_space<hbm>>) target_semaphore(%arg21 : memref<!tpu.dma_semaphore, #tpu.memory_space<semaphore_mem>>)
      %add3A_184 = arith.constant 896 : i32
      %add3A_185 = arith.addi %add3A_63, %add3A_184 : i32
      %dma_wait3A_186 = arith.constant 0 : i32
      %dma_wait3A_187 = tpu.memref_slice %arg4[%add3A_185, %dma_wait3A_186] : memref<3276800x128xf32, #tpu.memory_space<hbm>> -> memref<128x128xf32, #tpu.memory_space<hbm>>
      %dma_wait3A_188 = arith.constant 0 : i32
      %dma_wait3A_189 = tpu.memref_slice %arg4[%add3A_185, %dma_wait3A_188] : memref<3276800x128xf32, #tpu.memory_space<hbm>> -> memref<128x128xf32, #tpu.memory_space<hbm>>
      tpu.wait_dma2 semaphore(%arg20 : memref<!tpu.dma_semaphore, #tpu.memory_space<semaphore_mem>>) src(%arg10 : memref<128x128xf32, #tpu.memory_space<vmem>>) dst(%dma_wait3A_189 : memref<128x128xf32, #tpu.memory_space<hbm>>)
      %dma_start3A_190 = arith.constant 896 : i32
      %dma_start3A_191 = tpu.memref_slice %arg5[%dma_start3A_190] : memref<5120xi32, #tpu.memory_space<vmem>> -> memref<128xi32, #tpu.memory_space<vmem>>
      %dma_start3A_192 = arith.constant 0 : i32
      %dma_start3A_193 = arith.constant 0 : i32
      %dma_start3A_194 = tpu.memref_slice %arg7[%dma_start3A_192, %dma_start3A_193] : memref<300x128xf32, #tpu.memory_space<vmem_shared>> -> memref<300x128xf32, #tpu.memory_space<vmem_shared>>
      tpu.enqueue_indirect_dma source(%dma_start3A_194 : memref<300x128xf32, #tpu.memory_space<vmem_shared>>) target(%arg10 : memref<128x128xf32, #tpu.memory_space<vmem>>) offsets(%dma_start3A_191 : memref<128xi32, #tpu.memory_space<vmem>>) semaphore(%arg15 : memref<!tpu.dma_semaphore, #tpu.memory_space<semaphore_mem>>)
      %dma_wait3A_195 = arith.constant 512 : i32
      %dma_wait3A_196 = tpu.memref_slice %arg5[%dma_wait3A_195] : memref<5120xi32, #tpu.memory_space<vmem>> -> memref<128xi32, #tpu.memory_space<vmem>>
      %dma_wait3A_197 = arith.constant 0 : i32
      %dma_wait3A_198 = arith.constant 0 : i32
      %dma_wait3A_199 = tpu.memref_slice %arg7[%dma_wait3A_197, %dma_wait3A_198] : memref<300x128xf32, #tpu.memory_space<vmem_shared>> -> memref<300x128xf32, #tpu.memory_space<vmem_shared>>
      tpu.wait_indirect_dma semaphore(%arg17 : memref<!tpu.dma_semaphore, #tpu.memory_space<semaphore_mem>>) src(%dma_wait3A_199 : memref<300x128xf32, #tpu.memory_space<vmem_shared>>) dst(%arg12 : memref<128x128xf32, #tpu.memory_space<vmem>>)
      %add3A_200 = arith.constant 512 : i32
      %add3A_201 = arith.addi %add3A_63, %add3A_200 : i32
      %dma_start3A_202 = arith.constant 0 : i32
      %dma_start3A_203 = tpu.memref_slice %arg4[%add3A_201, %dma_start3A_202] : memref<3276800x128xf32, #tpu.memory_space<hbm>> -> memref<128x128xf32, #tpu.memory_space<hbm>>
      %dma_start3A_204 = arith.constant 0 : i32
      %dma_start3A_205 = tpu.memref_slice %arg4[%add3A_201, %dma_start3A_204] : memref<3276800x128xf32, #tpu.memory_space<hbm>> -> memref<128x128xf32, #tpu.memory_space<hbm>>
      tpu.enqueue_dma source(%arg12 : memref<128x128xf32, #tpu.memory_space<vmem>>) target(%dma_start3A_205 : memref<128x128xf32, #tpu.memory_space<hbm>>) target_semaphore(%arg22 : memref<!tpu.dma_semaphore, #tpu.memory_space<semaphore_mem>>)
      %add3A_206 = arith.constant 1024 : i32
      %add3A_207 = arith.addi %add3A_63, %add3A_206 : i32
      %dma_wait3A_208 = arith.constant 0 : i32
      %dma_wait3A_209 = tpu.memref_slice %arg4[%add3A_207, %dma_wait3A_208] : memref<3276800x128xf32, #tpu.memory_space<hbm>> -> memref<128x128xf32, #tpu.memory_space<hbm>>
      %dma_wait3A_210 = arith.constant 0 : i32
      %dma_wait3A_211 = tpu.memref_slice %arg4[%add3A_207, %dma_wait3A_210] : memref<3276800x128xf32, #tpu.memory_space<hbm>> -> memref<128x128xf32, #tpu.memory_space<hbm>>
      tpu.wait_dma2 semaphore(%arg21 : memref<!tpu.dma_semaphore, #tpu.memory_space<semaphore_mem>>) src(%arg11 : memref<128x128xf32, #tpu.memory_space<vmem>>) dst(%dma_wait3A_211 : memref<128x128xf32, #tpu.memory_space<hbm>>)
      %dma_start3A_212 = arith.constant 1024 : i32
      %dma_start3A_213 = tpu.memref_slice %arg5[%dma_start3A_212] : memref<5120xi32, #tpu.memory_space<vmem>> -> memref<128xi32, #tpu.memory_space<vmem>>
      %dma_start3A_214 = arith.constant 0 : i32
      %dma_start3A_215 = arith.constant 0 : i32
      %dma_start3A_216 = tpu.memref_slice %arg7[%dma_start3A_214, %dma_start3A_215] : memref<300x128xf32, #tpu.memory_space<vmem_shared>> -> memref<300x128xf32, #tpu.memory_space<vmem_shared>>
      tpu.enqueue_indirect_dma source(%dma_start3A_216 : memref<300x128xf32, #tpu.memory_space<vmem_shared>>) target(%arg11 : memref<128x128xf32, #tpu.memory_space<vmem>>) offsets(%dma_start3A_213 : memref<128xi32, #tpu.memory_space<vmem>>) semaphore(%arg16 : memref<!tpu.dma_semaphore, #tpu.memory_space<semaphore_mem>>)
      %dma_wait3A_217 = arith.constant 640 : i32
      %dma_wait3A_218 = tpu.memref_slice %arg5[%dma_wait3A_217] : memref<5120xi32, #tpu.memory_space<vmem>> -> memref<128xi32, #tpu.memory_space<vmem>>
      %dma_wait3A_219 = arith.constant 0 : i32
      %dma_wait3A_220 = arith.constant 0 : i32
      %dma_wait3A_221 = tpu.memref_slice %arg7[%dma_wait3A_219, %dma_wait3A_220] : memref<300x128xf32, #tpu.memory_space<vmem_shared>> -> memref<300x128xf32, #tpu.memory_space<vmem_shared>>
      tpu.wait_indirect_dma semaphore(%arg13 : memref<!tpu.dma_semaphore, #tpu.memory_space<semaphore_mem>>) src(%dma_wait3A_221 : memref<300x128xf32, #tpu.memory_space<vmem_shared>>) dst(%arg8 : memref<128x128xf32, #tpu.memory_space<vmem>>)
      %add3A_222 = arith.constant 640 : i32
      %add3A_223 = arith.addi %add3A_63, %add3A_222 : i32
      %dma_start3A_224 = arith.constant 0 : i32
      %dma_start3A_225 = tpu.memref_slice %arg4[%add3A_223, %dma_start3A_224] : memref<3276800x128xf32, #tpu.memory_space<hbm>> -> memref<128x128xf32, #tpu.memory_space<hbm>>
      %dma_start3A_226 = arith.constant 0 : i32
      %dma_start3A_227 = tpu.memref_slice %arg4[%add3A_223, %dma_start3A_226] : memref<3276800x128xf32, #tpu.memory_space<hbm>> -> memref<128x128xf32, #tpu.memory_space<hbm>>
      tpu.enqueue_dma source(%arg8 : memref<128x128xf32, #tpu.memory_space<vmem>>) target(%dma_start3A_227 : memref<128x128xf32, #tpu.memory_space<hbm>>) target_semaphore(%arg18 : memref<!tpu.dma_semaphore, #tpu.memory_space<semaphore_mem>>)
      %add3A_228 = arith.constant 1152 : i32
      %add3A_229 = arith.addi %add3A_63, %add3A_228 : i32
      %dma_wait3A_230 = arith.constant 0 : i32
      %dma_wait3A_231 = tpu.memref_slice %arg4[%add3A_229, %dma_wait3A_230] : memref<3276800x128xf32, #tpu.memory_space<hbm>> -> memref<128x128xf32, #tpu.memory_space<hbm>>
      %dma_wait3A_232 = arith.constant 0 : i32
      %dma_wait3A_233 = tpu.memref_slice %arg4[%add3A_229, %dma_wait3A_232] : memref<3276800x128xf32, #tpu.memory_space<hbm>> -> memref<128x128xf32, #tpu.memory_space<hbm>>
      tpu.wait_dma2 semaphore(%arg22 : memref<!tpu.dma_semaphore, #tpu.memory_space<semaphore_mem>>) src(%arg12 : memref<128x128xf32, #tpu.memory_space<vmem>>) dst(%dma_wait3A_233 : memref<128x128xf32, #tpu.memory_space<hbm>>)
      %dma_start3A_234 = arith.constant 1152 : i32
      %dma_start3A_235 = tpu.memref_slice %arg5[%dma_start3A_234] : memref<5120xi32, #tpu.memory_space<vmem>> -> memref<128xi32, #tpu.memory_space<vmem>>
      %dma_start3A_236 = arith.constant 0 : i32
      %dma_start3A_237 = arith.constant 0 : i32
      %dma_start3A_238 = tpu.memref_slice %arg7[%dma_start3A_236, %dma_start3A_237] : memref<300x128xf32, #tpu.memory_space<vmem_shared>> -> memref<300x128xf32, #tpu.memory_space<vmem_shared>>
      tpu.enqueue_indirect_dma source(%dma_start3A_238 : memref<300x128xf32, #tpu.memory_space<vmem_shared>>) target(%arg12 : memref<128x128xf32, #tpu.memory_space<vmem>>) offsets(%dma_start3A_235 : memref<128xi32, #tpu.memory_space<vmem>>) semaphore(%arg17 : memref<!tpu.dma_semaphore, #tpu.memory_space<semaphore_mem>>)
      %dma_wait3A_239 = arith.constant 768 : i32
      %dma_wait3A_240 = tpu.memref_slice %arg5[%dma_wait3A_239] : memref<5120xi32, #tpu.memory_space<vmem>> -> memref<128xi32, #tpu.memory_space<vmem>>
      %dma_wait3A_241 = arith.constant 0 : i32
      %dma_wait3A_242 = arith.constant 0 : i32
      %dma_wait3A_243 = tpu.memref_slice %arg7[%dma_wait3A_241, %dma_wait3A_242] : memref<300x128xf32, #tpu.memory_space<vmem_shared>> -> memref<300x128xf32, #tpu.memory_space<vmem_shared>>
      tpu.wait_indirect_dma semaphore(%arg14 : memref<!tpu.dma_semaphore, #tpu.memory_space<semaphore_mem>>) src(%dma_wait3A_243 : memref<300x128xf32, #tpu.memory_space<vmem_shared>>) dst(%arg9 : memref<128x128xf32, #tpu.memory_space<vmem>>)
      %add3A_244 = arith.constant 768 : i32
      %add3A_245 = arith.addi %add3A_63, %add3A_244 : i32
      %dma_start3A_246 = arith.constant 0 : i32
      %dma_start3A_247 = tpu.memref_slice %arg4[%add3A_245, %dma_start3A_246] : memref<3276800x128xf32, #tpu.memory_space<hbm>> -> memref<128x128xf32, #tpu.memory_space<hbm>>
      %dma_start3A_248 = arith.constant 0 : i32
      %dma_start3A_249 = tpu.memref_slice %arg4[%add3A_245, %dma_start3A_248] : memref<3276800x128xf32, #tpu.memory_space<hbm>> -> memref<128x128xf32, #tpu.memory_space<hbm>>
      tpu.enqueue_dma source(%arg9 : memref<128x128xf32, #tpu.memory_space<vmem>>) target(%dma_start3A_249 : memref<128x128xf32, #tpu.memory_space<hbm>>) target_semaphore(%arg19 : memref<!tpu.dma_semaphore, #tpu.memory_space<semaphore_mem>>)
      %add3A_250 = arith.constant 1280 : i32
      %add3A_251 = arith.addi %add3A_63, %add3A_250 : i32
      %dma_wait3A_252 = arith.constant 0 : i32
      %dma_wait3A_253 = tpu.memref_slice %arg4[%add3A_251, %dma_wait3A_252] : memref<3276800x128xf32, #tpu.memory_space<hbm>> -> memref<128x128xf32, #tpu.memory_space<hbm>>
      %dma_wait3A_254 = arith.constant 0 : i32
      %dma_wait3A_255 = tpu.memref_slice %arg4[%add3A_251, %dma_wait3A_254] : memref<3276800x128xf32, #tpu.memory_space<hbm>> -> memref<128x128xf32, #tpu.memory_space<hbm>>
      tpu.wait_dma2 semaphore(%arg18 : memref<!tpu.dma_semaphore, #tpu.memory_space<semaphore_mem>>) src(%arg8 : memref<128x128xf32, #tpu.memory_space<vmem>>) dst(%dma_wait3A_255 : memref<128x128xf32, #tpu.memory_space<hbm>>)
      %dma_start3A_256 = arith.constant 1280 : i32
      %dma_start3A_257 = tpu.memref_slice %arg5[%dma_start3A_256] : memref<5120xi32, #tpu.memory_space<vmem>> -> memref<128xi32, #tpu.memory_space<vmem>>
      %dma_start3A_258 = arith.constant 0 : i32
      %dma_start3A_259 = arith.constant 0 : i32
      %dma_start3A_260 = tpu.memref_slice %arg7[%dma_start3A_258, %dma_start3A_259] : memref<300x128xf32, #tpu.memory_space<vmem_shared>> -> memref<300x128xf32, #tpu.memory_space<vmem_shared>>
      tpu.enqueue_indirect_dma source(%dma_start3A_260 : memref<300x128xf32, #tpu.memory_space<vmem_shared>>) target(%arg8 : memref<128x128xf32, #tpu.memory_space<vmem>>) offsets(%dma_start3A_257 : memref<128xi32, #tpu.memory_space<vmem>>) semaphore(%arg13 : memref<!tpu.dma_semaphore, #tpu.memory_space<semaphore_mem>>)
      %dma_wait3A_261 = arith.constant 896 : i32
      %dma_wait3A_262 = tpu.memref_slice %arg5[%dma_wait3A_261] : memref<5120xi32, #tpu.memory_space<vmem>> -> memref<128xi32, #tpu.memory_space<vmem>>
      %dma_wait3A_263 = arith.constant 0 : i32
      %dma_wait3A_264 = arith.constant 0 : i32
      %dma_wait3A_265 = tpu.memref_slice %arg7[%dma_wait3A_263, %dma_wait3A_264] : memref<300x128xf32, #tpu.memory_space<vmem_shared>> -> memref<300x128xf32, #tpu.memory_space<vmem_shared>>
      tpu.wait_indirect_dma semaphore(%arg15 : memref<!tpu.dma_semaphore, #tpu.memory_space<semaphore_mem>>) src(%dma_wait3A_265 : memref<300x128xf32, #tpu.memory_space<vmem_shared>>) dst(%arg10 : memref<128x128xf32, #tpu.memory_space<vmem>>)
      %add3A_266 = arith.constant 896 : i32
      %add3A_267 = arith.addi %add3A_63, %add3A_266 : i32
      %dma_start3A_268 = arith.constant 0 : i32
      %dma_start3A_269 = tpu.memref_slice %arg4[%add3A_267, %dma_start3A_268] : memref<3276800x128xf32, #tpu.memory_space<hbm>> -> memref<128x128xf32, #tpu.memory_space<hbm>>
      %dma_start3A_270 = arith.constant 0 : i32
      %dma_start3A_271 = tpu.memref_slice %arg4[%add3A_267, %dma_start3A_270] : memref<3276800x128xf32, #tpu.memory_space<hbm>> -> memref<128x128xf32, #tpu.memory_space<hbm>>
      tpu.enqueue_dma source(%arg10 : memref<128x128xf32, #tpu.memory_space<vmem>>) target(%dma_start3A_271 : memref<128x128xf32, #tpu.memory_space<hbm>>) target_semaphore(%arg20 : memref<!tpu.dma_semaphore, #tpu.memory_space<semaphore_mem>>)
      %add3A_272 = arith.constant 1408 : i32
      %add3A_273 = arith.addi %add3A_63, %add3A_272 : i32
      %dma_wait3A_274 = arith.constant 0 : i32
      %dma_wait3A_275 = tpu.memref_slice %arg4[%add3A_273, %dma_wait3A_274] : memref<3276800x128xf32, #tpu.memory_space<hbm>> -> memref<128x128xf32, #tpu.memory_space<hbm>>
      %dma_wait3A_276 = arith.constant 0 : i32
      %dma_wait3A_277 = tpu.memref_slice %arg4[%add3A_273, %dma_wait3A_276] : memref<3276800x128xf32, #tpu.memory_space<hbm>> -> memref<128x128xf32, #tpu.memory_space<hbm>>
      tpu.wait_dma2 semaphore(%arg19 : memref<!tpu.dma_semaphore, #tpu.memory_space<semaphore_mem>>) src(%arg9 : memref<128x128xf32, #tpu.memory_space<vmem>>) dst(%dma_wait3A_277 : memref<128x128xf32, #tpu.memory_space<hbm>>)
      %dma_start3A_278 = arith.constant 1408 : i32
      %dma_start3A_279 = tpu.memref_slice %arg5[%dma_start3A_278] : memref<5120xi32, #tpu.memory_space<vmem>> -> memref<128xi32, #tpu.memory_space<vmem>>
      %dma_start3A_280 = arith.constant 0 : i32
      %dma_start3A_281 = arith.constant 0 : i32
      %dma_start3A_282 = tpu.memref_slice %arg7[%dma_start3A_280, %dma_start3A_281] : memref<300x128xf32, #tpu.memory_space<vmem_shared>> -> memref<300x128xf32, #tpu.memory_space<vmem_shared>>
      tpu.enqueue_indirect_dma source(%dma_start3A_282 : memref<300x128xf32, #tpu.memory_space<vmem_shared>>) target(%arg9 : memref<128x128xf32, #tpu.memory_space<vmem>>) offsets(%dma_start3A_279 : memref<128xi32, #tpu.memory_space<vmem>>) semaphore(%arg14 : memref<!tpu.dma_semaphore, #tpu.memory_space<semaphore_mem>>)
      %dma_wait3A_283 = arith.constant 1024 : i32
      %dma_wait3A_284 = tpu.memref_slice %arg5[%dma_wait3A_283] : memref<5120xi32, #tpu.memory_space<vmem>> -> memref<128xi32, #tpu.memory_space<vmem>>
      %dma_wait3A_285 = arith.constant 0 : i32
      %dma_wait3A_286 = arith.constant 0 : i32
      %dma_wait3A_287 = tpu.memref_slice %arg7[%dma_wait3A_285, %dma_wait3A_286] : memref<300x128xf32, #tpu.memory_space<vmem_shared>> -> memref<300x128xf32, #tpu.memory_space<vmem_shared>>
      tpu.wait_indirect_dma semaphore(%arg16 : memref<!tpu.dma_semaphore, #tpu.memory_space<semaphore_mem>>) src(%dma_wait3A_287 : memref<300x128xf32, #tpu.memory_space<vmem_shared>>) dst(%arg11 : memref<128x128xf32, #tpu.memory_space<vmem>>)
      %add3A_288 = arith.constant 1024 : i32
      %add3A_289 = arith.addi %add3A_63, %add3A_288 : i32
      %dma_start3A_290 = arith.constant 0 : i32
      %dma_start3A_291 = tpu.memref_slice %arg4[%add3A_289, %dma_start3A_290] : memref<3276800x128xf32, #tpu.memory_space<hbm>> -> memref<128x128xf32, #tpu.memory_space<hbm>>
      %dma_start3A_292 = arith.constant 0 : i32
      %dma_start3A_293 = tpu.memref_slice %arg4[%add3A_289, %dma_start3A_292] : memref<3276800x128xf32, #tpu.memory_space<hbm>> -> memref<128x128xf32, #tpu.memory_space<hbm>>
      tpu.enqueue_dma source(%arg11 : memref<128x128xf32, #tpu.memory_space<vmem>>) target(%dma_start3A_293 : memref<128x128xf32, #tpu.memory_space<hbm>>) target_semaphore(%arg21 : memref<!tpu.dma_semaphore, #tpu.memory_space<semaphore_mem>>)
      %add3A_294 = arith.constant 1536 : i32
      %add3A_295 = arith.addi %add3A_63, %add3A_294 : i32
      %dma_wait3A_296 = arith.constant 0 : i32
      %dma_wait3A_297 = tpu.memref_slice %arg4[%add3A_295, %dma_wait3A_296] : memref<3276800x128xf32, #tpu.memory_space<hbm>> -> memref<128x128xf32, #tpu.memory_space<hbm>>
      %dma_wait3A_298 = arith.constant 0 : i32
      %dma_wait3A_299 = tpu.memref_slice %arg4[%add3A_295, %dma_wait3A_298] : memref<3276800x128xf32, #tpu.memory_space<hbm>> -> memref<128x128xf32, #tpu.memory_space<hbm>>
      tpu.wait_dma2 semaphore(%arg20 : memref<!tpu.dma_semaphore, #tpu.memory_space<semaphore_mem>>) src(%arg10 : memref<128x128xf32, #tpu.memory_space<vmem>>) dst(%dma_wait3A_299 : memref<128x128xf32, #tpu.memory_space<hbm>>)
      %dma_start3A_300 = arith.constant 1536 : i32
      %dma_start3A_301 = tpu.memref_slice %arg5[%dma_start3A_300] : memref<5120xi32, #tpu.memory_space<vmem>> -> memref<128xi32, #tpu.memory_space<vmem>>
      %dma_start3A_302 = arith.constant 0 : i32
      %dma_start3A_303 = arith.constant 0 : i32
      %dma_start3A_304 = tpu.memref_slice %arg7[%dma_start3A_302, %dma_start3A_303] : memref<300x128xf32, #tpu.memory_space<vmem_shared>> -> memref<300x128xf32, #tpu.memory_space<vmem_shared>>
      tpu.enqueue_indirect_dma source(%dma_start3A_304 : memref<300x128xf32, #tpu.memory_space<vmem_shared>>) target(%arg10 : memref<128x128xf32, #tpu.memory_space<vmem>>) offsets(%dma_start3A_301 : memref<128xi32, #tpu.memory_space<vmem>>) semaphore(%arg15 : memref<!tpu.dma_semaphore, #tpu.memory_space<semaphore_mem>>)
      %dma_wait3A_305 = arith.constant 1152 : i32
      %dma_wait3A_306 = tpu.memref_slice %arg5[%dma_wait3A_305] : memref<5120xi32, #tpu.memory_space<vmem>> -> memref<128xi32, #tpu.memory_space<vmem>>
      %dma_wait3A_307 = arith.constant 0 : i32
      %dma_wait3A_308 = arith.constant 0 : i32
      %dma_wait3A_309 = tpu.memref_slice %arg7[%dma_wait3A_307, %dma_wait3A_308] : memref<300x128xf32, #tpu.memory_space<vmem_shared>> -> memref<300x128xf32, #tpu.memory_space<vmem_shared>>
      tpu.wait_indirect_dma semaphore(%arg17 : memref<!tpu.dma_semaphore, #tpu.memory_space<semaphore_mem>>) src(%dma_wait3A_309 : memref<300x128xf32, #tpu.memory_space<vmem_shared>>) dst(%arg12 : memref<128x128xf32, #tpu.memory_space<vmem>>)
      %add3A_310 = arith.constant 1152 : i32
      %add3A_311 = arith.addi %add3A_63, %add3A_310 : i32
      %dma_start3A_312 = arith.constant 0 : i32
      %dma_start3A_313 = tpu.memref_slice %arg4[%add3A_311, %dma_start3A_312] : memref<3276800x128xf32, #tpu.memory_space<hbm>> -> memref<128x128xf32, #tpu.memory_space<hbm>>
      %dma_start3A_314 = arith.constant 0 : i32
      %dma_start3A_315 = tpu.memref_slice %arg4[%add3A_311, %dma_start3A_314] : memref<3276800x128xf32, #tpu.memory_space<hbm>> -> memref<128x128xf32, #tpu.memory_space<hbm>>
      tpu.enqueue_dma source(%arg12 : memref<128x128xf32, #tpu.memory_space<vmem>>) target(%dma_start3A_315 : memref<128x128xf32, #tpu.memory_space<hbm>>) target_semaphore(%arg22 : memref<!tpu.dma_semaphore, #tpu.memory_space<semaphore_mem>>)
      %add3A_316 = arith.constant 1664 : i32
      %add3A_317 = arith.addi %add3A_63, %add3A_316 : i32
      %dma_wait3A_318 = arith.constant 0 : i32
      %dma_wait3A_319 = tpu.memref_slice %arg4[%add3A_317, %dma_wait3A_318] : memref<3276800x128xf32, #tpu.memory_space<hbm>> -> memref<128x128xf32, #tpu.memory_space<hbm>>
      %dma_wait3A_320 = arith.constant 0 : i32
      %dma_wait3A_321 = tpu.memref_slice %arg4[%add3A_317, %dma_wait3A_320] : memref<3276800x128xf32, #tpu.memory_space<hbm>> -> memref<128x128xf32, #tpu.memory_space<hbm>>
      tpu.wait_dma2 semaphore(%arg21 : memref<!tpu.dma_semaphore, #tpu.memory_space<semaphore_mem>>) src(%arg11 : memref<128x128xf32, #tpu.memory_space<vmem>>) dst(%dma_wait3A_321 : memref<128x128xf32, #tpu.memory_space<hbm>>)
      %dma_start3A_322 = arith.constant 1664 : i32
      %dma_start3A_323 = tpu.memref_slice %arg5[%dma_start3A_322] : memref<5120xi32, #tpu.memory_space<vmem>> -> memref<128xi32, #tpu.memory_space<vmem>>
      %dma_start3A_324 = arith.constant 0 : i32
      %dma_start3A_325 = arith.constant 0 : i32
      %dma_start3A_326 = tpu.memref_slice %arg7[%dma_start3A_324, %dma_start3A_325] : memref<300x128xf32, #tpu.memory_space<vmem_shared>> -> memref<300x128xf32, #tpu.memory_space<vmem_shared>>
      tpu.enqueue_indirect_dma source(%dma_start3A_326 : memref<300x128xf32, #tpu.memory_space<vmem_shared>>) target(%arg11 : memref<128x128xf32, #tpu.memory_space<vmem>>) offsets(%dma_start3A_323 : memref<128xi32, #tpu.memory_space<vmem>>) semaphore(%arg16 : memref<!tpu.dma_semaphore, #tpu.memory_space<semaphore_mem>>)
      %dma_wait3A_327 = arith.constant 1280 : i32
      %dma_wait3A_328 = tpu.memref_slice %arg5[%dma_wait3A_327] : memref<5120xi32, #tpu.memory_space<vmem>> -> memref<128xi32, #tpu.memory_space<vmem>>
      %dma_wait3A_329 = arith.constant 0 : i32
      %dma_wait3A_330 = arith.constant 0 : i32
      %dma_wait3A_331 = tpu.memref_slice %arg7[%dma_wait3A_329, %dma_wait3A_330] : memref<300x128xf32, #tpu.memory_space<vmem_shared>> -> memref<300x128xf32, #tpu.memory_space<vmem_shared>>
      tpu.wait_indirect_dma semaphore(%arg13 : memref<!tpu.dma_semaphore, #tpu.memory_space<semaphore_mem>>) src(%dma_wait3A_331 : memref<300x128xf32, #tpu.memory_space<vmem_shared>>) dst(%arg8 : memref<128x128xf32, #tpu.memory_space<vmem>>)
      %add3A_332 = arith.constant 1280 : i32
      %add3A_333 = arith.addi %add3A_63, %add3A_332 : i32
      %dma_start3A_334 = arith.constant 0 : i32
      %dma_start3A_335 = tpu.memref_slice %arg4[%add3A_333, %dma_start3A_334] : memref<3276800x128xf32, #tpu.memory_space<hbm>> -> memref<128x128xf32, #tpu.memory_space<hbm>>
      %dma_start3A_336 = arith.constant 0 : i32
      %dma_start3A_337 = tpu.memref_slice %arg4[%add3A_333, %dma_start3A_336] : memref<3276800x128xf32, #tpu.memory_space<hbm>> -> memref<128x128xf32, #tpu.memory_space<hbm>>
      tpu.enqueue_dma source(%arg8 : memref<128x128xf32, #tpu.memory_space<vmem>>) target(%dma_start3A_337 : memref<128x128xf32, #tpu.memory_space<hbm>>) target_semaphore(%arg18 : memref<!tpu.dma_semaphore, #tpu.memory_space<semaphore_mem>>)
      %add3A_338 = arith.constant 1792 : i32
      %add3A_339 = arith.addi %add3A_63, %add3A_338 : i32
      %dma_wait3A_340 = arith.constant 0 : i32
      %dma_wait3A_341 = tpu.memref_slice %arg4[%add3A_339, %dma_wait3A_340] : memref<3276800x128xf32, #tpu.memory_space<hbm>> -> memref<128x128xf32, #tpu.memory_space<hbm>>
      %dma_wait3A_342 = arith.constant 0 : i32
      %dma_wait3A_343 = tpu.memref_slice %arg4[%add3A_339, %dma_wait3A_342] : memref<3276800x128xf32, #tpu.memory_space<hbm>> -> memref<128x128xf32, #tpu.memory_space<hbm>>
      tpu.wait_dma2 semaphore(%arg22 : memref<!tpu.dma_semaphore, #tpu.memory_space<semaphore_mem>>) src(%arg12 : memref<128x128xf32, #tpu.memory_space<vmem>>) dst(%dma_wait3A_343 : memref<128x128xf32, #tpu.memory_space<hbm>>)
      %dma_start3A_344 = arith.constant 1792 : i32
      %dma_start3A_345 = tpu.memref_slice %arg5[%dma_start3A_344] : memref<5120xi32, #tpu.memory_space<vmem>> -> memref<128xi32, #tpu.memory_space<vmem>>
      %dma_start3A_346 = arith.constant 0 : i32
      %dma_start3A_347 = arith.constant 0 : i32
      %dma_start3A_348 = tpu.memref_slice %arg7[%dma_start3A_346, %dma_start3A_347] : memref<300x128xf32, #tpu.memory_space<vmem_shared>> -> memref<300x128xf32, #tpu.memory_space<vmem_shared>>
      tpu.enqueue_indirect_dma source(%dma_start3A_348 : memref<300x128xf32, #tpu.memory_space<vmem_shared>>) target(%arg12 : memref<128x128xf32, #tpu.memory_space<vmem>>) offsets(%dma_start3A_345 : memref<128xi32, #tpu.memory_space<vmem>>) semaphore(%arg17 : memref<!tpu.dma_semaphore, #tpu.memory_space<semaphore_mem>>)
      %dma_wait3A_349 = arith.constant 1408 : i32
      %dma_wait3A_350 = tpu.memref_slice %arg5[%dma_wait3A_349] : memref<5120xi32, #tpu.memory_space<vmem>> -> memref<128xi32, #tpu.memory_space<vmem>>
      %dma_wait3A_351 = arith.constant 0 : i32
      %dma_wait3A_352 = arith.constant 0 : i32
      %dma_wait3A_353 = tpu.memref_slice %arg7[%dma_wait3A_351, %dma_wait3A_352] : memref<300x128xf32, #tpu.memory_space<vmem_shared>> -> memref<300x128xf32, #tpu.memory_space<vmem_shared>>
      tpu.wait_indirect_dma semaphore(%arg14 : memref<!tpu.dma_semaphore, #tpu.memory_space<semaphore_mem>>) src(%dma_wait3A_353 : memref<300x128xf32, #tpu.memory_space<vmem_shared>>) dst(%arg9 : memref<128x128xf32, #tpu.memory_space<vmem>>)
      %add3A_354 = arith.constant 1408 : i32
      %add3A_355 = arith.addi %add3A_63, %add3A_354 : i32
      %dma_start3A_356 = arith.constant 0 : i32
      %dma_start3A_357 = tpu.memref_slice %arg4[%add3A_355, %dma_start3A_356] : memref<3276800x128xf32, #tpu.memory_space<hbm>> -> memref<128x128xf32, #tpu.memory_space<hbm>>
      %dma_start3A_358 = arith.constant 0 : i32
      %dma_start3A_359 = tpu.memref_slice %arg4[%add3A_355, %dma_start3A_358] : memref<3276800x128xf32, #tpu.memory_space<hbm>> -> memref<128x128xf32, #tpu.memory_space<hbm>>
      tpu.enqueue_dma source(%arg9 : memref<128x128xf32, #tpu.memory_space<vmem>>) target(%dma_start3A_359 : memref<128x128xf32, #tpu.memory_space<hbm>>) target_semaphore(%arg19 : memref<!tpu.dma_semaphore, #tpu.memory_space<semaphore_mem>>)
      %add3A_360 = arith.constant 1920 : i32
      %add3A_361 = arith.addi %add3A_63, %add3A_360 : i32
      %dma_wait3A_362 = arith.constant 0 : i32
      %dma_wait3A_363 = tpu.memref_slice %arg4[%add3A_361, %dma_wait3A_362] : memref<3276800x128xf32, #tpu.memory_space<hbm>> -> memref<128x128xf32, #tpu.memory_space<hbm>>
      %dma_wait3A_364 = arith.constant 0 : i32
      %dma_wait3A_365 = tpu.memref_slice %arg4[%add3A_361, %dma_wait3A_364] : memref<3276800x128xf32, #tpu.memory_space<hbm>> -> memref<128x128xf32, #tpu.memory_space<hbm>>
      tpu.wait_dma2 semaphore(%arg18 : memref<!tpu.dma_semaphore, #tpu.memory_space<semaphore_mem>>) src(%arg8 : memref<128x128xf32, #tpu.memory_space<vmem>>) dst(%dma_wait3A_365 : memref<128x128xf32, #tpu.memory_space<hbm>>)
      %dma_start3A_366 = arith.constant 1920 : i32
      %dma_start3A_367 = tpu.memref_slice %arg5[%dma_start3A_366] : memref<5120xi32, #tpu.memory_space<vmem>> -> memref<128xi32, #tpu.memory_space<vmem>>
      %dma_start3A_368 = arith.constant 0 : i32
      %dma_start3A_369 = arith.constant 0 : i32
      %dma_start3A_370 = tpu.memref_slice %arg7[%dma_start3A_368, %dma_start3A_369] : memref<300x128xf32, #tpu.memory_space<vmem_shared>> -> memref<300x128xf32, #tpu.memory_space<vmem_shared>>
      tpu.enqueue_indirect_dma source(%dma_start3A_370 : memref<300x128xf32, #tpu.memory_space<vmem_shared>>) target(%arg8 : memref<128x128xf32, #tpu.memory_space<vmem>>) offsets(%dma_start3A_367 : memref<128xi32, #tpu.memory_space<vmem>>) semaphore(%arg13 : memref<!tpu.dma_semaphore, #tpu.memory_space<semaphore_mem>>)
      %dma_wait3A_371 = arith.constant 1536 : i32
      %dma_wait3A_372 = tpu.memref_slice %arg5[%dma_wait3A_371] : memref<5120xi32, #tpu.memory_space<vmem>> -> memref<128xi32, #tpu.memory_space<vmem>>
      %dma_wait3A_373 = arith.constant 0 : i32
      %dma_wait3A_374 = arith.constant 0 : i32
      %dma_wait3A_375 = tpu.memref_slice %arg7[%dma_wait3A_373, %dma_wait3A_374] : memref<300x128xf32, #tpu.memory_space<vmem_shared>> -> memref<300x128xf32, #tpu.memory_space<vmem_shared>>
      tpu.wait_indirect_dma semaphore(%arg15 : memref<!tpu.dma_semaphore, #tpu.memory_space<semaphore_mem>>) src(%dma_wait3A_375 : memref<300x128xf32, #tpu.memory_space<vmem_shared>>) dst(%arg10 : memref<128x128xf32, #tpu.memory_space<vmem>>)
      %add3A_376 = arith.constant 1536 : i32
      %add3A_377 = arith.addi %add3A_63, %add3A_376 : i32
      %dma_start3A_378 = arith.constant 0 : i32
      %dma_start3A_379 = tpu.memref_slice %arg4[%add3A_377, %dma_start3A_378] : memref<3276800x128xf32, #tpu.memory_space<hbm>> -> memref<128x128xf32, #tpu.memory_space<hbm>>
      %dma_start3A_380 = arith.constant 0 : i32
      %dma_start3A_381 = tpu.memref_slice %arg4[%add3A_377, %dma_start3A_380] : memref<3276800x128xf32, #tpu.memory_space<hbm>> -> memref<128x128xf32, #tpu.memory_space<hbm>>
      tpu.enqueue_dma source(%arg10 : memref<128x128xf32, #tpu.memory_space<vmem>>) target(%dma_start3A_381 : memref<128x128xf32, #tpu.memory_space<hbm>>) target_semaphore(%arg20 : memref<!tpu.dma_semaphore, #tpu.memory_space<semaphore_mem>>)
      %add3A_382 = arith.constant 2048 : i32
      %add3A_383 = arith.addi %add3A_63, %add3A_382 : i32
      %dma_wait3A_384 = arith.constant 0 : i32
      %dma_wait3A_385 = tpu.memref_slice %arg4[%add3A_383, %dma_wait3A_384] : memref<3276800x128xf32, #tpu.memory_space<hbm>> -> memref<128x128xf32, #tpu.memory_space<hbm>>
      %dma_wait3A_386 = arith.constant 0 : i32
      %dma_wait3A_387 = tpu.memref_slice %arg4[%add3A_383, %dma_wait3A_386] : memref<3276800x128xf32, #tpu.memory_space<hbm>> -> memref<128x128xf32, #tpu.memory_space<hbm>>
      tpu.wait_dma2 semaphore(%arg19 : memref<!tpu.dma_semaphore, #tpu.memory_space<semaphore_mem>>) src(%arg9 : memref<128x128xf32, #tpu.memory_space<vmem>>) dst(%dma_wait3A_387 : memref<128x128xf32, #tpu.memory_space<hbm>>)
      %dma_start3A_388 = arith.constant 2048 : i32
      %dma_start3A_389 = tpu.memref_slice %arg5[%dma_start3A_388] : memref<5120xi32, #tpu.memory_space<vmem>> -> memref<128xi32, #tpu.memory_space<vmem>>
      %dma_start3A_390 = arith.constant 0 : i32
      %dma_start3A_391 = arith.constant 0 : i32
      %dma_start3A_392 = tpu.memref_slice %arg7[%dma_start3A_390, %dma_start3A_391] : memref<300x128xf32, #tpu.memory_space<vmem_shared>> -> memref<300x128xf32, #tpu.memory_space<vmem_shared>>
      tpu.enqueue_indirect_dma source(%dma_start3A_392 : memref<300x128xf32, #tpu.memory_space<vmem_shared>>) target(%arg9 : memref<128x128xf32, #tpu.memory_space<vmem>>) offsets(%dma_start3A_389 : memref<128xi32, #tpu.memory_space<vmem>>) semaphore(%arg14 : memref<!tpu.dma_semaphore, #tpu.memory_space<semaphore_mem>>)
      %dma_wait3A_393 = arith.constant 1664 : i32
      %dma_wait3A_394 = tpu.memref_slice %arg5[%dma_wait3A_393] : memref<5120xi32, #tpu.memory_space<vmem>> -> memref<128xi32, #tpu.memory_space<vmem>>
      %dma_wait3A_395 = arith.constant 0 : i32
      %dma_wait3A_396 = arith.constant 0 : i32
      %dma_wait3A_397 = tpu.memref_slice %arg7[%dma_wait3A_395, %dma_wait3A_396] : memref<300x128xf32, #tpu.memory_space<vmem_shared>> -> memref<300x128xf32, #tpu.memory_space<vmem_shared>>
      tpu.wait_indirect_dma semaphore(%arg16 : memref<!tpu.dma_semaphore, #tpu.memory_space<semaphore_mem>>) src(%dma_wait3A_397 : memref<300x128xf32, #tpu.memory_space<vmem_shared>>) dst(%arg11 : memref<128x128xf32, #tpu.memory_space<vmem>>)
      %add3A_398 = arith.constant 1664 : i32
      %add3A_399 = arith.addi %add3A_63, %add3A_398 : i32
      %dma_start3A_400 = arith.constant 0 : i32
      %dma_start3A_401 = tpu.memref_slice %arg4[%add3A_399, %dma_start3A_400] : memref<3276800x128xf32, #tpu.memory_space<hbm>> -> memref<128x128xf32, #tpu.memory_space<hbm>>
      %dma_start3A_402 = arith.constant 0 : i32
      %dma_start3A_403 = tpu.memref_slice %arg4[%add3A_399, %dma_start3A_402] : memref<3276800x128xf32, #tpu.memory_space<hbm>> -> memref<128x128xf32, #tpu.memory_space<hbm>>
      tpu.enqueue_dma source(%arg11 : memref<128x128xf32, #tpu.memory_space<vmem>>) target(%dma_start3A_403 : memref<128x128xf32, #tpu.memory_space<hbm>>) target_semaphore(%arg21 : memref<!tpu.dma_semaphore, #tpu.memory_space<semaphore_mem>>)
      %add3A_404 = arith.constant 2176 : i32
      %add3A_405 = arith.addi %add3A_63, %add3A_404 : i32
      %dma_wait3A_406 = arith.constant 0 : i32
      %dma_wait3A_407 = tpu.memref_slice %arg4[%add3A_405, %dma_wait3A_406] : memref<3276800x128xf32, #tpu.memory_space<hbm>> -> memref<128x128xf32, #tpu.memory_space<hbm>>
      %dma_wait3A_408 = arith.constant 0 : i32
      %dma_wait3A_409 = tpu.memref_slice %arg4[%add3A_405, %dma_wait3A_408] : memref<3276800x128xf32, #tpu.memory_space<hbm>> -> memref<128x128xf32, #tpu.memory_space<hbm>>
      tpu.wait_dma2 semaphore(%arg20 : memref<!tpu.dma_semaphore, #tpu.memory_space<semaphore_mem>>) src(%arg10 : memref<128x128xf32, #tpu.memory_space<vmem>>) dst(%dma_wait3A_409 : memref<128x128xf32, #tpu.memory_space<hbm>>)
      %dma_start3A_410 = arith.constant 2176 : i32
      %dma_start3A_411 = tpu.memref_slice %arg5[%dma_start3A_410] : memref<5120xi32, #tpu.memory_space<vmem>> -> memref<128xi32, #tpu.memory_space<vmem>>
      %dma_start3A_412 = arith.constant 0 : i32
      %dma_start3A_413 = arith.constant 0 : i32
      %dma_start3A_414 = tpu.memref_slice %arg7[%dma_start3A_412, %dma_start3A_413] : memref<300x128xf32, #tpu.memory_space<vmem_shared>> -> memref<300x128xf32, #tpu.memory_space<vmem_shared>>
      tpu.enqueue_indirect_dma source(%dma_start3A_414 : memref<300x128xf32, #tpu.memory_space<vmem_shared>>) target(%arg10 : memref<128x128xf32, #tpu.memory_space<vmem>>) offsets(%dma_start3A_411 : memref<128xi32, #tpu.memory_space<vmem>>) semaphore(%arg15 : memref<!tpu.dma_semaphore, #tpu.memory_space<semaphore_mem>>)
      %dma_wait3A_415 = arith.constant 1792 : i32
      %dma_wait3A_416 = tpu.memref_slice %arg5[%dma_wait3A_415] : memref<5120xi32, #tpu.memory_space<vmem>> -> memref<128xi32, #tpu.memory_space<vmem>>
      %dma_wait3A_417 = arith.constant 0 : i32
      %dma_wait3A_418 = arith.constant 0 : i32
      %dma_wait3A_419 = tpu.memref_slice %arg7[%dma_wait3A_417, %dma_wait3A_418] : memref<300x128xf32, #tpu.memory_space<vmem_shared>> -> memref<300x128xf32, #tpu.memory_space<vmem_shared>>
      tpu.wait_indirect_dma semaphore(%arg17 : memref<!tpu.dma_semaphore, #tpu.memory_space<semaphore_mem>>) src(%dma_wait3A_419 : memref<300x128xf32, #tpu.memory_space<vmem_shared>>) dst(%arg12 : memref<128x128xf32, #tpu.memory_space<vmem>>)
      %add3A_420 = arith.constant 1792 : i32
      %add3A_421 = arith.addi %add3A_63, %add3A_420 : i32
      %dma_start3A_422 = arith.constant 0 : i32
      %dma_start3A_423 = tpu.memref_slice %arg4[%add3A_421, %dma_start3A_422] : memref<3276800x128xf32, #tpu.memory_space<hbm>> -> memref<128x128xf32, #tpu.memory_space<hbm>>
      %dma_start3A_424 = arith.constant 0 : i32
      %dma_start3A_425 = tpu.memref_slice %arg4[%add3A_421, %dma_start3A_424] : memref<3276800x128xf32, #tpu.memory_space<hbm>> -> memref<128x128xf32, #tpu.memory_space<hbm>>
      tpu.enqueue_dma source(%arg12 : memref<128x128xf32, #tpu.memory_space<vmem>>) target(%dma_start3A_425 : memref<128x128xf32, #tpu.memory_space<hbm>>) target_semaphore(%arg22 : memref<!tpu.dma_semaphore, #tpu.memory_space<semaphore_mem>>)
      %add3A_426 = arith.constant 2304 : i32
      %add3A_427 = arith.addi %add3A_63, %add3A_426 : i32
      %dma_wait3A_428 = arith.constant 0 : i32
      %dma_wait3A_429 = tpu.memref_slice %arg4[%add3A_427, %dma_wait3A_428] : memref<3276800x128xf32, #tpu.memory_space<hbm>> -> memref<128x128xf32, #tpu.memory_space<hbm>>
      %dma_wait3A_430 = arith.constant 0 : i32
      %dma_wait3A_431 = tpu.memref_slice %arg4[%add3A_427, %dma_wait3A_430] : memref<3276800x128xf32, #tpu.memory_space<hbm>> -> memref<128x128xf32, #tpu.memory_space<hbm>>
      tpu.wait_dma2 semaphore(%arg21 : memref<!tpu.dma_semaphore, #tpu.memory_space<semaphore_mem>>) src(%arg11 : memref<128x128xf32, #tpu.memory_space<vmem>>) dst(%dma_wait3A_431 : memref<128x128xf32, #tpu.memory_space<hbm>>)
      %dma_start3A_432 = arith.constant 2304 : i32
      %dma_start3A_433 = tpu.memref_slice %arg5[%dma_start3A_432] : memref<5120xi32, #tpu.memory_space<vmem>> -> memref<128xi32, #tpu.memory_space<vmem>>
      %dma_start3A_434 = arith.constant 0 : i32
      %dma_start3A_435 = arith.constant 0 : i32
      %dma_start3A_436 = tpu.memref_slice %arg7[%dma_start3A_434, %dma_start3A_435] : memref<300x128xf32, #tpu.memory_space<vmem_shared>> -> memref<300x128xf32, #tpu.memory_space<vmem_shared>>
      tpu.enqueue_indirect_dma source(%dma_start3A_436 : memref<300x128xf32, #tpu.memory_space<vmem_shared>>) target(%arg11 : memref<128x128xf32, #tpu.memory_space<vmem>>) offsets(%dma_start3A_433 : memref<128xi32, #tpu.memory_space<vmem>>) semaphore(%arg16 : memref<!tpu.dma_semaphore, #tpu.memory_space<semaphore_mem>>)
      %dma_wait3A_437 = arith.constant 1920 : i32
      %dma_wait3A_438 = tpu.memref_slice %arg5[%dma_wait3A_437] : memref<5120xi32, #tpu.memory_space<vmem>> -> memref<128xi32, #tpu.memory_space<vmem>>
      %dma_wait3A_439 = arith.constant 0 : i32
      %dma_wait3A_440 = arith.constant 0 : i32
      %dma_wait3A_441 = tpu.memref_slice %arg7[%dma_wait3A_439, %dma_wait3A_440] : memref<300x128xf32, #tpu.memory_space<vmem_shared>> -> memref<300x128xf32, #tpu.memory_space<vmem_shared>>
      tpu.wait_indirect_dma semaphore(%arg13 : memref<!tpu.dma_semaphore, #tpu.memory_space<semaphore_mem>>) src(%dma_wait3A_441 : memref<300x128xf32, #tpu.memory_space<vmem_shared>>) dst(%arg8 : memref<128x128xf32, #tpu.memory_space<vmem>>)
      %add3A_442 = arith.constant 1920 : i32
      %add3A_443 = arith.addi %add3A_63, %add3A_442 : i32
      %dma_start3A_444 = arith.constant 0 : i32
      %dma_start3A_445 = tpu.memref_slice %arg4[%add3A_443, %dma_start3A_444] : memref<3276800x128xf32, #tpu.memory_space<hbm>> -> memref<128x128xf32, #tpu.memory_space<hbm>>
      %dma_start3A_446 = arith.constant 0 : i32
      %dma_start3A_447 = tpu.memref_slice %arg4[%add3A_443, %dma_start3A_446] : memref<3276800x128xf32, #tpu.memory_space<hbm>> -> memref<128x128xf32, #tpu.memory_space<hbm>>
      tpu.enqueue_dma source(%arg8 : memref<128x128xf32, #tpu.memory_space<vmem>>) target(%dma_start3A_447 : memref<128x128xf32, #tpu.memory_space<hbm>>) target_semaphore(%arg18 : memref<!tpu.dma_semaphore, #tpu.memory_space<semaphore_mem>>)
      %add3A_448 = arith.constant 2432 : i32
      %add3A_449 = arith.addi %add3A_63, %add3A_448 : i32
      %dma_wait3A_450 = arith.constant 0 : i32
      %dma_wait3A_451 = tpu.memref_slice %arg4[%add3A_449, %dma_wait3A_450] : memref<3276800x128xf32, #tpu.memory_space<hbm>> -> memref<128x128xf32, #tpu.memory_space<hbm>>
      %dma_wait3A_452 = arith.constant 0 : i32
      %dma_wait3A_453 = tpu.memref_slice %arg4[%add3A_449, %dma_wait3A_452] : memref<3276800x128xf32, #tpu.memory_space<hbm>> -> memref<128x128xf32, #tpu.memory_space<hbm>>
      tpu.wait_dma2 semaphore(%arg22 : memref<!tpu.dma_semaphore, #tpu.memory_space<semaphore_mem>>) src(%arg12 : memref<128x128xf32, #tpu.memory_space<vmem>>) dst(%dma_wait3A_453 : memref<128x128xf32, #tpu.memory_space<hbm>>)
      %dma_start3A_454 = arith.constant 2432 : i32
      %dma_start3A_455 = tpu.memref_slice %arg5[%dma_start3A_454] : memref<5120xi32, #tpu.memory_space<vmem>> -> memref<128xi32, #tpu.memory_space<vmem>>
      %dma_start3A_456 = arith.constant 0 : i32
      %dma_start3A_457 = arith.constant 0 : i32
      %dma_start3A_458 = tpu.memref_slice %arg7[%dma_start3A_456, %dma_start3A_457] : memref<300x128xf32, #tpu.memory_space<vmem_shared>> -> memref<300x128xf32, #tpu.memory_space<vmem_shared>>
      tpu.enqueue_indirect_dma source(%dma_start3A_458 : memref<300x128xf32, #tpu.memory_space<vmem_shared>>) target(%arg12 : memref<128x128xf32, #tpu.memory_space<vmem>>) offsets(%dma_start3A_455 : memref<128xi32, #tpu.memory_space<vmem>>) semaphore(%arg17 : memref<!tpu.dma_semaphore, #tpu.memory_space<semaphore_mem>>)
      %dma_wait3A_459 = arith.constant 2048 : i32
      %dma_wait3A_460 = tpu.memref_slice %arg5[%dma_wait3A_459] : memref<5120xi32, #tpu.memory_space<vmem>> -> memref<128xi32, #tpu.memory_space<vmem>>
      %dma_wait3A_461 = arith.constant 0 : i32
      %dma_wait3A_462 = arith.constant 0 : i32
      %dma_wait3A_463 = tpu.memref_slice %arg7[%dma_wait3A_461, %dma_wait3A_462] : memref<300x128xf32, #tpu.memory_space<vmem_shared>> -> memref<300x128xf32, #tpu.memory_space<vmem_shared>>
      tpu.wait_indirect_dma semaphore(%arg14 : memref<!tpu.dma_semaphore, #tpu.memory_space<semaphore_mem>>) src(%dma_wait3A_463 : memref<300x128xf32, #tpu.memory_space<vmem_shared>>) dst(%arg9 : memref<128x128xf32, #tpu.memory_space<vmem>>)
      %add3A_464 = arith.constant 2048 : i32
      %add3A_465 = arith.addi %add3A_63, %add3A_464 : i32
      %dma_start3A_466 = arith.constant 0 : i32
      %dma_start3A_467 = tpu.memref_slice %arg4[%add3A_465, %dma_start3A_466] : memref<3276800x128xf32, #tpu.memory_space<hbm>> -> memref<128x128xf32, #tpu.memory_space<hbm>>
      %dma_start3A_468 = arith.constant 0 : i32
      %dma_start3A_469 = tpu.memref_slice %arg4[%add3A_465, %dma_start3A_468] : memref<3276800x128xf32, #tpu.memory_space<hbm>> -> memref<128x128xf32, #tpu.memory_space<hbm>>
      tpu.enqueue_dma source(%arg9 : memref<128x128xf32, #tpu.memory_space<vmem>>) target(%dma_start3A_469 : memref<128x128xf32, #tpu.memory_space<hbm>>) target_semaphore(%arg19 : memref<!tpu.dma_semaphore, #tpu.memory_space<semaphore_mem>>)
      %add3A_470 = arith.constant 2560 : i32
      %add3A_471 = arith.addi %add3A_63, %add3A_470 : i32
      %dma_wait3A_472 = arith.constant 0 : i32
      %dma_wait3A_473 = tpu.memref_slice %arg4[%add3A_471, %dma_wait3A_472] : memref<3276800x128xf32, #tpu.memory_space<hbm>> -> memref<128x128xf32, #tpu.memory_space<hbm>>
      %dma_wait3A_474 = arith.constant 0 : i32
      %dma_wait3A_475 = tpu.memref_slice %arg4[%add3A_471, %dma_wait3A_474] : memref<3276800x128xf32, #tpu.memory_space<hbm>> -> memref<128x128xf32, #tpu.memory_space<hbm>>
      tpu.wait_dma2 semaphore(%arg18 : memref<!tpu.dma_semaphore, #tpu.memory_space<semaphore_mem>>) src(%arg8 : memref<128x128xf32, #tpu.memory_space<vmem>>) dst(%dma_wait3A_475 : memref<128x128xf32, #tpu.memory_space<hbm>>)
      %dma_start3A_476 = arith.constant 2560 : i32
      %dma_start3A_477 = tpu.memref_slice %arg5[%dma_start3A_476] : memref<5120xi32, #tpu.memory_space<vmem>> -> memref<128xi32, #tpu.memory_space<vmem>>
      %dma_start3A_478 = arith.constant 0 : i32
      %dma_start3A_479 = arith.constant 0 : i32
      %dma_start3A_480 = tpu.memref_slice %arg7[%dma_start3A_478, %dma_start3A_479] : memref<300x128xf32, #tpu.memory_space<vmem_shared>> -> memref<300x128xf32, #tpu.memory_space<vmem_shared>>
      tpu.enqueue_indirect_dma source(%dma_start3A_480 : memref<300x128xf32, #tpu.memory_space<vmem_shared>>) target(%arg8 : memref<128x128xf32, #tpu.memory_space<vmem>>) offsets(%dma_start3A_477 : memref<128xi32, #tpu.memory_space<vmem>>) semaphore(%arg13 : memref<!tpu.dma_semaphore, #tpu.memory_space<semaphore_mem>>)
      %dma_wait3A_481 = arith.constant 2176 : i32
      %dma_wait3A_482 = tpu.memref_slice %arg5[%dma_wait3A_481] : memref<5120xi32, #tpu.memory_space<vmem>> -> memref<128xi32, #tpu.memory_space<vmem>>
      %dma_wait3A_483 = arith.constant 0 : i32
      %dma_wait3A_484 = arith.constant 0 : i32
      %dma_wait3A_485 = tpu.memref_slice %arg7[%dma_wait3A_483, %dma_wait3A_484] : memref<300x128xf32, #tpu.memory_space<vmem_shared>> -> memref<300x128xf32, #tpu.memory_space<vmem_shared>>
      tpu.wait_indirect_dma semaphore(%arg15 : memref<!tpu.dma_semaphore, #tpu.memory_space<semaphore_mem>>) src(%dma_wait3A_485 : memref<300x128xf32, #tpu.memory_space<vmem_shared>>) dst(%arg10 : memref<128x128xf32, #tpu.memory_space<vmem>>)
      %add3A_486 = arith.constant 2176 : i32
      %add3A_487 = arith.addi %add3A_63, %add3A_486 : i32
      %dma_start3A_488 = arith.constant 0 : i32
      %dma_start3A_489 = tpu.memref_slice %arg4[%add3A_487, %dma_start3A_488] : memref<3276800x128xf32, #tpu.memory_space<hbm>> -> memref<128x128xf32, #tpu.memory_space<hbm>>
      %dma_start3A_490 = arith.constant 0 : i32
      %dma_start3A_491 = tpu.memref_slice %arg4[%add3A_487, %dma_start3A_490] : memref<3276800x128xf32, #tpu.memory_space<hbm>> -> memref<128x128xf32, #tpu.memory_space<hbm>>
      tpu.enqueue_dma source(%arg10 : memref<128x128xf32, #tpu.memory_space<vmem>>) target(%dma_start3A_491 : memref<128x128xf32, #tpu.memory_space<hbm>>) target_semaphore(%arg20 : memref<!tpu.dma_semaphore, #tpu.memory_space<semaphore_mem>>)
      %add3A_492 = arith.constant 2688 : i32
      %add3A_493 = arith.addi %add3A_63, %add3A_492 : i32
      %dma_wait3A_494 = arith.constant 0 : i32
      %dma_wait3A_495 = tpu.memref_slice %arg4[%add3A_493, %dma_wait3A_494] : memref<3276800x128xf32, #tpu.memory_space<hbm>> -> memref<128x128xf32, #tpu.memory_space<hbm>>
      %dma_wait3A_496 = arith.constant 0 : i32
      %dma_wait3A_497 = tpu.memref_slice %arg4[%add3A_493, %dma_wait3A_496] : memref<3276800x128xf32, #tpu.memory_space<hbm>> -> memref<128x128xf32, #tpu.memory_space<hbm>>
      tpu.wait_dma2 semaphore(%arg19 : memref<!tpu.dma_semaphore, #tpu.memory_space<semaphore_mem>>) src(%arg9 : memref<128x128xf32, #tpu.memory_space<vmem>>) dst(%dma_wait3A_497 : memref<128x128xf32, #tpu.memory_space<hbm>>)
      %dma_start3A_498 = arith.constant 2688 : i32
      %dma_start3A_499 = tpu.memref_slice %arg5[%dma_start3A_498] : memref<5120xi32, #tpu.memory_space<vmem>> -> memref<128xi32, #tpu.memory_space<vmem>>
      %dma_start3A_500 = arith.constant 0 : i32
      %dma_start3A_501 = arith.constant 0 : i32
      %dma_start3A_502 = tpu.memref_slice %arg7[%dma_start3A_500, %dma_start3A_501] : memref<300x128xf32, #tpu.memory_space<vmem_shared>> -> memref<300x128xf32, #tpu.memory_space<vmem_shared>>
      tpu.enqueue_indirect_dma source(%dma_start3A_502 : memref<300x128xf32, #tpu.memory_space<vmem_shared>>) target(%arg9 : memref<128x128xf32, #tpu.memory_space<vmem>>) offsets(%dma_start3A_499 : memref<128xi32, #tpu.memory_space<vmem>>) semaphore(%arg14 : memref<!tpu.dma_semaphore, #tpu.memory_space<semaphore_mem>>)
      %dma_wait3A_503 = arith.constant 2304 : i32
      %dma_wait3A_504 = tpu.memref_slice %arg5[%dma_wait3A_503] : memref<5120xi32, #tpu.memory_space<vmem>> -> memref<128xi32, #tpu.memory_space<vmem>>
      %dma_wait3A_505 = arith.constant 0 : i32
      %dma_wait3A_506 = arith.constant 0 : i32
      %dma_wait3A_507 = tpu.memref_slice %arg7[%dma_wait3A_505, %dma_wait3A_506] : memref<300x128xf32, #tpu.memory_space<vmem_shared>> -> memref<300x128xf32, #tpu.memory_space<vmem_shared>>
      tpu.wait_indirect_dma semaphore(%arg16 : memref<!tpu.dma_semaphore, #tpu.memory_space<semaphore_mem>>) src(%dma_wait3A_507 : memref<300x128xf32, #tpu.memory_space<vmem_shared>>) dst(%arg11 : memref<128x128xf32, #tpu.memory_space<vmem>>)
      %add3A_508 = arith.constant 2304 : i32
      %add3A_509 = arith.addi %add3A_63, %add3A_508 : i32
      %dma_start3A_510 = arith.constant 0 : i32
      %dma_start3A_511 = tpu.memref_slice %arg4[%add3A_509, %dma_start3A_510] : memref<3276800x128xf32, #tpu.memory_space<hbm>> -> memref<128x128xf32, #tpu.memory_space<hbm>>
      %dma_start3A_512 = arith.constant 0 : i32
      %dma_start3A_513 = tpu.memref_slice %arg4[%add3A_509, %dma_start3A_512] : memref<3276800x128xf32, #tpu.memory_space<hbm>> -> memref<128x128xf32, #tpu.memory_space<hbm>>
      tpu.enqueue_dma source(%arg11 : memref<128x128xf32, #tpu.memory_space<vmem>>) target(%dma_start3A_513 : memref<128x128xf32, #tpu.memory_space<hbm>>) target_semaphore(%arg21 : memref<!tpu.dma_semaphore, #tpu.memory_space<semaphore_mem>>)
      %add3A_514 = arith.constant 2816 : i32
      %add3A_515 = arith.addi %add3A_63, %add3A_514 : i32
      %dma_wait3A_516 = arith.constant 0 : i32
      %dma_wait3A_517 = tpu.memref_slice %arg4[%add3A_515, %dma_wait3A_516] : memref<3276800x128xf32, #tpu.memory_space<hbm>> -> memref<128x128xf32, #tpu.memory_space<hbm>>
      %dma_wait3A_518 = arith.constant 0 : i32
      %dma_wait3A_519 = tpu.memref_slice %arg4[%add3A_515, %dma_wait3A_518] : memref<3276800x128xf32, #tpu.memory_space<hbm>> -> memref<128x128xf32, #tpu.memory_space<hbm>>
      tpu.wait_dma2 semaphore(%arg20 : memref<!tpu.dma_semaphore, #tpu.memory_space<semaphore_mem>>) src(%arg10 : memref<128x128xf32, #tpu.memory_space<vmem>>) dst(%dma_wait3A_519 : memref<128x128xf32, #tpu.memory_space<hbm>>)
      %dma_start3A_520 = arith.constant 2816 : i32
      %dma_start3A_521 = tpu.memref_slice %arg5[%dma_start3A_520] : memref<5120xi32, #tpu.memory_space<vmem>> -> memref<128xi32, #tpu.memory_space<vmem>>
      %dma_start3A_522 = arith.constant 0 : i32
      %dma_start3A_523 = arith.constant 0 : i32
      %dma_start3A_524 = tpu.memref_slice %arg7[%dma_start3A_522, %dma_start3A_523] : memref<300x128xf32, #tpu.memory_space<vmem_shared>> -> memref<300x128xf32, #tpu.memory_space<vmem_shared>>
      tpu.enqueue_indirect_dma source(%dma_start3A_524 : memref<300x128xf32, #tpu.memory_space<vmem_shared>>) target(%arg10 : memref<128x128xf32, #tpu.memory_space<vmem>>) offsets(%dma_start3A_521 : memref<128xi32, #tpu.memory_space<vmem>>) semaphore(%arg15 : memref<!tpu.dma_semaphore, #tpu.memory_space<semaphore_mem>>)
      %dma_wait3A_525 = arith.constant 2432 : i32
      %dma_wait3A_526 = tpu.memref_slice %arg5[%dma_wait3A_525] : memref<5120xi32, #tpu.memory_space<vmem>> -> memref<128xi32, #tpu.memory_space<vmem>>
      %dma_wait3A_527 = arith.constant 0 : i32
      %dma_wait3A_528 = arith.constant 0 : i32
      %dma_wait3A_529 = tpu.memref_slice %arg7[%dma_wait3A_527, %dma_wait3A_528] : memref<300x128xf32, #tpu.memory_space<vmem_shared>> -> memref<300x128xf32, #tpu.memory_space<vmem_shared>>
      tpu.wait_indirect_dma semaphore(%arg17 : memref<!tpu.dma_semaphore, #tpu.memory_space<semaphore_mem>>) src(%dma_wait3A_529 : memref<300x128xf32, #tpu.memory_space<vmem_shared>>) dst(%arg12 : memref<128x128xf32, #tpu.memory_space<vmem>>)
      %add3A_530 = arith.constant 2432 : i32
      %add3A_531 = arith.addi %add3A_63, %add3A_530 : i32
      %dma_start3A_532 = arith.constant 0 : i32
      %dma_start3A_533 = tpu.memref_slice %arg4[%add3A_531, %dma_start3A_532] : memref<3276800x128xf32, #tpu.memory_space<hbm>> -> memref<128x128xf32, #tpu.memory_space<hbm>>
      %dma_start3A_534 = arith.constant 0 : i32
      %dma_start3A_535 = tpu.memref_slice %arg4[%add3A_531, %dma_start3A_534] : memref<3276800x128xf32, #tpu.memory_space<hbm>> -> memref<128x128xf32, #tpu.memory_space<hbm>>
      tpu.enqueue_dma source(%arg12 : memref<128x128xf32, #tpu.memory_space<vmem>>) target(%dma_start3A_535 : memref<128x128xf32, #tpu.memory_space<hbm>>) target_semaphore(%arg22 : memref<!tpu.dma_semaphore, #tpu.memory_space<semaphore_mem>>)
      %add3A_536 = arith.constant 2944 : i32
      %add3A_537 = arith.addi %add3A_63, %add3A_536 : i32
      %dma_wait3A_538 = arith.constant 0 : i32
      %dma_wait3A_539 = tpu.memref_slice %arg4[%add3A_537, %dma_wait3A_538] : memref<3276800x128xf32, #tpu.memory_space<hbm>> -> memref<128x128xf32, #tpu.memory_space<hbm>>
      %dma_wait3A_540 = arith.constant 0 : i32
      %dma_wait3A_541 = tpu.memref_slice %arg4[%add3A_537, %dma_wait3A_540] : memref<3276800x128xf32, #tpu.memory_space<hbm>> -> memref<128x128xf32, #tpu.memory_space<hbm>>
      tpu.wait_dma2 semaphore(%arg21 : memref<!tpu.dma_semaphore, #tpu.memory_space<semaphore_mem>>) src(%arg11 : memref<128x128xf32, #tpu.memory_space<vmem>>) dst(%dma_wait3A_541 : memref<128x128xf32, #tpu.memory_space<hbm>>)
      %dma_start3A_542 = arith.constant 2944 : i32
      %dma_start3A_543 = tpu.memref_slice %arg5[%dma_start3A_542] : memref<5120xi32, #tpu.memory_space<vmem>> -> memref<128xi32, #tpu.memory_space<vmem>>
      %dma_start3A_544 = arith.constant 0 : i32
      %dma_start3A_545 = arith.constant 0 : i32
      %dma_start3A_546 = tpu.memref_slice %arg7[%dma_start3A_544, %dma_start3A_545] : memref<300x128xf32, #tpu.memory_space<vmem_shared>> -> memref<300x128xf32, #tpu.memory_space<vmem_shared>>
      tpu.enqueue_indirect_dma source(%dma_start3A_546 : memref<300x128xf32, #tpu.memory_space<vmem_shared>>) target(%arg11 : memref<128x128xf32, #tpu.memory_space<vmem>>) offsets(%dma_start3A_543 : memref<128xi32, #tpu.memory_space<vmem>>) semaphore(%arg16 : memref<!tpu.dma_semaphore, #tpu.memory_space<semaphore_mem>>)
      %dma_wait3A_547 = arith.constant 2560 : i32
      %dma_wait3A_548 = tpu.memref_slice %arg5[%dma_wait3A_547] : memref<5120xi32, #tpu.memory_space<vmem>> -> memref<128xi32, #tpu.memory_space<vmem>>
      %dma_wait3A_549 = arith.constant 0 : i32
      %dma_wait3A_550 = arith.constant 0 : i32
      %dma_wait3A_551 = tpu.memref_slice %arg7[%dma_wait3A_549, %dma_wait3A_550] : memref<300x128xf32, #tpu.memory_space<vmem_shared>> -> memref<300x128xf32, #tpu.memory_space<vmem_shared>>
      tpu.wait_indirect_dma semaphore(%arg13 : memref<!tpu.dma_semaphore, #tpu.memory_space<semaphore_mem>>) src(%dma_wait3A_551 : memref<300x128xf32, #tpu.memory_space<vmem_shared>>) dst(%arg8 : memref<128x128xf32, #tpu.memory_space<vmem>>)
      %add3A_552 = arith.constant 2560 : i32
      %add3A_553 = arith.addi %add3A_63, %add3A_552 : i32
      %dma_start3A_554 = arith.constant 0 : i32
      %dma_start3A_555 = tpu.memref_slice %arg4[%add3A_553, %dma_start3A_554] : memref<3276800x128xf32, #tpu.memory_space<hbm>> -> memref<128x128xf32, #tpu.memory_space<hbm>>
      %dma_start3A_556 = arith.constant 0 : i32
      %dma_start3A_557 = tpu.memref_slice %arg4[%add3A_553, %dma_start3A_556] : memref<3276800x128xf32, #tpu.memory_space<hbm>> -> memref<128x128xf32, #tpu.memory_space<hbm>>
      tpu.enqueue_dma source(%arg8 : memref<128x128xf32, #tpu.memory_space<vmem>>) target(%dma_start3A_557 : memref<128x128xf32, #tpu.memory_space<hbm>>) target_semaphore(%arg18 : memref<!tpu.dma_semaphore, #tpu.memory_space<semaphore_mem>>)
      %add3A_558 = arith.constant 3072 : i32
      %add3A_559 = arith.addi %add3A_63, %add3A_558 : i32
      %dma_wait3A_560 = arith.constant 0 : i32
      %dma_wait3A_561 = tpu.memref_slice %arg4[%add3A_559, %dma_wait3A_560] : memref<3276800x128xf32, #tpu.memory_space<hbm>> -> memref<128x128xf32, #tpu.memory_space<hbm>>
      %dma_wait3A_562 = arith.constant 0 : i32
      %dma_wait3A_563 = tpu.memref_slice %arg4[%add3A_559, %dma_wait3A_562] : memref<3276800x128xf32, #tpu.memory_space<hbm>> -> memref<128x128xf32, #tpu.memory_space<hbm>>
      tpu.wait_dma2 semaphore(%arg22 : memref<!tpu.dma_semaphore, #tpu.memory_space<semaphore_mem>>) src(%arg12 : memref<128x128xf32, #tpu.memory_space<vmem>>) dst(%dma_wait3A_563 : memref<128x128xf32, #tpu.memory_space<hbm>>)
      %dma_start3A_564 = arith.constant 3072 : i32
      %dma_start3A_565 = tpu.memref_slice %arg5[%dma_start3A_564] : memref<5120xi32, #tpu.memory_space<vmem>> -> memref<128xi32, #tpu.memory_space<vmem>>
      %dma_start3A_566 = arith.constant 0 : i32
      %dma_start3A_567 = arith.constant 0 : i32
      %dma_start3A_568 = tpu.memref_slice %arg7[%dma_start3A_566, %dma_start3A_567] : memref<300x128xf32, #tpu.memory_space<vmem_shared>> -> memref<300x128xf32, #tpu.memory_space<vmem_shared>>
      tpu.enqueue_indirect_dma source(%dma_start3A_568 : memref<300x128xf32, #tpu.memory_space<vmem_shared>>) target(%arg12 : memref<128x128xf32, #tpu.memory_space<vmem>>) offsets(%dma_start3A_565 : memref<128xi32, #tpu.memory_space<vmem>>) semaphore(%arg17 : memref<!tpu.dma_semaphore, #tpu.memory_space<semaphore_mem>>)
      %dma_wait3A_569 = arith.constant 2688 : i32
      %dma_wait3A_570 = tpu.memref_slice %arg5[%dma_wait3A_569] : memref<5120xi32, #tpu.memory_space<vmem>> -> memref<128xi32, #tpu.memory_space<vmem>>
      %dma_wait3A_571 = arith.constant 0 : i32
      %dma_wait3A_572 = arith.constant 0 : i32
      %dma_wait3A_573 = tpu.memref_slice %arg7[%dma_wait3A_571, %dma_wait3A_572] : memref<300x128xf32, #tpu.memory_space<vmem_shared>> -> memref<300x128xf32, #tpu.memory_space<vmem_shared>>
      tpu.wait_indirect_dma semaphore(%arg14 : memref<!tpu.dma_semaphore, #tpu.memory_space<semaphore_mem>>) src(%dma_wait3A_573 : memref<300x128xf32, #tpu.memory_space<vmem_shared>>) dst(%arg9 : memref<128x128xf32, #tpu.memory_space<vmem>>)
      %add3A_574 = arith.constant 2688 : i32
      %add3A_575 = arith.addi %add3A_63, %add3A_574 : i32
      %dma_start3A_576 = arith.constant 0 : i32
      %dma_start3A_577 = tpu.memref_slice %arg4[%add3A_575, %dma_start3A_576] : memref<3276800x128xf32, #tpu.memory_space<hbm>> -> memref<128x128xf32, #tpu.memory_space<hbm>>
      %dma_start3A_578 = arith.constant 0 : i32
      %dma_start3A_579 = tpu.memref_slice %arg4[%add3A_575, %dma_start3A_578] : memref<3276800x128xf32, #tpu.memory_space<hbm>> -> memref<128x128xf32, #tpu.memory_space<hbm>>
      tpu.enqueue_dma source(%arg9 : memref<128x128xf32, #tpu.memory_space<vmem>>) target(%dma_start3A_579 : memref<128x128xf32, #tpu.memory_space<hbm>>) target_semaphore(%arg19 : memref<!tpu.dma_semaphore, #tpu.memory_space<semaphore_mem>>)
      %add3A_580 = arith.constant 3200 : i32
      %add3A_581 = arith.addi %add3A_63, %add3A_580 : i32
      %dma_wait3A_582 = arith.constant 0 : i32
      %dma_wait3A_583 = tpu.memref_slice %arg4[%add3A_581, %dma_wait3A_582] : memref<3276800x128xf32, #tpu.memory_space<hbm>> -> memref<128x128xf32, #tpu.memory_space<hbm>>
      %dma_wait3A_584 = arith.constant 0 : i32
      %dma_wait3A_585 = tpu.memref_slice %arg4[%add3A_581, %dma_wait3A_584] : memref<3276800x128xf32, #tpu.memory_space<hbm>> -> memref<128x128xf32, #tpu.memory_space<hbm>>
      tpu.wait_dma2 semaphore(%arg18 : memref<!tpu.dma_semaphore, #tpu.memory_space<semaphore_mem>>) src(%arg8 : memref<128x128xf32, #tpu.memory_space<vmem>>) dst(%dma_wait3A_585 : memref<128x128xf32, #tpu.memory_space<hbm>>)
      %dma_start3A_586 = arith.constant 3200 : i32
      %dma_start3A_587 = tpu.memref_slice %arg5[%dma_start3A_586] : memref<5120xi32, #tpu.memory_space<vmem>> -> memref<128xi32, #tpu.memory_space<vmem>>
      %dma_start3A_588 = arith.constant 0 : i32
      %dma_start3A_589 = arith.constant 0 : i32
      %dma_start3A_590 = tpu.memref_slice %arg7[%dma_start3A_588, %dma_start3A_589] : memref<300x128xf32, #tpu.memory_space<vmem_shared>> -> memref<300x128xf32, #tpu.memory_space<vmem_shared>>
      tpu.enqueue_indirect_dma source(%dma_start3A_590 : memref<300x128xf32, #tpu.memory_space<vmem_shared>>) target(%arg8 : memref<128x128xf32, #tpu.memory_space<vmem>>) offsets(%dma_start3A_587 : memref<128xi32, #tpu.memory_space<vmem>>) semaphore(%arg13 : memref<!tpu.dma_semaphore, #tpu.memory_space<semaphore_mem>>)
      %dma_wait3A_591 = arith.constant 2816 : i32
      %dma_wait3A_592 = tpu.memref_slice %arg5[%dma_wait3A_591] : memref<5120xi32, #tpu.memory_space<vmem>> -> memref<128xi32, #tpu.memory_space<vmem>>
      %dma_wait3A_593 = arith.constant 0 : i32
      %dma_wait3A_594 = arith.constant 0 : i32
      %dma_wait3A_595 = tpu.memref_slice %arg7[%dma_wait3A_593, %dma_wait3A_594] : memref<300x128xf32, #tpu.memory_space<vmem_shared>> -> memref<300x128xf32, #tpu.memory_space<vmem_shared>>
      tpu.wait_indirect_dma semaphore(%arg15 : memref<!tpu.dma_semaphore, #tpu.memory_space<semaphore_mem>>) src(%dma_wait3A_595 : memref<300x128xf32, #tpu.memory_space<vmem_shared>>) dst(%arg10 : memref<128x128xf32, #tpu.memory_space<vmem>>)
      %add3A_596 = arith.constant 2816 : i32
      %add3A_597 = arith.addi %add3A_63, %add3A_596 : i32
      %dma_start3A_598 = arith.constant 0 : i32
      %dma_start3A_599 = tpu.memref_slice %arg4[%add3A_597, %dma_start3A_598] : memref<3276800x128xf32, #tpu.memory_space<hbm>> -> memref<128x128xf32, #tpu.memory_space<hbm>>
      %dma_start3A_600 = arith.constant 0 : i32
      %dma_start3A_601 = tpu.memref_slice %arg4[%add3A_597, %dma_start3A_600] : memref<3276800x128xf32, #tpu.memory_space<hbm>> -> memref<128x128xf32, #tpu.memory_space<hbm>>
      tpu.enqueue_dma source(%arg10 : memref<128x128xf32, #tpu.memory_space<vmem>>) target(%dma_start3A_601 : memref<128x128xf32, #tpu.memory_space<hbm>>) target_semaphore(%arg20 : memref<!tpu.dma_semaphore, #tpu.memory_space<semaphore_mem>>)
      %add3A_602 = arith.constant 3328 : i32
      %add3A_603 = arith.addi %add3A_63, %add3A_602 : i32
      %dma_wait3A_604 = arith.constant 0 : i32
      %dma_wait3A_605 = tpu.memref_slice %arg4[%add3A_603, %dma_wait3A_604] : memref<3276800x128xf32, #tpu.memory_space<hbm>> -> memref<128x128xf32, #tpu.memory_space<hbm>>
      %dma_wait3A_606 = arith.constant 0 : i32
      %dma_wait3A_607 = tpu.memref_slice %arg4[%add3A_603, %dma_wait3A_606] : memref<3276800x128xf32, #tpu.memory_space<hbm>> -> memref<128x128xf32, #tpu.memory_space<hbm>>
      tpu.wait_dma2 semaphore(%arg19 : memref<!tpu.dma_semaphore, #tpu.memory_space<semaphore_mem>>) src(%arg9 : memref<128x128xf32, #tpu.memory_space<vmem>>) dst(%dma_wait3A_607 : memref<128x128xf32, #tpu.memory_space<hbm>>)
      %dma_start3A_608 = arith.constant 3328 : i32
      %dma_start3A_609 = tpu.memref_slice %arg5[%dma_start3A_608] : memref<5120xi32, #tpu.memory_space<vmem>> -> memref<128xi32, #tpu.memory_space<vmem>>
      %dma_start3A_610 = arith.constant 0 : i32
      %dma_start3A_611 = arith.constant 0 : i32
      %dma_start3A_612 = tpu.memref_slice %arg7[%dma_start3A_610, %dma_start3A_611] : memref<300x128xf32, #tpu.memory_space<vmem_shared>> -> memref<300x128xf32, #tpu.memory_space<vmem_shared>>
      tpu.enqueue_indirect_dma source(%dma_start3A_612 : memref<300x128xf32, #tpu.memory_space<vmem_shared>>) target(%arg9 : memref<128x128xf32, #tpu.memory_space<vmem>>) offsets(%dma_start3A_609 : memref<128xi32, #tpu.memory_space<vmem>>) semaphore(%arg14 : memref<!tpu.dma_semaphore, #tpu.memory_space<semaphore_mem>>)
      %dma_wait3A_613 = arith.constant 2944 : i32
      %dma_wait3A_614 = tpu.memref_slice %arg5[%dma_wait3A_613] : memref<5120xi32, #tpu.memory_space<vmem>> -> memref<128xi32, #tpu.memory_space<vmem>>
      %dma_wait3A_615 = arith.constant 0 : i32
      %dma_wait3A_616 = arith.constant 0 : i32
      %dma_wait3A_617 = tpu.memref_slice %arg7[%dma_wait3A_615, %dma_wait3A_616] : memref<300x128xf32, #tpu.memory_space<vmem_shared>> -> memref<300x128xf32, #tpu.memory_space<vmem_shared>>
      tpu.wait_indirect_dma semaphore(%arg16 : memref<!tpu.dma_semaphore, #tpu.memory_space<semaphore_mem>>) src(%dma_wait3A_617 : memref<300x128xf32, #tpu.memory_space<vmem_shared>>) dst(%arg11 : memref<128x128xf32, #tpu.memory_space<vmem>>)
      %add3A_618 = arith.constant 2944 : i32
      %add3A_619 = arith.addi %add3A_63, %add3A_618 : i32
      %dma_start3A_620 = arith.constant 0 : i32
      %dma_start3A_621 = tpu.memref_slice %arg4[%add3A_619, %dma_start3A_620] : memref<3276800x128xf32, #tpu.memory_space<hbm>> -> memref<128x128xf32, #tpu.memory_space<hbm>>
      %dma_start3A_622 = arith.constant 0 : i32
      %dma_start3A_623 = tpu.memref_slice %arg4[%add3A_619, %dma_start3A_622] : memref<3276800x128xf32, #tpu.memory_space<hbm>> -> memref<128x128xf32, #tpu.memory_space<hbm>>
      tpu.enqueue_dma source(%arg11 : memref<128x128xf32, #tpu.memory_space<vmem>>) target(%dma_start3A_623 : memref<128x128xf32, #tpu.memory_space<hbm>>) target_semaphore(%arg21 : memref<!tpu.dma_semaphore, #tpu.memory_space<semaphore_mem>>)
      %add3A_624 = arith.constant 3456 : i32
      %add3A_625 = arith.addi %add3A_63, %add3A_624 : i32
      %dma_wait3A_626 = arith.constant 0 : i32
      %dma_wait3A_627 = tpu.memref_slice %arg4[%add3A_625, %dma_wait3A_626] : memref<3276800x128xf32, #tpu.memory_space<hbm>> -> memref<128x128xf32, #tpu.memory_space<hbm>>
      %dma_wait3A_628 = arith.constant 0 : i32
      %dma_wait3A_629 = tpu.memref_slice %arg4[%add3A_625, %dma_wait3A_628] : memref<3276800x128xf32, #tpu.memory_space<hbm>> -> memref<128x128xf32, #tpu.memory_space<hbm>>
      tpu.wait_dma2 semaphore(%arg20 : memref<!tpu.dma_semaphore, #tpu.memory_space<semaphore_mem>>) src(%arg10 : memref<128x128xf32, #tpu.memory_space<vmem>>) dst(%dma_wait3A_629 : memref<128x128xf32, #tpu.memory_space<hbm>>)
      %dma_start3A_630 = arith.constant 3456 : i32
      %dma_start3A_631 = tpu.memref_slice %arg5[%dma_start3A_630] : memref<5120xi32, #tpu.memory_space<vmem>> -> memref<128xi32, #tpu.memory_space<vmem>>
      %dma_start3A_632 = arith.constant 0 : i32
      %dma_start3A_633 = arith.constant 0 : i32
      %dma_start3A_634 = tpu.memref_slice %arg7[%dma_start3A_632, %dma_start3A_633] : memref<300x128xf32, #tpu.memory_space<vmem_shared>> -> memref<300x128xf32, #tpu.memory_space<vmem_shared>>
      tpu.enqueue_indirect_dma source(%dma_start3A_634 : memref<300x128xf32, #tpu.memory_space<vmem_shared>>) target(%arg10 : memref<128x128xf32, #tpu.memory_space<vmem>>) offsets(%dma_start3A_631 : memref<128xi32, #tpu.memory_space<vmem>>) semaphore(%arg15 : memref<!tpu.dma_semaphore, #tpu.memory_space<semaphore_mem>>)
      %dma_wait3A_635 = arith.constant 3072 : i32
      %dma_wait3A_636 = tpu.memref_slice %arg5[%dma_wait3A_635] : memref<5120xi32, #tpu.memory_space<vmem>> -> memref<128xi32, #tpu.memory_space<vmem>>
      %dma_wait3A_637 = arith.constant 0 : i32
      %dma_wait3A_638 = arith.constant 0 : i32
      %dma_wait3A_639 = tpu.memref_slice %arg7[%dma_wait3A_637, %dma_wait3A_638] : memref<300x128xf32, #tpu.memory_space<vmem_shared>> -> memref<300x128xf32, #tpu.memory_space<vmem_shared>>
      tpu.wait_indirect_dma semaphore(%arg17 : memref<!tpu.dma_semaphore, #tpu.memory_space<semaphore_mem>>) src(%dma_wait3A_639 : memref<300x128xf32, #tpu.memory_space<vmem_shared>>) dst(%arg12 : memref<128x128xf32, #tpu.memory_space<vmem>>)
      %add3A_640 = arith.constant 3072 : i32
      %add3A_641 = arith.addi %add3A_63, %add3A_640 : i32
      %dma_start3A_642 = arith.constant 0 : i32
      %dma_start3A_643 = tpu.memref_slice %arg4[%add3A_641, %dma_start3A_642] : memref<3276800x128xf32, #tpu.memory_space<hbm>> -> memref<128x128xf32, #tpu.memory_space<hbm>>
      %dma_start3A_644 = arith.constant 0 : i32
      %dma_start3A_645 = tpu.memref_slice %arg4[%add3A_641, %dma_start3A_644] : memref<3276800x128xf32, #tpu.memory_space<hbm>> -> memref<128x128xf32, #tpu.memory_space<hbm>>
      tpu.enqueue_dma source(%arg12 : memref<128x128xf32, #tpu.memory_space<vmem>>) target(%dma_start3A_645 : memref<128x128xf32, #tpu.memory_space<hbm>>) target_semaphore(%arg22 : memref<!tpu.dma_semaphore, #tpu.memory_space<semaphore_mem>>)
      %add3A_646 = arith.constant 3584 : i32
      %add3A_647 = arith.addi %add3A_63, %add3A_646 : i32
      %dma_wait3A_648 = arith.constant 0 : i32
      %dma_wait3A_649 = tpu.memref_slice %arg4[%add3A_647, %dma_wait3A_648] : memref<3276800x128xf32, #tpu.memory_space<hbm>> -> memref<128x128xf32, #tpu.memory_space<hbm>>
      %dma_wait3A_650 = arith.constant 0 : i32
      %dma_wait3A_651 = tpu.memref_slice %arg4[%add3A_647, %dma_wait3A_650] : memref<3276800x128xf32, #tpu.memory_space<hbm>> -> memref<128x128xf32, #tpu.memory_space<hbm>>
      tpu.wait_dma2 semaphore(%arg21 : memref<!tpu.dma_semaphore, #tpu.memory_space<semaphore_mem>>) src(%arg11 : memref<128x128xf32, #tpu.memory_space<vmem>>) dst(%dma_wait3A_651 : memref<128x128xf32, #tpu.memory_space<hbm>>)
      %dma_start3A_652 = arith.constant 3584 : i32
      %dma_start3A_653 = tpu.memref_slice %arg5[%dma_start3A_652] : memref<5120xi32, #tpu.memory_space<vmem>> -> memref<128xi32, #tpu.memory_space<vmem>>
      %dma_start3A_654 = arith.constant 0 : i32
      %dma_start3A_655 = arith.constant 0 : i32
      %dma_start3A_656 = tpu.memref_slice %arg7[%dma_start3A_654, %dma_start3A_655] : memref<300x128xf32, #tpu.memory_space<vmem_shared>> -> memref<300x128xf32, #tpu.memory_space<vmem_shared>>
      tpu.enqueue_indirect_dma source(%dma_start3A_656 : memref<300x128xf32, #tpu.memory_space<vmem_shared>>) target(%arg11 : memref<128x128xf32, #tpu.memory_space<vmem>>) offsets(%dma_start3A_653 : memref<128xi32, #tpu.memory_space<vmem>>) semaphore(%arg16 : memref<!tpu.dma_semaphore, #tpu.memory_space<semaphore_mem>>)
      %dma_wait3A_657 = arith.constant 3200 : i32
      %dma_wait3A_658 = tpu.memref_slice %arg5[%dma_wait3A_657] : memref<5120xi32, #tpu.memory_space<vmem>> -> memref<128xi32, #tpu.memory_space<vmem>>
      %dma_wait3A_659 = arith.constant 0 : i32
      %dma_wait3A_660 = arith.constant 0 : i32
      %dma_wait3A_661 = tpu.memref_slice %arg7[%dma_wait3A_659, %dma_wait3A_660] : memref<300x128xf32, #tpu.memory_space<vmem_shared>> -> memref<300x128xf32, #tpu.memory_space<vmem_shared>>
      tpu.wait_indirect_dma semaphore(%arg13 : memref<!tpu.dma_semaphore, #tpu.memory_space<semaphore_mem>>) src(%dma_wait3A_661 : memref<300x128xf32, #tpu.memory_space<vmem_shared>>) dst(%arg8 : memref<128x128xf32, #tpu.memory_space<vmem>>)
      %add3A_662 = arith.constant 3200 : i32
      %add3A_663 = arith.addi %add3A_63, %add3A_662 : i32
      %dma_start3A_664 = arith.constant 0 : i32
      %dma_start3A_665 = tpu.memref_slice %arg4[%add3A_663, %dma_start3A_664] : memref<3276800x128xf32, #tpu.memory_space<hbm>> -> memref<128x128xf32, #tpu.memory_space<hbm>>
      %dma_start3A_666 = arith.constant 0 : i32
      %dma_start3A_667 = tpu.memref_slice %arg4[%add3A_663, %dma_start3A_666] : memref<3276800x128xf32, #tpu.memory_space<hbm>> -> memref<128x128xf32, #tpu.memory_space<hbm>>
      tpu.enqueue_dma source(%arg8 : memref<128x128xf32, #tpu.memory_space<vmem>>) target(%dma_start3A_667 : memref<128x128xf32, #tpu.memory_space<hbm>>) target_semaphore(%arg18 : memref<!tpu.dma_semaphore, #tpu.memory_space<semaphore_mem>>)
      %add3A_668 = arith.constant 3712 : i32
      %add3A_669 = arith.addi %add3A_63, %add3A_668 : i32
      %dma_wait3A_670 = arith.constant 0 : i32
      %dma_wait3A_671 = tpu.memref_slice %arg4[%add3A_669, %dma_wait3A_670] : memref<3276800x128xf32, #tpu.memory_space<hbm>> -> memref<128x128xf32, #tpu.memory_space<hbm>>
      %dma_wait3A_672 = arith.constant 0 : i32
      %dma_wait3A_673 = tpu.memref_slice %arg4[%add3A_669, %dma_wait3A_672] : memref<3276800x128xf32, #tpu.memory_space<hbm>> -> memref<128x128xf32, #tpu.memory_space<hbm>>
      tpu.wait_dma2 semaphore(%arg22 : memref<!tpu.dma_semaphore, #tpu.memory_space<semaphore_mem>>) src(%arg12 : memref<128x128xf32, #tpu.memory_space<vmem>>) dst(%dma_wait3A_673 : memref<128x128xf32, #tpu.memory_space<hbm>>)
      %dma_start3A_674 = arith.constant 3712 : i32
      %dma_start3A_675 = tpu.memref_slice %arg5[%dma_start3A_674] : memref<5120xi32, #tpu.memory_space<vmem>> -> memref<128xi32, #tpu.memory_space<vmem>>
      %dma_start3A_676 = arith.constant 0 : i32
      %dma_start3A_677 = arith.constant 0 : i32
      %dma_start3A_678 = tpu.memref_slice %arg7[%dma_start3A_676, %dma_start3A_677] : memref<300x128xf32, #tpu.memory_space<vmem_shared>> -> memref<300x128xf32, #tpu.memory_space<vmem_shared>>
      tpu.enqueue_indirect_dma source(%dma_start3A_678 : memref<300x128xf32, #tpu.memory_space<vmem_shared>>) target(%arg12 : memref<128x128xf32, #tpu.memory_space<vmem>>) offsets(%dma_start3A_675 : memref<128xi32, #tpu.memory_space<vmem>>) semaphore(%arg17 : memref<!tpu.dma_semaphore, #tpu.memory_space<semaphore_mem>>)
      %dma_wait3A_679 = arith.constant 3328 : i32
      %dma_wait3A_680 = tpu.memref_slice %arg5[%dma_wait3A_679] : memref<5120xi32, #tpu.memory_space<vmem>> -> memref<128xi32, #tpu.memory_space<vmem>>
      %dma_wait3A_681 = arith.constant 0 : i32
      %dma_wait3A_682 = arith.constant 0 : i32
      %dma_wait3A_683 = tpu.memref_slice %arg7[%dma_wait3A_681, %dma_wait3A_682] : memref<300x128xf32, #tpu.memory_space<vmem_shared>> -> memref<300x128xf32, #tpu.memory_space<vmem_shared>>
      tpu.wait_indirect_dma semaphore(%arg14 : memref<!tpu.dma_semaphore, #tpu.memory_space<semaphore_mem>>) src(%dma_wait3A_683 : memref<300x128xf32, #tpu.memory_space<vmem_shared>>) dst(%arg9 : memref<128x128xf32, #tpu.memory_space<vmem>>)
      %add3A_684 = arith.constant 3328 : i32
      %add3A_685 = arith.addi %add3A_63, %add3A_684 : i32
      %dma_start3A_686 = arith.constant 0 : i32
      %dma_start3A_687 = tpu.memref_slice %arg4[%add3A_685, %dma_start3A_686] : memref<3276800x128xf32, #tpu.memory_space<hbm>> -> memref<128x128xf32, #tpu.memory_space<hbm>>
      %dma_start3A_688 = arith.constant 0 : i32
      %dma_start3A_689 = tpu.memref_slice %arg4[%add3A_685, %dma_start3A_688] : memref<3276800x128xf32, #tpu.memory_space<hbm>> -> memref<128x128xf32, #tpu.memory_space<hbm>>
      tpu.enqueue_dma source(%arg9 : memref<128x128xf32, #tpu.memory_space<vmem>>) target(%dma_start3A_689 : memref<128x128xf32, #tpu.memory_space<hbm>>) target_semaphore(%arg19 : memref<!tpu.dma_semaphore, #tpu.memory_space<semaphore_mem>>)
      %add3A_690 = arith.constant 3840 : i32
      %add3A_691 = arith.addi %add3A_63, %add3A_690 : i32
      %dma_wait3A_692 = arith.constant 0 : i32
      %dma_wait3A_693 = tpu.memref_slice %arg4[%add3A_691, %dma_wait3A_692] : memref<3276800x128xf32, #tpu.memory_space<hbm>> -> memref<128x128xf32, #tpu.memory_space<hbm>>
      %dma_wait3A_694 = arith.constant 0 : i32
      %dma_wait3A_695 = tpu.memref_slice %arg4[%add3A_691, %dma_wait3A_694] : memref<3276800x128xf32, #tpu.memory_space<hbm>> -> memref<128x128xf32, #tpu.memory_space<hbm>>
      tpu.wait_dma2 semaphore(%arg18 : memref<!tpu.dma_semaphore, #tpu.memory_space<semaphore_mem>>) src(%arg8 : memref<128x128xf32, #tpu.memory_space<vmem>>) dst(%dma_wait3A_695 : memref<128x128xf32, #tpu.memory_space<hbm>>)
      %dma_start3A_696 = arith.constant 3840 : i32
      %dma_start3A_697 = tpu.memref_slice %arg5[%dma_start3A_696] : memref<5120xi32, #tpu.memory_space<vmem>> -> memref<128xi32, #tpu.memory_space<vmem>>
      %dma_start3A_698 = arith.constant 0 : i32
      %dma_start3A_699 = arith.constant 0 : i32
      %dma_start3A_700 = tpu.memref_slice %arg7[%dma_start3A_698, %dma_start3A_699] : memref<300x128xf32, #tpu.memory_space<vmem_shared>> -> memref<300x128xf32, #tpu.memory_space<vmem_shared>>
      tpu.enqueue_indirect_dma source(%dma_start3A_700 : memref<300x128xf32, #tpu.memory_space<vmem_shared>>) target(%arg8 : memref<128x128xf32, #tpu.memory_space<vmem>>) offsets(%dma_start3A_697 : memref<128xi32, #tpu.memory_space<vmem>>) semaphore(%arg13 : memref<!tpu.dma_semaphore, #tpu.memory_space<semaphore_mem>>)
      %dma_wait3A_701 = arith.constant 3456 : i32
      %dma_wait3A_702 = tpu.memref_slice %arg5[%dma_wait3A_701] : memref<5120xi32, #tpu.memory_space<vmem>> -> memref<128xi32, #tpu.memory_space<vmem>>
      %dma_wait3A_703 = arith.constant 0 : i32
      %dma_wait3A_704 = arith.constant 0 : i32
      %dma_wait3A_705 = tpu.memref_slice %arg7[%dma_wait3A_703, %dma_wait3A_704] : memref<300x128xf32, #tpu.memory_space<vmem_shared>> -> memref<300x128xf32, #tpu.memory_space<vmem_shared>>
      tpu.wait_indirect_dma semaphore(%arg15 : memref<!tpu.dma_semaphore, #tpu.memory_space<semaphore_mem>>) src(%dma_wait3A_705 : memref<300x128xf32, #tpu.memory_space<vmem_shared>>) dst(%arg10 : memref<128x128xf32, #tpu.memory_space<vmem>>)
      %add3A_706 = arith.constant 3456 : i32
      %add3A_707 = arith.addi %add3A_63, %add3A_706 : i32
      %dma_start3A_708 = arith.constant 0 : i32
      %dma_start3A_709 = tpu.memref_slice %arg4[%add3A_707, %dma_start3A_708] : memref<3276800x128xf32, #tpu.memory_space<hbm>> -> memref<128x128xf32, #tpu.memory_space<hbm>>
      %dma_start3A_710 = arith.constant 0 : i32
      %dma_start3A_711 = tpu.memref_slice %arg4[%add3A_707, %dma_start3A_710] : memref<3276800x128xf32, #tpu.memory_space<hbm>> -> memref<128x128xf32, #tpu.memory_space<hbm>>
      tpu.enqueue_dma source(%arg10 : memref<128x128xf32, #tpu.memory_space<vmem>>) target(%dma_start3A_711 : memref<128x128xf32, #tpu.memory_space<hbm>>) target_semaphore(%arg20 : memref<!tpu.dma_semaphore, #tpu.memory_space<semaphore_mem>>)
      %add3A_712 = arith.constant 3968 : i32
      %add3A_713 = arith.addi %add3A_63, %add3A_712 : i32
      %dma_wait3A_714 = arith.constant 0 : i32
      %dma_wait3A_715 = tpu.memref_slice %arg4[%add3A_713, %dma_wait3A_714] : memref<3276800x128xf32, #tpu.memory_space<hbm>> -> memref<128x128xf32, #tpu.memory_space<hbm>>
      %dma_wait3A_716 = arith.constant 0 : i32
      %dma_wait3A_717 = tpu.memref_slice %arg4[%add3A_713, %dma_wait3A_716] : memref<3276800x128xf32, #tpu.memory_space<hbm>> -> memref<128x128xf32, #tpu.memory_space<hbm>>
      tpu.wait_dma2 semaphore(%arg19 : memref<!tpu.dma_semaphore, #tpu.memory_space<semaphore_mem>>) src(%arg9 : memref<128x128xf32, #tpu.memory_space<vmem>>) dst(%dma_wait3A_717 : memref<128x128xf32, #tpu.memory_space<hbm>>)
      %dma_start3A_718 = arith.constant 3968 : i32
      %dma_start3A_719 = tpu.memref_slice %arg5[%dma_start3A_718] : memref<5120xi32, #tpu.memory_space<vmem>> -> memref<128xi32, #tpu.memory_space<vmem>>
      %dma_start3A_720 = arith.constant 0 : i32
      %dma_start3A_721 = arith.constant 0 : i32
      %dma_start3A_722 = tpu.memref_slice %arg7[%dma_start3A_720, %dma_start3A_721] : memref<300x128xf32, #tpu.memory_space<vmem_shared>> -> memref<300x128xf32, #tpu.memory_space<vmem_shared>>
      tpu.enqueue_indirect_dma source(%dma_start3A_722 : memref<300x128xf32, #tpu.memory_space<vmem_shared>>) target(%arg9 : memref<128x128xf32, #tpu.memory_space<vmem>>) offsets(%dma_start3A_719 : memref<128xi32, #tpu.memory_space<vmem>>) semaphore(%arg14 : memref<!tpu.dma_semaphore, #tpu.memory_space<semaphore_mem>>)
      %dma_wait3A_723 = arith.constant 3584 : i32
      %dma_wait3A_724 = tpu.memref_slice %arg5[%dma_wait3A_723] : memref<5120xi32, #tpu.memory_space<vmem>> -> memref<128xi32, #tpu.memory_space<vmem>>
      %dma_wait3A_725 = arith.constant 0 : i32
      %dma_wait3A_726 = arith.constant 0 : i32
      %dma_wait3A_727 = tpu.memref_slice %arg7[%dma_wait3A_725, %dma_wait3A_726] : memref<300x128xf32, #tpu.memory_space<vmem_shared>> -> memref<300x128xf32, #tpu.memory_space<vmem_shared>>
      tpu.wait_indirect_dma semaphore(%arg16 : memref<!tpu.dma_semaphore, #tpu.memory_space<semaphore_mem>>) src(%dma_wait3A_727 : memref<300x128xf32, #tpu.memory_space<vmem_shared>>) dst(%arg11 : memref<128x128xf32, #tpu.memory_space<vmem>>)
      %add3A_728 = arith.constant 3584 : i32
      %add3A_729 = arith.addi %add3A_63, %add3A_728 : i32
      %dma_start3A_730 = arith.constant 0 : i32
      %dma_start3A_731 = tpu.memref_slice %arg4[%add3A_729, %dma_start3A_730] : memref<3276800x128xf32, #tpu.memory_space<hbm>> -> memref<128x128xf32, #tpu.memory_space<hbm>>
      %dma_start3A_732 = arith.constant 0 : i32
      %dma_start3A_733 = tpu.memref_slice %arg4[%add3A_729, %dma_start3A_732] : memref<3276800x128xf32, #tpu.memory_space<hbm>> -> memref<128x128xf32, #tpu.memory_space<hbm>>
      tpu.enqueue_dma source(%arg11 : memref<128x128xf32, #tpu.memory_space<vmem>>) target(%dma_start3A_733 : memref<128x128xf32, #tpu.memory_space<hbm>>) target_semaphore(%arg21 : memref<!tpu.dma_semaphore, #tpu.memory_space<semaphore_mem>>)
      %add3A_734 = arith.constant 4096 : i32
      %add3A_735 = arith.addi %add3A_63, %add3A_734 : i32
      %dma_wait3A_736 = arith.constant 0 : i32
      %dma_wait3A_737 = tpu.memref_slice %arg4[%add3A_735, %dma_wait3A_736] : memref<3276800x128xf32, #tpu.memory_space<hbm>> -> memref<128x128xf32, #tpu.memory_space<hbm>>
      %dma_wait3A_738 = arith.constant 0 : i32
      %dma_wait3A_739 = tpu.memref_slice %arg4[%add3A_735, %dma_wait3A_738] : memref<3276800x128xf32, #tpu.memory_space<hbm>> -> memref<128x128xf32, #tpu.memory_space<hbm>>
      tpu.wait_dma2 semaphore(%arg20 : memref<!tpu.dma_semaphore, #tpu.memory_space<semaphore_mem>>) src(%arg10 : memref<128x128xf32, #tpu.memory_space<vmem>>) dst(%dma_wait3A_739 : memref<128x128xf32, #tpu.memory_space<hbm>>)
      %dma_start3A_740 = arith.constant 4096 : i32
      %dma_start3A_741 = tpu.memref_slice %arg5[%dma_start3A_740] : memref<5120xi32, #tpu.memory_space<vmem>> -> memref<128xi32, #tpu.memory_space<vmem>>
      %dma_start3A_742 = arith.constant 0 : i32
      %dma_start3A_743 = arith.constant 0 : i32
      %dma_start3A_744 = tpu.memref_slice %arg7[%dma_start3A_742, %dma_start3A_743] : memref<300x128xf32, #tpu.memory_space<vmem_shared>> -> memref<300x128xf32, #tpu.memory_space<vmem_shared>>
      tpu.enqueue_indirect_dma source(%dma_start3A_744 : memref<300x128xf32, #tpu.memory_space<vmem_shared>>) target(%arg10 : memref<128x128xf32, #tpu.memory_space<vmem>>) offsets(%dma_start3A_741 : memref<128xi32, #tpu.memory_space<vmem>>) semaphore(%arg15 : memref<!tpu.dma_semaphore, #tpu.memory_space<semaphore_mem>>)
      %dma_wait3A_745 = arith.constant 3712 : i32
      %dma_wait3A_746 = tpu.memref_slice %arg5[%dma_wait3A_745] : memref<5120xi32, #tpu.memory_space<vmem>> -> memref<128xi32, #tpu.memory_space<vmem>>
      %dma_wait3A_747 = arith.constant 0 : i32
      %dma_wait3A_748 = arith.constant 0 : i32
      %dma_wait3A_749 = tpu.memref_slice %arg7[%dma_wait3A_747, %dma_wait3A_748] : memref<300x128xf32, #tpu.memory_space<vmem_shared>> -> memref<300x128xf32, #tpu.memory_space<vmem_shared>>
      tpu.wait_indirect_dma semaphore(%arg17 : memref<!tpu.dma_semaphore, #tpu.memory_space<semaphore_mem>>) src(%dma_wait3A_749 : memref<300x128xf32, #tpu.memory_space<vmem_shared>>) dst(%arg12 : memref<128x128xf32, #tpu.memory_space<vmem>>)
      %add3A_750 = arith.constant 3712 : i32
      %add3A_751 = arith.addi %add3A_63, %add3A_750 : i32
      %dma_start3A_752 = arith.constant 0 : i32
      %dma_start3A_753 = tpu.memref_slice %arg4[%add3A_751, %dma_start3A_752] : memref<3276800x128xf32, #tpu.memory_space<hbm>> -> memref<128x128xf32, #tpu.memory_space<hbm>>
      %dma_start3A_754 = arith.constant 0 : i32
      %dma_start3A_755 = tpu.memref_slice %arg4[%add3A_751, %dma_start3A_754] : memref<3276800x128xf32, #tpu.memory_space<hbm>> -> memref<128x128xf32, #tpu.memory_space<hbm>>
      tpu.enqueue_dma source(%arg12 : memref<128x128xf32, #tpu.memory_space<vmem>>) target(%dma_start3A_755 : memref<128x128xf32, #tpu.memory_space<hbm>>) target_semaphore(%arg22 : memref<!tpu.dma_semaphore, #tpu.memory_space<semaphore_mem>>)
      %add3A_756 = arith.constant 4224 : i32
      %add3A_757 = arith.addi %add3A_63, %add3A_756 : i32
      %dma_wait3A_758 = arith.constant 0 : i32
      %dma_wait3A_759 = tpu.memref_slice %arg4[%add3A_757, %dma_wait3A_758] : memref<3276800x128xf32, #tpu.memory_space<hbm>> -> memref<128x128xf32, #tpu.memory_space<hbm>>
      %dma_wait3A_760 = arith.constant 0 : i32
      %dma_wait3A_761 = tpu.memref_slice %arg4[%add3A_757, %dma_wait3A_760] : memref<3276800x128xf32, #tpu.memory_space<hbm>> -> memref<128x128xf32, #tpu.memory_space<hbm>>
      tpu.wait_dma2 semaphore(%arg21 : memref<!tpu.dma_semaphore, #tpu.memory_space<semaphore_mem>>) src(%arg11 : memref<128x128xf32, #tpu.memory_space<vmem>>) dst(%dma_wait3A_761 : memref<128x128xf32, #tpu.memory_space<hbm>>)
      %dma_start3A_762 = arith.constant 4224 : i32
      %dma_start3A_763 = tpu.memref_slice %arg5[%dma_start3A_762] : memref<5120xi32, #tpu.memory_space<vmem>> -> memref<128xi32, #tpu.memory_space<vmem>>
      %dma_start3A_764 = arith.constant 0 : i32
      %dma_start3A_765 = arith.constant 0 : i32
      %dma_start3A_766 = tpu.memref_slice %arg7[%dma_start3A_764, %dma_start3A_765] : memref<300x128xf32, #tpu.memory_space<vmem_shared>> -> memref<300x128xf32, #tpu.memory_space<vmem_shared>>
      tpu.enqueue_indirect_dma source(%dma_start3A_766 : memref<300x128xf32, #tpu.memory_space<vmem_shared>>) target(%arg11 : memref<128x128xf32, #tpu.memory_space<vmem>>) offsets(%dma_start3A_763 : memref<128xi32, #tpu.memory_space<vmem>>) semaphore(%arg16 : memref<!tpu.dma_semaphore, #tpu.memory_space<semaphore_mem>>)
      %dma_wait3A_767 = arith.constant 3840 : i32
      %dma_wait3A_768 = tpu.memref_slice %arg5[%dma_wait3A_767] : memref<5120xi32, #tpu.memory_space<vmem>> -> memref<128xi32, #tpu.memory_space<vmem>>
      %dma_wait3A_769 = arith.constant 0 : i32
      %dma_wait3A_770 = arith.constant 0 : i32
      %dma_wait3A_771 = tpu.memref_slice %arg7[%dma_wait3A_769, %dma_wait3A_770] : memref<300x128xf32, #tpu.memory_space<vmem_shared>> -> memref<300x128xf32, #tpu.memory_space<vmem_shared>>
      tpu.wait_indirect_dma semaphore(%arg13 : memref<!tpu.dma_semaphore, #tpu.memory_space<semaphore_mem>>) src(%dma_wait3A_771 : memref<300x128xf32, #tpu.memory_space<vmem_shared>>) dst(%arg8 : memref<128x128xf32, #tpu.memory_space<vmem>>)
      %add3A_772 = arith.constant 3840 : i32
      %add3A_773 = arith.addi %add3A_63, %add3A_772 : i32
      %dma_start3A_774 = arith.constant 0 : i32
      %dma_start3A_775 = tpu.memref_slice %arg4[%add3A_773, %dma_start3A_774] : memref<3276800x128xf32, #tpu.memory_space<hbm>> -> memref<128x128xf32, #tpu.memory_space<hbm>>
      %dma_start3A_776 = arith.constant 0 : i32
      %dma_start3A_777 = tpu.memref_slice %arg4[%add3A_773, %dma_start3A_776] : memref<3276800x128xf32, #tpu.memory_space<hbm>> -> memref<128x128xf32, #tpu.memory_space<hbm>>
      tpu.enqueue_dma source(%arg8 : memref<128x128xf32, #tpu.memory_space<vmem>>) target(%dma_start3A_777 : memref<128x128xf32, #tpu.memory_space<hbm>>) target_semaphore(%arg18 : memref<!tpu.dma_semaphore, #tpu.memory_space<semaphore_mem>>)
      %add3A_778 = arith.constant 4352 : i32
      %add3A_779 = arith.addi %add3A_63, %add3A_778 : i32
      %dma_wait3A_780 = arith.constant 0 : i32
      %dma_wait3A_781 = tpu.memref_slice %arg4[%add3A_779, %dma_wait3A_780] : memref<3276800x128xf32, #tpu.memory_space<hbm>> -> memref<128x128xf32, #tpu.memory_space<hbm>>
      %dma_wait3A_782 = arith.constant 0 : i32
      %dma_wait3A_783 = tpu.memref_slice %arg4[%add3A_779, %dma_wait3A_782] : memref<3276800x128xf32, #tpu.memory_space<hbm>> -> memref<128x128xf32, #tpu.memory_space<hbm>>
      tpu.wait_dma2 semaphore(%arg22 : memref<!tpu.dma_semaphore, #tpu.memory_space<semaphore_mem>>) src(%arg12 : memref<128x128xf32, #tpu.memory_space<vmem>>) dst(%dma_wait3A_783 : memref<128x128xf32, #tpu.memory_space<hbm>>)
      %dma_start3A_784 = arith.constant 4352 : i32
      %dma_start3A_785 = tpu.memref_slice %arg5[%dma_start3A_784] : memref<5120xi32, #tpu.memory_space<vmem>> -> memref<128xi32, #tpu.memory_space<vmem>>
      %dma_start3A_786 = arith.constant 0 : i32
      %dma_start3A_787 = arith.constant 0 : i32
      %dma_start3A_788 = tpu.memref_slice %arg7[%dma_start3A_786, %dma_start3A_787] : memref<300x128xf32, #tpu.memory_space<vmem_shared>> -> memref<300x128xf32, #tpu.memory_space<vmem_shared>>
      tpu.enqueue_indirect_dma source(%dma_start3A_788 : memref<300x128xf32, #tpu.memory_space<vmem_shared>>) target(%arg12 : memref<128x128xf32, #tpu.memory_space<vmem>>) offsets(%dma_start3A_785 : memref<128xi32, #tpu.memory_space<vmem>>) semaphore(%arg17 : memref<!tpu.dma_semaphore, #tpu.memory_space<semaphore_mem>>)
      %dma_wait3A_789 = arith.constant 3968 : i32
      %dma_wait3A_790 = tpu.memref_slice %arg5[%dma_wait3A_789] : memref<5120xi32, #tpu.memory_space<vmem>> -> memref<128xi32, #tpu.memory_space<vmem>>
      %dma_wait3A_791 = arith.constant 0 : i32
      %dma_wait3A_792 = arith.constant 0 : i32
      %dma_wait3A_793 = tpu.memref_slice %arg7[%dma_wait3A_791, %dma_wait3A_792] : memref<300x128xf32, #tpu.memory_space<vmem_shared>> -> memref<300x128xf32, #tpu.memory_space<vmem_shared>>
      tpu.wait_indirect_dma semaphore(%arg14 : memref<!tpu.dma_semaphore, #tpu.memory_space<semaphore_mem>>) src(%dma_wait3A_793 : memref<300x128xf32, #tpu.memory_space<vmem_shared>>) dst(%arg9 : memref<128x128xf32, #tpu.memory_space<vmem>>)
      %add3A_794 = arith.constant 3968 : i32
      %add3A_795 = arith.addi %add3A_63, %add3A_794 : i32
      %dma_start3A_796 = arith.constant 0 : i32
      %dma_start3A_797 = tpu.memref_slice %arg4[%add3A_795, %dma_start3A_796] : memref<3276800x128xf32, #tpu.memory_space<hbm>> -> memref<128x128xf32, #tpu.memory_space<hbm>>
      %dma_start3A_798 = arith.constant 0 : i32
      %dma_start3A_799 = tpu.memref_slice %arg4[%add3A_795, %dma_start3A_798] : memref<3276800x128xf32, #tpu.memory_space<hbm>> -> memref<128x128xf32, #tpu.memory_space<hbm>>
      tpu.enqueue_dma source(%arg9 : memref<128x128xf32, #tpu.memory_space<vmem>>) target(%dma_start3A_799 : memref<128x128xf32, #tpu.memory_space<hbm>>) target_semaphore(%arg19 : memref<!tpu.dma_semaphore, #tpu.memory_space<semaphore_mem>>)
      %add3A_800 = arith.constant 4480 : i32
      %add3A_801 = arith.addi %add3A_63, %add3A_800 : i32
      %dma_wait3A_802 = arith.constant 0 : i32
      %dma_wait3A_803 = tpu.memref_slice %arg4[%add3A_801, %dma_wait3A_802] : memref<3276800x128xf32, #tpu.memory_space<hbm>> -> memref<128x128xf32, #tpu.memory_space<hbm>>
      %dma_wait3A_804 = arith.constant 0 : i32
      %dma_wait3A_805 = tpu.memref_slice %arg4[%add3A_801, %dma_wait3A_804] : memref<3276800x128xf32, #tpu.memory_space<hbm>> -> memref<128x128xf32, #tpu.memory_space<hbm>>
      tpu.wait_dma2 semaphore(%arg18 : memref<!tpu.dma_semaphore, #tpu.memory_space<semaphore_mem>>) src(%arg8 : memref<128x128xf32, #tpu.memory_space<vmem>>) dst(%dma_wait3A_805 : memref<128x128xf32, #tpu.memory_space<hbm>>)
      %dma_start3A_806 = arith.constant 4480 : i32
      %dma_start3A_807 = tpu.memref_slice %arg5[%dma_start3A_806] : memref<5120xi32, #tpu.memory_space<vmem>> -> memref<128xi32, #tpu.memory_space<vmem>>
      %dma_start3A_808 = arith.constant 0 : i32
      %dma_start3A_809 = arith.constant 0 : i32
      %dma_start3A_810 = tpu.memref_slice %arg7[%dma_start3A_808, %dma_start3A_809] : memref<300x128xf32, #tpu.memory_space<vmem_shared>> -> memref<300x128xf32, #tpu.memory_space<vmem_shared>>
      tpu.enqueue_indirect_dma source(%dma_start3A_810 : memref<300x128xf32, #tpu.memory_space<vmem_shared>>) target(%arg8 : memref<128x128xf32, #tpu.memory_space<vmem>>) offsets(%dma_start3A_807 : memref<128xi32, #tpu.memory_space<vmem>>) semaphore(%arg13 : memref<!tpu.dma_semaphore, #tpu.memory_space<semaphore_mem>>)
      %dma_wait3A_811 = arith.constant 4096 : i32
      %dma_wait3A_812 = tpu.memref_slice %arg5[%dma_wait3A_811] : memref<5120xi32, #tpu.memory_space<vmem>> -> memref<128xi32, #tpu.memory_space<vmem>>
      %dma_wait3A_813 = arith.constant 0 : i32
      %dma_wait3A_814 = arith.constant 0 : i32
      %dma_wait3A_815 = tpu.memref_slice %arg7[%dma_wait3A_813, %dma_wait3A_814] : memref<300x128xf32, #tpu.memory_space<vmem_shared>> -> memref<300x128xf32, #tpu.memory_space<vmem_shared>>
      tpu.wait_indirect_dma semaphore(%arg15 : memref<!tpu.dma_semaphore, #tpu.memory_space<semaphore_mem>>) src(%dma_wait3A_815 : memref<300x128xf32, #tpu.memory_space<vmem_shared>>) dst(%arg10 : memref<128x128xf32, #tpu.memory_space<vmem>>)
      %add3A_816 = arith.constant 4096 : i32
      %add3A_817 = arith.addi %add3A_63, %add3A_816 : i32
      %dma_start3A_818 = arith.constant 0 : i32
      %dma_start3A_819 = tpu.memref_slice %arg4[%add3A_817, %dma_start3A_818] : memref<3276800x128xf32, #tpu.memory_space<hbm>> -> memref<128x128xf32, #tpu.memory_space<hbm>>
      %dma_start3A_820 = arith.constant 0 : i32
      %dma_start3A_821 = tpu.memref_slice %arg4[%add3A_817, %dma_start3A_820] : memref<3276800x128xf32, #tpu.memory_space<hbm>> -> memref<128x128xf32, #tpu.memory_space<hbm>>
      tpu.enqueue_dma source(%arg10 : memref<128x128xf32, #tpu.memory_space<vmem>>) target(%dma_start3A_821 : memref<128x128xf32, #tpu.memory_space<hbm>>) target_semaphore(%arg20 : memref<!tpu.dma_semaphore, #tpu.memory_space<semaphore_mem>>)
      %add3A_822 = arith.constant 4608 : i32
      %add3A_823 = arith.addi %add3A_63, %add3A_822 : i32
      %dma_wait3A_824 = arith.constant 0 : i32
      %dma_wait3A_825 = tpu.memref_slice %arg4[%add3A_823, %dma_wait3A_824] : memref<3276800x128xf32, #tpu.memory_space<hbm>> -> memref<128x128xf32, #tpu.memory_space<hbm>>
      %dma_wait3A_826 = arith.constant 0 : i32
      %dma_wait3A_827 = tpu.memref_slice %arg4[%add3A_823, %dma_wait3A_826] : memref<3276800x128xf32, #tpu.memory_space<hbm>> -> memref<128x128xf32, #tpu.memory_space<hbm>>
      tpu.wait_dma2 semaphore(%arg19 : memref<!tpu.dma_semaphore, #tpu.memory_space<semaphore_mem>>) src(%arg9 : memref<128x128xf32, #tpu.memory_space<vmem>>) dst(%dma_wait3A_827 : memref<128x128xf32, #tpu.memory_space<hbm>>)
      %dma_start3A_828 = arith.constant 4608 : i32
      %dma_start3A_829 = tpu.memref_slice %arg5[%dma_start3A_828] : memref<5120xi32, #tpu.memory_space<vmem>> -> memref<128xi32, #tpu.memory_space<vmem>>
      %dma_start3A_830 = arith.constant 0 : i32
      %dma_start3A_831 = arith.constant 0 : i32
      %dma_start3A_832 = tpu.memref_slice %arg7[%dma_start3A_830, %dma_start3A_831] : memref<300x128xf32, #tpu.memory_space<vmem_shared>> -> memref<300x128xf32, #tpu.memory_space<vmem_shared>>
      tpu.enqueue_indirect_dma source(%dma_start3A_832 : memref<300x128xf32, #tpu.memory_space<vmem_shared>>) target(%arg9 : memref<128x128xf32, #tpu.memory_space<vmem>>) offsets(%dma_start3A_829 : memref<128xi32, #tpu.memory_space<vmem>>) semaphore(%arg14 : memref<!tpu.dma_semaphore, #tpu.memory_space<semaphore_mem>>)
      %dma_wait3A_833 = arith.constant 4224 : i32
      %dma_wait3A_834 = tpu.memref_slice %arg5[%dma_wait3A_833] : memref<5120xi32, #tpu.memory_space<vmem>> -> memref<128xi32, #tpu.memory_space<vmem>>
      %dma_wait3A_835 = arith.constant 0 : i32
      %dma_wait3A_836 = arith.constant 0 : i32
      %dma_wait3A_837 = tpu.memref_slice %arg7[%dma_wait3A_835, %dma_wait3A_836] : memref<300x128xf32, #tpu.memory_space<vmem_shared>> -> memref<300x128xf32, #tpu.memory_space<vmem_shared>>
      tpu.wait_indirect_dma semaphore(%arg16 : memref<!tpu.dma_semaphore, #tpu.memory_space<semaphore_mem>>) src(%dma_wait3A_837 : memref<300x128xf32, #tpu.memory_space<vmem_shared>>) dst(%arg11 : memref<128x128xf32, #tpu.memory_space<vmem>>)
      %add3A_838 = arith.constant 4224 : i32
      %add3A_839 = arith.addi %add3A_63, %add3A_838 : i32
      %dma_start3A_840 = arith.constant 0 : i32
      %dma_start3A_841 = tpu.memref_slice %arg4[%add3A_839, %dma_start3A_840] : memref<3276800x128xf32, #tpu.memory_space<hbm>> -> memref<128x128xf32, #tpu.memory_space<hbm>>
      %dma_start3A_842 = arith.constant 0 : i32
      %dma_start3A_843 = tpu.memref_slice %arg4[%add3A_839, %dma_start3A_842] : memref<3276800x128xf32, #tpu.memory_space<hbm>> -> memref<128x128xf32, #tpu.memory_space<hbm>>
      tpu.enqueue_dma source(%arg11 : memref<128x128xf32, #tpu.memory_space<vmem>>) target(%dma_start3A_843 : memref<128x128xf32, #tpu.memory_space<hbm>>) target_semaphore(%arg21 : memref<!tpu.dma_semaphore, #tpu.memory_space<semaphore_mem>>)
      %add3A_844 = arith.constant 4736 : i32
      %add3A_845 = arith.addi %add3A_63, %add3A_844 : i32
      %dma_wait3A_846 = arith.constant 0 : i32
      %dma_wait3A_847 = tpu.memref_slice %arg4[%add3A_845, %dma_wait3A_846] : memref<3276800x128xf32, #tpu.memory_space<hbm>> -> memref<128x128xf32, #tpu.memory_space<hbm>>
      %dma_wait3A_848 = arith.constant 0 : i32
      %dma_wait3A_849 = tpu.memref_slice %arg4[%add3A_845, %dma_wait3A_848] : memref<3276800x128xf32, #tpu.memory_space<hbm>> -> memref<128x128xf32, #tpu.memory_space<hbm>>
      tpu.wait_dma2 semaphore(%arg20 : memref<!tpu.dma_semaphore, #tpu.memory_space<semaphore_mem>>) src(%arg10 : memref<128x128xf32, #tpu.memory_space<vmem>>) dst(%dma_wait3A_849 : memref<128x128xf32, #tpu.memory_space<hbm>>)
      %dma_start3A_850 = arith.constant 4736 : i32
      %dma_start3A_851 = tpu.memref_slice %arg5[%dma_start3A_850] : memref<5120xi32, #tpu.memory_space<vmem>> -> memref<128xi32, #tpu.memory_space<vmem>>
      %dma_start3A_852 = arith.constant 0 : i32
      %dma_start3A_853 = arith.constant 0 : i32
      %dma_start3A_854 = tpu.memref_slice %arg7[%dma_start3A_852, %dma_start3A_853] : memref<300x128xf32, #tpu.memory_space<vmem_shared>> -> memref<300x128xf32, #tpu.memory_space<vmem_shared>>
      tpu.enqueue_indirect_dma source(%dma_start3A_854 : memref<300x128xf32, #tpu.memory_space<vmem_shared>>) target(%arg10 : memref<128x128xf32, #tpu.memory_space<vmem>>) offsets(%dma_start3A_851 : memref<128xi32, #tpu.memory_space<vmem>>) semaphore(%arg15 : memref<!tpu.dma_semaphore, #tpu.memory_space<semaphore_mem>>)
      %dma_wait3A_855 = arith.constant 4352 : i32
      %dma_wait3A_856 = tpu.memref_slice %arg5[%dma_wait3A_855] : memref<5120xi32, #tpu.memory_space<vmem>> -> memref<128xi32, #tpu.memory_space<vmem>>
      %dma_wait3A_857 = arith.constant 0 : i32
      %dma_wait3A_858 = arith.constant 0 : i32
      %dma_wait3A_859 = tpu.memref_slice %arg7[%dma_wait3A_857, %dma_wait3A_858] : memref<300x128xf32, #tpu.memory_space<vmem_shared>> -> memref<300x128xf32, #tpu.memory_space<vmem_shared>>
      tpu.wait_indirect_dma semaphore(%arg17 : memref<!tpu.dma_semaphore, #tpu.memory_space<semaphore_mem>>) src(%dma_wait3A_859 : memref<300x128xf32, #tpu.memory_space<vmem_shared>>) dst(%arg12 : memref<128x128xf32, #tpu.memory_space<vmem>>)
      %add3A_860 = arith.constant 4352 : i32
      %add3A_861 = arith.addi %add3A_63, %add3A_860 : i32
      %dma_start3A_862 = arith.constant 0 : i32
      %dma_start3A_863 = tpu.memref_slice %arg4[%add3A_861, %dma_start3A_862] : memref<3276800x128xf32, #tpu.memory_space<hbm>> -> memref<128x128xf32, #tpu.memory_space<hbm>>
      %dma_start3A_864 = arith.constant 0 : i32
      %dma_start3A_865 = tpu.memref_slice %arg4[%add3A_861, %dma_start3A_864] : memref<3276800x128xf32, #tpu.memory_space<hbm>> -> memref<128x128xf32, #tpu.memory_space<hbm>>
      tpu.enqueue_dma source(%arg12 : memref<128x128xf32, #tpu.memory_space<vmem>>) target(%dma_start3A_865 : memref<128x128xf32, #tpu.memory_space<hbm>>) target_semaphore(%arg22 : memref<!tpu.dma_semaphore, #tpu.memory_space<semaphore_mem>>)
      %add3A_866 = arith.constant 4864 : i32
      %add3A_867 = arith.addi %add3A_63, %add3A_866 : i32
      %dma_wait3A_868 = arith.constant 0 : i32
      %dma_wait3A_869 = tpu.memref_slice %arg4[%add3A_867, %dma_wait3A_868] : memref<3276800x128xf32, #tpu.memory_space<hbm>> -> memref<128x128xf32, #tpu.memory_space<hbm>>
      %dma_wait3A_870 = arith.constant 0 : i32
      %dma_wait3A_871 = tpu.memref_slice %arg4[%add3A_867, %dma_wait3A_870] : memref<3276800x128xf32, #tpu.memory_space<hbm>> -> memref<128x128xf32, #tpu.memory_space<hbm>>
      tpu.wait_dma2 semaphore(%arg21 : memref<!tpu.dma_semaphore, #tpu.memory_space<semaphore_mem>>) src(%arg11 : memref<128x128xf32, #tpu.memory_space<vmem>>) dst(%dma_wait3A_871 : memref<128x128xf32, #tpu.memory_space<hbm>>)
      %dma_start3A_872 = arith.constant 4864 : i32
      %dma_start3A_873 = tpu.memref_slice %arg5[%dma_start3A_872] : memref<5120xi32, #tpu.memory_space<vmem>> -> memref<128xi32, #tpu.memory_space<vmem>>
      %dma_start3A_874 = arith.constant 0 : i32
      %dma_start3A_875 = arith.constant 0 : i32
      %dma_start3A_876 = tpu.memref_slice %arg7[%dma_start3A_874, %dma_start3A_875] : memref<300x128xf32, #tpu.memory_space<vmem_shared>> -> memref<300x128xf32, #tpu.memory_space<vmem_shared>>
      tpu.enqueue_indirect_dma source(%dma_start3A_876 : memref<300x128xf32, #tpu.memory_space<vmem_shared>>) target(%arg11 : memref<128x128xf32, #tpu.memory_space<vmem>>) offsets(%dma_start3A_873 : memref<128xi32, #tpu.memory_space<vmem>>) semaphore(%arg16 : memref<!tpu.dma_semaphore, #tpu.memory_space<semaphore_mem>>)
      %dma_wait3A_877 = arith.constant 4480 : i32
      %dma_wait3A_878 = tpu.memref_slice %arg5[%dma_wait3A_877] : memref<5120xi32, #tpu.memory_space<vmem>> -> memref<128xi32, #tpu.memory_space<vmem>>
      %dma_wait3A_879 = arith.constant 0 : i32
      %dma_wait3A_880 = arith.constant 0 : i32
      %dma_wait3A_881 = tpu.memref_slice %arg7[%dma_wait3A_879, %dma_wait3A_880] : memref<300x128xf32, #tpu.memory_space<vmem_shared>> -> memref<300x128xf32, #tpu.memory_space<vmem_shared>>
      tpu.wait_indirect_dma semaphore(%arg13 : memref<!tpu.dma_semaphore, #tpu.memory_space<semaphore_mem>>) src(%dma_wait3A_881 : memref<300x128xf32, #tpu.memory_space<vmem_shared>>) dst(%arg8 : memref<128x128xf32, #tpu.memory_space<vmem>>)
      %add3A_882 = arith.constant 4480 : i32
      %add3A_883 = arith.addi %add3A_63, %add3A_882 : i32
      %dma_start3A_884 = arith.constant 0 : i32
      %dma_start3A_885 = tpu.memref_slice %arg4[%add3A_883, %dma_start3A_884] : memref<3276800x128xf32, #tpu.memory_space<hbm>> -> memref<128x128xf32, #tpu.memory_space<hbm>>
      %dma_start3A_886 = arith.constant 0 : i32
      %dma_start3A_887 = tpu.memref_slice %arg4[%add3A_883, %dma_start3A_886] : memref<3276800x128xf32, #tpu.memory_space<hbm>> -> memref<128x128xf32, #tpu.memory_space<hbm>>
      tpu.enqueue_dma source(%arg8 : memref<128x128xf32, #tpu.memory_space<vmem>>) target(%dma_start3A_887 : memref<128x128xf32, #tpu.memory_space<hbm>>) target_semaphore(%arg18 : memref<!tpu.dma_semaphore, #tpu.memory_space<semaphore_mem>>)
      %add3A_888 = arith.constant 4992 : i32
      %add3A_889 = arith.addi %add3A_63, %add3A_888 : i32
      %dma_wait3A_890 = arith.constant 0 : i32
      %dma_wait3A_891 = tpu.memref_slice %arg4[%add3A_889, %dma_wait3A_890] : memref<3276800x128xf32, #tpu.memory_space<hbm>> -> memref<128x128xf32, #tpu.memory_space<hbm>>
      %dma_wait3A_892 = arith.constant 0 : i32
      %dma_wait3A_893 = tpu.memref_slice %arg4[%add3A_889, %dma_wait3A_892] : memref<3276800x128xf32, #tpu.memory_space<hbm>> -> memref<128x128xf32, #tpu.memory_space<hbm>>
      tpu.wait_dma2 semaphore(%arg22 : memref<!tpu.dma_semaphore, #tpu.memory_space<semaphore_mem>>) src(%arg12 : memref<128x128xf32, #tpu.memory_space<vmem>>) dst(%dma_wait3A_893 : memref<128x128xf32, #tpu.memory_space<hbm>>)
      %dma_start3A_894 = arith.constant 4992 : i32
      %dma_start3A_895 = tpu.memref_slice %arg5[%dma_start3A_894] : memref<5120xi32, #tpu.memory_space<vmem>> -> memref<128xi32, #tpu.memory_space<vmem>>
      %dma_start3A_896 = arith.constant 0 : i32
      %dma_start3A_897 = arith.constant 0 : i32
      %dma_start3A_898 = tpu.memref_slice %arg7[%dma_start3A_896, %dma_start3A_897] : memref<300x128xf32, #tpu.memory_space<vmem_shared>> -> memref<300x128xf32, #tpu.memory_space<vmem_shared>>
      tpu.enqueue_indirect_dma source(%dma_start3A_898 : memref<300x128xf32, #tpu.memory_space<vmem_shared>>) target(%arg12 : memref<128x128xf32, #tpu.memory_space<vmem>>) offsets(%dma_start3A_895 : memref<128xi32, #tpu.memory_space<vmem>>) semaphore(%arg17 : memref<!tpu.dma_semaphore, #tpu.memory_space<semaphore_mem>>)
      %dma_wait3A_899 = arith.constant 4608 : i32
      %dma_wait3A_900 = tpu.memref_slice %arg5[%dma_wait3A_899] : memref<5120xi32, #tpu.memory_space<vmem>> -> memref<128xi32, #tpu.memory_space<vmem>>
      %dma_wait3A_901 = arith.constant 0 : i32
      %dma_wait3A_902 = arith.constant 0 : i32
      %dma_wait3A_903 = tpu.memref_slice %arg7[%dma_wait3A_901, %dma_wait3A_902] : memref<300x128xf32, #tpu.memory_space<vmem_shared>> -> memref<300x128xf32, #tpu.memory_space<vmem_shared>>
      tpu.wait_indirect_dma semaphore(%arg14 : memref<!tpu.dma_semaphore, #tpu.memory_space<semaphore_mem>>) src(%dma_wait3A_903 : memref<300x128xf32, #tpu.memory_space<vmem_shared>>) dst(%arg9 : memref<128x128xf32, #tpu.memory_space<vmem>>)
      %add3A_904 = arith.constant 4608 : i32
      %add3A_905 = arith.addi %add3A_63, %add3A_904 : i32
      %dma_start3A_906 = arith.constant 0 : i32
      %dma_start3A_907 = tpu.memref_slice %arg4[%add3A_905, %dma_start3A_906] : memref<3276800x128xf32, #tpu.memory_space<hbm>> -> memref<128x128xf32, #tpu.memory_space<hbm>>
      %dma_start3A_908 = arith.constant 0 : i32
      %dma_start3A_909 = tpu.memref_slice %arg4[%add3A_905, %dma_start3A_908] : memref<3276800x128xf32, #tpu.memory_space<hbm>> -> memref<128x128xf32, #tpu.memory_space<hbm>>
      tpu.enqueue_dma source(%arg9 : memref<128x128xf32, #tpu.memory_space<vmem>>) target(%dma_start3A_909 : memref<128x128xf32, #tpu.memory_space<hbm>>) target_semaphore(%arg19 : memref<!tpu.dma_semaphore, #tpu.memory_space<semaphore_mem>>)
      %dma_wait3A_910 = arith.constant 4736 : i32
      %dma_wait3A_911 = tpu.memref_slice %arg5[%dma_wait3A_910] : memref<5120xi32, #tpu.memory_space<vmem>> -> memref<128xi32, #tpu.memory_space<vmem>>
      %dma_wait3A_912 = arith.constant 0 : i32
      %dma_wait3A_913 = arith.constant 0 : i32
      %dma_wait3A_914 = tpu.memref_slice %arg7[%dma_wait3A_912, %dma_wait3A_913] : memref<300x128xf32, #tpu.memory_space<vmem_shared>> -> memref<300x128xf32, #tpu.memory_space<vmem_shared>>
      tpu.wait_indirect_dma semaphore(%arg15 : memref<!tpu.dma_semaphore, #tpu.memory_space<semaphore_mem>>) src(%dma_wait3A_914 : memref<300x128xf32, #tpu.memory_space<vmem_shared>>) dst(%arg10 : memref<128x128xf32, #tpu.memory_space<vmem>>)
      %add3A_915 = arith.constant 4736 : i32
      %add3A_916 = arith.addi %add3A_63, %add3A_915 : i32
      %dma_start3A_917 = arith.constant 0 : i32
      %dma_start3A_918 = tpu.memref_slice %arg4[%add3A_916, %dma_start3A_917] : memref<3276800x128xf32, #tpu.memory_space<hbm>> -> memref<128x128xf32, #tpu.memory_space<hbm>>
      %dma_start3A_919 = arith.constant 0 : i32
      %dma_start3A_920 = tpu.memref_slice %arg4[%add3A_916, %dma_start3A_919] : memref<3276800x128xf32, #tpu.memory_space<hbm>> -> memref<128x128xf32, #tpu.memory_space<hbm>>
      tpu.enqueue_dma source(%arg10 : memref<128x128xf32, #tpu.memory_space<vmem>>) target(%dma_start3A_920 : memref<128x128xf32, #tpu.memory_space<hbm>>) target_semaphore(%arg20 : memref<!tpu.dma_semaphore, #tpu.memory_space<semaphore_mem>>)
      %dma_wait3A_921 = arith.constant 4864 : i32
      %dma_wait3A_922 = tpu.memref_slice %arg5[%dma_wait3A_921] : memref<5120xi32, #tpu.memory_space<vmem>> -> memref<128xi32, #tpu.memory_space<vmem>>
      %dma_wait3A_923 = arith.constant 0 : i32
      %dma_wait3A_924 = arith.constant 0 : i32
      %dma_wait3A_925 = tpu.memref_slice %arg7[%dma_wait3A_923, %dma_wait3A_924] : memref<300x128xf32, #tpu.memory_space<vmem_shared>> -> memref<300x128xf32, #tpu.memory_space<vmem_shared>>
      tpu.wait_indirect_dma semaphore(%arg16 : memref<!tpu.dma_semaphore, #tpu.memory_space<semaphore_mem>>) src(%dma_wait3A_925 : memref<300x128xf32, #tpu.memory_space<vmem_shared>>) dst(%arg11 : memref<128x128xf32, #tpu.memory_space<vmem>>)
      %add3A_926 = arith.constant 4864 : i32
      %add3A_927 = arith.addi %add3A_63, %add3A_926 : i32
      %dma_start3A_928 = arith.constant 0 : i32
      %dma_start3A_929 = tpu.memref_slice %arg4[%add3A_927, %dma_start3A_928] : memref<3276800x128xf32, #tpu.memory_space<hbm>> -> memref<128x128xf32, #tpu.memory_space<hbm>>
      %dma_start3A_930 = arith.constant 0 : i32
      %dma_start3A_931 = tpu.memref_slice %arg4[%add3A_927, %dma_start3A_930] : memref<3276800x128xf32, #tpu.memory_space<hbm>> -> memref<128x128xf32, #tpu.memory_space<hbm>>
      tpu.enqueue_dma source(%arg11 : memref<128x128xf32, #tpu.memory_space<vmem>>) target(%dma_start3A_931 : memref<128x128xf32, #tpu.memory_space<hbm>>) target_semaphore(%arg21 : memref<!tpu.dma_semaphore, #tpu.memory_space<semaphore_mem>>)
      %dma_wait3A_932 = arith.constant 4992 : i32
      %dma_wait3A_933 = tpu.memref_slice %arg5[%dma_wait3A_932] : memref<5120xi32, #tpu.memory_space<vmem>> -> memref<128xi32, #tpu.memory_space<vmem>>
      %dma_wait3A_934 = arith.constant 0 : i32
      %dma_wait3A_935 = arith.constant 0 : i32
      %dma_wait3A_936 = tpu.memref_slice %arg7[%dma_wait3A_934, %dma_wait3A_935] : memref<300x128xf32, #tpu.memory_space<vmem_shared>> -> memref<300x128xf32, #tpu.memory_space<vmem_shared>>
      tpu.wait_indirect_dma semaphore(%arg17 : memref<!tpu.dma_semaphore, #tpu.memory_space<semaphore_mem>>) src(%dma_wait3A_936 : memref<300x128xf32, #tpu.memory_space<vmem_shared>>) dst(%arg12 : memref<128x128xf32, #tpu.memory_space<vmem>>)
      %add3A_937 = arith.constant 4992 : i32
      %add3A_938 = arith.addi %add3A_63, %add3A_937 : i32
      %dma_start3A_939 = arith.constant 0 : i32
      %dma_start3A_940 = tpu.memref_slice %arg4[%add3A_938, %dma_start3A_939] : memref<3276800x128xf32, #tpu.memory_space<hbm>> -> memref<128x128xf32, #tpu.memory_space<hbm>>
      %dma_start3A_941 = arith.constant 0 : i32
      %dma_start3A_942 = tpu.memref_slice %arg4[%add3A_938, %dma_start3A_941] : memref<3276800x128xf32, #tpu.memory_space<hbm>> -> memref<128x128xf32, #tpu.memory_space<hbm>>
      tpu.enqueue_dma source(%arg12 : memref<128x128xf32, #tpu.memory_space<vmem>>) target(%dma_start3A_942 : memref<128x128xf32, #tpu.memory_space<hbm>>) target_semaphore(%arg22 : memref<!tpu.dma_semaphore, #tpu.memory_space<semaphore_mem>>)
      %add3A_943 = arith.constant 2 : i32
      %add3A_944 = arith.addi %mul3A_58, %add3A_943 : i32
      %lt3A = arith.constant 20 : i32
      %lt3A_945 = arith.cmpi slt, %add3A_944, %lt3A : i32
      %convert_element_type3A_946 = arith.extui %lt3A_945 : i1 to i32
      %cond3A_947 = arith.constant 0 : i32
      %cond3A_948 = arith.cmpi ne, %convert_element_type3A_946, %cond3A_947 : i32
      scf.if %cond3A_948 {
        %add3A_1848 = arith.constant 2 : i32
        %add3A_1849 = arith.addi %mul3A_58, %add3A_1848 : i32
        %mul3A_1850 = arith.constant 5120 : i32
        %mul3A_1851 = arith.muli %add3A_1849, %mul3A_1850 : i32
        %add3A_1852 = arith.addi %mul3A_2, %mul3A_1851 : i32
        %dma_start3A_1853 = tpu.memref_slice %arg2[%add3A_1852] : memref<3276800xi32, #tpu.memory_space<hbm>> -> memref<5120xi32, #tpu.memory_space<hbm>>
        %dma_start3A_1854 = tpu.memref_slice %arg2[%add3A_1852] : memref<3276800xi32, #tpu.memory_space<hbm>> -> memref<5120xi32, #tpu.memory_space<hbm>>
        tpu.enqueue_dma source(%dma_start3A_1854 : memref<5120xi32, #tpu.memory_space<hbm>>) target(%arg5 : memref<5120xi32, #tpu.memory_space<vmem>>) target_semaphore(%arg23 : memref<!tpu.dma_semaphore, #tpu.memory_space<semaphore_mem>>)
      } else {
      }
      %mul3A_949 = arith.constant 2 : i32
      %mul3A_950 = arith.muli %mul3A_949, %scan3A_56 : i32
      %add3A_951 = arith.constant 1 : i32
      %add3A_952 = arith.addi %mul3A_950, %add3A_951 : i32
      %mul3A_953 = arith.constant 5120 : i32
      %mul3A_954 = arith.muli %add3A_952, %mul3A_953 : i32
      %add3A_955 = arith.addi %mul3A_2, %mul3A_954 : i32
      %mul3A_956 = arith.constant 5120 : i32
      %mul3A_957 = arith.muli %add3A_952, %mul3A_956 : i32
      %add3A_958 = arith.addi %mul3A_2, %mul3A_957 : i32
      %dma_wait3A_959 = tpu.memref_slice %arg2[%add3A_958] : memref<3276800xi32, #tpu.memory_space<hbm>> -> memref<5120xi32, #tpu.memory_space<hbm>>
      %dma_wait3A_960 = tpu.memref_slice %arg2[%add3A_958] : memref<3276800xi32, #tpu.memory_space<hbm>> -> memref<5120xi32, #tpu.memory_space<hbm>>
      tpu.wait_dma2 semaphore(%arg24 : memref<!tpu.dma_semaphore, #tpu.memory_space<semaphore_mem>>) src(%dma_wait3A_960 : memref<5120xi32, #tpu.memory_space<hbm>>) dst(%arg6 : memref<5120xi32, #tpu.memory_space<vmem>>)
      %add3A_961 = arith.constant 0 : i32
      %add3A_962 = arith.addi %add3A_955, %add3A_961 : i32
      %dma_wait3A_963 = arith.constant 0 : i32
      %dma_wait3A_964 = tpu.memref_slice %arg4[%add3A_962, %dma_wait3A_963] : memref<3276800x128xf32, #tpu.memory_space<hbm>> -> memref<128x128xf32, #tpu.memory_space<hbm>>
      %dma_wait3A_965 = arith.constant 0 : i32
      %dma_wait3A_966 = tpu.memref_slice %arg4[%add3A_962, %dma_wait3A_965] : memref<3276800x128xf32, #tpu.memory_space<hbm>> -> memref<128x128xf32, #tpu.memory_space<hbm>>
      tpu.wait_dma2 semaphore(%arg18 : memref<!tpu.dma_semaphore, #tpu.memory_space<semaphore_mem>>) src(%arg8 : memref<128x128xf32, #tpu.memory_space<vmem>>) dst(%dma_wait3A_966 : memref<128x128xf32, #tpu.memory_space<hbm>>)
      %dma_start3A_967 = arith.constant 0 : i32
      %dma_start3A_968 = tpu.memref_slice %arg6[%dma_start3A_967] : memref<5120xi32, #tpu.memory_space<vmem>> -> memref<128xi32, #tpu.memory_space<vmem>>
      %dma_start3A_969 = arith.constant 0 : i32
      %dma_start3A_970 = arith.constant 0 : i32
      %dma_start3A_971 = tpu.memref_slice %arg7[%dma_start3A_969, %dma_start3A_970] : memref<300x128xf32, #tpu.memory_space<vmem_shared>> -> memref<300x128xf32, #tpu.memory_space<vmem_shared>>
      tpu.enqueue_indirect_dma source(%dma_start3A_971 : memref<300x128xf32, #tpu.memory_space<vmem_shared>>) target(%arg8 : memref<128x128xf32, #tpu.memory_space<vmem>>) offsets(%dma_start3A_968 : memref<128xi32, #tpu.memory_space<vmem>>) semaphore(%arg13 : memref<!tpu.dma_semaphore, #tpu.memory_space<semaphore_mem>>)
      %add3A_972 = arith.constant 128 : i32
      %add3A_973 = arith.addi %add3A_955, %add3A_972 : i32
      %dma_wait3A_974 = arith.constant 0 : i32
      %dma_wait3A_975 = tpu.memref_slice %arg4[%add3A_973, %dma_wait3A_974] : memref<3276800x128xf32, #tpu.memory_space<hbm>> -> memref<128x128xf32, #tpu.memory_space<hbm>>
      %dma_wait3A_976 = arith.constant 0 : i32
      %dma_wait3A_977 = tpu.memref_slice %arg4[%add3A_973, %dma_wait3A_976] : memref<3276800x128xf32, #tpu.memory_space<hbm>> -> memref<128x128xf32, #tpu.memory_space<hbm>>
      tpu.wait_dma2 semaphore(%arg19 : memref<!tpu.dma_semaphore, #tpu.memory_space<semaphore_mem>>) src(%arg9 : memref<128x128xf32, #tpu.memory_space<vmem>>) dst(%dma_wait3A_977 : memref<128x128xf32, #tpu.memory_space<hbm>>)
      %dma_start3A_978 = arith.constant 128 : i32
      %dma_start3A_979 = tpu.memref_slice %arg6[%dma_start3A_978] : memref<5120xi32, #tpu.memory_space<vmem>> -> memref<128xi32, #tpu.memory_space<vmem>>
      %dma_start3A_980 = arith.constant 0 : i32
      %dma_start3A_981 = arith.constant 0 : i32
      %dma_start3A_982 = tpu.memref_slice %arg7[%dma_start3A_980, %dma_start3A_981] : memref<300x128xf32, #tpu.memory_space<vmem_shared>> -> memref<300x128xf32, #tpu.memory_space<vmem_shared>>
      tpu.enqueue_indirect_dma source(%dma_start3A_982 : memref<300x128xf32, #tpu.memory_space<vmem_shared>>) target(%arg9 : memref<128x128xf32, #tpu.memory_space<vmem>>) offsets(%dma_start3A_979 : memref<128xi32, #tpu.memory_space<vmem>>) semaphore(%arg14 : memref<!tpu.dma_semaphore, #tpu.memory_space<semaphore_mem>>)
      %add3A_983 = arith.constant 256 : i32
      %add3A_984 = arith.addi %add3A_955, %add3A_983 : i32
      %dma_wait3A_985 = arith.constant 0 : i32
      %dma_wait3A_986 = tpu.memref_slice %arg4[%add3A_984, %dma_wait3A_985] : memref<3276800x128xf32, #tpu.memory_space<hbm>> -> memref<128x128xf32, #tpu.memory_space<hbm>>
      %dma_wait3A_987 = arith.constant 0 : i32
      %dma_wait3A_988 = tpu.memref_slice %arg4[%add3A_984, %dma_wait3A_987] : memref<3276800x128xf32, #tpu.memory_space<hbm>> -> memref<128x128xf32, #tpu.memory_space<hbm>>
      tpu.wait_dma2 semaphore(%arg20 : memref<!tpu.dma_semaphore, #tpu.memory_space<semaphore_mem>>) src(%arg10 : memref<128x128xf32, #tpu.memory_space<vmem>>) dst(%dma_wait3A_988 : memref<128x128xf32, #tpu.memory_space<hbm>>)
      %dma_start3A_989 = arith.constant 256 : i32
      %dma_start3A_990 = tpu.memref_slice %arg6[%dma_start3A_989] : memref<5120xi32, #tpu.memory_space<vmem>> -> memref<128xi32, #tpu.memory_space<vmem>>
      %dma_start3A_991 = arith.constant 0 : i32
      %dma_start3A_992 = arith.constant 0 : i32
      %dma_start3A_993 = tpu.memref_slice %arg7[%dma_start3A_991, %dma_start3A_992] : memref<300x128xf32, #tpu.memory_space<vmem_shared>> -> memref<300x128xf32, #tpu.memory_space<vmem_shared>>
      tpu.enqueue_indirect_dma source(%dma_start3A_993 : memref<300x128xf32, #tpu.memory_space<vmem_shared>>) target(%arg10 : memref<128x128xf32, #tpu.memory_space<vmem>>) offsets(%dma_start3A_990 : memref<128xi32, #tpu.memory_space<vmem>>) semaphore(%arg15 : memref<!tpu.dma_semaphore, #tpu.memory_space<semaphore_mem>>)
      %add3A_994 = arith.constant 384 : i32
      %add3A_995 = arith.addi %add3A_955, %add3A_994 : i32
      %dma_wait3A_996 = arith.constant 0 : i32
      %dma_wait3A_997 = tpu.memref_slice %arg4[%add3A_995, %dma_wait3A_996] : memref<3276800x128xf32, #tpu.memory_space<hbm>> -> memref<128x128xf32, #tpu.memory_space<hbm>>
      %dma_wait3A_998 = arith.constant 0 : i32
      %dma_wait3A_999 = tpu.memref_slice %arg4[%add3A_995, %dma_wait3A_998] : memref<3276800x128xf32, #tpu.memory_space<hbm>> -> memref<128x128xf32, #tpu.memory_space<hbm>>
      tpu.wait_dma2 semaphore(%arg21 : memref<!tpu.dma_semaphore, #tpu.memory_space<semaphore_mem>>) src(%arg11 : memref<128x128xf32, #tpu.memory_space<vmem>>) dst(%dma_wait3A_999 : memref<128x128xf32, #tpu.memory_space<hbm>>)
      %dma_start3A_1000 = arith.constant 384 : i32
      %dma_start3A_1001 = tpu.memref_slice %arg6[%dma_start3A_1000] : memref<5120xi32, #tpu.memory_space<vmem>> -> memref<128xi32, #tpu.memory_space<vmem>>
      %dma_start3A_1002 = arith.constant 0 : i32
      %dma_start3A_1003 = arith.constant 0 : i32
      %dma_start3A_1004 = tpu.memref_slice %arg7[%dma_start3A_1002, %dma_start3A_1003] : memref<300x128xf32, #tpu.memory_space<vmem_shared>> -> memref<300x128xf32, #tpu.memory_space<vmem_shared>>
      tpu.enqueue_indirect_dma source(%dma_start3A_1004 : memref<300x128xf32, #tpu.memory_space<vmem_shared>>) target(%arg11 : memref<128x128xf32, #tpu.memory_space<vmem>>) offsets(%dma_start3A_1001 : memref<128xi32, #tpu.memory_space<vmem>>) semaphore(%arg16 : memref<!tpu.dma_semaphore, #tpu.memory_space<semaphore_mem>>)
      %dma_wait3A_1005 = arith.constant 0 : i32
      %dma_wait3A_1006 = tpu.memref_slice %arg6[%dma_wait3A_1005] : memref<5120xi32, #tpu.memory_space<vmem>> -> memref<128xi32, #tpu.memory_space<vmem>>
      %dma_wait3A_1007 = arith.constant 0 : i32
      %dma_wait3A_1008 = arith.constant 0 : i32
      %dma_wait3A_1009 = tpu.memref_slice %arg7[%dma_wait3A_1007, %dma_wait3A_1008] : memref<300x128xf32, #tpu.memory_space<vmem_shared>> -> memref<300x128xf32, #tpu.memory_space<vmem_shared>>
      tpu.wait_indirect_dma semaphore(%arg13 : memref<!tpu.dma_semaphore, #tpu.memory_space<semaphore_mem>>) src(%dma_wait3A_1009 : memref<300x128xf32, #tpu.memory_space<vmem_shared>>) dst(%arg8 : memref<128x128xf32, #tpu.memory_space<vmem>>)
      %add3A_1010 = arith.constant 0 : i32
      %add3A_1011 = arith.addi %add3A_955, %add3A_1010 : i32
      %dma_start3A_1012 = arith.constant 0 : i32
      %dma_start3A_1013 = tpu.memref_slice %arg4[%add3A_1011, %dma_start3A_1012] : memref<3276800x128xf32, #tpu.memory_space<hbm>> -> memref<128x128xf32, #tpu.memory_space<hbm>>
      %dma_start3A_1014 = arith.constant 0 : i32
      %dma_start3A_1015 = tpu.memref_slice %arg4[%add3A_1011, %dma_start3A_1014] : memref<3276800x128xf32, #tpu.memory_space<hbm>> -> memref<128x128xf32, #tpu.memory_space<hbm>>
      tpu.enqueue_dma source(%arg8 : memref<128x128xf32, #tpu.memory_space<vmem>>) target(%dma_start3A_1015 : memref<128x128xf32, #tpu.memory_space<hbm>>) target_semaphore(%arg18 : memref<!tpu.dma_semaphore, #tpu.memory_space<semaphore_mem>>)
      %add3A_1016 = arith.constant 512 : i32
      %add3A_1017 = arith.addi %add3A_955, %add3A_1016 : i32
      %dma_wait3A_1018 = arith.constant 0 : i32
      %dma_wait3A_1019 = tpu.memref_slice %arg4[%add3A_1017, %dma_wait3A_1018] : memref<3276800x128xf32, #tpu.memory_space<hbm>> -> memref<128x128xf32, #tpu.memory_space<hbm>>
      %dma_wait3A_1020 = arith.constant 0 : i32
      %dma_wait3A_1021 = tpu.memref_slice %arg4[%add3A_1017, %dma_wait3A_1020] : memref<3276800x128xf32, #tpu.memory_space<hbm>> -> memref<128x128xf32, #tpu.memory_space<hbm>>
      tpu.wait_dma2 semaphore(%arg22 : memref<!tpu.dma_semaphore, #tpu.memory_space<semaphore_mem>>) src(%arg12 : memref<128x128xf32, #tpu.memory_space<vmem>>) dst(%dma_wait3A_1021 : memref<128x128xf32, #tpu.memory_space<hbm>>)
      %dma_start3A_1022 = arith.constant 512 : i32
      %dma_start3A_1023 = tpu.memref_slice %arg6[%dma_start3A_1022] : memref<5120xi32, #tpu.memory_space<vmem>> -> memref<128xi32, #tpu.memory_space<vmem>>
      %dma_start3A_1024 = arith.constant 0 : i32
      %dma_start3A_1025 = arith.constant 0 : i32
      %dma_start3A_1026 = tpu.memref_slice %arg7[%dma_start3A_1024, %dma_start3A_1025] : memref<300x128xf32, #tpu.memory_space<vmem_shared>> -> memref<300x128xf32, #tpu.memory_space<vmem_shared>>
      tpu.enqueue_indirect_dma source(%dma_start3A_1026 : memref<300x128xf32, #tpu.memory_space<vmem_shared>>) target(%arg12 : memref<128x128xf32, #tpu.memory_space<vmem>>) offsets(%dma_start3A_1023 : memref<128xi32, #tpu.memory_space<vmem>>) semaphore(%arg17 : memref<!tpu.dma_semaphore, #tpu.memory_space<semaphore_mem>>)
      %dma_wait3A_1027 = arith.constant 128 : i32
      %dma_wait3A_1028 = tpu.memref_slice %arg6[%dma_wait3A_1027] : memref<5120xi32, #tpu.memory_space<vmem>> -> memref<128xi32, #tpu.memory_space<vmem>>
      %dma_wait3A_1029 = arith.constant 0 : i32
      %dma_wait3A_1030 = arith.constant 0 : i32
      %dma_wait3A_1031 = tpu.memref_slice %arg7[%dma_wait3A_1029, %dma_wait3A_1030] : memref<300x128xf32, #tpu.memory_space<vmem_shared>> -> memref<300x128xf32, #tpu.memory_space<vmem_shared>>
      tpu.wait_indirect_dma semaphore(%arg14 : memref<!tpu.dma_semaphore, #tpu.memory_space<semaphore_mem>>) src(%dma_wait3A_1031 : memref<300x128xf32, #tpu.memory_space<vmem_shared>>) dst(%arg9 : memref<128x128xf32, #tpu.memory_space<vmem>>)
      %add3A_1032 = arith.constant 128 : i32
      %add3A_1033 = arith.addi %add3A_955, %add3A_1032 : i32
      %dma_start3A_1034 = arith.constant 0 : i32
      %dma_start3A_1035 = tpu.memref_slice %arg4[%add3A_1033, %dma_start3A_1034] : memref<3276800x128xf32, #tpu.memory_space<hbm>> -> memref<128x128xf32, #tpu.memory_space<hbm>>
      %dma_start3A_1036 = arith.constant 0 : i32
      %dma_start3A_1037 = tpu.memref_slice %arg4[%add3A_1033, %dma_start3A_1036] : memref<3276800x128xf32, #tpu.memory_space<hbm>> -> memref<128x128xf32, #tpu.memory_space<hbm>>
      tpu.enqueue_dma source(%arg9 : memref<128x128xf32, #tpu.memory_space<vmem>>) target(%dma_start3A_1037 : memref<128x128xf32, #tpu.memory_space<hbm>>) target_semaphore(%arg19 : memref<!tpu.dma_semaphore, #tpu.memory_space<semaphore_mem>>)
      %add3A_1038 = arith.constant 640 : i32
      %add3A_1039 = arith.addi %add3A_955, %add3A_1038 : i32
      %dma_wait3A_1040 = arith.constant 0 : i32
      %dma_wait3A_1041 = tpu.memref_slice %arg4[%add3A_1039, %dma_wait3A_1040] : memref<3276800x128xf32, #tpu.memory_space<hbm>> -> memref<128x128xf32, #tpu.memory_space<hbm>>
      %dma_wait3A_1042 = arith.constant 0 : i32
      %dma_wait3A_1043 = tpu.memref_slice %arg4[%add3A_1039, %dma_wait3A_1042] : memref<3276800x128xf32, #tpu.memory_space<hbm>> -> memref<128x128xf32, #tpu.memory_space<hbm>>
      tpu.wait_dma2 semaphore(%arg18 : memref<!tpu.dma_semaphore, #tpu.memory_space<semaphore_mem>>) src(%arg8 : memref<128x128xf32, #tpu.memory_space<vmem>>) dst(%dma_wait3A_1043 : memref<128x128xf32, #tpu.memory_space<hbm>>)
      %dma_start3A_1044 = arith.constant 640 : i32
      %dma_start3A_1045 = tpu.memref_slice %arg6[%dma_start3A_1044] : memref<5120xi32, #tpu.memory_space<vmem>> -> memref<128xi32, #tpu.memory_space<vmem>>
      %dma_start3A_1046 = arith.constant 0 : i32
      %dma_start3A_1047 = arith.constant 0 : i32
      %dma_start3A_1048 = tpu.memref_slice %arg7[%dma_start3A_1046, %dma_start3A_1047] : memref<300x128xf32, #tpu.memory_space<vmem_shared>> -> memref<300x128xf32, #tpu.memory_space<vmem_shared>>
      tpu.enqueue_indirect_dma source(%dma_start3A_1048 : memref<300x128xf32, #tpu.memory_space<vmem_shared>>) target(%arg8 : memref<128x128xf32, #tpu.memory_space<vmem>>) offsets(%dma_start3A_1045 : memref<128xi32, #tpu.memory_space<vmem>>) semaphore(%arg13 : memref<!tpu.dma_semaphore, #tpu.memory_space<semaphore_mem>>)
      %dma_wait3A_1049 = arith.constant 256 : i32
      %dma_wait3A_1050 = tpu.memref_slice %arg6[%dma_wait3A_1049] : memref<5120xi32, #tpu.memory_space<vmem>> -> memref<128xi32, #tpu.memory_space<vmem>>
      %dma_wait3A_1051 = arith.constant 0 : i32
      %dma_wait3A_1052 = arith.constant 0 : i32
      %dma_wait3A_1053 = tpu.memref_slice %arg7[%dma_wait3A_1051, %dma_wait3A_1052] : memref<300x128xf32, #tpu.memory_space<vmem_shared>> -> memref<300x128xf32, #tpu.memory_space<vmem_shared>>
      tpu.wait_indirect_dma semaphore(%arg15 : memref<!tpu.dma_semaphore, #tpu.memory_space<semaphore_mem>>) src(%dma_wait3A_1053 : memref<300x128xf32, #tpu.memory_space<vmem_shared>>) dst(%arg10 : memref<128x128xf32, #tpu.memory_space<vmem>>)
      %add3A_1054 = arith.constant 256 : i32
      %add3A_1055 = arith.addi %add3A_955, %add3A_1054 : i32
      %dma_start3A_1056 = arith.constant 0 : i32
      %dma_start3A_1057 = tpu.memref_slice %arg4[%add3A_1055, %dma_start3A_1056] : memref<3276800x128xf32, #tpu.memory_space<hbm>> -> memref<128x128xf32, #tpu.memory_space<hbm>>
      %dma_start3A_1058 = arith.constant 0 : i32
      %dma_start3A_1059 = tpu.memref_slice %arg4[%add3A_1055, %dma_start3A_1058] : memref<3276800x128xf32, #tpu.memory_space<hbm>> -> memref<128x128xf32, #tpu.memory_space<hbm>>
      tpu.enqueue_dma source(%arg10 : memref<128x128xf32, #tpu.memory_space<vmem>>) target(%dma_start3A_1059 : memref<128x128xf32, #tpu.memory_space<hbm>>) target_semaphore(%arg20 : memref<!tpu.dma_semaphore, #tpu.memory_space<semaphore_mem>>)
      %add3A_1060 = arith.constant 768 : i32
      %add3A_1061 = arith.addi %add3A_955, %add3A_1060 : i32
      %dma_wait3A_1062 = arith.constant 0 : i32
      %dma_wait3A_1063 = tpu.memref_slice %arg4[%add3A_1061, %dma_wait3A_1062] : memref<3276800x128xf32, #tpu.memory_space<hbm>> -> memref<128x128xf32, #tpu.memory_space<hbm>>
      %dma_wait3A_1064 = arith.constant 0 : i32
      %dma_wait3A_1065 = tpu.memref_slice %arg4[%add3A_1061, %dma_wait3A_1064] : memref<3276800x128xf32, #tpu.memory_space<hbm>> -> memref<128x128xf32, #tpu.memory_space<hbm>>
      tpu.wait_dma2 semaphore(%arg19 : memref<!tpu.dma_semaphore, #tpu.memory_space<semaphore_mem>>) src(%arg9 : memref<128x128xf32, #tpu.memory_space<vmem>>) dst(%dma_wait3A_1065 : memref<128x128xf32, #tpu.memory_space<hbm>>)
      %dma_start3A_1066 = arith.constant 768 : i32
      %dma_start3A_1067 = tpu.memref_slice %arg6[%dma_start3A_1066] : memref<5120xi32, #tpu.memory_space<vmem>> -> memref<128xi32, #tpu.memory_space<vmem>>
      %dma_start3A_1068 = arith.constant 0 : i32
      %dma_start3A_1069 = arith.constant 0 : i32
      %dma_start3A_1070 = tpu.memref_slice %arg7[%dma_start3A_1068, %dma_start3A_1069] : memref<300x128xf32, #tpu.memory_space<vmem_shared>> -> memref<300x128xf32, #tpu.memory_space<vmem_shared>>
      tpu.enqueue_indirect_dma source(%dma_start3A_1070 : memref<300x128xf32, #tpu.memory_space<vmem_shared>>) target(%arg9 : memref<128x128xf32, #tpu.memory_space<vmem>>) offsets(%dma_start3A_1067 : memref<128xi32, #tpu.memory_space<vmem>>) semaphore(%arg14 : memref<!tpu.dma_semaphore, #tpu.memory_space<semaphore_mem>>)
      %dma_wait3A_1071 = arith.constant 384 : i32
      %dma_wait3A_1072 = tpu.memref_slice %arg6[%dma_wait3A_1071] : memref<5120xi32, #tpu.memory_space<vmem>> -> memref<128xi32, #tpu.memory_space<vmem>>
      %dma_wait3A_1073 = arith.constant 0 : i32
      %dma_wait3A_1074 = arith.constant 0 : i32
      %dma_wait3A_1075 = tpu.memref_slice %arg7[%dma_wait3A_1073, %dma_wait3A_1074] : memref<300x128xf32, #tpu.memory_space<vmem_shared>> -> memref<300x128xf32, #tpu.memory_space<vmem_shared>>
      tpu.wait_indirect_dma semaphore(%arg16 : memref<!tpu.dma_semaphore, #tpu.memory_space<semaphore_mem>>) src(%dma_wait3A_1075 : memref<300x128xf32, #tpu.memory_space<vmem_shared>>) dst(%arg11 : memref<128x128xf32, #tpu.memory_space<vmem>>)
      %add3A_1076 = arith.constant 384 : i32
      %add3A_1077 = arith.addi %add3A_955, %add3A_1076 : i32
      %dma_start3A_1078 = arith.constant 0 : i32
      %dma_start3A_1079 = tpu.memref_slice %arg4[%add3A_1077, %dma_start3A_1078] : memref<3276800x128xf32, #tpu.memory_space<hbm>> -> memref<128x128xf32, #tpu.memory_space<hbm>>
      %dma_start3A_1080 = arith.constant 0 : i32
      %dma_start3A_1081 = tpu.memref_slice %arg4[%add3A_1077, %dma_start3A_1080] : memref<3276800x128xf32, #tpu.memory_space<hbm>> -> memref<128x128xf32, #tpu.memory_space<hbm>>
      tpu.enqueue_dma source(%arg11 : memref<128x128xf32, #tpu.memory_space<vmem>>) target(%dma_start3A_1081 : memref<128x128xf32, #tpu.memory_space<hbm>>) target_semaphore(%arg21 : memref<!tpu.dma_semaphore, #tpu.memory_space<semaphore_mem>>)
      %add3A_1082 = arith.constant 896 : i32
      %add3A_1083 = arith.addi %add3A_955, %add3A_1082 : i32
      %dma_wait3A_1084 = arith.constant 0 : i32
      %dma_wait3A_1085 = tpu.memref_slice %arg4[%add3A_1083, %dma_wait3A_1084] : memref<3276800x128xf32, #tpu.memory_space<hbm>> -> memref<128x128xf32, #tpu.memory_space<hbm>>
      %dma_wait3A_1086 = arith.constant 0 : i32
      %dma_wait3A_1087 = tpu.memref_slice %arg4[%add3A_1083, %dma_wait3A_1086] : memref<3276800x128xf32, #tpu.memory_space<hbm>> -> memref<128x128xf32, #tpu.memory_space<hbm>>
      tpu.wait_dma2 semaphore(%arg20 : memref<!tpu.dma_semaphore, #tpu.memory_space<semaphore_mem>>) src(%arg10 : memref<128x128xf32, #tpu.memory_space<vmem>>) dst(%dma_wait3A_1087 : memref<128x128xf32, #tpu.memory_space<hbm>>)
      %dma_start3A_1088 = arith.constant 896 : i32
      %dma_start3A_1089 = tpu.memref_slice %arg6[%dma_start3A_1088] : memref<5120xi32, #tpu.memory_space<vmem>> -> memref<128xi32, #tpu.memory_space<vmem>>
      %dma_start3A_1090 = arith.constant 0 : i32
      %dma_start3A_1091 = arith.constant 0 : i32
      %dma_start3A_1092 = tpu.memref_slice %arg7[%dma_start3A_1090, %dma_start3A_1091] : memref<300x128xf32, #tpu.memory_space<vmem_shared>> -> memref<300x128xf32, #tpu.memory_space<vmem_shared>>
      tpu.enqueue_indirect_dma source(%dma_start3A_1092 : memref<300x128xf32, #tpu.memory_space<vmem_shared>>) target(%arg10 : memref<128x128xf32, #tpu.memory_space<vmem>>) offsets(%dma_start3A_1089 : memref<128xi32, #tpu.memory_space<vmem>>) semaphore(%arg15 : memref<!tpu.dma_semaphore, #tpu.memory_space<semaphore_mem>>)
      %dma_wait3A_1093 = arith.constant 512 : i32
      %dma_wait3A_1094 = tpu.memref_slice %arg6[%dma_wait3A_1093] : memref<5120xi32, #tpu.memory_space<vmem>> -> memref<128xi32, #tpu.memory_space<vmem>>
      %dma_wait3A_1095 = arith.constant 0 : i32
      %dma_wait3A_1096 = arith.constant 0 : i32
      %dma_wait3A_1097 = tpu.memref_slice %arg7[%dma_wait3A_1095, %dma_wait3A_1096] : memref<300x128xf32, #tpu.memory_space<vmem_shared>> -> memref<300x128xf32, #tpu.memory_space<vmem_shared>>
      tpu.wait_indirect_dma semaphore(%arg17 : memref<!tpu.dma_semaphore, #tpu.memory_space<semaphore_mem>>) src(%dma_wait3A_1097 : memref<300x128xf32, #tpu.memory_space<vmem_shared>>) dst(%arg12 : memref<128x128xf32, #tpu.memory_space<vmem>>)
      %add3A_1098 = arith.constant 512 : i32
      %add3A_1099 = arith.addi %add3A_955, %add3A_1098 : i32
      %dma_start3A_1100 = arith.constant 0 : i32
      %dma_start3A_1101 = tpu.memref_slice %arg4[%add3A_1099, %dma_start3A_1100] : memref<3276800x128xf32, #tpu.memory_space<hbm>> -> memref<128x128xf32, #tpu.memory_space<hbm>>
      %dma_start3A_1102 = arith.constant 0 : i32
      %dma_start3A_1103 = tpu.memref_slice %arg4[%add3A_1099, %dma_start3A_1102] : memref<3276800x128xf32, #tpu.memory_space<hbm>> -> memref<128x128xf32, #tpu.memory_space<hbm>>
      tpu.enqueue_dma source(%arg12 : memref<128x128xf32, #tpu.memory_space<vmem>>) target(%dma_start3A_1103 : memref<128x128xf32, #tpu.memory_space<hbm>>) target_semaphore(%arg22 : memref<!tpu.dma_semaphore, #tpu.memory_space<semaphore_mem>>)
      %add3A_1104 = arith.constant 1024 : i32
      %add3A_1105 = arith.addi %add3A_955, %add3A_1104 : i32
      %dma_wait3A_1106 = arith.constant 0 : i32
      %dma_wait3A_1107 = tpu.memref_slice %arg4[%add3A_1105, %dma_wait3A_1106] : memref<3276800x128xf32, #tpu.memory_space<hbm>> -> memref<128x128xf32, #tpu.memory_space<hbm>>
      %dma_wait3A_1108 = arith.constant 0 : i32
      %dma_wait3A_1109 = tpu.memref_slice %arg4[%add3A_1105, %dma_wait3A_1108] : memref<3276800x128xf32, #tpu.memory_space<hbm>> -> memref<128x128xf32, #tpu.memory_space<hbm>>
      tpu.wait_dma2 semaphore(%arg21 : memref<!tpu.dma_semaphore, #tpu.memory_space<semaphore_mem>>) src(%arg11 : memref<128x128xf32, #tpu.memory_space<vmem>>) dst(%dma_wait3A_1109 : memref<128x128xf32, #tpu.memory_space<hbm>>)
      %dma_start3A_1110 = arith.constant 1024 : i32
      %dma_start3A_1111 = tpu.memref_slice %arg6[%dma_start3A_1110] : memref<5120xi32, #tpu.memory_space<vmem>> -> memref<128xi32, #tpu.memory_space<vmem>>
      %dma_start3A_1112 = arith.constant 0 : i32
      %dma_start3A_1113 = arith.constant 0 : i32
      %dma_start3A_1114 = tpu.memref_slice %arg7[%dma_start3A_1112, %dma_start3A_1113] : memref<300x128xf32, #tpu.memory_space<vmem_shared>> -> memref<300x128xf32, #tpu.memory_space<vmem_shared>>
      tpu.enqueue_indirect_dma source(%dma_start3A_1114 : memref<300x128xf32, #tpu.memory_space<vmem_shared>>) target(%arg11 : memref<128x128xf32, #tpu.memory_space<vmem>>) offsets(%dma_start3A_1111 : memref<128xi32, #tpu.memory_space<vmem>>) semaphore(%arg16 : memref<!tpu.dma_semaphore, #tpu.memory_space<semaphore_mem>>)
      %dma_wait3A_1115 = arith.constant 640 : i32
      %dma_wait3A_1116 = tpu.memref_slice %arg6[%dma_wait3A_1115] : memref<5120xi32, #tpu.memory_space<vmem>> -> memref<128xi32, #tpu.memory_space<vmem>>
      %dma_wait3A_1117 = arith.constant 0 : i32
      %dma_wait3A_1118 = arith.constant 0 : i32
      %dma_wait3A_1119 = tpu.memref_slice %arg7[%dma_wait3A_1117, %dma_wait3A_1118] : memref<300x128xf32, #tpu.memory_space<vmem_shared>> -> memref<300x128xf32, #tpu.memory_space<vmem_shared>>
      tpu.wait_indirect_dma semaphore(%arg13 : memref<!tpu.dma_semaphore, #tpu.memory_space<semaphore_mem>>) src(%dma_wait3A_1119 : memref<300x128xf32, #tpu.memory_space<vmem_shared>>) dst(%arg8 : memref<128x128xf32, #tpu.memory_space<vmem>>)
      %add3A_1120 = arith.constant 640 : i32
      %add3A_1121 = arith.addi %add3A_955, %add3A_1120 : i32
      %dma_start3A_1122 = arith.constant 0 : i32
      %dma_start3A_1123 = tpu.memref_slice %arg4[%add3A_1121, %dma_start3A_1122] : memref<3276800x128xf32, #tpu.memory_space<hbm>> -> memref<128x128xf32, #tpu.memory_space<hbm>>
      %dma_start3A_1124 = arith.constant 0 : i32
      %dma_start3A_1125 = tpu.memref_slice %arg4[%add3A_1121, %dma_start3A_1124] : memref<3276800x128xf32, #tpu.memory_space<hbm>> -> memref<128x128xf32, #tpu.memory_space<hbm>>
      tpu.enqueue_dma source(%arg8 : memref<128x128xf32, #tpu.memory_space<vmem>>) target(%dma_start3A_1125 : memref<128x128xf32, #tpu.memory_space<hbm>>) target_semaphore(%arg18 : memref<!tpu.dma_semaphore, #tpu.memory_space<semaphore_mem>>)
      %add3A_1126 = arith.constant 1152 : i32
      %add3A_1127 = arith.addi %add3A_955, %add3A_1126 : i32
      %dma_wait3A_1128 = arith.constant 0 : i32
      %dma_wait3A_1129 = tpu.memref_slice %arg4[%add3A_1127, %dma_wait3A_1128] : memref<3276800x128xf32, #tpu.memory_space<hbm>> -> memref<128x128xf32, #tpu.memory_space<hbm>>
      %dma_wait3A_1130 = arith.constant 0 : i32
      %dma_wait3A_1131 = tpu.memref_slice %arg4[%add3A_1127, %dma_wait3A_1130] : memref<3276800x128xf32, #tpu.memory_space<hbm>> -> memref<128x128xf32, #tpu.memory_space<hbm>>
      tpu.wait_dma2 semaphore(%arg22 : memref<!tpu.dma_semaphore, #tpu.memory_space<semaphore_mem>>) src(%arg12 : memref<128x128xf32, #tpu.memory_space<vmem>>) dst(%dma_wait3A_1131 : memref<128x128xf32, #tpu.memory_space<hbm>>)
      %dma_start3A_1132 = arith.constant 1152 : i32
      %dma_start3A_1133 = tpu.memref_slice %arg6[%dma_start3A_1132] : memref<5120xi32, #tpu.memory_space<vmem>> -> memref<128xi32, #tpu.memory_space<vmem>>
      %dma_start3A_1134 = arith.constant 0 : i32
      %dma_start3A_1135 = arith.constant 0 : i32
      %dma_start3A_1136 = tpu.memref_slice %arg7[%dma_start3A_1134, %dma_start3A_1135] : memref<300x128xf32, #tpu.memory_space<vmem_shared>> -> memref<300x128xf32, #tpu.memory_space<vmem_shared>>
      tpu.enqueue_indirect_dma source(%dma_start3A_1136 : memref<300x128xf32, #tpu.memory_space<vmem_shared>>) target(%arg12 : memref<128x128xf32, #tpu.memory_space<vmem>>) offsets(%dma_start3A_1133 : memref<128xi32, #tpu.memory_space<vmem>>) semaphore(%arg17 : memref<!tpu.dma_semaphore, #tpu.memory_space<semaphore_mem>>)
      %dma_wait3A_1137 = arith.constant 768 : i32
      %dma_wait3A_1138 = tpu.memref_slice %arg6[%dma_wait3A_1137] : memref<5120xi32, #tpu.memory_space<vmem>> -> memref<128xi32, #tpu.memory_space<vmem>>
      %dma_wait3A_1139 = arith.constant 0 : i32
      %dma_wait3A_1140 = arith.constant 0 : i32
      %dma_wait3A_1141 = tpu.memref_slice %arg7[%dma_wait3A_1139, %dma_wait3A_1140] : memref<300x128xf32, #tpu.memory_space<vmem_shared>> -> memref<300x128xf32, #tpu.memory_space<vmem_shared>>
      tpu.wait_indirect_dma semaphore(%arg14 : memref<!tpu.dma_semaphore, #tpu.memory_space<semaphore_mem>>) src(%dma_wait3A_1141 : memref<300x128xf32, #tpu.memory_space<vmem_shared>>) dst(%arg9 : memref<128x128xf32, #tpu.memory_space<vmem>>)
      %add3A_1142 = arith.constant 768 : i32
      %add3A_1143 = arith.addi %add3A_955, %add3A_1142 : i32
      %dma_start3A_1144 = arith.constant 0 : i32
      %dma_start3A_1145 = tpu.memref_slice %arg4[%add3A_1143, %dma_start3A_1144] : memref<3276800x128xf32, #tpu.memory_space<hbm>> -> memref<128x128xf32, #tpu.memory_space<hbm>>
      %dma_start3A_1146 = arith.constant 0 : i32
      %dma_start3A_1147 = tpu.memref_slice %arg4[%add3A_1143, %dma_start3A_1146] : memref<3276800x128xf32, #tpu.memory_space<hbm>> -> memref<128x128xf32, #tpu.memory_space<hbm>>
      tpu.enqueue_dma source(%arg9 : memref<128x128xf32, #tpu.memory_space<vmem>>) target(%dma_start3A_1147 : memref<128x128xf32, #tpu.memory_space<hbm>>) target_semaphore(%arg19 : memref<!tpu.dma_semaphore, #tpu.memory_space<semaphore_mem>>)
      %add3A_1148 = arith.constant 1280 : i32
      %add3A_1149 = arith.addi %add3A_955, %add3A_1148 : i32
      %dma_wait3A_1150 = arith.constant 0 : i32
      %dma_wait3A_1151 = tpu.memref_slice %arg4[%add3A_1149, %dma_wait3A_1150] : memref<3276800x128xf32, #tpu.memory_space<hbm>> -> memref<128x128xf32, #tpu.memory_space<hbm>>
      %dma_wait3A_1152 = arith.constant 0 : i32
      %dma_wait3A_1153 = tpu.memref_slice %arg4[%add3A_1149, %dma_wait3A_1152] : memref<3276800x128xf32, #tpu.memory_space<hbm>> -> memref<128x128xf32, #tpu.memory_space<hbm>>
      tpu.wait_dma2 semaphore(%arg18 : memref<!tpu.dma_semaphore, #tpu.memory_space<semaphore_mem>>) src(%arg8 : memref<128x128xf32, #tpu.memory_space<vmem>>) dst(%dma_wait3A_1153 : memref<128x128xf32, #tpu.memory_space<hbm>>)
      %dma_start3A_1154 = arith.constant 1280 : i32
      %dma_start3A_1155 = tpu.memref_slice %arg6[%dma_start3A_1154] : memref<5120xi32, #tpu.memory_space<vmem>> -> memref<128xi32, #tpu.memory_space<vmem>>
      %dma_start3A_1156 = arith.constant 0 : i32
      %dma_start3A_1157 = arith.constant 0 : i32
      %dma_start3A_1158 = tpu.memref_slice %arg7[%dma_start3A_1156, %dma_start3A_1157] : memref<300x128xf32, #tpu.memory_space<vmem_shared>> -> memref<300x128xf32, #tpu.memory_space<vmem_shared>>
      tpu.enqueue_indirect_dma source(%dma_start3A_1158 : memref<300x128xf32, #tpu.memory_space<vmem_shared>>) target(%arg8 : memref<128x128xf32, #tpu.memory_space<vmem>>) offsets(%dma_start3A_1155 : memref<128xi32, #tpu.memory_space<vmem>>) semaphore(%arg13 : memref<!tpu.dma_semaphore, #tpu.memory_space<semaphore_mem>>)
      %dma_wait3A_1159 = arith.constant 896 : i32
      %dma_wait3A_1160 = tpu.memref_slice %arg6[%dma_wait3A_1159] : memref<5120xi32, #tpu.memory_space<vmem>> -> memref<128xi32, #tpu.memory_space<vmem>>
      %dma_wait3A_1161 = arith.constant 0 : i32
      %dma_wait3A_1162 = arith.constant 0 : i32
      %dma_wait3A_1163 = tpu.memref_slice %arg7[%dma_wait3A_1161, %dma_wait3A_1162] : memref<300x128xf32, #tpu.memory_space<vmem_shared>> -> memref<300x128xf32, #tpu.memory_space<vmem_shared>>
      tpu.wait_indirect_dma semaphore(%arg15 : memref<!tpu.dma_semaphore, #tpu.memory_space<semaphore_mem>>) src(%dma_wait3A_1163 : memref<300x128xf32, #tpu.memory_space<vmem_shared>>) dst(%arg10 : memref<128x128xf32, #tpu.memory_space<vmem>>)
      %add3A_1164 = arith.constant 896 : i32
      %add3A_1165 = arith.addi %add3A_955, %add3A_1164 : i32
      %dma_start3A_1166 = arith.constant 0 : i32
      %dma_start3A_1167 = tpu.memref_slice %arg4[%add3A_1165, %dma_start3A_1166] : memref<3276800x128xf32, #tpu.memory_space<hbm>> -> memref<128x128xf32, #tpu.memory_space<hbm>>
      %dma_start3A_1168 = arith.constant 0 : i32
      %dma_start3A_1169 = tpu.memref_slice %arg4[%add3A_1165, %dma_start3A_1168] : memref<3276800x128xf32, #tpu.memory_space<hbm>> -> memref<128x128xf32, #tpu.memory_space<hbm>>
      tpu.enqueue_dma source(%arg10 : memref<128x128xf32, #tpu.memory_space<vmem>>) target(%dma_start3A_1169 : memref<128x128xf32, #tpu.memory_space<hbm>>) target_semaphore(%arg20 : memref<!tpu.dma_semaphore, #tpu.memory_space<semaphore_mem>>)
      %add3A_1170 = arith.constant 1408 : i32
      %add3A_1171 = arith.addi %add3A_955, %add3A_1170 : i32
      %dma_wait3A_1172 = arith.constant 0 : i32
      %dma_wait3A_1173 = tpu.memref_slice %arg4[%add3A_1171, %dma_wait3A_1172] : memref<3276800x128xf32, #tpu.memory_space<hbm>> -> memref<128x128xf32, #tpu.memory_space<hbm>>
      %dma_wait3A_1174 = arith.constant 0 : i32
      %dma_wait3A_1175 = tpu.memref_slice %arg4[%add3A_1171, %dma_wait3A_1174] : memref<3276800x128xf32, #tpu.memory_space<hbm>> -> memref<128x128xf32, #tpu.memory_space<hbm>>
      tpu.wait_dma2 semaphore(%arg19 : memref<!tpu.dma_semaphore, #tpu.memory_space<semaphore_mem>>) src(%arg9 : memref<128x128xf32, #tpu.memory_space<vmem>>) dst(%dma_wait3A_1175 : memref<128x128xf32, #tpu.memory_space<hbm>>)
      %dma_start3A_1176 = arith.constant 1408 : i32
      %dma_start3A_1177 = tpu.memref_slice %arg6[%dma_start3A_1176] : memref<5120xi32, #tpu.memory_space<vmem>> -> memref<128xi32, #tpu.memory_space<vmem>>
      %dma_start3A_1178 = arith.constant 0 : i32
      %dma_start3A_1179 = arith.constant 0 : i32
      %dma_start3A_1180 = tpu.memref_slice %arg7[%dma_start3A_1178, %dma_start3A_1179] : memref<300x128xf32, #tpu.memory_space<vmem_shared>> -> memref<300x128xf32, #tpu.memory_space<vmem_shared>>
      tpu.enqueue_indirect_dma source(%dma_start3A_1180 : memref<300x128xf32, #tpu.memory_space<vmem_shared>>) target(%arg9 : memref<128x128xf32, #tpu.memory_space<vmem>>) offsets(%dma_start3A_1177 : memref<128xi32, #tpu.memory_space<vmem>>) semaphore(%arg14 : memref<!tpu.dma_semaphore, #tpu.memory_space<semaphore_mem>>)
      %dma_wait3A_1181 = arith.constant 1024 : i32
      %dma_wait3A_1182 = tpu.memref_slice %arg6[%dma_wait3A_1181] : memref<5120xi32, #tpu.memory_space<vmem>> -> memref<128xi32, #tpu.memory_space<vmem>>
      %dma_wait3A_1183 = arith.constant 0 : i32
      %dma_wait3A_1184 = arith.constant 0 : i32
      %dma_wait3A_1185 = tpu.memref_slice %arg7[%dma_wait3A_1183, %dma_wait3A_1184] : memref<300x128xf32, #tpu.memory_space<vmem_shared>> -> memref<300x128xf32, #tpu.memory_space<vmem_shared>>
      tpu.wait_indirect_dma semaphore(%arg16 : memref<!tpu.dma_semaphore, #tpu.memory_space<semaphore_mem>>) src(%dma_wait3A_1185 : memref<300x128xf32, #tpu.memory_space<vmem_shared>>) dst(%arg11 : memref<128x128xf32, #tpu.memory_space<vmem>>)
      %add3A_1186 = arith.constant 1024 : i32
      %add3A_1187 = arith.addi %add3A_955, %add3A_1186 : i32
      %dma_start3A_1188 = arith.constant 0 : i32
      %dma_start3A_1189 = tpu.memref_slice %arg4[%add3A_1187, %dma_start3A_1188] : memref<3276800x128xf32, #tpu.memory_space<hbm>> -> memref<128x128xf32, #tpu.memory_space<hbm>>
      %dma_start3A_1190 = arith.constant 0 : i32
      %dma_start3A_1191 = tpu.memref_slice %arg4[%add3A_1187, %dma_start3A_1190] : memref<3276800x128xf32, #tpu.memory_space<hbm>> -> memref<128x128xf32, #tpu.memory_space<hbm>>
      tpu.enqueue_dma source(%arg11 : memref<128x128xf32, #tpu.memory_space<vmem>>) target(%dma_start3A_1191 : memref<128x128xf32, #tpu.memory_space<hbm>>) target_semaphore(%arg21 : memref<!tpu.dma_semaphore, #tpu.memory_space<semaphore_mem>>)
      %add3A_1192 = arith.constant 1536 : i32
      %add3A_1193 = arith.addi %add3A_955, %add3A_1192 : i32
      %dma_wait3A_1194 = arith.constant 0 : i32
      %dma_wait3A_1195 = tpu.memref_slice %arg4[%add3A_1193, %dma_wait3A_1194] : memref<3276800x128xf32, #tpu.memory_space<hbm>> -> memref<128x128xf32, #tpu.memory_space<hbm>>
      %dma_wait3A_1196 = arith.constant 0 : i32
      %dma_wait3A_1197 = tpu.memref_slice %arg4[%add3A_1193, %dma_wait3A_1196] : memref<3276800x128xf32, #tpu.memory_space<hbm>> -> memref<128x128xf32, #tpu.memory_space<hbm>>
      tpu.wait_dma2 semaphore(%arg20 : memref<!tpu.dma_semaphore, #tpu.memory_space<semaphore_mem>>) src(%arg10 : memref<128x128xf32, #tpu.memory_space<vmem>>) dst(%dma_wait3A_1197 : memref<128x128xf32, #tpu.memory_space<hbm>>)
      %dma_start3A_1198 = arith.constant 1536 : i32
      %dma_start3A_1199 = tpu.memref_slice %arg6[%dma_start3A_1198] : memref<5120xi32, #tpu.memory_space<vmem>> -> memref<128xi32, #tpu.memory_space<vmem>>
      %dma_start3A_1200 = arith.constant 0 : i32
      %dma_start3A_1201 = arith.constant 0 : i32
      %dma_start3A_1202 = tpu.memref_slice %arg7[%dma_start3A_1200, %dma_start3A_1201] : memref<300x128xf32, #tpu.memory_space<vmem_shared>> -> memref<300x128xf32, #tpu.memory_space<vmem_shared>>
      tpu.enqueue_indirect_dma source(%dma_start3A_1202 : memref<300x128xf32, #tpu.memory_space<vmem_shared>>) target(%arg10 : memref<128x128xf32, #tpu.memory_space<vmem>>) offsets(%dma_start3A_1199 : memref<128xi32, #tpu.memory_space<vmem>>) semaphore(%arg15 : memref<!tpu.dma_semaphore, #tpu.memory_space<semaphore_mem>>)
      %dma_wait3A_1203 = arith.constant 1152 : i32
      %dma_wait3A_1204 = tpu.memref_slice %arg6[%dma_wait3A_1203] : memref<5120xi32, #tpu.memory_space<vmem>> -> memref<128xi32, #tpu.memory_space<vmem>>
      %dma_wait3A_1205 = arith.constant 0 : i32
      %dma_wait3A_1206 = arith.constant 0 : i32
      %dma_wait3A_1207 = tpu.memref_slice %arg7[%dma_wait3A_1205, %dma_wait3A_1206] : memref<300x128xf32, #tpu.memory_space<vmem_shared>> -> memref<300x128xf32, #tpu.memory_space<vmem_shared>>
      tpu.wait_indirect_dma semaphore(%arg17 : memref<!tpu.dma_semaphore, #tpu.memory_space<semaphore_mem>>) src(%dma_wait3A_1207 : memref<300x128xf32, #tpu.memory_space<vmem_shared>>) dst(%arg12 : memref<128x128xf32, #tpu.memory_space<vmem>>)
      %add3A_1208 = arith.constant 1152 : i32
      %add3A_1209 = arith.addi %add3A_955, %add3A_1208 : i32
      %dma_start3A_1210 = arith.constant 0 : i32
      %dma_start3A_1211 = tpu.memref_slice %arg4[%add3A_1209, %dma_start3A_1210] : memref<3276800x128xf32, #tpu.memory_space<hbm>> -> memref<128x128xf32, #tpu.memory_space<hbm>>
      %dma_start3A_1212 = arith.constant 0 : i32
      %dma_start3A_1213 = tpu.memref_slice %arg4[%add3A_1209, %dma_start3A_1212] : memref<3276800x128xf32, #tpu.memory_space<hbm>> -> memref<128x128xf32, #tpu.memory_space<hbm>>
      tpu.enqueue_dma source(%arg12 : memref<128x128xf32, #tpu.memory_space<vmem>>) target(%dma_start3A_1213 : memref<128x128xf32, #tpu.memory_space<hbm>>) target_semaphore(%arg22 : memref<!tpu.dma_semaphore, #tpu.memory_space<semaphore_mem>>)
      %add3A_1214 = arith.constant 1664 : i32
      %add3A_1215 = arith.addi %add3A_955, %add3A_1214 : i32
      %dma_wait3A_1216 = arith.constant 0 : i32
      %dma_wait3A_1217 = tpu.memref_slice %arg4[%add3A_1215, %dma_wait3A_1216] : memref<3276800x128xf32, #tpu.memory_space<hbm>> -> memref<128x128xf32, #tpu.memory_space<hbm>>
      %dma_wait3A_1218 = arith.constant 0 : i32
      %dma_wait3A_1219 = tpu.memref_slice %arg4[%add3A_1215, %dma_wait3A_1218] : memref<3276800x128xf32, #tpu.memory_space<hbm>> -> memref<128x128xf32, #tpu.memory_space<hbm>>
      tpu.wait_dma2 semaphore(%arg21 : memref<!tpu.dma_semaphore, #tpu.memory_space<semaphore_mem>>) src(%arg11 : memref<128x128xf32, #tpu.memory_space<vmem>>) dst(%dma_wait3A_1219 : memref<128x128xf32, #tpu.memory_space<hbm>>)
      %dma_start3A_1220 = arith.constant 1664 : i32
      %dma_start3A_1221 = tpu.memref_slice %arg6[%dma_start3A_1220] : memref<5120xi32, #tpu.memory_space<vmem>> -> memref<128xi32, #tpu.memory_space<vmem>>
      %dma_start3A_1222 = arith.constant 0 : i32
      %dma_start3A_1223 = arith.constant 0 : i32
      %dma_start3A_1224 = tpu.memref_slice %arg7[%dma_start3A_1222, %dma_start3A_1223] : memref<300x128xf32, #tpu.memory_space<vmem_shared>> -> memref<300x128xf32, #tpu.memory_space<vmem_shared>>
      tpu.enqueue_indirect_dma source(%dma_start3A_1224 : memref<300x128xf32, #tpu.memory_space<vmem_shared>>) target(%arg11 : memref<128x128xf32, #tpu.memory_space<vmem>>) offsets(%dma_start3A_1221 : memref<128xi32, #tpu.memory_space<vmem>>) semaphore(%arg16 : memref<!tpu.dma_semaphore, #tpu.memory_space<semaphore_mem>>)
      %dma_wait3A_1225 = arith.constant 1280 : i32
      %dma_wait3A_1226 = tpu.memref_slice %arg6[%dma_wait3A_1225] : memref<5120xi32, #tpu.memory_space<vmem>> -> memref<128xi32, #tpu.memory_space<vmem>>
      %dma_wait3A_1227 = arith.constant 0 : i32
      %dma_wait3A_1228 = arith.constant 0 : i32
      %dma_wait3A_1229 = tpu.memref_slice %arg7[%dma_wait3A_1227, %dma_wait3A_1228] : memref<300x128xf32, #tpu.memory_space<vmem_shared>> -> memref<300x128xf32, #tpu.memory_space<vmem_shared>>
      tpu.wait_indirect_dma semaphore(%arg13 : memref<!tpu.dma_semaphore, #tpu.memory_space<semaphore_mem>>) src(%dma_wait3A_1229 : memref<300x128xf32, #tpu.memory_space<vmem_shared>>) dst(%arg8 : memref<128x128xf32, #tpu.memory_space<vmem>>)
      %add3A_1230 = arith.constant 1280 : i32
      %add3A_1231 = arith.addi %add3A_955, %add3A_1230 : i32
      %dma_start3A_1232 = arith.constant 0 : i32
      %dma_start3A_1233 = tpu.memref_slice %arg4[%add3A_1231, %dma_start3A_1232] : memref<3276800x128xf32, #tpu.memory_space<hbm>> -> memref<128x128xf32, #tpu.memory_space<hbm>>
      %dma_start3A_1234 = arith.constant 0 : i32
      %dma_start3A_1235 = tpu.memref_slice %arg4[%add3A_1231, %dma_start3A_1234] : memref<3276800x128xf32, #tpu.memory_space<hbm>> -> memref<128x128xf32, #tpu.memory_space<hbm>>
      tpu.enqueue_dma source(%arg8 : memref<128x128xf32, #tpu.memory_space<vmem>>) target(%dma_start3A_1235 : memref<128x128xf32, #tpu.memory_space<hbm>>) target_semaphore(%arg18 : memref<!tpu.dma_semaphore, #tpu.memory_space<semaphore_mem>>)
      %add3A_1236 = arith.constant 1792 : i32
      %add3A_1237 = arith.addi %add3A_955, %add3A_1236 : i32
      %dma_wait3A_1238 = arith.constant 0 : i32
      %dma_wait3A_1239 = tpu.memref_slice %arg4[%add3A_1237, %dma_wait3A_1238] : memref<3276800x128xf32, #tpu.memory_space<hbm>> -> memref<128x128xf32, #tpu.memory_space<hbm>>
      %dma_wait3A_1240 = arith.constant 0 : i32
      %dma_wait3A_1241 = tpu.memref_slice %arg4[%add3A_1237, %dma_wait3A_1240] : memref<3276800x128xf32, #tpu.memory_space<hbm>> -> memref<128x128xf32, #tpu.memory_space<hbm>>
      tpu.wait_dma2 semaphore(%arg22 : memref<!tpu.dma_semaphore, #tpu.memory_space<semaphore_mem>>) src(%arg12 : memref<128x128xf32, #tpu.memory_space<vmem>>) dst(%dma_wait3A_1241 : memref<128x128xf32, #tpu.memory_space<hbm>>)
      %dma_start3A_1242 = arith.constant 1792 : i32
      %dma_start3A_1243 = tpu.memref_slice %arg6[%dma_start3A_1242] : memref<5120xi32, #tpu.memory_space<vmem>> -> memref<128xi32, #tpu.memory_space<vmem>>
      %dma_start3A_1244 = arith.constant 0 : i32
      %dma_start3A_1245 = arith.constant 0 : i32
      %dma_start3A_1246 = tpu.memref_slice %arg7[%dma_start3A_1244, %dma_start3A_1245] : memref<300x128xf32, #tpu.memory_space<vmem_shared>> -> memref<300x128xf32, #tpu.memory_space<vmem_shared>>
      tpu.enqueue_indirect_dma source(%dma_start3A_1246 : memref<300x128xf32, #tpu.memory_space<vmem_shared>>) target(%arg12 : memref<128x128xf32, #tpu.memory_space<vmem>>) offsets(%dma_start3A_1243 : memref<128xi32, #tpu.memory_space<vmem>>) semaphore(%arg17 : memref<!tpu.dma_semaphore, #tpu.memory_space<semaphore_mem>>)
      %dma_wait3A_1247 = arith.constant 1408 : i32
      %dma_wait3A_1248 = tpu.memref_slice %arg6[%dma_wait3A_1247] : memref<5120xi32, #tpu.memory_space<vmem>> -> memref<128xi32, #tpu.memory_space<vmem>>
      %dma_wait3A_1249 = arith.constant 0 : i32
      %dma_wait3A_1250 = arith.constant 0 : i32
      %dma_wait3A_1251 = tpu.memref_slice %arg7[%dma_wait3A_1249, %dma_wait3A_1250] : memref<300x128xf32, #tpu.memory_space<vmem_shared>> -> memref<300x128xf32, #tpu.memory_space<vmem_shared>>
      tpu.wait_indirect_dma semaphore(%arg14 : memref<!tpu.dma_semaphore, #tpu.memory_space<semaphore_mem>>) src(%dma_wait3A_1251 : memref<300x128xf32, #tpu.memory_space<vmem_shared>>) dst(%arg9 : memref<128x128xf32, #tpu.memory_space<vmem>>)
      %add3A_1252 = arith.constant 1408 : i32
      %add3A_1253 = arith.addi %add3A_955, %add3A_1252 : i32
      %dma_start3A_1254 = arith.constant 0 : i32
      %dma_start3A_1255 = tpu.memref_slice %arg4[%add3A_1253, %dma_start3A_1254] : memref<3276800x128xf32, #tpu.memory_space<hbm>> -> memref<128x128xf32, #tpu.memory_space<hbm>>
      %dma_start3A_1256 = arith.constant 0 : i32
      %dma_start3A_1257 = tpu.memref_slice %arg4[%add3A_1253, %dma_start3A_1256] : memref<3276800x128xf32, #tpu.memory_space<hbm>> -> memref<128x128xf32, #tpu.memory_space<hbm>>
      tpu.enqueue_dma source(%arg9 : memref<128x128xf32, #tpu.memory_space<vmem>>) target(%dma_start3A_1257 : memref<128x128xf32, #tpu.memory_space<hbm>>) target_semaphore(%arg19 : memref<!tpu.dma_semaphore, #tpu.memory_space<semaphore_mem>>)
      %add3A_1258 = arith.constant 1920 : i32
      %add3A_1259 = arith.addi %add3A_955, %add3A_1258 : i32
      %dma_wait3A_1260 = arith.constant 0 : i32
      %dma_wait3A_1261 = tpu.memref_slice %arg4[%add3A_1259, %dma_wait3A_1260] : memref<3276800x128xf32, #tpu.memory_space<hbm>> -> memref<128x128xf32, #tpu.memory_space<hbm>>
      %dma_wait3A_1262 = arith.constant 0 : i32
      %dma_wait3A_1263 = tpu.memref_slice %arg4[%add3A_1259, %dma_wait3A_1262] : memref<3276800x128xf32, #tpu.memory_space<hbm>> -> memref<128x128xf32, #tpu.memory_space<hbm>>
      tpu.wait_dma2 semaphore(%arg18 : memref<!tpu.dma_semaphore, #tpu.memory_space<semaphore_mem>>) src(%arg8 : memref<128x128xf32, #tpu.memory_space<vmem>>) dst(%dma_wait3A_1263 : memref<128x128xf32, #tpu.memory_space<hbm>>)
      %dma_start3A_1264 = arith.constant 1920 : i32
      %dma_start3A_1265 = tpu.memref_slice %arg6[%dma_start3A_1264] : memref<5120xi32, #tpu.memory_space<vmem>> -> memref<128xi32, #tpu.memory_space<vmem>>
      %dma_start3A_1266 = arith.constant 0 : i32
      %dma_start3A_1267 = arith.constant 0 : i32
      %dma_start3A_1268 = tpu.memref_slice %arg7[%dma_start3A_1266, %dma_start3A_1267] : memref<300x128xf32, #tpu.memory_space<vmem_shared>> -> memref<300x128xf32, #tpu.memory_space<vmem_shared>>
      tpu.enqueue_indirect_dma source(%dma_start3A_1268 : memref<300x128xf32, #tpu.memory_space<vmem_shared>>) target(%arg8 : memref<128x128xf32, #tpu.memory_space<vmem>>) offsets(%dma_start3A_1265 : memref<128xi32, #tpu.memory_space<vmem>>) semaphore(%arg13 : memref<!tpu.dma_semaphore, #tpu.memory_space<semaphore_mem>>)
      %dma_wait3A_1269 = arith.constant 1536 : i32
      %dma_wait3A_1270 = tpu.memref_slice %arg6[%dma_wait3A_1269] : memref<5120xi32, #tpu.memory_space<vmem>> -> memref<128xi32, #tpu.memory_space<vmem>>
      %dma_wait3A_1271 = arith.constant 0 : i32
      %dma_wait3A_1272 = arith.constant 0 : i32
      %dma_wait3A_1273 = tpu.memref_slice %arg7[%dma_wait3A_1271, %dma_wait3A_1272] : memref<300x128xf32, #tpu.memory_space<vmem_shared>> -> memref<300x128xf32, #tpu.memory_space<vmem_shared>>
      tpu.wait_indirect_dma semaphore(%arg15 : memref<!tpu.dma_semaphore, #tpu.memory_space<semaphore_mem>>) src(%dma_wait3A_1273 : memref<300x128xf32, #tpu.memory_space<vmem_shared>>) dst(%arg10 : memref<128x128xf32, #tpu.memory_space<vmem>>)
      %add3A_1274 = arith.constant 1536 : i32
      %add3A_1275 = arith.addi %add3A_955, %add3A_1274 : i32
      %dma_start3A_1276 = arith.constant 0 : i32
      %dma_start3A_1277 = tpu.memref_slice %arg4[%add3A_1275, %dma_start3A_1276] : memref<3276800x128xf32, #tpu.memory_space<hbm>> -> memref<128x128xf32, #tpu.memory_space<hbm>>
      %dma_start3A_1278 = arith.constant 0 : i32
      %dma_start3A_1279 = tpu.memref_slice %arg4[%add3A_1275, %dma_start3A_1278] : memref<3276800x128xf32, #tpu.memory_space<hbm>> -> memref<128x128xf32, #tpu.memory_space<hbm>>
      tpu.enqueue_dma source(%arg10 : memref<128x128xf32, #tpu.memory_space<vmem>>) target(%dma_start3A_1279 : memref<128x128xf32, #tpu.memory_space<hbm>>) target_semaphore(%arg20 : memref<!tpu.dma_semaphore, #tpu.memory_space<semaphore_mem>>)
      %add3A_1280 = arith.constant 2048 : i32
      %add3A_1281 = arith.addi %add3A_955, %add3A_1280 : i32
      %dma_wait3A_1282 = arith.constant 0 : i32
      %dma_wait3A_1283 = tpu.memref_slice %arg4[%add3A_1281, %dma_wait3A_1282] : memref<3276800x128xf32, #tpu.memory_space<hbm>> -> memref<128x128xf32, #tpu.memory_space<hbm>>
      %dma_wait3A_1284 = arith.constant 0 : i32
      %dma_wait3A_1285 = tpu.memref_slice %arg4[%add3A_1281, %dma_wait3A_1284] : memref<3276800x128xf32, #tpu.memory_space<hbm>> -> memref<128x128xf32, #tpu.memory_space<hbm>>
      tpu.wait_dma2 semaphore(%arg19 : memref<!tpu.dma_semaphore, #tpu.memory_space<semaphore_mem>>) src(%arg9 : memref<128x128xf32, #tpu.memory_space<vmem>>) dst(%dma_wait3A_1285 : memref<128x128xf32, #tpu.memory_space<hbm>>)
      %dma_start3A_1286 = arith.constant 2048 : i32
      %dma_start3A_1287 = tpu.memref_slice %arg6[%dma_start3A_1286] : memref<5120xi32, #tpu.memory_space<vmem>> -> memref<128xi32, #tpu.memory_space<vmem>>
      %dma_start3A_1288 = arith.constant 0 : i32
      %dma_start3A_1289 = arith.constant 0 : i32
      %dma_start3A_1290 = tpu.memref_slice %arg7[%dma_start3A_1288, %dma_start3A_1289] : memref<300x128xf32, #tpu.memory_space<vmem_shared>> -> memref<300x128xf32, #tpu.memory_space<vmem_shared>>
      tpu.enqueue_indirect_dma source(%dma_start3A_1290 : memref<300x128xf32, #tpu.memory_space<vmem_shared>>) target(%arg9 : memref<128x128xf32, #tpu.memory_space<vmem>>) offsets(%dma_start3A_1287 : memref<128xi32, #tpu.memory_space<vmem>>) semaphore(%arg14 : memref<!tpu.dma_semaphore, #tpu.memory_space<semaphore_mem>>)
      %dma_wait3A_1291 = arith.constant 1664 : i32
      %dma_wait3A_1292 = tpu.memref_slice %arg6[%dma_wait3A_1291] : memref<5120xi32, #tpu.memory_space<vmem>> -> memref<128xi32, #tpu.memory_space<vmem>>
      %dma_wait3A_1293 = arith.constant 0 : i32
      %dma_wait3A_1294 = arith.constant 0 : i32
      %dma_wait3A_1295 = tpu.memref_slice %arg7[%dma_wait3A_1293, %dma_wait3A_1294] : memref<300x128xf32, #tpu.memory_space<vmem_shared>> -> memref<300x128xf32, #tpu.memory_space<vmem_shared>>
      tpu.wait_indirect_dma semaphore(%arg16 : memref<!tpu.dma_semaphore, #tpu.memory_space<semaphore_mem>>) src(%dma_wait3A_1295 : memref<300x128xf32, #tpu.memory_space<vmem_shared>>) dst(%arg11 : memref<128x128xf32, #tpu.memory_space<vmem>>)
      %add3A_1296 = arith.constant 1664 : i32
      %add3A_1297 = arith.addi %add3A_955, %add3A_1296 : i32
      %dma_start3A_1298 = arith.constant 0 : i32
      %dma_start3A_1299 = tpu.memref_slice %arg4[%add3A_1297, %dma_start3A_1298] : memref<3276800x128xf32, #tpu.memory_space<hbm>> -> memref<128x128xf32, #tpu.memory_space<hbm>>
      %dma_start3A_1300 = arith.constant 0 : i32
      %dma_start3A_1301 = tpu.memref_slice %arg4[%add3A_1297, %dma_start3A_1300] : memref<3276800x128xf32, #tpu.memory_space<hbm>> -> memref<128x128xf32, #tpu.memory_space<hbm>>
      tpu.enqueue_dma source(%arg11 : memref<128x128xf32, #tpu.memory_space<vmem>>) target(%dma_start3A_1301 : memref<128x128xf32, #tpu.memory_space<hbm>>) target_semaphore(%arg21 : memref<!tpu.dma_semaphore, #tpu.memory_space<semaphore_mem>>)
      %add3A_1302 = arith.constant 2176 : i32
      %add3A_1303 = arith.addi %add3A_955, %add3A_1302 : i32
      %dma_wait3A_1304 = arith.constant 0 : i32
      %dma_wait3A_1305 = tpu.memref_slice %arg4[%add3A_1303, %dma_wait3A_1304] : memref<3276800x128xf32, #tpu.memory_space<hbm>> -> memref<128x128xf32, #tpu.memory_space<hbm>>
      %dma_wait3A_1306 = arith.constant 0 : i32
      %dma_wait3A_1307 = tpu.memref_slice %arg4[%add3A_1303, %dma_wait3A_1306] : memref<3276800x128xf32, #tpu.memory_space<hbm>> -> memref<128x128xf32, #tpu.memory_space<hbm>>
      tpu.wait_dma2 semaphore(%arg20 : memref<!tpu.dma_semaphore, #tpu.memory_space<semaphore_mem>>) src(%arg10 : memref<128x128xf32, #tpu.memory_space<vmem>>) dst(%dma_wait3A_1307 : memref<128x128xf32, #tpu.memory_space<hbm>>)
      %dma_start3A_1308 = arith.constant 2176 : i32
      %dma_start3A_1309 = tpu.memref_slice %arg6[%dma_start3A_1308] : memref<5120xi32, #tpu.memory_space<vmem>> -> memref<128xi32, #tpu.memory_space<vmem>>
      %dma_start3A_1310 = arith.constant 0 : i32
      %dma_start3A_1311 = arith.constant 0 : i32
      %dma_start3A_1312 = tpu.memref_slice %arg7[%dma_start3A_1310, %dma_start3A_1311] : memref<300x128xf32, #tpu.memory_space<vmem_shared>> -> memref<300x128xf32, #tpu.memory_space<vmem_shared>>
      tpu.enqueue_indirect_dma source(%dma_start3A_1312 : memref<300x128xf32, #tpu.memory_space<vmem_shared>>) target(%arg10 : memref<128x128xf32, #tpu.memory_space<vmem>>) offsets(%dma_start3A_1309 : memref<128xi32, #tpu.memory_space<vmem>>) semaphore(%arg15 : memref<!tpu.dma_semaphore, #tpu.memory_space<semaphore_mem>>)
      %dma_wait3A_1313 = arith.constant 1792 : i32
      %dma_wait3A_1314 = tpu.memref_slice %arg6[%dma_wait3A_1313] : memref<5120xi32, #tpu.memory_space<vmem>> -> memref<128xi32, #tpu.memory_space<vmem>>
      %dma_wait3A_1315 = arith.constant 0 : i32
      %dma_wait3A_1316 = arith.constant 0 : i32
      %dma_wait3A_1317 = tpu.memref_slice %arg7[%dma_wait3A_1315, %dma_wait3A_1316] : memref<300x128xf32, #tpu.memory_space<vmem_shared>> -> memref<300x128xf32, #tpu.memory_space<vmem_shared>>
      tpu.wait_indirect_dma semaphore(%arg17 : memref<!tpu.dma_semaphore, #tpu.memory_space<semaphore_mem>>) src(%dma_wait3A_1317 : memref<300x128xf32, #tpu.memory_space<vmem_shared>>) dst(%arg12 : memref<128x128xf32, #tpu.memory_space<vmem>>)
      %add3A_1318 = arith.constant 1792 : i32
      %add3A_1319 = arith.addi %add3A_955, %add3A_1318 : i32
      %dma_start3A_1320 = arith.constant 0 : i32
      %dma_start3A_1321 = tpu.memref_slice %arg4[%add3A_1319, %dma_start3A_1320] : memref<3276800x128xf32, #tpu.memory_space<hbm>> -> memref<128x128xf32, #tpu.memory_space<hbm>>
      %dma_start3A_1322 = arith.constant 0 : i32
      %dma_start3A_1323 = tpu.memref_slice %arg4[%add3A_1319, %dma_start3A_1322] : memref<3276800x128xf32, #tpu.memory_space<hbm>> -> memref<128x128xf32, #tpu.memory_space<hbm>>
      tpu.enqueue_dma source(%arg12 : memref<128x128xf32, #tpu.memory_space<vmem>>) target(%dma_start3A_1323 : memref<128x128xf32, #tpu.memory_space<hbm>>) target_semaphore(%arg22 : memref<!tpu.dma_semaphore, #tpu.memory_space<semaphore_mem>>)
      %add3A_1324 = arith.constant 2304 : i32
      %add3A_1325 = arith.addi %add3A_955, %add3A_1324 : i32
      %dma_wait3A_1326 = arith.constant 0 : i32
      %dma_wait3A_1327 = tpu.memref_slice %arg4[%add3A_1325, %dma_wait3A_1326] : memref<3276800x128xf32, #tpu.memory_space<hbm>> -> memref<128x128xf32, #tpu.memory_space<hbm>>
      %dma_wait3A_1328 = arith.constant 0 : i32
      %dma_wait3A_1329 = tpu.memref_slice %arg4[%add3A_1325, %dma_wait3A_1328] : memref<3276800x128xf32, #tpu.memory_space<hbm>> -> memref<128x128xf32, #tpu.memory_space<hbm>>
      tpu.wait_dma2 semaphore(%arg21 : memref<!tpu.dma_semaphore, #tpu.memory_space<semaphore_mem>>) src(%arg11 : memref<128x128xf32, #tpu.memory_space<vmem>>) dst(%dma_wait3A_1329 : memref<128x128xf32, #tpu.memory_space<hbm>>)
      %dma_start3A_1330 = arith.constant 2304 : i32
      %dma_start3A_1331 = tpu.memref_slice %arg6[%dma_start3A_1330] : memref<5120xi32, #tpu.memory_space<vmem>> -> memref<128xi32, #tpu.memory_space<vmem>>
      %dma_start3A_1332 = arith.constant 0 : i32
      %dma_start3A_1333 = arith.constant 0 : i32
      %dma_start3A_1334 = tpu.memref_slice %arg7[%dma_start3A_1332, %dma_start3A_1333] : memref<300x128xf32, #tpu.memory_space<vmem_shared>> -> memref<300x128xf32, #tpu.memory_space<vmem_shared>>
      tpu.enqueue_indirect_dma source(%dma_start3A_1334 : memref<300x128xf32, #tpu.memory_space<vmem_shared>>) target(%arg11 : memref<128x128xf32, #tpu.memory_space<vmem>>) offsets(%dma_start3A_1331 : memref<128xi32, #tpu.memory_space<vmem>>) semaphore(%arg16 : memref<!tpu.dma_semaphore, #tpu.memory_space<semaphore_mem>>)
      %dma_wait3A_1335 = arith.constant 1920 : i32
      %dma_wait3A_1336 = tpu.memref_slice %arg6[%dma_wait3A_1335] : memref<5120xi32, #tpu.memory_space<vmem>> -> memref<128xi32, #tpu.memory_space<vmem>>
      %dma_wait3A_1337 = arith.constant 0 : i32
      %dma_wait3A_1338 = arith.constant 0 : i32
      %dma_wait3A_1339 = tpu.memref_slice %arg7[%dma_wait3A_1337, %dma_wait3A_1338] : memref<300x128xf32, #tpu.memory_space<vmem_shared>> -> memref<300x128xf32, #tpu.memory_space<vmem_shared>>
      tpu.wait_indirect_dma semaphore(%arg13 : memref<!tpu.dma_semaphore, #tpu.memory_space<semaphore_mem>>) src(%dma_wait3A_1339 : memref<300x128xf32, #tpu.memory_space<vmem_shared>>) dst(%arg8 : memref<128x128xf32, #tpu.memory_space<vmem>>)
      %add3A_1340 = arith.constant 1920 : i32
      %add3A_1341 = arith.addi %add3A_955, %add3A_1340 : i32
      %dma_start3A_1342 = arith.constant 0 : i32
      %dma_start3A_1343 = tpu.memref_slice %arg4[%add3A_1341, %dma_start3A_1342] : memref<3276800x128xf32, #tpu.memory_space<hbm>> -> memref<128x128xf32, #tpu.memory_space<hbm>>
      %dma_start3A_1344 = arith.constant 0 : i32
      %dma_start3A_1345 = tpu.memref_slice %arg4[%add3A_1341, %dma_start3A_1344] : memref<3276800x128xf32, #tpu.memory_space<hbm>> -> memref<128x128xf32, #tpu.memory_space<hbm>>
      tpu.enqueue_dma source(%arg8 : memref<128x128xf32, #tpu.memory_space<vmem>>) target(%dma_start3A_1345 : memref<128x128xf32, #tpu.memory_space<hbm>>) target_semaphore(%arg18 : memref<!tpu.dma_semaphore, #tpu.memory_space<semaphore_mem>>)
      %add3A_1346 = arith.constant 2432 : i32
      %add3A_1347 = arith.addi %add3A_955, %add3A_1346 : i32
      %dma_wait3A_1348 = arith.constant 0 : i32
      %dma_wait3A_1349 = tpu.memref_slice %arg4[%add3A_1347, %dma_wait3A_1348] : memref<3276800x128xf32, #tpu.memory_space<hbm>> -> memref<128x128xf32, #tpu.memory_space<hbm>>
      %dma_wait3A_1350 = arith.constant 0 : i32
      %dma_wait3A_1351 = tpu.memref_slice %arg4[%add3A_1347, %dma_wait3A_1350] : memref<3276800x128xf32, #tpu.memory_space<hbm>> -> memref<128x128xf32, #tpu.memory_space<hbm>>
      tpu.wait_dma2 semaphore(%arg22 : memref<!tpu.dma_semaphore, #tpu.memory_space<semaphore_mem>>) src(%arg12 : memref<128x128xf32, #tpu.memory_space<vmem>>) dst(%dma_wait3A_1351 : memref<128x128xf32, #tpu.memory_space<hbm>>)
      %dma_start3A_1352 = arith.constant 2432 : i32
      %dma_start3A_1353 = tpu.memref_slice %arg6[%dma_start3A_1352] : memref<5120xi32, #tpu.memory_space<vmem>> -> memref<128xi32, #tpu.memory_space<vmem>>
      %dma_start3A_1354 = arith.constant 0 : i32
      %dma_start3A_1355 = arith.constant 0 : i32
      %dma_start3A_1356 = tpu.memref_slice %arg7[%dma_start3A_1354, %dma_start3A_1355] : memref<300x128xf32, #tpu.memory_space<vmem_shared>> -> memref<300x128xf32, #tpu.memory_space<vmem_shared>>
      tpu.enqueue_indirect_dma source(%dma_start3A_1356 : memref<300x128xf32, #tpu.memory_space<vmem_shared>>) target(%arg12 : memref<128x128xf32, #tpu.memory_space<vmem>>) offsets(%dma_start3A_1353 : memref<128xi32, #tpu.memory_space<vmem>>) semaphore(%arg17 : memref<!tpu.dma_semaphore, #tpu.memory_space<semaphore_mem>>)
      %dma_wait3A_1357 = arith.constant 2048 : i32
      %dma_wait3A_1358 = tpu.memref_slice %arg6[%dma_wait3A_1357] : memref<5120xi32, #tpu.memory_space<vmem>> -> memref<128xi32, #tpu.memory_space<vmem>>
      %dma_wait3A_1359 = arith.constant 0 : i32
      %dma_wait3A_1360 = arith.constant 0 : i32
      %dma_wait3A_1361 = tpu.memref_slice %arg7[%dma_wait3A_1359, %dma_wait3A_1360] : memref<300x128xf32, #tpu.memory_space<vmem_shared>> -> memref<300x128xf32, #tpu.memory_space<vmem_shared>>
      tpu.wait_indirect_dma semaphore(%arg14 : memref<!tpu.dma_semaphore, #tpu.memory_space<semaphore_mem>>) src(%dma_wait3A_1361 : memref<300x128xf32, #tpu.memory_space<vmem_shared>>) dst(%arg9 : memref<128x128xf32, #tpu.memory_space<vmem>>)
      %add3A_1362 = arith.constant 2048 : i32
      %add3A_1363 = arith.addi %add3A_955, %add3A_1362 : i32
      %dma_start3A_1364 = arith.constant 0 : i32
      %dma_start3A_1365 = tpu.memref_slice %arg4[%add3A_1363, %dma_start3A_1364] : memref<3276800x128xf32, #tpu.memory_space<hbm>> -> memref<128x128xf32, #tpu.memory_space<hbm>>
      %dma_start3A_1366 = arith.constant 0 : i32
      %dma_start3A_1367 = tpu.memref_slice %arg4[%add3A_1363, %dma_start3A_1366] : memref<3276800x128xf32, #tpu.memory_space<hbm>> -> memref<128x128xf32, #tpu.memory_space<hbm>>
      tpu.enqueue_dma source(%arg9 : memref<128x128xf32, #tpu.memory_space<vmem>>) target(%dma_start3A_1367 : memref<128x128xf32, #tpu.memory_space<hbm>>) target_semaphore(%arg19 : memref<!tpu.dma_semaphore, #tpu.memory_space<semaphore_mem>>)
      %add3A_1368 = arith.constant 2560 : i32
      %add3A_1369 = arith.addi %add3A_955, %add3A_1368 : i32
      %dma_wait3A_1370 = arith.constant 0 : i32
      %dma_wait3A_1371 = tpu.memref_slice %arg4[%add3A_1369, %dma_wait3A_1370] : memref<3276800x128xf32, #tpu.memory_space<hbm>> -> memref<128x128xf32, #tpu.memory_space<hbm>>
      %dma_wait3A_1372 = arith.constant 0 : i32
      %dma_wait3A_1373 = tpu.memref_slice %arg4[%add3A_1369, %dma_wait3A_1372] : memref<3276800x128xf32, #tpu.memory_space<hbm>> -> memref<128x128xf32, #tpu.memory_space<hbm>>
      tpu.wait_dma2 semaphore(%arg18 : memref<!tpu.dma_semaphore, #tpu.memory_space<semaphore_mem>>) src(%arg8 : memref<128x128xf32, #tpu.memory_space<vmem>>) dst(%dma_wait3A_1373 : memref<128x128xf32, #tpu.memory_space<hbm>>)
      %dma_start3A_1374 = arith.constant 2560 : i32
      %dma_start3A_1375 = tpu.memref_slice %arg6[%dma_start3A_1374] : memref<5120xi32, #tpu.memory_space<vmem>> -> memref<128xi32, #tpu.memory_space<vmem>>
      %dma_start3A_1376 = arith.constant 0 : i32
      %dma_start3A_1377 = arith.constant 0 : i32
      %dma_start3A_1378 = tpu.memref_slice %arg7[%dma_start3A_1376, %dma_start3A_1377] : memref<300x128xf32, #tpu.memory_space<vmem_shared>> -> memref<300x128xf32, #tpu.memory_space<vmem_shared>>
      tpu.enqueue_indirect_dma source(%dma_start3A_1378 : memref<300x128xf32, #tpu.memory_space<vmem_shared>>) target(%arg8 : memref<128x128xf32, #tpu.memory_space<vmem>>) offsets(%dma_start3A_1375 : memref<128xi32, #tpu.memory_space<vmem>>) semaphore(%arg13 : memref<!tpu.dma_semaphore, #tpu.memory_space<semaphore_mem>>)
      %dma_wait3A_1379 = arith.constant 2176 : i32
      %dma_wait3A_1380 = tpu.memref_slice %arg6[%dma_wait3A_1379] : memref<5120xi32, #tpu.memory_space<vmem>> -> memref<128xi32, #tpu.memory_space<vmem>>
      %dma_wait3A_1381 = arith.constant 0 : i32
      %dma_wait3A_1382 = arith.constant 0 : i32
      %dma_wait3A_1383 = tpu.memref_slice %arg7[%dma_wait3A_1381, %dma_wait3A_1382] : memref<300x128xf32, #tpu.memory_space<vmem_shared>> -> memref<300x128xf32, #tpu.memory_space<vmem_shared>>
      tpu.wait_indirect_dma semaphore(%arg15 : memref<!tpu.dma_semaphore, #tpu.memory_space<semaphore_mem>>) src(%dma_wait3A_1383 : memref<300x128xf32, #tpu.memory_space<vmem_shared>>) dst(%arg10 : memref<128x128xf32, #tpu.memory_space<vmem>>)
      %add3A_1384 = arith.constant 2176 : i32
      %add3A_1385 = arith.addi %add3A_955, %add3A_1384 : i32
      %dma_start3A_1386 = arith.constant 0 : i32
      %dma_start3A_1387 = tpu.memref_slice %arg4[%add3A_1385, %dma_start3A_1386] : memref<3276800x128xf32, #tpu.memory_space<hbm>> -> memref<128x128xf32, #tpu.memory_space<hbm>>
      %dma_start3A_1388 = arith.constant 0 : i32
      %dma_start3A_1389 = tpu.memref_slice %arg4[%add3A_1385, %dma_start3A_1388] : memref<3276800x128xf32, #tpu.memory_space<hbm>> -> memref<128x128xf32, #tpu.memory_space<hbm>>
      tpu.enqueue_dma source(%arg10 : memref<128x128xf32, #tpu.memory_space<vmem>>) target(%dma_start3A_1389 : memref<128x128xf32, #tpu.memory_space<hbm>>) target_semaphore(%arg20 : memref<!tpu.dma_semaphore, #tpu.memory_space<semaphore_mem>>)
      %add3A_1390 = arith.constant 2688 : i32
      %add3A_1391 = arith.addi %add3A_955, %add3A_1390 : i32
      %dma_wait3A_1392 = arith.constant 0 : i32
      %dma_wait3A_1393 = tpu.memref_slice %arg4[%add3A_1391, %dma_wait3A_1392] : memref<3276800x128xf32, #tpu.memory_space<hbm>> -> memref<128x128xf32, #tpu.memory_space<hbm>>
      %dma_wait3A_1394 = arith.constant 0 : i32
      %dma_wait3A_1395 = tpu.memref_slice %arg4[%add3A_1391, %dma_wait3A_1394] : memref<3276800x128xf32, #tpu.memory_space<hbm>> -> memref<128x128xf32, #tpu.memory_space<hbm>>
      tpu.wait_dma2 semaphore(%arg19 : memref<!tpu.dma_semaphore, #tpu.memory_space<semaphore_mem>>) src(%arg9 : memref<128x128xf32, #tpu.memory_space<vmem>>) dst(%dma_wait3A_1395 : memref<128x128xf32, #tpu.memory_space<hbm>>)
      %dma_start3A_1396 = arith.constant 2688 : i32
      %dma_start3A_1397 = tpu.memref_slice %arg6[%dma_start3A_1396] : memref<5120xi32, #tpu.memory_space<vmem>> -> memref<128xi32, #tpu.memory_space<vmem>>
      %dma_start3A_1398 = arith.constant 0 : i32
      %dma_start3A_1399 = arith.constant 0 : i32
      %dma_start3A_1400 = tpu.memref_slice %arg7[%dma_start3A_1398, %dma_start3A_1399] : memref<300x128xf32, #tpu.memory_space<vmem_shared>> -> memref<300x128xf32, #tpu.memory_space<vmem_shared>>
      tpu.enqueue_indirect_dma source(%dma_start3A_1400 : memref<300x128xf32, #tpu.memory_space<vmem_shared>>) target(%arg9 : memref<128x128xf32, #tpu.memory_space<vmem>>) offsets(%dma_start3A_1397 : memref<128xi32, #tpu.memory_space<vmem>>) semaphore(%arg14 : memref<!tpu.dma_semaphore, #tpu.memory_space<semaphore_mem>>)
      %dma_wait3A_1401 = arith.constant 2304 : i32
      %dma_wait3A_1402 = tpu.memref_slice %arg6[%dma_wait3A_1401] : memref<5120xi32, #tpu.memory_space<vmem>> -> memref<128xi32, #tpu.memory_space<vmem>>
      %dma_wait3A_1403 = arith.constant 0 : i32
      %dma_wait3A_1404 = arith.constant 0 : i32
      %dma_wait3A_1405 = tpu.memref_slice %arg7[%dma_wait3A_1403, %dma_wait3A_1404] : memref<300x128xf32, #tpu.memory_space<vmem_shared>> -> memref<300x128xf32, #tpu.memory_space<vmem_shared>>
      tpu.wait_indirect_dma semaphore(%arg16 : memref<!tpu.dma_semaphore, #tpu.memory_space<semaphore_mem>>) src(%dma_wait3A_1405 : memref<300x128xf32, #tpu.memory_space<vmem_shared>>) dst(%arg11 : memref<128x128xf32, #tpu.memory_space<vmem>>)
      %add3A_1406 = arith.constant 2304 : i32
      %add3A_1407 = arith.addi %add3A_955, %add3A_1406 : i32
      %dma_start3A_1408 = arith.constant 0 : i32
      %dma_start3A_1409 = tpu.memref_slice %arg4[%add3A_1407, %dma_start3A_1408] : memref<3276800x128xf32, #tpu.memory_space<hbm>> -> memref<128x128xf32, #tpu.memory_space<hbm>>
      %dma_start3A_1410 = arith.constant 0 : i32
      %dma_start3A_1411 = tpu.memref_slice %arg4[%add3A_1407, %dma_start3A_1410] : memref<3276800x128xf32, #tpu.memory_space<hbm>> -> memref<128x128xf32, #tpu.memory_space<hbm>>
      tpu.enqueue_dma source(%arg11 : memref<128x128xf32, #tpu.memory_space<vmem>>) target(%dma_start3A_1411 : memref<128x128xf32, #tpu.memory_space<hbm>>) target_semaphore(%arg21 : memref<!tpu.dma_semaphore, #tpu.memory_space<semaphore_mem>>)
      %add3A_1412 = arith.constant 2816 : i32
      %add3A_1413 = arith.addi %add3A_955, %add3A_1412 : i32
      %dma_wait3A_1414 = arith.constant 0 : i32
      %dma_wait3A_1415 = tpu.memref_slice %arg4[%add3A_1413, %dma_wait3A_1414] : memref<3276800x128xf32, #tpu.memory_space<hbm>> -> memref<128x128xf32, #tpu.memory_space<hbm>>
      %dma_wait3A_1416 = arith.constant 0 : i32
      %dma_wait3A_1417 = tpu.memref_slice %arg4[%add3A_1413, %dma_wait3A_1416] : memref<3276800x128xf32, #tpu.memory_space<hbm>> -> memref<128x128xf32, #tpu.memory_space<hbm>>
      tpu.wait_dma2 semaphore(%arg20 : memref<!tpu.dma_semaphore, #tpu.memory_space<semaphore_mem>>) src(%arg10 : memref<128x128xf32, #tpu.memory_space<vmem>>) dst(%dma_wait3A_1417 : memref<128x128xf32, #tpu.memory_space<hbm>>)
      %dma_start3A_1418 = arith.constant 2816 : i32
      %dma_start3A_1419 = tpu.memref_slice %arg6[%dma_start3A_1418] : memref<5120xi32, #tpu.memory_space<vmem>> -> memref<128xi32, #tpu.memory_space<vmem>>
      %dma_start3A_1420 = arith.constant 0 : i32
      %dma_start3A_1421 = arith.constant 0 : i32
      %dma_start3A_1422 = tpu.memref_slice %arg7[%dma_start3A_1420, %dma_start3A_1421] : memref<300x128xf32, #tpu.memory_space<vmem_shared>> -> memref<300x128xf32, #tpu.memory_space<vmem_shared>>
      tpu.enqueue_indirect_dma source(%dma_start3A_1422 : memref<300x128xf32, #tpu.memory_space<vmem_shared>>) target(%arg10 : memref<128x128xf32, #tpu.memory_space<vmem>>) offsets(%dma_start3A_1419 : memref<128xi32, #tpu.memory_space<vmem>>) semaphore(%arg15 : memref<!tpu.dma_semaphore, #tpu.memory_space<semaphore_mem>>)
      %dma_wait3A_1423 = arith.constant 2432 : i32
      %dma_wait3A_1424 = tpu.memref_slice %arg6[%dma_wait3A_1423] : memref<5120xi32, #tpu.memory_space<vmem>> -> memref<128xi32, #tpu.memory_space<vmem>>
      %dma_wait3A_1425 = arith.constant 0 : i32
      %dma_wait3A_1426 = arith.constant 0 : i32
      %dma_wait3A_1427 = tpu.memref_slice %arg7[%dma_wait3A_1425, %dma_wait3A_1426] : memref<300x128xf32, #tpu.memory_space<vmem_shared>> -> memref<300x128xf32, #tpu.memory_space<vmem_shared>>
      tpu.wait_indirect_dma semaphore(%arg17 : memref<!tpu.dma_semaphore, #tpu.memory_space<semaphore_mem>>) src(%dma_wait3A_1427 : memref<300x128xf32, #tpu.memory_space<vmem_shared>>) dst(%arg12 : memref<128x128xf32, #tpu.memory_space<vmem>>)
      %add3A_1428 = arith.constant 2432 : i32
      %add3A_1429 = arith.addi %add3A_955, %add3A_1428 : i32
      %dma_start3A_1430 = arith.constant 0 : i32
      %dma_start3A_1431 = tpu.memref_slice %arg4[%add3A_1429, %dma_start3A_1430] : memref<3276800x128xf32, #tpu.memory_space<hbm>> -> memref<128x128xf32, #tpu.memory_space<hbm>>
      %dma_start3A_1432 = arith.constant 0 : i32
      %dma_start3A_1433 = tpu.memref_slice %arg4[%add3A_1429, %dma_start3A_1432] : memref<3276800x128xf32, #tpu.memory_space<hbm>> -> memref<128x128xf32, #tpu.memory_space<hbm>>
      tpu.enqueue_dma source(%arg12 : memref<128x128xf32, #tpu.memory_space<vmem>>) target(%dma_start3A_1433 : memref<128x128xf32, #tpu.memory_space<hbm>>) target_semaphore(%arg22 : memref<!tpu.dma_semaphore, #tpu.memory_space<semaphore_mem>>)
      %add3A_1434 = arith.constant 2944 : i32
      %add3A_1435 = arith.addi %add3A_955, %add3A_1434 : i32
      %dma_wait3A_1436 = arith.constant 0 : i32
      %dma_wait3A_1437 = tpu.memref_slice %arg4[%add3A_1435, %dma_wait3A_1436] : memref<3276800x128xf32, #tpu.memory_space<hbm>> -> memref<128x128xf32, #tpu.memory_space<hbm>>
      %dma_wait3A_1438 = arith.constant 0 : i32
      %dma_wait3A_1439 = tpu.memref_slice %arg4[%add3A_1435, %dma_wait3A_1438] : memref<3276800x128xf32, #tpu.memory_space<hbm>> -> memref<128x128xf32, #tpu.memory_space<hbm>>
      tpu.wait_dma2 semaphore(%arg21 : memref<!tpu.dma_semaphore, #tpu.memory_space<semaphore_mem>>) src(%arg11 : memref<128x128xf32, #tpu.memory_space<vmem>>) dst(%dma_wait3A_1439 : memref<128x128xf32, #tpu.memory_space<hbm>>)
      %dma_start3A_1440 = arith.constant 2944 : i32
      %dma_start3A_1441 = tpu.memref_slice %arg6[%dma_start3A_1440] : memref<5120xi32, #tpu.memory_space<vmem>> -> memref<128xi32, #tpu.memory_space<vmem>>
      %dma_start3A_1442 = arith.constant 0 : i32
      %dma_start3A_1443 = arith.constant 0 : i32
      %dma_start3A_1444 = tpu.memref_slice %arg7[%dma_start3A_1442, %dma_start3A_1443] : memref<300x128xf32, #tpu.memory_space<vmem_shared>> -> memref<300x128xf32, #tpu.memory_space<vmem_shared>>
      tpu.enqueue_indirect_dma source(%dma_start3A_1444 : memref<300x128xf32, #tpu.memory_space<vmem_shared>>) target(%arg11 : memref<128x128xf32, #tpu.memory_space<vmem>>) offsets(%dma_start3A_1441 : memref<128xi32, #tpu.memory_space<vmem>>) semaphore(%arg16 : memref<!tpu.dma_semaphore, #tpu.memory_space<semaphore_mem>>)
      %dma_wait3A_1445 = arith.constant 2560 : i32
      %dma_wait3A_1446 = tpu.memref_slice %arg6[%dma_wait3A_1445] : memref<5120xi32, #tpu.memory_space<vmem>> -> memref<128xi32, #tpu.memory_space<vmem>>
      %dma_wait3A_1447 = arith.constant 0 : i32
      %dma_wait3A_1448 = arith.constant 0 : i32
      %dma_wait3A_1449 = tpu.memref_slice %arg7[%dma_wait3A_1447, %dma_wait3A_1448] : memref<300x128xf32, #tpu.memory_space<vmem_shared>> -> memref<300x128xf32, #tpu.memory_space<vmem_shared>>
      tpu.wait_indirect_dma semaphore(%arg13 : memref<!tpu.dma_semaphore, #tpu.memory_space<semaphore_mem>>) src(%dma_wait3A_1449 : memref<300x128xf32, #tpu.memory_space<vmem_shared>>) dst(%arg8 : memref<128x128xf32, #tpu.memory_space<vmem>>)
      %add3A_1450 = arith.constant 2560 : i32
      %add3A_1451 = arith.addi %add3A_955, %add3A_1450 : i32
      %dma_start3A_1452 = arith.constant 0 : i32
      %dma_start3A_1453 = tpu.memref_slice %arg4[%add3A_1451, %dma_start3A_1452] : memref<3276800x128xf32, #tpu.memory_space<hbm>> -> memref<128x128xf32, #tpu.memory_space<hbm>>
      %dma_start3A_1454 = arith.constant 0 : i32
      %dma_start3A_1455 = tpu.memref_slice %arg4[%add3A_1451, %dma_start3A_1454] : memref<3276800x128xf32, #tpu.memory_space<hbm>> -> memref<128x128xf32, #tpu.memory_space<hbm>>
      tpu.enqueue_dma source(%arg8 : memref<128x128xf32, #tpu.memory_space<vmem>>) target(%dma_start3A_1455 : memref<128x128xf32, #tpu.memory_space<hbm>>) target_semaphore(%arg18 : memref<!tpu.dma_semaphore, #tpu.memory_space<semaphore_mem>>)
      %add3A_1456 = arith.constant 3072 : i32
      %add3A_1457 = arith.addi %add3A_955, %add3A_1456 : i32
      %dma_wait3A_1458 = arith.constant 0 : i32
      %dma_wait3A_1459 = tpu.memref_slice %arg4[%add3A_1457, %dma_wait3A_1458] : memref<3276800x128xf32, #tpu.memory_space<hbm>> -> memref<128x128xf32, #tpu.memory_space<hbm>>
      %dma_wait3A_1460 = arith.constant 0 : i32
      %dma_wait3A_1461 = tpu.memref_slice %arg4[%add3A_1457, %dma_wait3A_1460] : memref<3276800x128xf32, #tpu.memory_space<hbm>> -> memref<128x128xf32, #tpu.memory_space<hbm>>
      tpu.wait_dma2 semaphore(%arg22 : memref<!tpu.dma_semaphore, #tpu.memory_space<semaphore_mem>>) src(%arg12 : memref<128x128xf32, #tpu.memory_space<vmem>>) dst(%dma_wait3A_1461 : memref<128x128xf32, #tpu.memory_space<hbm>>)
      %dma_start3A_1462 = arith.constant 3072 : i32
      %dma_start3A_1463 = tpu.memref_slice %arg6[%dma_start3A_1462] : memref<5120xi32, #tpu.memory_space<vmem>> -> memref<128xi32, #tpu.memory_space<vmem>>
      %dma_start3A_1464 = arith.constant 0 : i32
      %dma_start3A_1465 = arith.constant 0 : i32
      %dma_start3A_1466 = tpu.memref_slice %arg7[%dma_start3A_1464, %dma_start3A_1465] : memref<300x128xf32, #tpu.memory_space<vmem_shared>> -> memref<300x128xf32, #tpu.memory_space<vmem_shared>>
      tpu.enqueue_indirect_dma source(%dma_start3A_1466 : memref<300x128xf32, #tpu.memory_space<vmem_shared>>) target(%arg12 : memref<128x128xf32, #tpu.memory_space<vmem>>) offsets(%dma_start3A_1463 : memref<128xi32, #tpu.memory_space<vmem>>) semaphore(%arg17 : memref<!tpu.dma_semaphore, #tpu.memory_space<semaphore_mem>>)
      %dma_wait3A_1467 = arith.constant 2688 : i32
      %dma_wait3A_1468 = tpu.memref_slice %arg6[%dma_wait3A_1467] : memref<5120xi32, #tpu.memory_space<vmem>> -> memref<128xi32, #tpu.memory_space<vmem>>
      %dma_wait3A_1469 = arith.constant 0 : i32
      %dma_wait3A_1470 = arith.constant 0 : i32
      %dma_wait3A_1471 = tpu.memref_slice %arg7[%dma_wait3A_1469, %dma_wait3A_1470] : memref<300x128xf32, #tpu.memory_space<vmem_shared>> -> memref<300x128xf32, #tpu.memory_space<vmem_shared>>
      tpu.wait_indirect_dma semaphore(%arg14 : memref<!tpu.dma_semaphore, #tpu.memory_space<semaphore_mem>>) src(%dma_wait3A_1471 : memref<300x128xf32, #tpu.memory_space<vmem_shared>>) dst(%arg9 : memref<128x128xf32, #tpu.memory_space<vmem>>)
      %add3A_1472 = arith.constant 2688 : i32
      %add3A_1473 = arith.addi %add3A_955, %add3A_1472 : i32
      %dma_start3A_1474 = arith.constant 0 : i32
      %dma_start3A_1475 = tpu.memref_slice %arg4[%add3A_1473, %dma_start3A_1474] : memref<3276800x128xf32, #tpu.memory_space<hbm>> -> memref<128x128xf32, #tpu.memory_space<hbm>>
      %dma_start3A_1476 = arith.constant 0 : i32
      %dma_start3A_1477 = tpu.memref_slice %arg4[%add3A_1473, %dma_start3A_1476] : memref<3276800x128xf32, #tpu.memory_space<hbm>> -> memref<128x128xf32, #tpu.memory_space<hbm>>
      tpu.enqueue_dma source(%arg9 : memref<128x128xf32, #tpu.memory_space<vmem>>) target(%dma_start3A_1477 : memref<128x128xf32, #tpu.memory_space<hbm>>) target_semaphore(%arg19 : memref<!tpu.dma_semaphore, #tpu.memory_space<semaphore_mem>>)
      %add3A_1478 = arith.constant 3200 : i32
      %add3A_1479 = arith.addi %add3A_955, %add3A_1478 : i32
      %dma_wait3A_1480 = arith.constant 0 : i32
      %dma_wait3A_1481 = tpu.memref_slice %arg4[%add3A_1479, %dma_wait3A_1480] : memref<3276800x128xf32, #tpu.memory_space<hbm>> -> memref<128x128xf32, #tpu.memory_space<hbm>>
      %dma_wait3A_1482 = arith.constant 0 : i32
      %dma_wait3A_1483 = tpu.memref_slice %arg4[%add3A_1479, %dma_wait3A_1482] : memref<3276800x128xf32, #tpu.memory_space<hbm>> -> memref<128x128xf32, #tpu.memory_space<hbm>>
      tpu.wait_dma2 semaphore(%arg18 : memref<!tpu.dma_semaphore, #tpu.memory_space<semaphore_mem>>) src(%arg8 : memref<128x128xf32, #tpu.memory_space<vmem>>) dst(%dma_wait3A_1483 : memref<128x128xf32, #tpu.memory_space<hbm>>)
      %dma_start3A_1484 = arith.constant 3200 : i32
      %dma_start3A_1485 = tpu.memref_slice %arg6[%dma_start3A_1484] : memref<5120xi32, #tpu.memory_space<vmem>> -> memref<128xi32, #tpu.memory_space<vmem>>
      %dma_start3A_1486 = arith.constant 0 : i32
      %dma_start3A_1487 = arith.constant 0 : i32
      %dma_start3A_1488 = tpu.memref_slice %arg7[%dma_start3A_1486, %dma_start3A_1487] : memref<300x128xf32, #tpu.memory_space<vmem_shared>> -> memref<300x128xf32, #tpu.memory_space<vmem_shared>>
      tpu.enqueue_indirect_dma source(%dma_start3A_1488 : memref<300x128xf32, #tpu.memory_space<vmem_shared>>) target(%arg8 : memref<128x128xf32, #tpu.memory_space<vmem>>) offsets(%dma_start3A_1485 : memref<128xi32, #tpu.memory_space<vmem>>) semaphore(%arg13 : memref<!tpu.dma_semaphore, #tpu.memory_space<semaphore_mem>>)
      %dma_wait3A_1489 = arith.constant 2816 : i32
      %dma_wait3A_1490 = tpu.memref_slice %arg6[%dma_wait3A_1489] : memref<5120xi32, #tpu.memory_space<vmem>> -> memref<128xi32, #tpu.memory_space<vmem>>
      %dma_wait3A_1491 = arith.constant 0 : i32
      %dma_wait3A_1492 = arith.constant 0 : i32
      %dma_wait3A_1493 = tpu.memref_slice %arg7[%dma_wait3A_1491, %dma_wait3A_1492] : memref<300x128xf32, #tpu.memory_space<vmem_shared>> -> memref<300x128xf32, #tpu.memory_space<vmem_shared>>
      tpu.wait_indirect_dma semaphore(%arg15 : memref<!tpu.dma_semaphore, #tpu.memory_space<semaphore_mem>>) src(%dma_wait3A_1493 : memref<300x128xf32, #tpu.memory_space<vmem_shared>>) dst(%arg10 : memref<128x128xf32, #tpu.memory_space<vmem>>)
      %add3A_1494 = arith.constant 2816 : i32
      %add3A_1495 = arith.addi %add3A_955, %add3A_1494 : i32
      %dma_start3A_1496 = arith.constant 0 : i32
      %dma_start3A_1497 = tpu.memref_slice %arg4[%add3A_1495, %dma_start3A_1496] : memref<3276800x128xf32, #tpu.memory_space<hbm>> -> memref<128x128xf32, #tpu.memory_space<hbm>>
      %dma_start3A_1498 = arith.constant 0 : i32
      %dma_start3A_1499 = tpu.memref_slice %arg4[%add3A_1495, %dma_start3A_1498] : memref<3276800x128xf32, #tpu.memory_space<hbm>> -> memref<128x128xf32, #tpu.memory_space<hbm>>
      tpu.enqueue_dma source(%arg10 : memref<128x128xf32, #tpu.memory_space<vmem>>) target(%dma_start3A_1499 : memref<128x128xf32, #tpu.memory_space<hbm>>) target_semaphore(%arg20 : memref<!tpu.dma_semaphore, #tpu.memory_space<semaphore_mem>>)
      %add3A_1500 = arith.constant 3328 : i32
      %add3A_1501 = arith.addi %add3A_955, %add3A_1500 : i32
      %dma_wait3A_1502 = arith.constant 0 : i32
      %dma_wait3A_1503 = tpu.memref_slice %arg4[%add3A_1501, %dma_wait3A_1502] : memref<3276800x128xf32, #tpu.memory_space<hbm>> -> memref<128x128xf32, #tpu.memory_space<hbm>>
      %dma_wait3A_1504 = arith.constant 0 : i32
      %dma_wait3A_1505 = tpu.memref_slice %arg4[%add3A_1501, %dma_wait3A_1504] : memref<3276800x128xf32, #tpu.memory_space<hbm>> -> memref<128x128xf32, #tpu.memory_space<hbm>>
      tpu.wait_dma2 semaphore(%arg19 : memref<!tpu.dma_semaphore, #tpu.memory_space<semaphore_mem>>) src(%arg9 : memref<128x128xf32, #tpu.memory_space<vmem>>) dst(%dma_wait3A_1505 : memref<128x128xf32, #tpu.memory_space<hbm>>)
      %dma_start3A_1506 = arith.constant 3328 : i32
      %dma_start3A_1507 = tpu.memref_slice %arg6[%dma_start3A_1506] : memref<5120xi32, #tpu.memory_space<vmem>> -> memref<128xi32, #tpu.memory_space<vmem>>
      %dma_start3A_1508 = arith.constant 0 : i32
      %dma_start3A_1509 = arith.constant 0 : i32
      %dma_start3A_1510 = tpu.memref_slice %arg7[%dma_start3A_1508, %dma_start3A_1509] : memref<300x128xf32, #tpu.memory_space<vmem_shared>> -> memref<300x128xf32, #tpu.memory_space<vmem_shared>>
      tpu.enqueue_indirect_dma source(%dma_start3A_1510 : memref<300x128xf32, #tpu.memory_space<vmem_shared>>) target(%arg9 : memref<128x128xf32, #tpu.memory_space<vmem>>) offsets(%dma_start3A_1507 : memref<128xi32, #tpu.memory_space<vmem>>) semaphore(%arg14 : memref<!tpu.dma_semaphore, #tpu.memory_space<semaphore_mem>>)
      %dma_wait3A_1511 = arith.constant 2944 : i32
      %dma_wait3A_1512 = tpu.memref_slice %arg6[%dma_wait3A_1511] : memref<5120xi32, #tpu.memory_space<vmem>> -> memref<128xi32, #tpu.memory_space<vmem>>
      %dma_wait3A_1513 = arith.constant 0 : i32
      %dma_wait3A_1514 = arith.constant 0 : i32
      %dma_wait3A_1515 = tpu.memref_slice %arg7[%dma_wait3A_1513, %dma_wait3A_1514] : memref<300x128xf32, #tpu.memory_space<vmem_shared>> -> memref<300x128xf32, #tpu.memory_space<vmem_shared>>
      tpu.wait_indirect_dma semaphore(%arg16 : memref<!tpu.dma_semaphore, #tpu.memory_space<semaphore_mem>>) src(%dma_wait3A_1515 : memref<300x128xf32, #tpu.memory_space<vmem_shared>>) dst(%arg11 : memref<128x128xf32, #tpu.memory_space<vmem>>)
      %add3A_1516 = arith.constant 2944 : i32
      %add3A_1517 = arith.addi %add3A_955, %add3A_1516 : i32
      %dma_start3A_1518 = arith.constant 0 : i32
      %dma_start3A_1519 = tpu.memref_slice %arg4[%add3A_1517, %dma_start3A_1518] : memref<3276800x128xf32, #tpu.memory_space<hbm>> -> memref<128x128xf32, #tpu.memory_space<hbm>>
      %dma_start3A_1520 = arith.constant 0 : i32
      %dma_start3A_1521 = tpu.memref_slice %arg4[%add3A_1517, %dma_start3A_1520] : memref<3276800x128xf32, #tpu.memory_space<hbm>> -> memref<128x128xf32, #tpu.memory_space<hbm>>
      tpu.enqueue_dma source(%arg11 : memref<128x128xf32, #tpu.memory_space<vmem>>) target(%dma_start3A_1521 : memref<128x128xf32, #tpu.memory_space<hbm>>) target_semaphore(%arg21 : memref<!tpu.dma_semaphore, #tpu.memory_space<semaphore_mem>>)
      %add3A_1522 = arith.constant 3456 : i32
      %add3A_1523 = arith.addi %add3A_955, %add3A_1522 : i32
      %dma_wait3A_1524 = arith.constant 0 : i32
      %dma_wait3A_1525 = tpu.memref_slice %arg4[%add3A_1523, %dma_wait3A_1524] : memref<3276800x128xf32, #tpu.memory_space<hbm>> -> memref<128x128xf32, #tpu.memory_space<hbm>>
      %dma_wait3A_1526 = arith.constant 0 : i32
      %dma_wait3A_1527 = tpu.memref_slice %arg4[%add3A_1523, %dma_wait3A_1526] : memref<3276800x128xf32, #tpu.memory_space<hbm>> -> memref<128x128xf32, #tpu.memory_space<hbm>>
      tpu.wait_dma2 semaphore(%arg20 : memref<!tpu.dma_semaphore, #tpu.memory_space<semaphore_mem>>) src(%arg10 : memref<128x128xf32, #tpu.memory_space<vmem>>) dst(%dma_wait3A_1527 : memref<128x128xf32, #tpu.memory_space<hbm>>)
      %dma_start3A_1528 = arith.constant 3456 : i32
      %dma_start3A_1529 = tpu.memref_slice %arg6[%dma_start3A_1528] : memref<5120xi32, #tpu.memory_space<vmem>> -> memref<128xi32, #tpu.memory_space<vmem>>
      %dma_start3A_1530 = arith.constant 0 : i32
      %dma_start3A_1531 = arith.constant 0 : i32
      %dma_start3A_1532 = tpu.memref_slice %arg7[%dma_start3A_1530, %dma_start3A_1531] : memref<300x128xf32, #tpu.memory_space<vmem_shared>> -> memref<300x128xf32, #tpu.memory_space<vmem_shared>>
      tpu.enqueue_indirect_dma source(%dma_start3A_1532 : memref<300x128xf32, #tpu.memory_space<vmem_shared>>) target(%arg10 : memref<128x128xf32, #tpu.memory_space<vmem>>) offsets(%dma_start3A_1529 : memref<128xi32, #tpu.memory_space<vmem>>) semaphore(%arg15 : memref<!tpu.dma_semaphore, #tpu.memory_space<semaphore_mem>>)
      %dma_wait3A_1533 = arith.constant 3072 : i32
      %dma_wait3A_1534 = tpu.memref_slice %arg6[%dma_wait3A_1533] : memref<5120xi32, #tpu.memory_space<vmem>> -> memref<128xi32, #tpu.memory_space<vmem>>
      %dma_wait3A_1535 = arith.constant 0 : i32
      %dma_wait3A_1536 = arith.constant 0 : i32
      %dma_wait3A_1537 = tpu.memref_slice %arg7[%dma_wait3A_1535, %dma_wait3A_1536] : memref<300x128xf32, #tpu.memory_space<vmem_shared>> -> memref<300x128xf32, #tpu.memory_space<vmem_shared>>
      tpu.wait_indirect_dma semaphore(%arg17 : memref<!tpu.dma_semaphore, #tpu.memory_space<semaphore_mem>>) src(%dma_wait3A_1537 : memref<300x128xf32, #tpu.memory_space<vmem_shared>>) dst(%arg12 : memref<128x128xf32, #tpu.memory_space<vmem>>)
      %add3A_1538 = arith.constant 3072 : i32
      %add3A_1539 = arith.addi %add3A_955, %add3A_1538 : i32
      %dma_start3A_1540 = arith.constant 0 : i32
      %dma_start3A_1541 = tpu.memref_slice %arg4[%add3A_1539, %dma_start3A_1540] : memref<3276800x128xf32, #tpu.memory_space<hbm>> -> memref<128x128xf32, #tpu.memory_space<hbm>>
      %dma_start3A_1542 = arith.constant 0 : i32
      %dma_start3A_1543 = tpu.memref_slice %arg4[%add3A_1539, %dma_start3A_1542] : memref<3276800x128xf32, #tpu.memory_space<hbm>> -> memref<128x128xf32, #tpu.memory_space<hbm>>
      tpu.enqueue_dma source(%arg12 : memref<128x128xf32, #tpu.memory_space<vmem>>) target(%dma_start3A_1543 : memref<128x128xf32, #tpu.memory_space<hbm>>) target_semaphore(%arg22 : memref<!tpu.dma_semaphore, #tpu.memory_space<semaphore_mem>>)
      %add3A_1544 = arith.constant 3584 : i32
      %add3A_1545 = arith.addi %add3A_955, %add3A_1544 : i32
      %dma_wait3A_1546 = arith.constant 0 : i32
      %dma_wait3A_1547 = tpu.memref_slice %arg4[%add3A_1545, %dma_wait3A_1546] : memref<3276800x128xf32, #tpu.memory_space<hbm>> -> memref<128x128xf32, #tpu.memory_space<hbm>>
      %dma_wait3A_1548 = arith.constant 0 : i32
      %dma_wait3A_1549 = tpu.memref_slice %arg4[%add3A_1545, %dma_wait3A_1548] : memref<3276800x128xf32, #tpu.memory_space<hbm>> -> memref<128x128xf32, #tpu.memory_space<hbm>>
      tpu.wait_dma2 semaphore(%arg21 : memref<!tpu.dma_semaphore, #tpu.memory_space<semaphore_mem>>) src(%arg11 : memref<128x128xf32, #tpu.memory_space<vmem>>) dst(%dma_wait3A_1549 : memref<128x128xf32, #tpu.memory_space<hbm>>)
      %dma_start3A_1550 = arith.constant 3584 : i32
      %dma_start3A_1551 = tpu.memref_slice %arg6[%dma_start3A_1550] : memref<5120xi32, #tpu.memory_space<vmem>> -> memref<128xi32, #tpu.memory_space<vmem>>
      %dma_start3A_1552 = arith.constant 0 : i32
      %dma_start3A_1553 = arith.constant 0 : i32
      %dma_start3A_1554 = tpu.memref_slice %arg7[%dma_start3A_1552, %dma_start3A_1553] : memref<300x128xf32, #tpu.memory_space<vmem_shared>> -> memref<300x128xf32, #tpu.memory_space<vmem_shared>>
      tpu.enqueue_indirect_dma source(%dma_start3A_1554 : memref<300x128xf32, #tpu.memory_space<vmem_shared>>) target(%arg11 : memref<128x128xf32, #tpu.memory_space<vmem>>) offsets(%dma_start3A_1551 : memref<128xi32, #tpu.memory_space<vmem>>) semaphore(%arg16 : memref<!tpu.dma_semaphore, #tpu.memory_space<semaphore_mem>>)
      %dma_wait3A_1555 = arith.constant 3200 : i32
      %dma_wait3A_1556 = tpu.memref_slice %arg6[%dma_wait3A_1555] : memref<5120xi32, #tpu.memory_space<vmem>> -> memref<128xi32, #tpu.memory_space<vmem>>
      %dma_wait3A_1557 = arith.constant 0 : i32
      %dma_wait3A_1558 = arith.constant 0 : i32
      %dma_wait3A_1559 = tpu.memref_slice %arg7[%dma_wait3A_1557, %dma_wait3A_1558] : memref<300x128xf32, #tpu.memory_space<vmem_shared>> -> memref<300x128xf32, #tpu.memory_space<vmem_shared>>
      tpu.wait_indirect_dma semaphore(%arg13 : memref<!tpu.dma_semaphore, #tpu.memory_space<semaphore_mem>>) src(%dma_wait3A_1559 : memref<300x128xf32, #tpu.memory_space<vmem_shared>>) dst(%arg8 : memref<128x128xf32, #tpu.memory_space<vmem>>)
      %add3A_1560 = arith.constant 3200 : i32
      %add3A_1561 = arith.addi %add3A_955, %add3A_1560 : i32
      %dma_start3A_1562 = arith.constant 0 : i32
      %dma_start3A_1563 = tpu.memref_slice %arg4[%add3A_1561, %dma_start3A_1562] : memref<3276800x128xf32, #tpu.memory_space<hbm>> -> memref<128x128xf32, #tpu.memory_space<hbm>>
      %dma_start3A_1564 = arith.constant 0 : i32
      %dma_start3A_1565 = tpu.memref_slice %arg4[%add3A_1561, %dma_start3A_1564] : memref<3276800x128xf32, #tpu.memory_space<hbm>> -> memref<128x128xf32, #tpu.memory_space<hbm>>
      tpu.enqueue_dma source(%arg8 : memref<128x128xf32, #tpu.memory_space<vmem>>) target(%dma_start3A_1565 : memref<128x128xf32, #tpu.memory_space<hbm>>) target_semaphore(%arg18 : memref<!tpu.dma_semaphore, #tpu.memory_space<semaphore_mem>>)
      %add3A_1566 = arith.constant 3712 : i32
      %add3A_1567 = arith.addi %add3A_955, %add3A_1566 : i32
      %dma_wait3A_1568 = arith.constant 0 : i32
      %dma_wait3A_1569 = tpu.memref_slice %arg4[%add3A_1567, %dma_wait3A_1568] : memref<3276800x128xf32, #tpu.memory_space<hbm>> -> memref<128x128xf32, #tpu.memory_space<hbm>>
      %dma_wait3A_1570 = arith.constant 0 : i32
      %dma_wait3A_1571 = tpu.memref_slice %arg4[%add3A_1567, %dma_wait3A_1570] : memref<3276800x128xf32, #tpu.memory_space<hbm>> -> memref<128x128xf32, #tpu.memory_space<hbm>>
      tpu.wait_dma2 semaphore(%arg22 : memref<!tpu.dma_semaphore, #tpu.memory_space<semaphore_mem>>) src(%arg12 : memref<128x128xf32, #tpu.memory_space<vmem>>) dst(%dma_wait3A_1571 : memref<128x128xf32, #tpu.memory_space<hbm>>)
      %dma_start3A_1572 = arith.constant 3712 : i32
      %dma_start3A_1573 = tpu.memref_slice %arg6[%dma_start3A_1572] : memref<5120xi32, #tpu.memory_space<vmem>> -> memref<128xi32, #tpu.memory_space<vmem>>
      %dma_start3A_1574 = arith.constant 0 : i32
      %dma_start3A_1575 = arith.constant 0 : i32
      %dma_start3A_1576 = tpu.memref_slice %arg7[%dma_start3A_1574, %dma_start3A_1575] : memref<300x128xf32, #tpu.memory_space<vmem_shared>> -> memref<300x128xf32, #tpu.memory_space<vmem_shared>>
      tpu.enqueue_indirect_dma source(%dma_start3A_1576 : memref<300x128xf32, #tpu.memory_space<vmem_shared>>) target(%arg12 : memref<128x128xf32, #tpu.memory_space<vmem>>) offsets(%dma_start3A_1573 : memref<128xi32, #tpu.memory_space<vmem>>) semaphore(%arg17 : memref<!tpu.dma_semaphore, #tpu.memory_space<semaphore_mem>>)
      %dma_wait3A_1577 = arith.constant 3328 : i32
      %dma_wait3A_1578 = tpu.memref_slice %arg6[%dma_wait3A_1577] : memref<5120xi32, #tpu.memory_space<vmem>> -> memref<128xi32, #tpu.memory_space<vmem>>
      %dma_wait3A_1579 = arith.constant 0 : i32
      %dma_wait3A_1580 = arith.constant 0 : i32
      %dma_wait3A_1581 = tpu.memref_slice %arg7[%dma_wait3A_1579, %dma_wait3A_1580] : memref<300x128xf32, #tpu.memory_space<vmem_shared>> -> memref<300x128xf32, #tpu.memory_space<vmem_shared>>
      tpu.wait_indirect_dma semaphore(%arg14 : memref<!tpu.dma_semaphore, #tpu.memory_space<semaphore_mem>>) src(%dma_wait3A_1581 : memref<300x128xf32, #tpu.memory_space<vmem_shared>>) dst(%arg9 : memref<128x128xf32, #tpu.memory_space<vmem>>)
      %add3A_1582 = arith.constant 3328 : i32
      %add3A_1583 = arith.addi %add3A_955, %add3A_1582 : i32
      %dma_start3A_1584 = arith.constant 0 : i32
      %dma_start3A_1585 = tpu.memref_slice %arg4[%add3A_1583, %dma_start3A_1584] : memref<3276800x128xf32, #tpu.memory_space<hbm>> -> memref<128x128xf32, #tpu.memory_space<hbm>>
      %dma_start3A_1586 = arith.constant 0 : i32
      %dma_start3A_1587 = tpu.memref_slice %arg4[%add3A_1583, %dma_start3A_1586] : memref<3276800x128xf32, #tpu.memory_space<hbm>> -> memref<128x128xf32, #tpu.memory_space<hbm>>
      tpu.enqueue_dma source(%arg9 : memref<128x128xf32, #tpu.memory_space<vmem>>) target(%dma_start3A_1587 : memref<128x128xf32, #tpu.memory_space<hbm>>) target_semaphore(%arg19 : memref<!tpu.dma_semaphore, #tpu.memory_space<semaphore_mem>>)
      %add3A_1588 = arith.constant 3840 : i32
      %add3A_1589 = arith.addi %add3A_955, %add3A_1588 : i32
      %dma_wait3A_1590 = arith.constant 0 : i32
      %dma_wait3A_1591 = tpu.memref_slice %arg4[%add3A_1589, %dma_wait3A_1590] : memref<3276800x128xf32, #tpu.memory_space<hbm>> -> memref<128x128xf32, #tpu.memory_space<hbm>>
      %dma_wait3A_1592 = arith.constant 0 : i32
      %dma_wait3A_1593 = tpu.memref_slice %arg4[%add3A_1589, %dma_wait3A_1592] : memref<3276800x128xf32, #tpu.memory_space<hbm>> -> memref<128x128xf32, #tpu.memory_space<hbm>>
      tpu.wait_dma2 semaphore(%arg18 : memref<!tpu.dma_semaphore, #tpu.memory_space<semaphore_mem>>) src(%arg8 : memref<128x128xf32, #tpu.memory_space<vmem>>) dst(%dma_wait3A_1593 : memref<128x128xf32, #tpu.memory_space<hbm>>)
      %dma_start3A_1594 = arith.constant 3840 : i32
      %dma_start3A_1595 = tpu.memref_slice %arg6[%dma_start3A_1594] : memref<5120xi32, #tpu.memory_space<vmem>> -> memref<128xi32, #tpu.memory_space<vmem>>
      %dma_start3A_1596 = arith.constant 0 : i32
      %dma_start3A_1597 = arith.constant 0 : i32
      %dma_start3A_1598 = tpu.memref_slice %arg7[%dma_start3A_1596, %dma_start3A_1597] : memref<300x128xf32, #tpu.memory_space<vmem_shared>> -> memref<300x128xf32, #tpu.memory_space<vmem_shared>>
      tpu.enqueue_indirect_dma source(%dma_start3A_1598 : memref<300x128xf32, #tpu.memory_space<vmem_shared>>) target(%arg8 : memref<128x128xf32, #tpu.memory_space<vmem>>) offsets(%dma_start3A_1595 : memref<128xi32, #tpu.memory_space<vmem>>) semaphore(%arg13 : memref<!tpu.dma_semaphore, #tpu.memory_space<semaphore_mem>>)
      %dma_wait3A_1599 = arith.constant 3456 : i32
      %dma_wait3A_1600 = tpu.memref_slice %arg6[%dma_wait3A_1599] : memref<5120xi32, #tpu.memory_space<vmem>> -> memref<128xi32, #tpu.memory_space<vmem>>
      %dma_wait3A_1601 = arith.constant 0 : i32
      %dma_wait3A_1602 = arith.constant 0 : i32
      %dma_wait3A_1603 = tpu.memref_slice %arg7[%dma_wait3A_1601, %dma_wait3A_1602] : memref<300x128xf32, #tpu.memory_space<vmem_shared>> -> memref<300x128xf32, #tpu.memory_space<vmem_shared>>
      tpu.wait_indirect_dma semaphore(%arg15 : memref<!tpu.dma_semaphore, #tpu.memory_space<semaphore_mem>>) src(%dma_wait3A_1603 : memref<300x128xf32, #tpu.memory_space<vmem_shared>>) dst(%arg10 : memref<128x128xf32, #tpu.memory_space<vmem>>)
      %add3A_1604 = arith.constant 3456 : i32
      %add3A_1605 = arith.addi %add3A_955, %add3A_1604 : i32
      %dma_start3A_1606 = arith.constant 0 : i32
      %dma_start3A_1607 = tpu.memref_slice %arg4[%add3A_1605, %dma_start3A_1606] : memref<3276800x128xf32, #tpu.memory_space<hbm>> -> memref<128x128xf32, #tpu.memory_space<hbm>>
      %dma_start3A_1608 = arith.constant 0 : i32
      %dma_start3A_1609 = tpu.memref_slice %arg4[%add3A_1605, %dma_start3A_1608] : memref<3276800x128xf32, #tpu.memory_space<hbm>> -> memref<128x128xf32, #tpu.memory_space<hbm>>
      tpu.enqueue_dma source(%arg10 : memref<128x128xf32, #tpu.memory_space<vmem>>) target(%dma_start3A_1609 : memref<128x128xf32, #tpu.memory_space<hbm>>) target_semaphore(%arg20 : memref<!tpu.dma_semaphore, #tpu.memory_space<semaphore_mem>>)
      %add3A_1610 = arith.constant 3968 : i32
      %add3A_1611 = arith.addi %add3A_955, %add3A_1610 : i32
      %dma_wait3A_1612 = arith.constant 0 : i32
      %dma_wait3A_1613 = tpu.memref_slice %arg4[%add3A_1611, %dma_wait3A_1612] : memref<3276800x128xf32, #tpu.memory_space<hbm>> -> memref<128x128xf32, #tpu.memory_space<hbm>>
      %dma_wait3A_1614 = arith.constant 0 : i32
      %dma_wait3A_1615 = tpu.memref_slice %arg4[%add3A_1611, %dma_wait3A_1614] : memref<3276800x128xf32, #tpu.memory_space<hbm>> -> memref<128x128xf32, #tpu.memory_space<hbm>>
      tpu.wait_dma2 semaphore(%arg19 : memref<!tpu.dma_semaphore, #tpu.memory_space<semaphore_mem>>) src(%arg9 : memref<128x128xf32, #tpu.memory_space<vmem>>) dst(%dma_wait3A_1615 : memref<128x128xf32, #tpu.memory_space<hbm>>)
      %dma_start3A_1616 = arith.constant 3968 : i32
      %dma_start3A_1617 = tpu.memref_slice %arg6[%dma_start3A_1616] : memref<5120xi32, #tpu.memory_space<vmem>> -> memref<128xi32, #tpu.memory_space<vmem>>
      %dma_start3A_1618 = arith.constant 0 : i32
      %dma_start3A_1619 = arith.constant 0 : i32
      %dma_start3A_1620 = tpu.memref_slice %arg7[%dma_start3A_1618, %dma_start3A_1619] : memref<300x128xf32, #tpu.memory_space<vmem_shared>> -> memref<300x128xf32, #tpu.memory_space<vmem_shared>>
      tpu.enqueue_indirect_dma source(%dma_start3A_1620 : memref<300x128xf32, #tpu.memory_space<vmem_shared>>) target(%arg9 : memref<128x128xf32, #tpu.memory_space<vmem>>) offsets(%dma_start3A_1617 : memref<128xi32, #tpu.memory_space<vmem>>) semaphore(%arg14 : memref<!tpu.dma_semaphore, #tpu.memory_space<semaphore_mem>>)
      %dma_wait3A_1621 = arith.constant 3584 : i32
      %dma_wait3A_1622 = tpu.memref_slice %arg6[%dma_wait3A_1621] : memref<5120xi32, #tpu.memory_space<vmem>> -> memref<128xi32, #tpu.memory_space<vmem>>
      %dma_wait3A_1623 = arith.constant 0 : i32
      %dma_wait3A_1624 = arith.constant 0 : i32
      %dma_wait3A_1625 = tpu.memref_slice %arg7[%dma_wait3A_1623, %dma_wait3A_1624] : memref<300x128xf32, #tpu.memory_space<vmem_shared>> -> memref<300x128xf32, #tpu.memory_space<vmem_shared>>
      tpu.wait_indirect_dma semaphore(%arg16 : memref<!tpu.dma_semaphore, #tpu.memory_space<semaphore_mem>>) src(%dma_wait3A_1625 : memref<300x128xf32, #tpu.memory_space<vmem_shared>>) dst(%arg11 : memref<128x128xf32, #tpu.memory_space<vmem>>)
      %add3A_1626 = arith.constant 3584 : i32
      %add3A_1627 = arith.addi %add3A_955, %add3A_1626 : i32
      %dma_start3A_1628 = arith.constant 0 : i32
      %dma_start3A_1629 = tpu.memref_slice %arg4[%add3A_1627, %dma_start3A_1628] : memref<3276800x128xf32, #tpu.memory_space<hbm>> -> memref<128x128xf32, #tpu.memory_space<hbm>>
      %dma_start3A_1630 = arith.constant 0 : i32
      %dma_start3A_1631 = tpu.memref_slice %arg4[%add3A_1627, %dma_start3A_1630] : memref<3276800x128xf32, #tpu.memory_space<hbm>> -> memref<128x128xf32, #tpu.memory_space<hbm>>
      tpu.enqueue_dma source(%arg11 : memref<128x128xf32, #tpu.memory_space<vmem>>) target(%dma_start3A_1631 : memref<128x128xf32, #tpu.memory_space<hbm>>) target_semaphore(%arg21 : memref<!tpu.dma_semaphore, #tpu.memory_space<semaphore_mem>>)
      %add3A_1632 = arith.constant 4096 : i32
      %add3A_1633 = arith.addi %add3A_955, %add3A_1632 : i32
      %dma_wait3A_1634 = arith.constant 0 : i32
      %dma_wait3A_1635 = tpu.memref_slice %arg4[%add3A_1633, %dma_wait3A_1634] : memref<3276800x128xf32, #tpu.memory_space<hbm>> -> memref<128x128xf32, #tpu.memory_space<hbm>>
      %dma_wait3A_1636 = arith.constant 0 : i32
      %dma_wait3A_1637 = tpu.memref_slice %arg4[%add3A_1633, %dma_wait3A_1636] : memref<3276800x128xf32, #tpu.memory_space<hbm>> -> memref<128x128xf32, #tpu.memory_space<hbm>>
      tpu.wait_dma2 semaphore(%arg20 : memref<!tpu.dma_semaphore, #tpu.memory_space<semaphore_mem>>) src(%arg10 : memref<128x128xf32, #tpu.memory_space<vmem>>) dst(%dma_wait3A_1637 : memref<128x128xf32, #tpu.memory_space<hbm>>)
      %dma_start3A_1638 = arith.constant 4096 : i32
      %dma_start3A_1639 = tpu.memref_slice %arg6[%dma_start3A_1638] : memref<5120xi32, #tpu.memory_space<vmem>> -> memref<128xi32, #tpu.memory_space<vmem>>
      %dma_start3A_1640 = arith.constant 0 : i32
      %dma_start3A_1641 = arith.constant 0 : i32
      %dma_start3A_1642 = tpu.memref_slice %arg7[%dma_start3A_1640, %dma_start3A_1641] : memref<300x128xf32, #tpu.memory_space<vmem_shared>> -> memref<300x128xf32, #tpu.memory_space<vmem_shared>>
      tpu.enqueue_indirect_dma source(%dma_start3A_1642 : memref<300x128xf32, #tpu.memory_space<vmem_shared>>) target(%arg10 : memref<128x128xf32, #tpu.memory_space<vmem>>) offsets(%dma_start3A_1639 : memref<128xi32, #tpu.memory_space<vmem>>) semaphore(%arg15 : memref<!tpu.dma_semaphore, #tpu.memory_space<semaphore_mem>>)
      %dma_wait3A_1643 = arith.constant 3712 : i32
      %dma_wait3A_1644 = tpu.memref_slice %arg6[%dma_wait3A_1643] : memref<5120xi32, #tpu.memory_space<vmem>> -> memref<128xi32, #tpu.memory_space<vmem>>
      %dma_wait3A_1645 = arith.constant 0 : i32
      %dma_wait3A_1646 = arith.constant 0 : i32
      %dma_wait3A_1647 = tpu.memref_slice %arg7[%dma_wait3A_1645, %dma_wait3A_1646] : memref<300x128xf32, #tpu.memory_space<vmem_shared>> -> memref<300x128xf32, #tpu.memory_space<vmem_shared>>
      tpu.wait_indirect_dma semaphore(%arg17 : memref<!tpu.dma_semaphore, #tpu.memory_space<semaphore_mem>>) src(%dma_wait3A_1647 : memref<300x128xf32, #tpu.memory_space<vmem_shared>>) dst(%arg12 : memref<128x128xf32, #tpu.memory_space<vmem>>)
      %add3A_1648 = arith.constant 3712 : i32
      %add3A_1649 = arith.addi %add3A_955, %add3A_1648 : i32
      %dma_start3A_1650 = arith.constant 0 : i32
      %dma_start3A_1651 = tpu.memref_slice %arg4[%add3A_1649, %dma_start3A_1650] : memref<3276800x128xf32, #tpu.memory_space<hbm>> -> memref<128x128xf32, #tpu.memory_space<hbm>>
      %dma_start3A_1652 = arith.constant 0 : i32
      %dma_start3A_1653 = tpu.memref_slice %arg4[%add3A_1649, %dma_start3A_1652] : memref<3276800x128xf32, #tpu.memory_space<hbm>> -> memref<128x128xf32, #tpu.memory_space<hbm>>
      tpu.enqueue_dma source(%arg12 : memref<128x128xf32, #tpu.memory_space<vmem>>) target(%dma_start3A_1653 : memref<128x128xf32, #tpu.memory_space<hbm>>) target_semaphore(%arg22 : memref<!tpu.dma_semaphore, #tpu.memory_space<semaphore_mem>>)
      %add3A_1654 = arith.constant 4224 : i32
      %add3A_1655 = arith.addi %add3A_955, %add3A_1654 : i32
      %dma_wait3A_1656 = arith.constant 0 : i32
      %dma_wait3A_1657 = tpu.memref_slice %arg4[%add3A_1655, %dma_wait3A_1656] : memref<3276800x128xf32, #tpu.memory_space<hbm>> -> memref<128x128xf32, #tpu.memory_space<hbm>>
      %dma_wait3A_1658 = arith.constant 0 : i32
      %dma_wait3A_1659 = tpu.memref_slice %arg4[%add3A_1655, %dma_wait3A_1658] : memref<3276800x128xf32, #tpu.memory_space<hbm>> -> memref<128x128xf32, #tpu.memory_space<hbm>>
      tpu.wait_dma2 semaphore(%arg21 : memref<!tpu.dma_semaphore, #tpu.memory_space<semaphore_mem>>) src(%arg11 : memref<128x128xf32, #tpu.memory_space<vmem>>) dst(%dma_wait3A_1659 : memref<128x128xf32, #tpu.memory_space<hbm>>)
      %dma_start3A_1660 = arith.constant 4224 : i32
      %dma_start3A_1661 = tpu.memref_slice %arg6[%dma_start3A_1660] : memref<5120xi32, #tpu.memory_space<vmem>> -> memref<128xi32, #tpu.memory_space<vmem>>
      %dma_start3A_1662 = arith.constant 0 : i32
      %dma_start3A_1663 = arith.constant 0 : i32
      %dma_start3A_1664 = tpu.memref_slice %arg7[%dma_start3A_1662, %dma_start3A_1663] : memref<300x128xf32, #tpu.memory_space<vmem_shared>> -> memref<300x128xf32, #tpu.memory_space<vmem_shared>>
      tpu.enqueue_indirect_dma source(%dma_start3A_1664 : memref<300x128xf32, #tpu.memory_space<vmem_shared>>) target(%arg11 : memref<128x128xf32, #tpu.memory_space<vmem>>) offsets(%dma_start3A_1661 : memref<128xi32, #tpu.memory_space<vmem>>) semaphore(%arg16 : memref<!tpu.dma_semaphore, #tpu.memory_space<semaphore_mem>>)
      %dma_wait3A_1665 = arith.constant 3840 : i32
      %dma_wait3A_1666 = tpu.memref_slice %arg6[%dma_wait3A_1665] : memref<5120xi32, #tpu.memory_space<vmem>> -> memref<128xi32, #tpu.memory_space<vmem>>
      %dma_wait3A_1667 = arith.constant 0 : i32
      %dma_wait3A_1668 = arith.constant 0 : i32
      %dma_wait3A_1669 = tpu.memref_slice %arg7[%dma_wait3A_1667, %dma_wait3A_1668] : memref<300x128xf32, #tpu.memory_space<vmem_shared>> -> memref<300x128xf32, #tpu.memory_space<vmem_shared>>
      tpu.wait_indirect_dma semaphore(%arg13 : memref<!tpu.dma_semaphore, #tpu.memory_space<semaphore_mem>>) src(%dma_wait3A_1669 : memref<300x128xf32, #tpu.memory_space<vmem_shared>>) dst(%arg8 : memref<128x128xf32, #tpu.memory_space<vmem>>)
      %add3A_1670 = arith.constant 3840 : i32
      %add3A_1671 = arith.addi %add3A_955, %add3A_1670 : i32
      %dma_start3A_1672 = arith.constant 0 : i32
      %dma_start3A_1673 = tpu.memref_slice %arg4[%add3A_1671, %dma_start3A_1672] : memref<3276800x128xf32, #tpu.memory_space<hbm>> -> memref<128x128xf32, #tpu.memory_space<hbm>>
      %dma_start3A_1674 = arith.constant 0 : i32
      %dma_start3A_1675 = tpu.memref_slice %arg4[%add3A_1671, %dma_start3A_1674] : memref<3276800x128xf32, #tpu.memory_space<hbm>> -> memref<128x128xf32, #tpu.memory_space<hbm>>
      tpu.enqueue_dma source(%arg8 : memref<128x128xf32, #tpu.memory_space<vmem>>) target(%dma_start3A_1675 : memref<128x128xf32, #tpu.memory_space<hbm>>) target_semaphore(%arg18 : memref<!tpu.dma_semaphore, #tpu.memory_space<semaphore_mem>>)
      %add3A_1676 = arith.constant 4352 : i32
      %add3A_1677 = arith.addi %add3A_955, %add3A_1676 : i32
      %dma_wait3A_1678 = arith.constant 0 : i32
      %dma_wait3A_1679 = tpu.memref_slice %arg4[%add3A_1677, %dma_wait3A_1678] : memref<3276800x128xf32, #tpu.memory_space<hbm>> -> memref<128x128xf32, #tpu.memory_space<hbm>>
      %dma_wait3A_1680 = arith.constant 0 : i32
      %dma_wait3A_1681 = tpu.memref_slice %arg4[%add3A_1677, %dma_wait3A_1680] : memref<3276800x128xf32, #tpu.memory_space<hbm>> -> memref<128x128xf32, #tpu.memory_space<hbm>>
      tpu.wait_dma2 semaphore(%arg22 : memref<!tpu.dma_semaphore, #tpu.memory_space<semaphore_mem>>) src(%arg12 : memref<128x128xf32, #tpu.memory_space<vmem>>) dst(%dma_wait3A_1681 : memref<128x128xf32, #tpu.memory_space<hbm>>)
      %dma_start3A_1682 = arith.constant 4352 : i32
      %dma_start3A_1683 = tpu.memref_slice %arg6[%dma_start3A_1682] : memref<5120xi32, #tpu.memory_space<vmem>> -> memref<128xi32, #tpu.memory_space<vmem>>
      %dma_start3A_1684 = arith.constant 0 : i32
      %dma_start3A_1685 = arith.constant 0 : i32
      %dma_start3A_1686 = tpu.memref_slice %arg7[%dma_start3A_1684, %dma_start3A_1685] : memref<300x128xf32, #tpu.memory_space<vmem_shared>> -> memref<300x128xf32, #tpu.memory_space<vmem_shared>>
      tpu.enqueue_indirect_dma source(%dma_start3A_1686 : memref<300x128xf32, #tpu.memory_space<vmem_shared>>) target(%arg12 : memref<128x128xf32, #tpu.memory_space<vmem>>) offsets(%dma_start3A_1683 : memref<128xi32, #tpu.memory_space<vmem>>) semaphore(%arg17 : memref<!tpu.dma_semaphore, #tpu.memory_space<semaphore_mem>>)
      %dma_wait3A_1687 = arith.constant 3968 : i32
      %dma_wait3A_1688 = tpu.memref_slice %arg6[%dma_wait3A_1687] : memref<5120xi32, #tpu.memory_space<vmem>> -> memref<128xi32, #tpu.memory_space<vmem>>
      %dma_wait3A_1689 = arith.constant 0 : i32
      %dma_wait3A_1690 = arith.constant 0 : i32
      %dma_wait3A_1691 = tpu.memref_slice %arg7[%dma_wait3A_1689, %dma_wait3A_1690] : memref<300x128xf32, #tpu.memory_space<vmem_shared>> -> memref<300x128xf32, #tpu.memory_space<vmem_shared>>
      tpu.wait_indirect_dma semaphore(%arg14 : memref<!tpu.dma_semaphore, #tpu.memory_space<semaphore_mem>>) src(%dma_wait3A_1691 : memref<300x128xf32, #tpu.memory_space<vmem_shared>>) dst(%arg9 : memref<128x128xf32, #tpu.memory_space<vmem>>)
      %add3A_1692 = arith.constant 3968 : i32
      %add3A_1693 = arith.addi %add3A_955, %add3A_1692 : i32
      %dma_start3A_1694 = arith.constant 0 : i32
      %dma_start3A_1695 = tpu.memref_slice %arg4[%add3A_1693, %dma_start3A_1694] : memref<3276800x128xf32, #tpu.memory_space<hbm>> -> memref<128x128xf32, #tpu.memory_space<hbm>>
      %dma_start3A_1696 = arith.constant 0 : i32
      %dma_start3A_1697 = tpu.memref_slice %arg4[%add3A_1693, %dma_start3A_1696] : memref<3276800x128xf32, #tpu.memory_space<hbm>> -> memref<128x128xf32, #tpu.memory_space<hbm>>
      tpu.enqueue_dma source(%arg9 : memref<128x128xf32, #tpu.memory_space<vmem>>) target(%dma_start3A_1697 : memref<128x128xf32, #tpu.memory_space<hbm>>) target_semaphore(%arg19 : memref<!tpu.dma_semaphore, #tpu.memory_space<semaphore_mem>>)
      %add3A_1698 = arith.constant 4480 : i32
      %add3A_1699 = arith.addi %add3A_955, %add3A_1698 : i32
      %dma_wait3A_1700 = arith.constant 0 : i32
      %dma_wait3A_1701 = tpu.memref_slice %arg4[%add3A_1699, %dma_wait3A_1700] : memref<3276800x128xf32, #tpu.memory_space<hbm>> -> memref<128x128xf32, #tpu.memory_space<hbm>>
      %dma_wait3A_1702 = arith.constant 0 : i32
      %dma_wait3A_1703 = tpu.memref_slice %arg4[%add3A_1699, %dma_wait3A_1702] : memref<3276800x128xf32, #tpu.memory_space<hbm>> -> memref<128x128xf32, #tpu.memory_space<hbm>>
      tpu.wait_dma2 semaphore(%arg18 : memref<!tpu.dma_semaphore, #tpu.memory_space<semaphore_mem>>) src(%arg8 : memref<128x128xf32, #tpu.memory_space<vmem>>) dst(%dma_wait3A_1703 : memref<128x128xf32, #tpu.memory_space<hbm>>)
      %dma_start3A_1704 = arith.constant 4480 : i32
      %dma_start3A_1705 = tpu.memref_slice %arg6[%dma_start3A_1704] : memref<5120xi32, #tpu.memory_space<vmem>> -> memref<128xi32, #tpu.memory_space<vmem>>
      %dma_start3A_1706 = arith.constant 0 : i32
      %dma_start3A_1707 = arith.constant 0 : i32
      %dma_start3A_1708 = tpu.memref_slice %arg7[%dma_start3A_1706, %dma_start3A_1707] : memref<300x128xf32, #tpu.memory_space<vmem_shared>> -> memref<300x128xf32, #tpu.memory_space<vmem_shared>>
      tpu.enqueue_indirect_dma source(%dma_start3A_1708 : memref<300x128xf32, #tpu.memory_space<vmem_shared>>) target(%arg8 : memref<128x128xf32, #tpu.memory_space<vmem>>) offsets(%dma_start3A_1705 : memref<128xi32, #tpu.memory_space<vmem>>) semaphore(%arg13 : memref<!tpu.dma_semaphore, #tpu.memory_space<semaphore_mem>>)
      %dma_wait3A_1709 = arith.constant 4096 : i32
      %dma_wait3A_1710 = tpu.memref_slice %arg6[%dma_wait3A_1709] : memref<5120xi32, #tpu.memory_space<vmem>> -> memref<128xi32, #tpu.memory_space<vmem>>
      %dma_wait3A_1711 = arith.constant 0 : i32
      %dma_wait3A_1712 = arith.constant 0 : i32
      %dma_wait3A_1713 = tpu.memref_slice %arg7[%dma_wait3A_1711, %dma_wait3A_1712] : memref<300x128xf32, #tpu.memory_space<vmem_shared>> -> memref<300x128xf32, #tpu.memory_space<vmem_shared>>
      tpu.wait_indirect_dma semaphore(%arg15 : memref<!tpu.dma_semaphore, #tpu.memory_space<semaphore_mem>>) src(%dma_wait3A_1713 : memref<300x128xf32, #tpu.memory_space<vmem_shared>>) dst(%arg10 : memref<128x128xf32, #tpu.memory_space<vmem>>)
      %add3A_1714 = arith.constant 4096 : i32
      %add3A_1715 = arith.addi %add3A_955, %add3A_1714 : i32
      %dma_start3A_1716 = arith.constant 0 : i32
      %dma_start3A_1717 = tpu.memref_slice %arg4[%add3A_1715, %dma_start3A_1716] : memref<3276800x128xf32, #tpu.memory_space<hbm>> -> memref<128x128xf32, #tpu.memory_space<hbm>>
      %dma_start3A_1718 = arith.constant 0 : i32
      %dma_start3A_1719 = tpu.memref_slice %arg4[%add3A_1715, %dma_start3A_1718] : memref<3276800x128xf32, #tpu.memory_space<hbm>> -> memref<128x128xf32, #tpu.memory_space<hbm>>
      tpu.enqueue_dma source(%arg10 : memref<128x128xf32, #tpu.memory_space<vmem>>) target(%dma_start3A_1719 : memref<128x128xf32, #tpu.memory_space<hbm>>) target_semaphore(%arg20 : memref<!tpu.dma_semaphore, #tpu.memory_space<semaphore_mem>>)
      %add3A_1720 = arith.constant 4608 : i32
      %add3A_1721 = arith.addi %add3A_955, %add3A_1720 : i32
      %dma_wait3A_1722 = arith.constant 0 : i32
      %dma_wait3A_1723 = tpu.memref_slice %arg4[%add3A_1721, %dma_wait3A_1722] : memref<3276800x128xf32, #tpu.memory_space<hbm>> -> memref<128x128xf32, #tpu.memory_space<hbm>>
      %dma_wait3A_1724 = arith.constant 0 : i32
      %dma_wait3A_1725 = tpu.memref_slice %arg4[%add3A_1721, %dma_wait3A_1724] : memref<3276800x128xf32, #tpu.memory_space<hbm>> -> memref<128x128xf32, #tpu.memory_space<hbm>>
      tpu.wait_dma2 semaphore(%arg19 : memref<!tpu.dma_semaphore, #tpu.memory_space<semaphore_mem>>) src(%arg9 : memref<128x128xf32, #tpu.memory_space<vmem>>) dst(%dma_wait3A_1725 : memref<128x128xf32, #tpu.memory_space<hbm>>)
      %dma_start3A_1726 = arith.constant 4608 : i32
      %dma_start3A_1727 = tpu.memref_slice %arg6[%dma_start3A_1726] : memref<5120xi32, #tpu.memory_space<vmem>> -> memref<128xi32, #tpu.memory_space<vmem>>
      %dma_start3A_1728 = arith.constant 0 : i32
      %dma_start3A_1729 = arith.constant 0 : i32
      %dma_start3A_1730 = tpu.memref_slice %arg7[%dma_start3A_1728, %dma_start3A_1729] : memref<300x128xf32, #tpu.memory_space<vmem_shared>> -> memref<300x128xf32, #tpu.memory_space<vmem_shared>>
      tpu.enqueue_indirect_dma source(%dma_start3A_1730 : memref<300x128xf32, #tpu.memory_space<vmem_shared>>) target(%arg9 : memref<128x128xf32, #tpu.memory_space<vmem>>) offsets(%dma_start3A_1727 : memref<128xi32, #tpu.memory_space<vmem>>) semaphore(%arg14 : memref<!tpu.dma_semaphore, #tpu.memory_space<semaphore_mem>>)
      %dma_wait3A_1731 = arith.constant 4224 : i32
      %dma_wait3A_1732 = tpu.memref_slice %arg6[%dma_wait3A_1731] : memref<5120xi32, #tpu.memory_space<vmem>> -> memref<128xi32, #tpu.memory_space<vmem>>
      %dma_wait3A_1733 = arith.constant 0 : i32
      %dma_wait3A_1734 = arith.constant 0 : i32
      %dma_wait3A_1735 = tpu.memref_slice %arg7[%dma_wait3A_1733, %dma_wait3A_1734] : memref<300x128xf32, #tpu.memory_space<vmem_shared>> -> memref<300x128xf32, #tpu.memory_space<vmem_shared>>
      tpu.wait_indirect_dma semaphore(%arg16 : memref<!tpu.dma_semaphore, #tpu.memory_space<semaphore_mem>>) src(%dma_wait3A_1735 : memref<300x128xf32, #tpu.memory_space<vmem_shared>>) dst(%arg11 : memref<128x128xf32, #tpu.memory_space<vmem>>)
      %add3A_1736 = arith.constant 4224 : i32
      %add3A_1737 = arith.addi %add3A_955, %add3A_1736 : i32
      %dma_start3A_1738 = arith.constant 0 : i32
      %dma_start3A_1739 = tpu.memref_slice %arg4[%add3A_1737, %dma_start3A_1738] : memref<3276800x128xf32, #tpu.memory_space<hbm>> -> memref<128x128xf32, #tpu.memory_space<hbm>>
      %dma_start3A_1740 = arith.constant 0 : i32
      %dma_start3A_1741 = tpu.memref_slice %arg4[%add3A_1737, %dma_start3A_1740] : memref<3276800x128xf32, #tpu.memory_space<hbm>> -> memref<128x128xf32, #tpu.memory_space<hbm>>
      tpu.enqueue_dma source(%arg11 : memref<128x128xf32, #tpu.memory_space<vmem>>) target(%dma_start3A_1741 : memref<128x128xf32, #tpu.memory_space<hbm>>) target_semaphore(%arg21 : memref<!tpu.dma_semaphore, #tpu.memory_space<semaphore_mem>>)
      %add3A_1742 = arith.constant 4736 : i32
      %add3A_1743 = arith.addi %add3A_955, %add3A_1742 : i32
      %dma_wait3A_1744 = arith.constant 0 : i32
      %dma_wait3A_1745 = tpu.memref_slice %arg4[%add3A_1743, %dma_wait3A_1744] : memref<3276800x128xf32, #tpu.memory_space<hbm>> -> memref<128x128xf32, #tpu.memory_space<hbm>>
      %dma_wait3A_1746 = arith.constant 0 : i32
      %dma_wait3A_1747 = tpu.memref_slice %arg4[%add3A_1743, %dma_wait3A_1746] : memref<3276800x128xf32, #tpu.memory_space<hbm>> -> memref<128x128xf32, #tpu.memory_space<hbm>>
      tpu.wait_dma2 semaphore(%arg20 : memref<!tpu.dma_semaphore, #tpu.memory_space<semaphore_mem>>) src(%arg10 : memref<128x128xf32, #tpu.memory_space<vmem>>) dst(%dma_wait3A_1747 : memref<128x128xf32, #tpu.memory_space<hbm>>)
      %dma_start3A_1748 = arith.constant 4736 : i32
      %dma_start3A_1749 = tpu.memref_slice %arg6[%dma_start3A_1748] : memref<5120xi32, #tpu.memory_space<vmem>> -> memref<128xi32, #tpu.memory_space<vmem>>
      %dma_start3A_1750 = arith.constant 0 : i32
      %dma_start3A_1751 = arith.constant 0 : i32
      %dma_start3A_1752 = tpu.memref_slice %arg7[%dma_start3A_1750, %dma_start3A_1751] : memref<300x128xf32, #tpu.memory_space<vmem_shared>> -> memref<300x128xf32, #tpu.memory_space<vmem_shared>>
      tpu.enqueue_indirect_dma source(%dma_start3A_1752 : memref<300x128xf32, #tpu.memory_space<vmem_shared>>) target(%arg10 : memref<128x128xf32, #tpu.memory_space<vmem>>) offsets(%dma_start3A_1749 : memref<128xi32, #tpu.memory_space<vmem>>) semaphore(%arg15 : memref<!tpu.dma_semaphore, #tpu.memory_space<semaphore_mem>>)
      %dma_wait3A_1753 = arith.constant 4352 : i32
      %dma_wait3A_1754 = tpu.memref_slice %arg6[%dma_wait3A_1753] : memref<5120xi32, #tpu.memory_space<vmem>> -> memref<128xi32, #tpu.memory_space<vmem>>
      %dma_wait3A_1755 = arith.constant 0 : i32
      %dma_wait3A_1756 = arith.constant 0 : i32
      %dma_wait3A_1757 = tpu.memref_slice %arg7[%dma_wait3A_1755, %dma_wait3A_1756] : memref<300x128xf32, #tpu.memory_space<vmem_shared>> -> memref<300x128xf32, #tpu.memory_space<vmem_shared>>
      tpu.wait_indirect_dma semaphore(%arg17 : memref<!tpu.dma_semaphore, #tpu.memory_space<semaphore_mem>>) src(%dma_wait3A_1757 : memref<300x128xf32, #tpu.memory_space<vmem_shared>>) dst(%arg12 : memref<128x128xf32, #tpu.memory_space<vmem>>)
      %add3A_1758 = arith.constant 4352 : i32
      %add3A_1759 = arith.addi %add3A_955, %add3A_1758 : i32
      %dma_start3A_1760 = arith.constant 0 : i32
      %dma_start3A_1761 = tpu.memref_slice %arg4[%add3A_1759, %dma_start3A_1760] : memref<3276800x128xf32, #tpu.memory_space<hbm>> -> memref<128x128xf32, #tpu.memory_space<hbm>>
      %dma_start3A_1762 = arith.constant 0 : i32
      %dma_start3A_1763 = tpu.memref_slice %arg4[%add3A_1759, %dma_start3A_1762] : memref<3276800x128xf32, #tpu.memory_space<hbm>> -> memref<128x128xf32, #tpu.memory_space<hbm>>
      tpu.enqueue_dma source(%arg12 : memref<128x128xf32, #tpu.memory_space<vmem>>) target(%dma_start3A_1763 : memref<128x128xf32, #tpu.memory_space<hbm>>) target_semaphore(%arg22 : memref<!tpu.dma_semaphore, #tpu.memory_space<semaphore_mem>>)
      %add3A_1764 = arith.constant 4864 : i32
      %add3A_1765 = arith.addi %add3A_955, %add3A_1764 : i32
      %dma_wait3A_1766 = arith.constant 0 : i32
      %dma_wait3A_1767 = tpu.memref_slice %arg4[%add3A_1765, %dma_wait3A_1766] : memref<3276800x128xf32, #tpu.memory_space<hbm>> -> memref<128x128xf32, #tpu.memory_space<hbm>>
      %dma_wait3A_1768 = arith.constant 0 : i32
      %dma_wait3A_1769 = tpu.memref_slice %arg4[%add3A_1765, %dma_wait3A_1768] : memref<3276800x128xf32, #tpu.memory_space<hbm>> -> memref<128x128xf32, #tpu.memory_space<hbm>>
      tpu.wait_dma2 semaphore(%arg21 : memref<!tpu.dma_semaphore, #tpu.memory_space<semaphore_mem>>) src(%arg11 : memref<128x128xf32, #tpu.memory_space<vmem>>) dst(%dma_wait3A_1769 : memref<128x128xf32, #tpu.memory_space<hbm>>)
      %dma_start3A_1770 = arith.constant 4864 : i32
      %dma_start3A_1771 = tpu.memref_slice %arg6[%dma_start3A_1770] : memref<5120xi32, #tpu.memory_space<vmem>> -> memref<128xi32, #tpu.memory_space<vmem>>
      %dma_start3A_1772 = arith.constant 0 : i32
      %dma_start3A_1773 = arith.constant 0 : i32
      %dma_start3A_1774 = tpu.memref_slice %arg7[%dma_start3A_1772, %dma_start3A_1773] : memref<300x128xf32, #tpu.memory_space<vmem_shared>> -> memref<300x128xf32, #tpu.memory_space<vmem_shared>>
      tpu.enqueue_indirect_dma source(%dma_start3A_1774 : memref<300x128xf32, #tpu.memory_space<vmem_shared>>) target(%arg11 : memref<128x128xf32, #tpu.memory_space<vmem>>) offsets(%dma_start3A_1771 : memref<128xi32, #tpu.memory_space<vmem>>) semaphore(%arg16 : memref<!tpu.dma_semaphore, #tpu.memory_space<semaphore_mem>>)
      %dma_wait3A_1775 = arith.constant 4480 : i32
      %dma_wait3A_1776 = tpu.memref_slice %arg6[%dma_wait3A_1775] : memref<5120xi32, #tpu.memory_space<vmem>> -> memref<128xi32, #tpu.memory_space<vmem>>
      %dma_wait3A_1777 = arith.constant 0 : i32
      %dma_wait3A_1778 = arith.constant 0 : i32
      %dma_wait3A_1779 = tpu.memref_slice %arg7[%dma_wait3A_1777, %dma_wait3A_1778] : memref<300x128xf32, #tpu.memory_space<vmem_shared>> -> memref<300x128xf32, #tpu.memory_space<vmem_shared>>
      tpu.wait_indirect_dma semaphore(%arg13 : memref<!tpu.dma_semaphore, #tpu.memory_space<semaphore_mem>>) src(%dma_wait3A_1779 : memref<300x128xf32, #tpu.memory_space<vmem_shared>>) dst(%arg8 : memref<128x128xf32, #tpu.memory_space<vmem>>)
      %add3A_1780 = arith.constant 4480 : i32
      %add3A_1781 = arith.addi %add3A_955, %add3A_1780 : i32
      %dma_start3A_1782 = arith.constant 0 : i32
      %dma_start3A_1783 = tpu.memref_slice %arg4[%add3A_1781, %dma_start3A_1782] : memref<3276800x128xf32, #tpu.memory_space<hbm>> -> memref<128x128xf32, #tpu.memory_space<hbm>>
      %dma_start3A_1784 = arith.constant 0 : i32
      %dma_start3A_1785 = tpu.memref_slice %arg4[%add3A_1781, %dma_start3A_1784] : memref<3276800x128xf32, #tpu.memory_space<hbm>> -> memref<128x128xf32, #tpu.memory_space<hbm>>
      tpu.enqueue_dma source(%arg8 : memref<128x128xf32, #tpu.memory_space<vmem>>) target(%dma_start3A_1785 : memref<128x128xf32, #tpu.memory_space<hbm>>) target_semaphore(%arg18 : memref<!tpu.dma_semaphore, #tpu.memory_space<semaphore_mem>>)
      %add3A_1786 = arith.constant 4992 : i32
      %add3A_1787 = arith.addi %add3A_955, %add3A_1786 : i32
      %dma_wait3A_1788 = arith.constant 0 : i32
      %dma_wait3A_1789 = tpu.memref_slice %arg4[%add3A_1787, %dma_wait3A_1788] : memref<3276800x128xf32, #tpu.memory_space<hbm>> -> memref<128x128xf32, #tpu.memory_space<hbm>>
      %dma_wait3A_1790 = arith.constant 0 : i32
      %dma_wait3A_1791 = tpu.memref_slice %arg4[%add3A_1787, %dma_wait3A_1790] : memref<3276800x128xf32, #tpu.memory_space<hbm>> -> memref<128x128xf32, #tpu.memory_space<hbm>>
      tpu.wait_dma2 semaphore(%arg22 : memref<!tpu.dma_semaphore, #tpu.memory_space<semaphore_mem>>) src(%arg12 : memref<128x128xf32, #tpu.memory_space<vmem>>) dst(%dma_wait3A_1791 : memref<128x128xf32, #tpu.memory_space<hbm>>)
      %dma_start3A_1792 = arith.constant 4992 : i32
      %dma_start3A_1793 = tpu.memref_slice %arg6[%dma_start3A_1792] : memref<5120xi32, #tpu.memory_space<vmem>> -> memref<128xi32, #tpu.memory_space<vmem>>
      %dma_start3A_1794 = arith.constant 0 : i32
      %dma_start3A_1795 = arith.constant 0 : i32
      %dma_start3A_1796 = tpu.memref_slice %arg7[%dma_start3A_1794, %dma_start3A_1795] : memref<300x128xf32, #tpu.memory_space<vmem_shared>> -> memref<300x128xf32, #tpu.memory_space<vmem_shared>>
      tpu.enqueue_indirect_dma source(%dma_start3A_1796 : memref<300x128xf32, #tpu.memory_space<vmem_shared>>) target(%arg12 : memref<128x128xf32, #tpu.memory_space<vmem>>) offsets(%dma_start3A_1793 : memref<128xi32, #tpu.memory_space<vmem>>) semaphore(%arg17 : memref<!tpu.dma_semaphore, #tpu.memory_space<semaphore_mem>>)
      %dma_wait3A_1797 = arith.constant 4608 : i32
      %dma_wait3A_1798 = tpu.memref_slice %arg6[%dma_wait3A_1797] : memref<5120xi32, #tpu.memory_space<vmem>> -> memref<128xi32, #tpu.memory_space<vmem>>
      %dma_wait3A_1799 = arith.constant 0 : i32
      %dma_wait3A_1800 = arith.constant 0 : i32
      %dma_wait3A_1801 = tpu.memref_slice %arg7[%dma_wait3A_1799, %dma_wait3A_1800] : memref<300x128xf32, #tpu.memory_space<vmem_shared>> -> memref<300x128xf32, #tpu.memory_space<vmem_shared>>
      tpu.wait_indirect_dma semaphore(%arg14 : memref<!tpu.dma_semaphore, #tpu.memory_space<semaphore_mem>>) src(%dma_wait3A_1801 : memref<300x128xf32, #tpu.memory_space<vmem_shared>>) dst(%arg9 : memref<128x128xf32, #tpu.memory_space<vmem>>)
      %add3A_1802 = arith.constant 4608 : i32
      %add3A_1803 = arith.addi %add3A_955, %add3A_1802 : i32
      %dma_start3A_1804 = arith.constant 0 : i32
      %dma_start3A_1805 = tpu.memref_slice %arg4[%add3A_1803, %dma_start3A_1804] : memref<3276800x128xf32, #tpu.memory_space<hbm>> -> memref<128x128xf32, #tpu.memory_space<hbm>>
      %dma_start3A_1806 = arith.constant 0 : i32
      %dma_start3A_1807 = tpu.memref_slice %arg4[%add3A_1803, %dma_start3A_1806] : memref<3276800x128xf32, #tpu.memory_space<hbm>> -> memref<128x128xf32, #tpu.memory_space<hbm>>
      tpu.enqueue_dma source(%arg9 : memref<128x128xf32, #tpu.memory_space<vmem>>) target(%dma_start3A_1807 : memref<128x128xf32, #tpu.memory_space<hbm>>) target_semaphore(%arg19 : memref<!tpu.dma_semaphore, #tpu.memory_space<semaphore_mem>>)
      %dma_wait3A_1808 = arith.constant 4736 : i32
      %dma_wait3A_1809 = tpu.memref_slice %arg6[%dma_wait3A_1808] : memref<5120xi32, #tpu.memory_space<vmem>> -> memref<128xi32, #tpu.memory_space<vmem>>
      %dma_wait3A_1810 = arith.constant 0 : i32
      %dma_wait3A_1811 = arith.constant 0 : i32
      %dma_wait3A_1812 = tpu.memref_slice %arg7[%dma_wait3A_1810, %dma_wait3A_1811] : memref<300x128xf32, #tpu.memory_space<vmem_shared>> -> memref<300x128xf32, #tpu.memory_space<vmem_shared>>
      tpu.wait_indirect_dma semaphore(%arg15 : memref<!tpu.dma_semaphore, #tpu.memory_space<semaphore_mem>>) src(%dma_wait3A_1812 : memref<300x128xf32, #tpu.memory_space<vmem_shared>>) dst(%arg10 : memref<128x128xf32, #tpu.memory_space<vmem>>)
      %add3A_1813 = arith.constant 4736 : i32
      %add3A_1814 = arith.addi %add3A_955, %add3A_1813 : i32
      %dma_start3A_1815 = arith.constant 0 : i32
      %dma_start3A_1816 = tpu.memref_slice %arg4[%add3A_1814, %dma_start3A_1815] : memref<3276800x128xf32, #tpu.memory_space<hbm>> -> memref<128x128xf32, #tpu.memory_space<hbm>>
      %dma_start3A_1817 = arith.constant 0 : i32
      %dma_start3A_1818 = tpu.memref_slice %arg4[%add3A_1814, %dma_start3A_1817] : memref<3276800x128xf32, #tpu.memory_space<hbm>> -> memref<128x128xf32, #tpu.memory_space<hbm>>
      tpu.enqueue_dma source(%arg10 : memref<128x128xf32, #tpu.memory_space<vmem>>) target(%dma_start3A_1818 : memref<128x128xf32, #tpu.memory_space<hbm>>) target_semaphore(%arg20 : memref<!tpu.dma_semaphore, #tpu.memory_space<semaphore_mem>>)
      %dma_wait3A_1819 = arith.constant 4864 : i32
      %dma_wait3A_1820 = tpu.memref_slice %arg6[%dma_wait3A_1819] : memref<5120xi32, #tpu.memory_space<vmem>> -> memref<128xi32, #tpu.memory_space<vmem>>
      %dma_wait3A_1821 = arith.constant 0 : i32
      %dma_wait3A_1822 = arith.constant 0 : i32
      %dma_wait3A_1823 = tpu.memref_slice %arg7[%dma_wait3A_1821, %dma_wait3A_1822] : memref<300x128xf32, #tpu.memory_space<vmem_shared>> -> memref<300x128xf32, #tpu.memory_space<vmem_shared>>
      tpu.wait_indirect_dma semaphore(%arg16 : memref<!tpu.dma_semaphore, #tpu.memory_space<semaphore_mem>>) src(%dma_wait3A_1823 : memref<300x128xf32, #tpu.memory_space<vmem_shared>>) dst(%arg11 : memref<128x128xf32, #tpu.memory_space<vmem>>)
      %add3A_1824 = arith.constant 4864 : i32
      %add3A_1825 = arith.addi %add3A_955, %add3A_1824 : i32
      %dma_start3A_1826 = arith.constant 0 : i32
      %dma_start3A_1827 = tpu.memref_slice %arg4[%add3A_1825, %dma_start3A_1826] : memref<3276800x128xf32, #tpu.memory_space<hbm>> -> memref<128x128xf32, #tpu.memory_space<hbm>>
      %dma_start3A_1828 = arith.constant 0 : i32
      %dma_start3A_1829 = tpu.memref_slice %arg4[%add3A_1825, %dma_start3A_1828] : memref<3276800x128xf32, #tpu.memory_space<hbm>> -> memref<128x128xf32, #tpu.memory_space<hbm>>
      tpu.enqueue_dma source(%arg11 : memref<128x128xf32, #tpu.memory_space<vmem>>) target(%dma_start3A_1829 : memref<128x128xf32, #tpu.memory_space<hbm>>) target_semaphore(%arg21 : memref<!tpu.dma_semaphore, #tpu.memory_space<semaphore_mem>>)
      %dma_wait3A_1830 = arith.constant 4992 : i32
      %dma_wait3A_1831 = tpu.memref_slice %arg6[%dma_wait3A_1830] : memref<5120xi32, #tpu.memory_space<vmem>> -> memref<128xi32, #tpu.memory_space<vmem>>
      %dma_wait3A_1832 = arith.constant 0 : i32
      %dma_wait3A_1833 = arith.constant 0 : i32
      %dma_wait3A_1834 = tpu.memref_slice %arg7[%dma_wait3A_1832, %dma_wait3A_1833] : memref<300x128xf32, #tpu.memory_space<vmem_shared>> -> memref<300x128xf32, #tpu.memory_space<vmem_shared>>
      tpu.wait_indirect_dma semaphore(%arg17 : memref<!tpu.dma_semaphore, #tpu.memory_space<semaphore_mem>>) src(%dma_wait3A_1834 : memref<300x128xf32, #tpu.memory_space<vmem_shared>>) dst(%arg12 : memref<128x128xf32, #tpu.memory_space<vmem>>)
      %add3A_1835 = arith.constant 4992 : i32
      %add3A_1836 = arith.addi %add3A_955, %add3A_1835 : i32
      %dma_start3A_1837 = arith.constant 0 : i32
      %dma_start3A_1838 = tpu.memref_slice %arg4[%add3A_1836, %dma_start3A_1837] : memref<3276800x128xf32, #tpu.memory_space<hbm>> -> memref<128x128xf32, #tpu.memory_space<hbm>>
      %dma_start3A_1839 = arith.constant 0 : i32
      %dma_start3A_1840 = tpu.memref_slice %arg4[%add3A_1836, %dma_start3A_1839] : memref<3276800x128xf32, #tpu.memory_space<hbm>> -> memref<128x128xf32, #tpu.memory_space<hbm>>
      tpu.enqueue_dma source(%arg12 : memref<128x128xf32, #tpu.memory_space<vmem>>) target(%dma_start3A_1840 : memref<128x128xf32, #tpu.memory_space<hbm>>) target_semaphore(%arg22 : memref<!tpu.dma_semaphore, #tpu.memory_space<semaphore_mem>>)
      %add3A_1841 = arith.constant 2 : i32
      %add3A_1842 = arith.addi %add3A_952, %add3A_1841 : i32
      %lt3A_1843 = arith.constant 20 : i32
      %lt3A_1844 = arith.cmpi slt, %add3A_1842, %lt3A_1843 : i32
      %convert_element_type3A_1845 = arith.extui %lt3A_1844 : i1 to i32
      %cond3A_1846 = arith.constant 0 : i32
      %cond3A_1847 = arith.cmpi ne, %convert_element_type3A_1845, %cond3A_1846 : i32
      scf.if %cond3A_1847 {
        %add3A_1848 = arith.constant 2 : i32
        %add3A_1849 = arith.addi %add3A_952, %add3A_1848 : i32
        %mul3A_1850 = arith.constant 5120 : i32
        %mul3A_1851 = arith.muli %add3A_1849, %mul3A_1850 : i32
        %add3A_1852 = arith.addi %mul3A_2, %mul3A_1851 : i32
        %dma_start3A_1853 = tpu.memref_slice %arg2[%add3A_1852] : memref<3276800xi32, #tpu.memory_space<hbm>> -> memref<5120xi32, #tpu.memory_space<hbm>>
        %dma_start3A_1854 = tpu.memref_slice %arg2[%add3A_1852] : memref<3276800xi32, #tpu.memory_space<hbm>> -> memref<5120xi32, #tpu.memory_space<hbm>>
        tpu.enqueue_dma source(%dma_start3A_1854 : memref<5120xi32, #tpu.memory_space<hbm>>) target(%arg6 : memref<5120xi32, #tpu.memory_space<vmem>>) target_semaphore(%arg24 : memref<!tpu.dma_semaphore, #tpu.memory_space<semaphore_mem>>)
      } else {
      }
    }
    %scan3A_16 = arith.constant 10 : i32
    %add3A_17 = arith.constant 97280 : i32
    %add3A_18 = arith.addi %mul3A_2, %add3A_17 : i32
    %add3A_19 = arith.constant 4480 : i32
    %add3A_20 = arith.addi %add3A_18, %add3A_19 : i32
    %dma_wait3A = arith.constant 0 : i32
    %dma_wait3A_21 = tpu.memref_slice %arg4[%add3A_20, %dma_wait3A] : memref<3276800x128xf32, #tpu.memory_space<hbm>> -> memref<128x128xf32, #tpu.memory_space<hbm>>
    %dma_wait3A_22 = arith.constant 0 : i32
    %dma_wait3A_23 = tpu.memref_slice %arg4[%add3A_20, %dma_wait3A_22] : memref<3276800x128xf32, #tpu.memory_space<hbm>> -> memref<128x128xf32, #tpu.memory_space<hbm>>
    tpu.wait_dma2 semaphore(%arg18 : memref<!tpu.dma_semaphore, #tpu.memory_space<semaphore_mem>>) src(%arg8 : memref<128x128xf32, #tpu.memory_space<vmem>>) dst(%dma_wait3A_23 : memref<128x128xf32, #tpu.memory_space<hbm>>)
    %add3A_24 = arith.constant 97280 : i32
    %add3A_25 = arith.addi %mul3A_2, %add3A_24 : i32
    %add3A_26 = arith.constant 4608 : i32
    %add3A_27 = arith.addi %add3A_25, %add3A_26 : i32
    %dma_wait3A_28 = arith.constant 0 : i32
    %dma_wait3A_29 = tpu.memref_slice %arg4[%add3A_27, %dma_wait3A_28] : memref<3276800x128xf32, #tpu.memory_space<hbm>> -> memref<128x128xf32, #tpu.memory_space<hbm>>
    %dma_wait3A_30 = arith.constant 0 : i32
    %dma_wait3A_31 = tpu.memref_slice %arg4[%add3A_27, %dma_wait3A_30] : memref<3276800x128xf32, #tpu.memory_space<hbm>> -> memref<128x128xf32, #tpu.memory_space<hbm>>
    tpu.wait_dma2 semaphore(%arg19 : memref<!tpu.dma_semaphore, #tpu.memory_space<semaphore_mem>>) src(%arg9 : memref<128x128xf32, #tpu.memory_space<vmem>>) dst(%dma_wait3A_31 : memref<128x128xf32, #tpu.memory_space<hbm>>)
    %add3A_32 = arith.constant 97280 : i32
    %add3A_33 = arith.addi %mul3A_2, %add3A_32 : i32
    %add3A_34 = arith.constant 4736 : i32
    %add3A_35 = arith.addi %add3A_33, %add3A_34 : i32
    %dma_wait3A_36 = arith.constant 0 : i32
    %dma_wait3A_37 = tpu.memref_slice %arg4[%add3A_35, %dma_wait3A_36] : memref<3276800x128xf32, #tpu.memory_space<hbm>> -> memref<128x128xf32, #tpu.memory_space<hbm>>
    %dma_wait3A_38 = arith.constant 0 : i32
    %dma_wait3A_39 = tpu.memref_slice %arg4[%add3A_35, %dma_wait3A_38] : memref<3276800x128xf32, #tpu.memory_space<hbm>> -> memref<128x128xf32, #tpu.memory_space<hbm>>
    tpu.wait_dma2 semaphore(%arg20 : memref<!tpu.dma_semaphore, #tpu.memory_space<semaphore_mem>>) src(%arg10 : memref<128x128xf32, #tpu.memory_space<vmem>>) dst(%dma_wait3A_39 : memref<128x128xf32, #tpu.memory_space<hbm>>)
    %add3A_40 = arith.constant 97280 : i32
    %add3A_41 = arith.addi %mul3A_2, %add3A_40 : i32
    %add3A_42 = arith.constant 4864 : i32
    %add3A_43 = arith.addi %add3A_41, %add3A_42 : i32
    %dma_wait3A_44 = arith.constant 0 : i32
    %dma_wait3A_45 = tpu.memref_slice %arg4[%add3A_43, %dma_wait3A_44] : memref<3276800x128xf32, #tpu.memory_space<hbm>> -> memref<128x128xf32, #tpu.memory_space<hbm>>
    %dma_wait3A_46 = arith.constant 0 : i32
    %dma_wait3A_47 = tpu.memref_slice %arg4[%add3A_43, %dma_wait3A_46] : memref<3276800x128xf32, #tpu.memory_space<hbm>> -> memref<128x128xf32, #tpu.memory_space<hbm>>
    tpu.wait_dma2 semaphore(%arg21 : memref<!tpu.dma_semaphore, #tpu.memory_space<semaphore_mem>>) src(%arg11 : memref<128x128xf32, #tpu.memory_space<vmem>>) dst(%dma_wait3A_47 : memref<128x128xf32, #tpu.memory_space<hbm>>)
    %add3A_48 = arith.constant 97280 : i32
    %add3A_49 = arith.addi %mul3A_2, %add3A_48 : i32
    %add3A_50 = arith.constant 4992 : i32
    %add3A_51 = arith.addi %add3A_49, %add3A_50 : i32
    %dma_wait3A_52 = arith.constant 0 : i32
    %dma_wait3A_53 = tpu.memref_slice %arg4[%add3A_51, %dma_wait3A_52] : memref<3276800x128xf32, #tpu.memory_space<hbm>> -> memref<128x128xf32, #tpu.memory_space<hbm>>
    %dma_wait3A_54 = arith.constant 0 : i32
    %dma_wait3A_55 = tpu.memref_slice %arg4[%add3A_51, %dma_wait3A_54] : memref<3276800x128xf32, #tpu.memory_space<hbm>> -> memref<128x128xf32, #tpu.memory_space<hbm>>
    tpu.wait_dma2 semaphore(%arg22 : memref<!tpu.dma_semaphore, #tpu.memory_space<semaphore_mem>>) src(%arg12 : memref<128x128xf32, #tpu.memory_space<vmem>>) dst(%dma_wait3A_55 : memref<128x128xf32, #tpu.memory_space<hbm>>)
    return
  }
}

</mosaic_0001>

<sc_bundles>
// kernel: _vqae_sc.3.cloned.1.call-start
scs
__scs_entry_jumppad:
0x0: {  	(pc) =	sbr.rel $0x88, $3  }
0x1: {  	(tag) =	ssettag $0x0;
	lr =	simm.s32 $0x1  }
0x2: {  	[smem:$0x3F9F] =	sst lr;
	_ =	strace $0xD0000000  }
0x3: {  	_ = 	snop  }
0x4: {  	_ = 	snop  }
0x5: {  	_ = 	snop  }
0x6: {  	_ = 	snop  }
0x7: {  	_ = 	snop  }
__scs_overlays_trampoline_lowered:
0x8: {  	[smem:$0x3FAE] =	sst s0  }
0x9: {  	[smem:$0x3FAF] =	sst s1  }
0xa: {  	[smem:$0x3FB0] =	sst s2  }
0xb: {  	[smem:$0x3FB1] =	sst s3  }
0xc: {  	[smem:$0x3FB2] =	sst s4  }
0xd: {  	[smem:$0x3FB3] =	sst s5  }
0xe: {  	[smem:$0x3FB4] =	sst s6  }
0xf: {  	[smem:$0x3FB5] =	sst s7  }
0x10: {  	[smem:$0x3FB6] =	sst s8  }
0x11: {  	[smem:$0x3FB7] =	sst s9;
	s0 =	simm.s32 @!p0 $0x0  }
0x12: {  	s1 =	sld [smem:$0x3F9D];
	s0 =	simm.s32 @p0 $0x1  }
0x13: {  	[smem:$0x3FB8] =	sst s0;
	s0 =	simm.s32 @!p1 $0x0  }
0x14: {  	s2 =	sld [smem:$0x3F9C];
	s0 =	simm.s32 @p1 $0x1  }
0x15: {  	[smem:$0x3FB9] =	sst s0;
	s0 =	simm.s32 @!p2 $0x0  }
0x16: {  	s3 =	sld [smem:$0x3FDB];
	s0 =	simm.s32 @p2 $0x1  }
0x17: {  	s4 =	simm.s32 $0x1BF5;
	[smem:$0x3FBB] =	sst s0  }
0x18: {  	s0 =	sld [smem:$0x3F9E];
	_ =	swait.ge [sflag:s4], $0x0  }
0x19: {  	s7 =	sld [smem:$0x3F9F]  }
0x1a: {  	s8 =	sadd.s32 $0xFFFFE003, lr  }
0x1b: {  	s9 =	sadd.s32 $0xFFFFFEF7, lr;
	s5 =	simm.s32 $0xFFFFFFFF;
	p2 =	slt.u32 s8, $0xFFFFF086  }
0x1c: {  	p1 =	slt.u32 s9, $0xF7A;
	s5 =	simm.s32 @!p2 $0x0  }
0x1d: {  	s5 =	simm.s32 @p1 $0x1;
	p0 =	seq.s32 s7, s2  }
0x1e: {  	s7 =	smul.u32 @!p0 $0xF7A, s2;
	p2 =	seq.s32 @!p0 s5, $0x0  }
0x1f: {  	s9 =	smul.u32 $0xF7A, s1;
	s8 =	simm.s32 @!p0 $0x1BF5;
	p2 =	por !p2, p0  }
0x20: {  	[sflag:s8] =	ssyncset.s32 @!p0 $0xFFFFF086;
	s6 =	sadd.s32 @!p0 s3, s7;
	s7 =	simm.s32 @!p0 $0x108  }
0x21: {  	s3 =	sadd.s32 s3, s9;
	s6 =	sadd.s32 @!p0 $0x88, s6;
	s7 =	simm.s32 @p2 $0x1082  }
0x22: {  	[simem:s7], [sflag:s8] =	dma.local @!p0 [hbm:s6], $0xF7A  }
0x23: {  	s9 =	sor.u32 $0xD0000000, s2;
	s6 =	simm.s32 $0x108;
	_ =	swait.ge @!p0 [sflag:s8], $0x0  }
0x24: {  	s3 =	sadd.s32 $0x88, s3;
	s6 =	simm.s32 @!p1 $0x1082;
	[sflag:s4] =	ssyncset.s32 $0xFFFFF086  }
0x25: {  	[simem:s6], [sflag:s4] =	dma.local [hbm:s3], $0xF7A  }
0x26: {  	[smem:$0x3F9F] =	sst s1;
	(tag) =	ssettag s2;
	_ =	strace s9  }
0x27: {  	s1 =	sld [smem:$0x3FAF]  }
0x28: {  	s2 =	sld [smem:$0x3FB0]  }
0x29: {  	s4 =	sld [smem:$0x3FB2]  }
0x2a: {  	p0 =	seq.s32 s5, $0x0;
	s5 =	sld [smem:$0x3FB3]  }
0x2b: {  	s6 =	sld [smem:$0x3FB4]  }
0x2c: {  	s7 =	sld [smem:$0x3FB5]  }
0x2d: {  	s3 =	simm.s32 $0x108;
	s8 =	sld [smem:$0x3FB6]  }
0x2e: {  	s3 =	simm.s32 @!p0 $0x1082;
	s9 =	sld [smem:$0x3FB7]  }
0x2f: {  	lr =	sadd.s32 s0, s3;
	s0 =	sld [smem:$0x3FAE]  }
0x30: {  	s3 =	sld [smem:$0x3FB1]  }
0x31: {  	[smem:$0x3FBA] =	sst s10  }
0x32: {  	s10 =	sld [smem:$0x3FB8];
	_ =	sdelay $0x3  }
0x33: {  	p0 =	seq.s32 s10, $0x1;
	s10 =	sld [smem:$0x3FBA];
	_ =	sdelay $0x3  }
0x34: {  	[smem:$0x3FBA] =	sst s10  }
0x35: {  	s10 =	sld [smem:$0x3FB9];
	_ =	sdelay $0x3  }
0x36: {  	p1 =	seq.s32 s10, $0x1;
	s10 =	sld [smem:$0x3FBA];
	_ =	sdelay $0x3  }
0x37: {  	[smem:$0x3FBA] =	sst s10  }
0x38: {  	s10 =	sld [smem:$0x3FBB]  }
0x39: {  	_ = 	snop;
	(pc) =	sbr.ind lr, $3  }
0x3a: {  	_ = 	snop  }
0x3b: {  	_ = 	snop  }
0x3c: {  	p2 =	seq.s32 s10, $0x1;
	s10 =	sld [smem:$0x3FBA]  }
0x3d: {  	_ =	shalt  }
0x3e: {  	_ =	shalt  }
0x3f: {  	_ =	shalt  }
0x40: {  	_ =	shalt  }
0x41: {  	_ =	shalt  }
0x42: {  	_ =	shalt  }
0x43: {  	_ =	shalt  }
0x44: {  	_ =	shalt  }
0x45: {  	_ =	shalt  }
0x46: {  	_ =	shalt  }
0x47: {  	_ =	shalt  }
0x48: {  	_ =	shalt  }
0x49: {  	_ =	shalt  }
0x4a: {  	_ =	shalt  }
0x4b: {  	_ =	shalt  }
0x4c: {  	_ =	shalt  }
0x4d: {  	_ =	shalt  }
0x4e: {  	_ =	shalt  }
0x4f: {  	_ =	shalt  }
0x50: {  	_ =	shalt  }
0x51: {  	_ =	shalt  }
0x52: {  	_ =	shalt  }
0x53: {  	_ =	shalt  }
0x54: {  	_ =	shalt  }
0x55: {  	_ =	shalt  }
0x56: {  	_ =	shalt  }
0x57: {  	_ =	shalt  }
0x58: {  	_ =	shalt  }
0x59: {  	_ =	shalt  }
0x5a: {  	_ =	shalt  }
0x5b: {  	_ =	shalt  }
0x5c: {  	_ =	shalt  }
0x5d: {  	_ =	shalt  }
0x5e: {  	_ =	shalt  }
0x5f: {  	_ =	shalt  }
0x60: {  	_ =	shalt  }
0x61: {  	_ =	shalt  }
0x62: {  	_ =	shalt  }
0x63: {  	_ =	shalt  }
0x64: {  	_ =	shalt  }
0x65: {  	_ =	shalt  }
0x66: {  	_ =	shalt  }
0x67: {  	_ =	shalt  }
0x68: {  	_ =	shalt  }
0x69: {  	_ =	shalt  }
0x6a: {  	_ =	shalt  }
0x6b: {  	_ =	shalt  }
0x6c: {  	_ =	shalt  }
0x6d: {  	_ =	shalt  }
0x6e: {  	_ =	shalt  }
0x6f: {  	_ =	shalt  }
0x70: {  	_ =	shalt  }
0x71: {  	_ =	shalt  }
0x72: {  	_ =	shalt  }
0x73: {  	_ =	shalt  }
0x74: {  	_ =	shalt  }
0x75: {  	_ =	shalt  }
0x76: {  	_ =	shalt  }
0x77: {  	_ =	shalt  }
0x78: {  	_ =	shalt  }
0x79: {  	_ =	shalt  }
0x7a: {  	_ =	shalt  }
0x7b: {  	_ =	shalt  }
0x7c: {  	_ =	shalt  }
0x7d: {  	_ =	shalt  }
0x7e: {  	_ =	shalt  }
0x7f: {  	_ =	shalt  }
0x80: {  	_ =	shalt  }
0x81: {  	_ =	shalt  }
0x82: {  	_ =	shalt  }
0x83: {  	_ =	shalt  }
0x84: {  	_ =	shalt  }
0x85: {  	_ =	shalt  }
0x86: {  	_ =	shalt  }
0x87: {  	_ =	shalt  }
.Lfunc_end0:
.L_simem_size_0:
called_computation_lowered:
.L_overlay_start_0:
0x88: {  	s2 =	sld [smem:$0x3FD9]  }
0x89: {  	s3 =	sld [smem:$0x3FFE];
	_ =	sdelay $0x1  }
0x8a: {  	s1 =	srdreg.scid  }
0x8b: {  	s0 =	sand.u32 $0x1, s1  }
0x8c: {  	s18 =	sshll.u32 s0, $0xA;
	s2 =	sadd.s32 s3, s2  }
0x8d: {  	s2 =	sadd.s32 s2, s18  }
0x8e: {  	[smem:$0x3FC6] =	sst s2  }
0x8f: {  	_ = 	snop  }
0x90: {  	s2 =	sld [smem:$0x3FC9]  }
0x91: {  	s19 =	sld [smem:$0x3FC8]  }
0x92: {  	s4 =	sld [smem:$0x3FD0];
	(tm) =	ssettm $0x1  }
0x93: {  	s5 =	sld [smem:$0x3FFB];
	_ =	sdelay $0x3  }
0x94: {  	_ =	strace s5  }
0x95: {  	s5 =	sld [smem:$0x3FFC];
	_ =	sdelay $0x3  }
0x96: {  	_ =	strace s5  }
0x97: {  	s5 =	sld [smem:$0x3FFD];
	_ =	sdelay $0x3  }
0x98: {  	_ =	strace s5  }
0x99: {  	_ =	strace $0x8FFFFFFF  }
0x9a: {  	s20 =	sld [smem:$0x3FDB];
	_ =	sdelay $0x1  }
0x9b: {  	s6 =	simm.s32 $_scs_section_size  }
0x9c: {  	s7 =	simm.s32 $_size__tile_overlayer_lowered;
	s8 =	simm.s32 $_tile_overlayer_lowered  }
0x9d: {  	s23 =	simm.s32 $0x1BFF;
	s22 =	sshll.u32 s8, $0x1;
	s5 =	sadd.s32 s6, s20  }
0x9e: {  	s9 =	simm.s32 $0x0;
	s21 =	sshll.u32 s7, $0x1;
	s7 =	sadd.s32 s22, s5  }
0x9f: {  	[timem:s9], [sflag:s23] =	dma.local [hbm:s7], s21  }
0xa0: {  	_ =	swait.ge [sflag:s23], s21  }
0xa1: {  	s6 =	ssub.s32 $0x0, s21;
	[sflag:s23] =	ssyncset.done $0x0  }
0xa2: {  	[sflag:s23] =	ssyncadd.s32 s6;
	_ =	sdelay $0x1  }
0xa3: {  	s24 =	simm.s32 $0x1B8B  }
0xa4: {  	_ =	swait.ge [sflag:s24], $0x1  }
0xa5: {  	[sflag:s24] =	ssyncset.done $0x0  }
0xa6: {  	s25 =	simm.s32 $0x1B8E;
	[sflag:s24] =	ssyncadd.s32 $0xFFFFFFFF  }
0xa7: {  	s26 =	simm.s32 $execute0_lowered;
	[smem:$0x3FD2] =	sst s25  }
0xa8: {  	s6 =	sshll.u32 s26, $0x1;
	_ =	strace $0x80000046;
	[dreg:$0x1] =	wrdreg $0xFFFFFFFF  }
0xa9: {  	s28 =	simm.s32 $_size_execute0_lowered;
	s5 =	sadd.s32 s5, s6;
	[dreg:$0x0] =	wrdreg $0x0  }
0xaa: {  	s6 =	sshll.u32 s28, $0x1;
	[dreg:$0x2] =	wrdreg s5  }
0xab: {  	[dreg:$0x3] =	wrdreg s6  }
0xac: {  	[dreg:$0x4] =	wrdreg $0xC0  }
0xad: {  	_ =	task [dreg:s9], $0x5FFFF  }
0xae: {  	[dreg:$0x1] =	wrdreg $0xFFFFFFFF  }
0xaf: {  	[dreg:$0x0] =	wrdreg $0x60  }
0xb0: {  	[dreg:$0x2] =	wrdreg s2  }
0xb1: {  	[dreg:$0x3] =	wrdreg s19  }
0xb2: {  	[dreg:$0x4] =	wrdreg s4  }
0xb3: {  	[dreg:$0x5] =	wrdreg $0x28000  }
0xb4: {  	[dreg:$0x6] =	wrdreg $0x9  }
0xb5: {  	_ =	task.clear_ibuf [dreg:s9], $0x7FFFF;
	_ =	strace $0x90000046  }
0xb6: {  	s29 =	simm.s32 $0x9;
	_ =	strace $0x80000048  }
0xb7: {  	_ =	swait.ge [sflag:s29], $0x1  }
0xb8: {  	[sflag:s29] =	ssyncadd.s32 $0xFFFFFFFF  }
0xb9: {  	_ =	strace $0x90000048  }
0xba: {  	_ =	sfence  }
0xbb: {  	s30 =	sld [smem:$0x0];
	_ =	sdelay $0x2  }
0xbc: {  	s31 =	sshll.u32 s1, $0xD;
	s1 =	sshrl.u32 s1, $0x2  }
0xbd: {  	s3 =	sand.u32 $0x4000, s31;
	s1 =	sadd.s32 s1, s30  }
0xbe: {  	s0 =	sor.u32 s3, s0;
	s1 =	sshll.u32 s1, $0x11  }
0xbf: {  	s0 =	sor.u32 s1, s0  }
0xc0: {  	s0 =	sadd.s32 $0x8F2B, s0  }
0xc1: {  	[sflag:s0] =	ssyncadd.remote.s32 $0x1  }
0xc2: {  	_ =	sfence.sel $0xFFFF  }
0xc3: {  	[dreg:$0x0] =	wrdreg $0xFFFFFFFF;
	(pc) =	sbr.abs _section_cstart, $3  }
0xc4: {  	[dreg:$0x1] =	wrdreg $0xFFFFFFFF  }
0xc5: {  	_ =	task.clear_ibuf [dreg:s9], $0x2FFFF;
	_ =	strace $0x9FFFFFFF  }
0xc6: {  	(tm) =	ssettm $0x7FFFFFFF  }
0xc7: {  	_ =	shalt  }
tec
execute0_lowered:
.L_overlay_start_1:
0x0: {  	(tag) =	ssettag $0x1  }
0x1: {  	s9 =	rddreg [dreg:$0x0];
	s0 =	srdreg.scid  }
0x2: {  	s1 =	stileid.u32;
	s2 =	rddreg [dreg:$0x2]  }
0x3: {  	s3 =	rddreg [dreg:$0x3];
	s12 =	simm.s32 $0x1400;
	s14 =	simm.s32 $0xB  }
0x4: {  	s15 =	simm.s32 $0x80;
	s17 =	simm.s32 $0xF160;
	s18 =	simm.s32 $0x1  }
0x5: {  	s19 =	simm.s32 $0x3160;
	s21 =	simm.s32 $0x13160;
	s22 =	simm.s32 $0x2  }
0x6: {  	s28 =	simm.s32 $0xB160;
	s29 =	simm.s32 $0x7;
	s31 =	simm.s32 $0x4  }
0x7: {  	s20 =	simm.s32 $0xC;
	s11 =	simm.s32 $0x0;
	s7 =	smul.u32 $0x32000, s1  }
0x8: {  	s0 =	sand.u32 $0x1, s0;
	s4 =	sshll.u32 s1, $0x1;
	s25 =	smul.u32 $0x320000, s1  }
0x9: {  	p0 =	sne.s32 s1, $0x0;
	s5 =	sor.u32 s0, s4;
	s23 =	smul.u32 $0x19000, s0  }
0xa: {  	s4 =	simm.s32 $0x0;
	s6 =	ssub.s32 $0x2, s0;
	s5 =	smul.u32 $0x19000, s5  }
0xb: {  	s0 =	smul.u32 $0x190000, s0;
	[smem:$0x7FF] =	sst s4;
	s8 =	sshrl.u32 s6, $0x1  }
0xc: {  	_ =	strace $0x80000047;
	s6 =	ssub.s32 s6, s8;
	s5 =	sshrl.u32 s5, $0x3  }
0xd: {  	s8 =	simm.s32 $0xA;
	s6 =	smax.u32 s6, $0x1;
	s10 =	sadd.s32 s9, s5  }
0xe: {  	[dreg:$0x7] =	wrdreg s6;
	s5 =	sadd.s32 s23, s7;
	s6 =	sadd.s32 s25, s2  }
0xf: {  	s23 =	simm.s32 $0x7160;
	[dreg:$0x5] =	wrdreg s10;
	s24 =	sadd.s32 $0x280, s10  }
0x10: {  	s7 =	sadd.s32 $0x3C00, s5;
	s26 =	sshll.u32 s5, $0x4;
	s30 =	sadd.s32 $0x2800, s5  }
0x11: {  	s5 =	simm.s32 $0x2700;
	[dreg:$0x6] =	wrdreg s24;
	s7 =	sshrl.u32 s7, $0x3  }
.Ltmp0:
0x12: {  	s2 =	sadd.s32 s2, s26;
	[dreg:$0x9] =	wrdreg s30;
	(pc) =	sbr.rel .LBB2_1-.Ltmp0, $4  }
0x13: {  	s24 =	simm.s32 $0x6;
	s26 =	simm.s32 $0x3;
	s7 =	sadd.s32 s7, s9  }
0x14: {  	s9 =	sadd.s32 s0, s6;
	s10 =	sadd.s32 $0x14000, s2;
	s0 =	sshrl.u32 @!p0 s3, $0x3  }
0x15: {  	s2 =	simm.s32 $0x8;
	s6 =	simm.s32 $0x5;
	[dreg:$0x8] =	wrdreg s7  }
0x16: {  	[dreg:$0xa] =	wrdreg s0;
	s7 =	simm.s32 $0x9;
	s0 =	simm.s32 $0x2780  }
.LBB2_4:
0x17: {  	_ =	swait.ge [sflag:s24], $0x4000  }
0x18: {  	[sflag:s24] =	ssyncset.done $0x0  }
0x19: {  	[sflag:s24] =	ssyncadd.s32 $0xFFFFC000  }
0x1a: {  	_ =	swait.ge [sflag:s29], $0x4000  }
0x1b: {  	[sflag:s29] =	ssyncset.done $0x0  }
0x1c: {  	[sflag:s29] =	ssyncadd.s32 $0xFFFFC000  }
0x1d: {  	_ =	swait.ge [sflag:s2], $0x4000  }
0x1e: {  	[sflag:s2] =	ssyncset.done $0x0  }
0x1f: {  	[sflag:s2] =	ssyncadd.s32 $0xFFFFC000  }
0x20: {  	_ =	swait.ge [sflag:s7], $0x4000  }
0x21: {  	[sflag:s7] =	ssyncset.done $0x0  }
0x22: {  	[sflag:s7] =	ssyncadd.s32 $0xFFFFC000  }
0x23: {  	_ =	swait.ge [sflag:s8], $0x4000  }
0x24: {  	s11 =	rddreg [dreg:$0xb]  }
0x25: {  	s1 =	rddreg [dreg:$0x7];
	s11 =	sadd.s32 $0x1, s11  }
0x26: {  	p1 =	sne.s32 s11, s1  }
.Ltmp1:
0x27: {  	_ = 	snop;
	(pc) =	sbr.rel @!p1 .LBB2_5-.Ltmp1, $3  }
0x28: {  	_ =	sdelay $0x1  }
0x29: {  	[sflag:s8] =	ssyncset.done $0x0  }
0x2a: {  	[sflag:s8] =	ssyncadd.s32 $0xFFFFC000  }
.LBB2_1:
0x2b: {  	[dreg:$0xb] =	wrdreg s11  }
0x2c: {  	s1 =	rddreg [dreg:$0x5]  }
0x2d: {  	s25 =	rddreg [dreg:$0x6]  }
0x2e: {  	s11 =	rddreg [dreg:$0x1]  }
0x2f: {  	[tilespmem:s4], [sflag:$0xB] =	stream.linear.gather [hbm4b:s1+s4], $0x1400, $0x38;
	[tilespmem:$0x17160] =	vst v63  }
0x30: {  	s13 =	rddreg [dreg:$0xa];
	s1 =	simm.s32 @!p0 $0x1C0D  }
0x31: {  	[tilespmem:s12], [sflag:$0xC] =	stream.linear.gather [hbm4b:s25+s4], $0x1400, $0x38;
	[tilespmem:$0x17160] =	vst v63  }
0x32: {  	[spmem:s13], [sflag:s1] =	dma.local @!p0 [hbm:s11], $0x12C0  }
0x33: {  	s1 =	simm.s32 @!p0 $0xD  }
0x34: {  	_ =	swait.ge @!p0 [sflag:s1], $0x12C0  }
0x35: {  	[sflag:s1] =	ssyncset.done @!p0 $0x0  }
0x36: {  	[sflag:s1] =	ssyncadd.s32 @!p0 $0xFFFFED40  }
0x37: {  	[bflag:$0x0] =	sbarrier.arrive $0xFFFF  }
0x38: {  	s16 =	rddreg [dreg:$0x9]  }
0x39: {  	s30 =	simm.s32 $0x0;
	s25 =	rddreg [dreg:$0x8]  }
.LBB2_2:
0x3a: {  	_ =	swait.ge [sflag:s14], $0x1400;
	p1 =	seq.s32 s30, $0x0  }
0x3b: {  	[sflag:s14] =	ssyncset.done $0x0;
	s1 =	simm.s32 @p1 $0x80  }
0x3c: {  	s13 =	simm.s32 @p1 $0x0;
	s11 =	simm.s32 @p1 $0x3160;
	[sflag:s14] =	ssyncadd.s32 $0xFFFFEC00  }
0x3d: {  	[tilespmem:s11], [sflag:$0x1] =	stream.indirect.gather @p1 [spmem:s3], $0x80, s13, s1, $0xb8;
	[tilespmem:$0x17160] =	vst v63  }
0x3e: {  	s11 =	simm.s32 @p1 $0x7160  }
0x3f: {  	[tilespmem:s11], [sflag:$0x2] =	stream.indirect.gather @p1 [spmem:s3], $0x80, s1, s1, $0xb8;
	[tilespmem:$0x17160] =	vst v63  }
0x40: {  	s13 =	simm.s32 @p1 $0xB160;
	s11 =	simm.s32 @p1 $0x100  }
0x41: {  	[tilespmem:s13], [sflag:$0x3] =	stream.indirect.gather @p1 [spmem:s3], $0x80, s11, s1, $0xb8;
	[tilespmem:$0x17160] =	vst v63  }
0x42: {  	s1 =	simm.s32 @!p1 $0x6  }
0x43: {  	_ =	swait.ge @!p1 [sflag:s1], $0x4000  }
0x44: {  	s11 =	simm.s32 @!p1 $0x0;
	[sflag:s1] =	ssyncset.done @!p1 $0x0  }
0x45: {  	s13 =	simm.s32 @!p1 $0x3160;
	[sflag:s1] =	ssyncadd.s32 @!p1 $0xFFFFC000;
	s1 =	simm.s32 @!p1 $0x80  }
0x46: {  	[tilespmem:s13], [sflag:$0x1] =	stream.indirect.gather @!p1 [spmem:s3], $0x80, s11, s1, $0xb8;
	[tilespmem:$0x17160] =	vst v63  }
0x47: {  	s11 =	simm.s32 @!p1 $0x7  }
0x48: {  	_ =	swait.ge @!p1 [sflag:s11], $0x4000  }
0x49: {  	[sflag:s11] =	ssyncset.done @!p1 $0x0  }
0x4a: {  	[sflag:s11] =	ssyncadd.s32 @!p1 $0xFFFFC000;
	s11 =	simm.s32 @!p1 $0x7160  }
0x4b: {  	[tilespmem:s11], [sflag:$0x2] =	stream.indirect.gather @!p1 [spmem:s3], $0x80, s1, s1, $0xb8;
	[tilespmem:$0x17160] =	vst v63  }
0x4c: {  	s11 =	simm.s32 @!p1 $0x8  }
0x4d: {  	_ =	swait.ge @!p1 [sflag:s11], $0x4000  }
0x4e: {  	[sflag:s11] =	ssyncset.done @!p1 $0x0  }
0x4f: {  	s13 =	simm.s32 @!p1 $0xB160;
	[sflag:s11] =	ssyncadd.s32 @!p1 $0xFFFFC000;
	s11 =	simm.s32 @!p1 $0x100  }
0x50: {  	[tilespmem:s13], [sflag:$0x3] =	stream.indirect.gather @!p1 [spmem:s3], $0x80, s11, s1, $0xb8;
	[tilespmem:$0x17160] =	vst v63  }
0x51: {  	s1 =	simm.s32 @!p1 $0x9  }
0x52: {  	_ =	swait.ge @!p1 [sflag:s1], $0x4000  }
0x53: {  	[sflag:s1] =	ssyncset.done @!p1 $0x0  }
0x54: {  	s11 =	simm.s32 $0x180;
	[sflag:s1] =	ssyncadd.s32 @!p1 $0xFFFFC000  }
0x55: {  	[tilespmem:s17], [sflag:$0x4] =	stream.indirect.gather [spmem:s3], $0x80, s11, s15, $0xb8;
	[tilespmem:$0x17160] =	vst v63  }
0x56: {  	_ =	swait.ge [sflag:s18], $0x4000  }
0x57: {  	[sflag:s18] =	ssyncset.done $0x0  }
0x58: {  	s1 =	sadd.s32 s30, s9;
	s11 =	simm.s32 @!p1 $0xA;
	[sflag:s18] =	ssyncadd.s32 $0xFFFFC000  }
0x59: {  	[hbm4b:s1+s4] =	stream.linear.scatter [tilespmem:s19], [sflag:$0x6], $0x4000, $0x38;
	[tilespmem:$0x17160] =	vst v63  }
0x5a: {  	_ =	swait.ge @!p1 [sflag:s11], $0x4000  }
0x5b: {  	[sflag:s11] =	ssyncset.done @!p1 $0x0  }
0x5c: {  	s13 =	simm.s32 $0x200;
	[sflag:s11] =	ssyncadd.s32 @!p1 $0xFFFFC000  }
0x5d: {  	[tilespmem:s21], [sflag:$0x5] =	stream.indirect.gather [spmem:s3], $0x80, s13, s15, $0xb8;
	[tilespmem:$0x17160] =	vst v63  }
0x5e: {  	_ =	swait.ge [sflag:s22], $0x4000  }
0x5f: {  	[sflag:s22] =	ssyncset.done $0x0  }
0x60: {  	s13 =	sadd.s32 $0x800, s1;
	[sflag:s22] =	ssyncadd.s32 $0xFFFFC000  }
0x61: {  	[hbm4b:s13+s4] =	stream.linear.scatter [tilespmem:s23], [sflag:$0x7], $0x4000, $0x38;
	[tilespmem:$0x17160] =	vst v63  }
0x62: {  	_ =	swait.ge [sflag:s24], $0x4000  }
0x63: {  	[sflag:s24] =	ssyncset.done $0x0  }
0x64: {  	s13 =	simm.s32 $0x280;
	[sflag:s24] =	ssyncadd.s32 $0xFFFFC000  }
0x65: {  	[tilespmem:s19], [sflag:$0x1] =	stream.indirect.gather [spmem:s3], $0x80, s13, s15, $0xb8;
	[tilespmem:$0x17160] =	vst v63  }
0x66: {  	_ =	swait.ge [sflag:s26], $0x4000  }
0x67: {  	[sflag:s26] =	ssyncset.done $0x0  }
0x68: {  	s13 =	sadd.s32 $0x1000, s1;
	[sflag:s26] =	ssyncadd.s32 $0xFFFFC000  }
0x69: {  	[hbm4b:s13+s4] =	stream.linear.scatter [tilespmem:s28], [sflag:$0x8], $0x4000, $0x38;
	[tilespmem:$0x17160] =	vst v63  }
0x6a: {  	_ =	swait.ge [sflag:s29], $0x4000  }
0x6b: {  	[sflag:s29] =	ssyncset.done $0x0  }
0x6c: {  	s13 =	simm.s32 $0x300;
	[sflag:s29] =	ssyncadd.s32 $0xFFFFC000  }
0x6d: {  	[tilespmem:s23], [sflag:$0x2] =	stream.indirect.gather [spmem:s3], $0x80, s13, s15, $0xb8;
	[tilespmem:$0x17160] =	vst v63  }
0x6e: {  	_ =	swait.ge [sflag:s31], $0x4000  }
0x6f: {  	[sflag:s31] =	ssyncset.done $0x0  }
0x70: {  	s13 =	sadd.s32 $0x1800, s1;
	[sflag:s31] =	ssyncadd.s32 $0xFFFFC000  }
0x71: {  	[hbm4b:s13+s4] =	stream.linear.scatter [tilespmem:s17], [sflag:$0x9], $0x4000, $0x38;
	[tilespmem:$0x17160] =	vst v63  }
0x72: {  	_ =	swait.ge [sflag:s2], $0x4000  }
0x73: {  	[sflag:s2] =	ssyncset.done $0x0  }
0x74: {  	s13 =	simm.s32 $0x380;
	[sflag:s2] =	ssyncadd.s32 $0xFFFFC000  }
0x75: {  	[tilespmem:s28], [sflag:$0x3] =	stream.indirect.gather [spmem:s3], $0x80, s13, s15, $0xb8;
	[tilespmem:$0x17160] =	vst v63  }
0x76: {  	_ =	swait.ge [sflag:s6], $0x4000  }
0x77: {  	[sflag:s6] =	ssyncset.done $0x0  }
0x78: {  	s13 =	sadd.s32 $0x2000, s1;
	[sflag:s6] =	ssyncadd.s32 $0xFFFFC000  }
0x79: {  	[hbm4b:s13+s4] =	stream.linear.scatter [tilespmem:s21], [sflag:$0xA], $0x4000, $0x38;
	[tilespmem:$0x17160] =	vst v63  }
0x7a: {  	_ =	swait.ge [sflag:s7], $0x4000  }
0x7b: {  	[sflag:s7] =	ssyncset.done $0x0  }
0x7c: {  	s13 =	simm.s32 $0x400;
	[sflag:s7] =	ssyncadd.s32 $0xFFFFC000  }
0x7d: {  	[tilespmem:s17], [sflag:$0x4] =	stream.indirect.gather [spmem:s3], $0x80, s13, s15, $0xb8;
	[tilespmem:$0x17160] =	vst v63  }
0x7e: {  	_ =	swait.ge [sflag:s18], $0x4000  }
0x7f: {  	[sflag:s18] =	ssyncset.done $0x0  }
0x80: {  	s13 =	sadd.s32 $0x2800, s1;
	[sflag:s18] =	ssyncadd.s32 $0xFFFFC000  }
0x81: {  	[hbm4b:s13+s4] =	stream.linear.scatter [tilespmem:s19], [sflag:$0x6], $0x4000, $0x38;
	[tilespmem:$0x17160] =	vst v63  }
0x82: {  	_ =	swait.ge [sflag:s8], $0x4000  }
0x83: {  	[sflag:s8] =	ssyncset.done $0x0  }
0x84: {  	s13 =	simm.s32 $0x480;
	[sflag:s8] =	ssyncadd.s32 $0xFFFFC000  }
0x85: {  	[tilespmem:s21], [sflag:$0x5] =	stream.indirect.gather [spmem:s3], $0x80, s13, s15, $0xb8;
	[tilespmem:$0x17160] =	vst v63  }
0x86: {  	_ =	swait.ge [sflag:s22], $0x4000  }
0x87: {  	[sflag:s22] =	ssyncset.done $0x0  }
0x88: {  	s13 =	sadd.s32 $0x3000, s1;
	[sflag:s22] =	ssyncadd.s32 $0xFFFFC000  }
0x89: {  	[hbm4b:s13+s4] =	stream.linear.scatter [tilespmem:s23], [sflag:$0x7], $0x4000, $0x38;
	[tilespmem:$0x17160] =	vst v63  }
0x8a: {  	_ =	swait.ge [sflag:s24], $0x4000  }
0x8b: {  	[sflag:s24] =	ssyncset.done $0x0  }
0x8c: {  	s13 =	simm.s32 $0x500;
	[sflag:s24] =	ssyncadd.s32 $0xFFFFC000  }
0x8d: {  	[tilespmem:s19], [sflag:$0x1] =	stream.indirect.gather [spmem:s3], $0x80, s13, s15, $0xb8;
	[tilespmem:$0x17160] =	vst v63  }
0x8e: {  	_ =	swait.ge [sflag:s26], $0x4000  }
0x8f: {  	[sflag:s26] =	ssyncset.done $0x0  }
0x90: {  	s13 =	sadd.s32 $0x3800, s1;
	[sflag:s26] =	ssyncadd.s32 $0xFFFFC000  }
0x91: {  	[hbm4b:s13+s4] =	stream.linear.scatter [tilespmem:s28], [sflag:$0x8], $0x4000, $0x38;
	[tilespmem:$0x17160] =	vst v63  }
0x92: {  	_ =	swait.ge [sflag:s29], $0x4000  }
0x93: {  	[sflag:s29] =	ssyncset.done $0x0  }
0x94: {  	s13 =	simm.s32 $0x580;
	[sflag:s29] =	ssyncadd.s32 $0xFFFFC000  }
0x95: {  	[tilespmem:s23], [sflag:$0x2] =	stream.indirect.gather [spmem:s3], $0x80, s13, s15, $0xb8;
	[tilespmem:$0x17160] =	vst v63  }
0x96: {  	_ =	swait.ge [sflag:s31], $0x4000  }
0x97: {  	[sflag:s31] =	ssyncset.done $0x0  }
0x98: {  	s13 =	sadd.s32 $0x4000, s1;
	[sflag:s31] =	ssyncadd.s32 $0xFFFFC000  }
0x99: {  	[hbm4b:s13+s4] =	stream.linear.scatter [tilespmem:s17], [sflag:$0x9], $0x4000, $0x38;
	[tilespmem:$0x17160] =	vst v63  }
0x9a: {  	_ =	swait.ge [sflag:s2], $0x4000  }
0x9b: {  	[sflag:s2] =	ssyncset.done $0x0  }
0x9c: {  	s13 =	simm.s32 $0x600;
	[sflag:s2] =	ssyncadd.s32 $0xFFFFC000  }
0x9d: {  	[tilespmem:s28], [sflag:$0x3] =	stream.indirect.gather [spmem:s3], $0x80, s13, s15, $0xb8;
	[tilespmem:$0x17160] =	vst v63  }
0x9e: {  	_ =	swait.ge [sflag:s6], $0x4000  }
0x9f: {  	[sflag:s6] =	ssyncset.done $0x0  }
0xa0: {  	s13 =	sadd.s32 $0x4800, s1;
	[sflag:s6] =	ssyncadd.s32 $0xFFFFC000  }
0xa1: {  	[hbm4b:s13+s4] =	stream.linear.scatter [tilespmem:s21], [sflag:$0xA], $0x4000, $0x38;
	[tilespmem:$0x17160] =	vst v63  }
0xa2: {  	_ =	swait.ge [sflag:s7], $0x4000  }
0xa3: {  	[sflag:s7] =	ssyncset.done $0x0  }
0xa4: {  	s13 =	simm.s32 $0x680;
	[sflag:s7] =	ssyncadd.s32 $0xFFFFC000  }
0xa5: {  	[tilespmem:s17], [sflag:$0x4] =	stream.indirect.gather [spmem:s3], $0x80, s13, s15, $0xb8;
	[tilespmem:$0x17160] =	vst v63  }
0xa6: {  	_ =	swait.ge [sflag:s18], $0x4000  }
0xa7: {  	[sflag:s18] =	ssyncset.done $0x0  }
0xa8: {  	s13 =	sadd.s32 $0x5000, s1;
	[sflag:s18] =	ssyncadd.s32 $0xFFFFC000  }
0xa9: {  	[hbm4b:s13+s4] =	stream.linear.scatter [tilespmem:s19], [sflag:$0x6], $0x4000, $0x38;
	[tilespmem:$0x17160] =	vst v63  }
0xaa: {  	_ =	swait.ge [sflag:s8], $0x4000  }
0xab: {  	[sflag:s8] =	ssyncset.done $0x0  }
0xac: {  	s13 =	simm.s32 $0x700;
	[sflag:s8] =	ssyncadd.s32 $0xFFFFC000  }
0xad: {  	[tilespmem:s21], [sflag:$0x5] =	stream.indirect.gather [spmem:s3], $0x80, s13, s15, $0xb8;
	[tilespmem:$0x17160] =	vst v63  }
0xae: {  	_ =	swait.ge [sflag:s22], $0x4000  }
0xaf: {  	[sflag:s22] =	ssyncset.done $0x0  }
0xb0: {  	s13 =	sadd.s32 $0x5800, s1;
	[sflag:s22] =	ssyncadd.s32 $0xFFFFC000  }
0xb1: {  	[hbm4b:s13+s4] =	stream.linear.scatter [tilespmem:s23], [sflag:$0x7], $0x4000, $0x38;
	[tilespmem:$0x17160] =	vst v63  }
0xb2: {  	_ =	swait.ge [sflag:s24], $0x4000  }
0xb3: {  	[sflag:s24] =	ssyncset.done $0x0  }
0xb4: {  	s13 =	simm.s32 $0x780;
	[sflag:s24] =	ssyncadd.s32 $0xFFFFC000  }
0xb5: {  	[tilespmem:s19], [sflag:$0x1] =	stream.indirect.gather [spmem:s3], $0x80, s13, s15, $0xb8;
	[tilespmem:$0x17160] =	vst v63  }
0xb6: {  	_ =	swait.ge [sflag:s26], $0x4000  }
0xb7: {  	[sflag:s26] =	ssyncset.done $0x0  }
0xb8: {  	s13 =	sadd.s32 $0x6000, s1;
	[sflag:s26] =	ssyncadd.s32 $0xFFFFC000  }
0xb9: {  	[hbm4b:s13+s4] =	stream.linear.scatter [tilespmem:s28], [sflag:$0x8], $0x4000, $0x38;
	[tilespmem:$0x17160] =	vst v63  }
0xba: {  	_ =	swait.ge [sflag:s29], $0x4000  }
0xbb: {  	[sflag:s29] =	ssyncset.done $0x0  }
0xbc: {  	s13 =	simm.s32 $0x800;
	[sflag:s29] =	ssyncadd.s32 $0xFFFFC000  }
0xbd: {  	[tilespmem:s23], [sflag:$0x2] =	stream.indirect.gather [spmem:s3], $0x80, s13, s15, $0xb8;
	[tilespmem:$0x17160] =	vst v63  }
0xbe: {  	_ =	swait.ge [sflag:s31], $0x4000  }
0xbf: {  	[sflag:s31] =	ssyncset.done $0x0  }
0xc0: {  	s13 =	sadd.s32 $0x6800, s1;
	[sflag:s31] =	ssyncadd.s32 $0xFFFFC000  }
0xc1: {  	[hbm4b:s13+s4] =	stream.linear.scatter [tilespmem:s17], [sflag:$0x9], $0x4000, $0x38;
	[tilespmem:$0x17160] =	vst v63  }
0xc2: {  	_ =	swait.ge [sflag:s2], $0x4000  }
0xc3: {  	[sflag:s2] =	ssyncset.done $0x0  }
0xc4: {  	s13 =	simm.s32 $0x880;
	[sflag:s2] =	ssyncadd.s32 $0xFFFFC000  }
0xc5: {  	[tilespmem:s28], [sflag:$0x3] =	stream.indirect.gather [spmem:s3], $0x80, s13, s15, $0xb8;
	[tilespmem:$0x17160] =	vst v63  }
0xc6: {  	_ =	swait.ge [sflag:s6], $0x4000  }
0xc7: {  	[sflag:s6] =	ssyncset.done $0x0  }
0xc8: {  	s13 =	sadd.s32 $0x7000, s1;
	[sflag:s6] =	ssyncadd.s32 $0xFFFFC000  }
0xc9: {  	[hbm4b:s13+s4] =	stream.linear.scatter [tilespmem:s21], [sflag:$0xA], $0x4000, $0x38;
	[tilespmem:$0x17160] =	vst v63  }
0xca: {  	_ =	swait.ge [sflag:s7], $0x4000  }
0xcb: {  	[sflag:s7] =	ssyncset.done $0x0  }
0xcc: {  	s13 =	simm.s32 $0x900;
	[sflag:s7] =	ssyncadd.s32 $0xFFFFC000  }
0xcd: {  	[tilespmem:s17], [sflag:$0x4] =	stream.indirect.gather [spmem:s3], $0x80, s13, s15, $0xb8;
	[tilespmem:$0x17160] =	vst v63  }
0xce: {  	_ =	swait.ge [sflag:s18], $0x4000  }
0xcf: {  	[sflag:s18] =	ssyncset.done $0x0  }
0xd0: {  	s13 =	sadd.s32 $0x7800, s1;
	[sflag:s18] =	ssyncadd.s32 $0xFFFFC000  }
0xd1: {  	[hbm4b:s13+s4] =	stream.linear.scatter [tilespmem:s19], [sflag:$0x6], $0x4000, $0x38;
	[tilespmem:$0x17160] =	vst v63  }
0xd2: {  	_ =	swait.ge [sflag:s8], $0x4000  }
0xd3: {  	[sflag:s8] =	ssyncset.done $0x0  }
0xd4: {  	s13 =	simm.s32 $0x980;
	[sflag:s8] =	ssyncadd.s32 $0xFFFFC000  }
0xd5: {  	[tilespmem:s21], [sflag:$0x5] =	stream.indirect.gather [spmem:s3], $0x80, s13, s15, $0xb8;
	[tilespmem:$0x17160] =	vst v63  }
0xd6: {  	_ =	swait.ge [sflag:s22], $0x4000  }
0xd7: {  	[sflag:s22] =	ssyncset.done $0x0  }
0xd8: {  	s13 =	sadd.s32 $0x8000, s1;
	[sflag:s22] =	ssyncadd.s32 $0xFFFFC000  }
0xd9: {  	[hbm4b:s13+s4] =	stream.linear.scatter [tilespmem:s23], [sflag:$0x7], $0x4000, $0x38;
	[tilespmem:$0x17160] =	vst v63  }
0xda: {  	_ =	swait.ge [sflag:s24], $0x4000  }
0xdb: {  	[sflag:s24] =	ssyncset.done $0x0  }
0xdc: {  	s13 =	simm.s32 $0xA00;
	[sflag:s24] =	ssyncadd.s32 $0xFFFFC000  }
0xdd: {  	[tilespmem:s19], [sflag:$0x1] =	stream.indirect.gather [spmem:s3], $0x80, s13, s15, $0xb8;
	[tilespmem:$0x17160] =	vst v63  }
0xde: {  	_ =	swait.ge [sflag:s26], $0x4000  }
0xdf: {  	[sflag:s26] =	ssyncset.done $0x0  }
0xe0: {  	s13 =	sadd.s32 $0x8800, s1;
	[sflag:s26] =	ssyncadd.s32 $0xFFFFC000  }
0xe1: {  	[hbm4b:s13+s4] =	stream.linear.scatter [tilespmem:s28], [sflag:$0x8], $0x4000, $0x38;
	[tilespmem:$0x17160] =	vst v63  }
0xe2: {  	_ =	swait.ge [sflag:s29], $0x4000  }
0xe3: {  	[sflag:s29] =	ssyncset.done $0x0  }
0xe4: {  	s13 =	simm.s32 $0xA80;
	[sflag:s29] =	ssyncadd.s32 $0xFFFFC000  }
0xe5: {  	[tilespmem:s23], [sflag:$0x2] =	stream.indirect.gather [spmem:s3], $0x80, s13, s15, $0xb8;
	[tilespmem:$0x17160] =	vst v63  }
0xe6: {  	_ =	swait.ge [sflag:s31], $0x4000  }
0xe7: {  	[sflag:s31] =	ssyncset.done $0x0  }
0xe8: {  	s13 =	sadd.s32 $0x9000, s1;
	[sflag:s31] =	ssyncadd.s32 $0xFFFFC000  }
0xe9: {  	[hbm4b:s13+s4] =	stream.linear.scatter [tilespmem:s17], [sflag:$0x9], $0x4000, $0x38;
	[tilespmem:$0x17160] =	vst v63  }
0xea: {  	_ =	swait.ge [sflag:s2], $0x4000  }
0xeb: {  	[sflag:s2] =	ssyncset.done $0x0  }
0xec: {  	s13 =	simm.s32 $0xB00;
	[sflag:s2] =	ssyncadd.s32 $0xFFFFC000  }
0xed: {  	[tilespmem:s28], [sflag:$0x3] =	stream.indirect.gather [spmem:s3], $0x80, s13, s15, $0xb8;
	[tilespmem:$0x17160] =	vst v63  }
0xee: {  	_ =	swait.ge [sflag:s6], $0x4000  }
0xef: {  	[sflag:s6] =	ssyncset.done $0x0  }
0xf0: {  	s13 =	sadd.s32 $0x9800, s1;
	[sflag:s6] =	ssyncadd.s32 $0xFFFFC000  }
0xf1: {  	[hbm4b:s13+s4] =	stream.linear.scatter [tilespmem:s21], [sflag:$0xA], $0x4000, $0x38;
	[tilespmem:$0x17160] =	vst v63  }
0xf2: {  	_ =	swait.ge [sflag:s7], $0x4000  }
0xf3: {  	[sflag:s7] =	ssyncset.done $0x0  }
0xf4: {  	s13 =	simm.s32 $0xB80;
	[sflag:s7] =	ssyncadd.s32 $0xFFFFC000  }
0xf5: {  	[tilespmem:s17], [sflag:$0x4] =	stream.indirect.gather [spmem:s3], $0x80, s13, s15, $0xb8;
	[tilespmem:$0x17160] =	vst v63  }
0xf6: {  	_ =	swait.ge [sflag:s18], $0x4000  }
0xf7: {  	[sflag:s18] =	ssyncset.done $0x0  }
0xf8: {  	s13 =	sadd.s32 $0xA000, s1;
	[sflag:s18] =	ssyncadd.s32 $0xFFFFC000  }
0xf9: {  	[hbm4b:s13+s4] =	stream.linear.scatter [tilespmem:s19], [sflag:$0x6], $0x4000, $0x38;
	[tilespmem:$0x17160] =	vst v63  }
0xfa: {  	_ =	swait.ge [sflag:s8], $0x4000  }
0xfb: {  	[sflag:s8] =	ssyncset.done $0x0  }
0xfc: {  	s13 =	simm.s32 $0xC00;
	[sflag:s8] =	ssyncadd.s32 $0xFFFFC000  }
0xfd: {  	[tilespmem:s21], [sflag:$0x5] =	stream.indirect.gather [spmem:s3], $0x80, s13, s15, $0xb8;
	[tilespmem:$0x17160] =	vst v63  }
0xfe: {  	_ =	swait.ge [sflag:s22], $0x4000  }
0xff: {  	[sflag:s22] =	ssyncset.done $0x0  }
0x100: {  	s13 =	sadd.s32 $0xA800, s1;
	[sflag:s22] =	ssyncadd.s32 $0xFFFFC000  }
0x101: {  	[hbm4b:s13+s4] =	stream.linear.scatter [tilespmem:s23], [sflag:$0x7], $0x4000, $0x38;
	[tilespmem:$0x17160] =	vst v63  }
0x102: {  	_ =	swait.ge [sflag:s24], $0x4000  }
0x103: {  	[sflag:s24] =	ssyncset.done $0x0  }
0x104: {  	s13 =	simm.s32 $0xC80;
	[sflag:s24] =	ssyncadd.s32 $0xFFFFC000  }
0x105: {  	[tilespmem:s19], [sflag:$0x1] =	stream.indirect.gather [spmem:s3], $0x80, s13, s15, $0xb8;
	[tilespmem:$0x17160] =	vst v63  }
0x106: {  	_ =	swait.ge [sflag:s26], $0x4000  }
0x107: {  	[sflag:s26] =	ssyncset.done $0x0  }
0x108: {  	s13 =	sadd.s32 $0xB000, s1;
	[sflag:s26] =	ssyncadd.s32 $0xFFFFC000  }
0x109: {  	[hbm4b:s13+s4] =	stream.linear.scatter [tilespmem:s28], [sflag:$0x8], $0x4000, $0x38;
	[tilespmem:$0x17160] =	vst v63  }
0x10a: {  	_ =	swait.ge [sflag:s29], $0x4000  }
0x10b: {  	[sflag:s29] =	ssyncset.done $0x0  }
0x10c: {  	s13 =	simm.s32 $0xD00;
	[sflag:s29] =	ssyncadd.s32 $0xFFFFC000  }
0x10d: {  	[tilespmem:s23], [sflag:$0x2] =	stream.indirect.gather [spmem:s3], $0x80, s13, s15, $0xb8;
	[tilespmem:$0x17160] =	vst v63  }
0x10e: {  	_ =	swait.ge [sflag:s31], $0x4000  }
0x10f: {  	[sflag:s31] =	ssyncset.done $0x0  }
0x110: {  	s13 =	sadd.s32 $0xB800, s1;
	[sflag:s31] =	ssyncadd.s32 $0xFFFFC000  }
0x111: {  	[hbm4b:s13+s4] =	stream.linear.scatter [tilespmem:s17], [sflag:$0x9], $0x4000, $0x38;
	[tilespmem:$0x17160] =	vst v63  }
0x112: {  	_ =	swait.ge [sflag:s2], $0x4000  }
0x113: {  	[sflag:s2] =	ssyncset.done $0x0  }
0x114: {  	s13 =	simm.s32 $0xD80;
	[sflag:s2] =	ssyncadd.s32 $0xFFFFC000  }
0x115: {  	[tilespmem:s28], [sflag:$0x3] =	stream.indirect.gather [spmem:s3], $0x80, s13, s15, $0xb8;
	[tilespmem:$0x17160] =	vst v63  }
0x116: {  	_ =	swait.ge [sflag:s6], $0x4000  }
0x117: {  	[sflag:s6] =	ssyncset.done $0x0  }
0x118: {  	s13 =	sadd.s32 $0xC000, s1;
	[sflag:s6] =	ssyncadd.s32 $0xFFFFC000  }
0x119: {  	[hbm4b:s13+s4] =	stream.linear.scatter [tilespmem:s21], [sflag:$0xA], $0x4000, $0x38;
	[tilespmem:$0x17160] =	vst v63  }
0x11a: {  	_ =	swait.ge [sflag:s7], $0x4000  }
0x11b: {  	[sflag:s7] =	ssyncset.done $0x0  }
0x11c: {  	s13 =	simm.s32 $0xE00;
	[sflag:s7] =	ssyncadd.s32 $0xFFFFC000  }
0x11d: {  	[tilespmem:s17], [sflag:$0x4] =	stream.indirect.gather [spmem:s3], $0x80, s13, s15, $0xb8;
	[tilespmem:$0x17160] =	vst v63  }
0x11e: {  	_ =	swait.ge [sflag:s18], $0x4000  }
0x11f: {  	[sflag:s18] =	ssyncset.done $0x0  }
0x120: {  	s13 =	sadd.s32 $0xC800, s1;
	[sflag:s18] =	ssyncadd.s32 $0xFFFFC000  }
0x121: {  	[hbm4b:s13+s4] =	stream.linear.scatter [tilespmem:s19], [sflag:$0x6], $0x4000, $0x38;
	[tilespmem:$0x17160] =	vst v63  }
0x122: {  	_ =	swait.ge [sflag:s8], $0x4000  }
0x123: {  	[sflag:s8] =	ssyncset.done $0x0  }
0x124: {  	s13 =	simm.s32 $0xE80;
	[sflag:s8] =	ssyncadd.s32 $0xFFFFC000  }
0x125: {  	[tilespmem:s21], [sflag:$0x5] =	stream.indirect.gather [spmem:s3], $0x80, s13, s15, $0xb8;
	[tilespmem:$0x17160] =	vst v63  }
0x126: {  	_ =	swait.ge [sflag:s22], $0x4000  }
0x127: {  	[sflag:s22] =	ssyncset.done $0x0  }
0x128: {  	s13 =	sadd.s32 $0xD000, s1;
	[sflag:s22] =	ssyncadd.s32 $0xFFFFC000  }
0x129: {  	[hbm4b:s13+s4] =	stream.linear.scatter [tilespmem:s23], [sflag:$0x7], $0x4000, $0x38;
	[tilespmem:$0x17160] =	vst v63  }
0x12a: {  	_ =	swait.ge [sflag:s24], $0x4000  }
0x12b: {  	[sflag:s24] =	ssyncset.done $0x0  }
0x12c: {  	s13 =	simm.s32 $0xF00;
	[sflag:s24] =	ssyncadd.s32 $0xFFFFC000  }
0x12d: {  	[tilespmem:s19], [sflag:$0x1] =	stream.indirect.gather [spmem:s3], $0x80, s13, s15, $0xb8;
	[tilespmem:$0x17160] =	vst v63  }
0x12e: {  	_ =	swait.ge [sflag:s26], $0x4000  }
0x12f: {  	[sflag:s26] =	ssyncset.done $0x0  }
0x130: {  	s13 =	sadd.s32 $0xD800, s1;
	[sflag:s26] =	ssyncadd.s32 $0xFFFFC000  }
0x131: {  	[hbm4b:s13+s4] =	stream.linear.scatter [tilespmem:s28], [sflag:$0x8], $0x4000, $0x38;
	[tilespmem:$0x17160] =	vst v63  }
0x132: {  	_ =	swait.ge [sflag:s29], $0x4000  }
0x133: {  	[sflag:s29] =	ssyncset.done $0x0  }
0x134: {  	s13 =	simm.s32 $0xF80;
	[sflag:s29] =	ssyncadd.s32 $0xFFFFC000  }
0x135: {  	[tilespmem:s23], [sflag:$0x2] =	stream.indirect.gather [spmem:s3], $0x80, s13, s15, $0xb8;
	[tilespmem:$0x17160] =	vst v63  }
0x136: {  	_ =	swait.ge [sflag:s31], $0x4000  }
0x137: {  	[sflag:s31] =	ssyncset.done $0x0  }
0x138: {  	s13 =	sadd.s32 $0xE000, s1;
	[sflag:s31] =	ssyncadd.s32 $0xFFFFC000  }
0x139: {  	[hbm4b:s13+s4] =	stream.linear.scatter [tilespmem:s17], [sflag:$0x9], $0x4000, $0x38;
	[tilespmem:$0x17160] =	vst v63  }
0x13a: {  	_ =	swait.ge [sflag:s2], $0x4000  }
0x13b: {  	[sflag:s2] =	ssyncset.done $0x0  }
0x13c: {  	s13 =	simm.s32 $0x1000;
	[sflag:s2] =	ssyncadd.s32 $0xFFFFC000  }
0x13d: {  	[tilespmem:s28], [sflag:$0x3] =	stream.indirect.gather [spmem:s3], $0x80, s13, s15, $0xb8;
	[tilespmem:$0x17160] =	vst v63  }
0x13e: {  	_ =	swait.ge [sflag:s6], $0x4000  }
0x13f: {  	[sflag:s6] =	ssyncset.done $0x0  }
0x140: {  	s13 =	sadd.s32 $0xE800, s1;
	[sflag:s6] =	ssyncadd.s32 $0xFFFFC000  }
0x141: {  	[hbm4b:s13+s4] =	stream.linear.scatter [tilespmem:s21], [sflag:$0xA], $0x4000, $0x38;
	[tilespmem:$0x17160] =	vst v63  }
0x142: {  	_ =	swait.ge [sflag:s7], $0x4000  }
0x143: {  	[sflag:s7] =	ssyncset.done $0x0  }
0x144: {  	s13 =	simm.s32 $0x1080;
	[sflag:s7] =	ssyncadd.s32 $0xFFFFC000  }
0x145: {  	[tilespmem:s17], [sflag:$0x4] =	stream.indirect.gather [spmem:s3], $0x80, s13, s15, $0xb8;
	[tilespmem:$0x17160] =	vst v63  }
0x146: {  	_ =	swait.ge [sflag:s18], $0x4000  }
0x147: {  	[sflag:s18] =	ssyncset.done $0x0  }
0x148: {  	s13 =	sadd.s32 $0xF000, s1;
	[sflag:s18] =	ssyncadd.s32 $0xFFFFC000  }
0x149: {  	[hbm4b:s13+s4] =	stream.linear.scatter [tilespmem:s19], [sflag:$0x6], $0x4000, $0x38;
	[tilespmem:$0x17160] =	vst v63  }
0x14a: {  	_ =	swait.ge [sflag:s8], $0x4000  }
0x14b: {  	[sflag:s8] =	ssyncset.done $0x0  }
0x14c: {  	s13 =	simm.s32 $0x1100;
	[sflag:s8] =	ssyncadd.s32 $0xFFFFC000  }
0x14d: {  	[tilespmem:s21], [sflag:$0x5] =	stream.indirect.gather [spmem:s3], $0x80, s13, s15, $0xb8;
	[tilespmem:$0x17160] =	vst v63  }
0x14e: {  	_ =	swait.ge [sflag:s22], $0x4000  }
0x14f: {  	[sflag:s22] =	ssyncset.done $0x0  }
0x150: {  	s13 =	sadd.s32 $0xF800, s1;
	[sflag:s22] =	ssyncadd.s32 $0xFFFFC000  }
0x151: {  	[hbm4b:s13+s4] =	stream.linear.scatter [tilespmem:s23], [sflag:$0x7], $0x4000, $0x38;
	[tilespmem:$0x17160] =	vst v63  }
0x152: {  	_ =	swait.ge [sflag:s24], $0x4000  }
0x153: {  	[sflag:s24] =	ssyncset.done $0x0  }
0x154: {  	s13 =	simm.s32 $0x1180;
	[sflag:s24] =	ssyncadd.s32 $0xFFFFC000  }
0x155: {  	[tilespmem:s19], [sflag:$0x1] =	stream.indirect.gather [spmem:s3], $0x80, s13, s15, $0xb8;
	[tilespmem:$0x17160] =	vst v63  }
0x156: {  	_ =	swait.ge [sflag:s26], $0x4000  }
0x157: {  	[sflag:s26] =	ssyncset.done $0x0  }
0x158: {  	s13 =	sadd.s32 $0x10000, s1;
	[sflag:s26] =	ssyncadd.s32 $0xFFFFC000  }
0x159: {  	[hbm4b:s13+s4] =	stream.linear.scatter [tilespmem:s28], [sflag:$0x8], $0x4000, $0x38;
	[tilespmem:$0x17160] =	vst v63  }
0x15a: {  	_ =	swait.ge [sflag:s29], $0x4000  }
0x15b: {  	[sflag:s29] =	ssyncset.done $0x0  }
0x15c: {  	s13 =	simm.s32 $0x1200;
	[sflag:s29] =	ssyncadd.s32 $0xFFFFC000  }
0x15d: {  	[tilespmem:s23], [sflag:$0x2] =	stream.indirect.gather [spmem:s3], $0x80, s13, s15, $0xb8;
	[tilespmem:$0x17160] =	vst v63  }
0x15e: {  	_ =	swait.ge [sflag:s31], $0x4000  }
0x15f: {  	[sflag:s31] =	ssyncset.done $0x0  }
0x160: {  	s13 =	sadd.s32 $0x10800, s1;
	[sflag:s31] =	ssyncadd.s32 $0xFFFFC000  }
0x161: {  	[hbm4b:s13+s4] =	stream.linear.scatter [tilespmem:s17], [sflag:$0x9], $0x4000, $0x38;
	[tilespmem:$0x17160] =	vst v63  }
0x162: {  	_ =	swait.ge [sflag:s2], $0x4000  }
0x163: {  	[sflag:s2] =	ssyncset.done $0x0  }
0x164: {  	s13 =	simm.s32 $0x1280;
	[sflag:s2] =	ssyncadd.s32 $0xFFFFC000  }
0x165: {  	[tilespmem:s28], [sflag:$0x3] =	stream.indirect.gather [spmem:s3], $0x80, s13, s15, $0xb8;
	[tilespmem:$0x17160] =	vst v63  }
0x166: {  	_ =	swait.ge [sflag:s6], $0x4000  }
0x167: {  	[sflag:s6] =	ssyncset.done $0x0  }
0x168: {  	s13 =	sadd.s32 $0x11000, s1;
	[sflag:s6] =	ssyncadd.s32 $0xFFFFC000  }
0x169: {  	[hbm4b:s13+s4] =	stream.linear.scatter [tilespmem:s21], [sflag:$0xA], $0x4000, $0x38;
	[tilespmem:$0x17160] =	vst v63  }
0x16a: {  	_ =	swait.ge [sflag:s7], $0x4000  }
0x16b: {  	[sflag:s7] =	ssyncset.done $0x0  }
0x16c: {  	s13 =	simm.s32 $0x1300;
	[sflag:s7] =	ssyncadd.s32 $0xFFFFC000  }
0x16d: {  	[tilespmem:s17], [sflag:$0x4] =	stream.indirect.gather [spmem:s3], $0x80, s13, s15, $0xb8;
	[tilespmem:$0x17160] =	vst v63  }
0x16e: {  	_ =	swait.ge [sflag:s18], $0x4000  }
0x16f: {  	[sflag:s18] =	ssyncset.done $0x0  }
0x170: {  	s13 =	sadd.s32 $0x11800, s1;
	[sflag:s18] =	ssyncadd.s32 $0xFFFFC000  }
0x171: {  	[hbm4b:s13+s4] =	stream.linear.scatter [tilespmem:s19], [sflag:$0x6], $0x4000, $0x38;
	[tilespmem:$0x17160] =	vst v63  }
0x172: {  	_ =	swait.ge [sflag:s8], $0x4000  }
0x173: {  	[sflag:s8] =	ssyncset.done $0x0  }
0x174: {  	s13 =	simm.s32 $0x1380;
	[sflag:s8] =	ssyncadd.s32 $0xFFFFC000  }
0x175: {  	[tilespmem:s21], [sflag:$0x5] =	stream.indirect.gather [spmem:s3], $0x80, s13, s15, $0xb8;
	[tilespmem:$0x17160] =	vst v63  }
0x176: {  	_ =	swait.ge [sflag:s22], $0x4000  }
0x177: {  	[sflag:s22] =	ssyncset.done $0x0  }
0x178: {  	s13 =	sadd.s32 $0x12000, s1;
	[sflag:s22] =	ssyncadd.s32 $0xFFFFC000  }
0x179: {  	[hbm4b:s13+s4] =	stream.linear.scatter [tilespmem:s23], [sflag:$0x7], $0x4000, $0x38;
	[tilespmem:$0x17160] =	vst v63  }
0x17a: {  	_ =	swait.ge [sflag:s26], $0x4000  }
0x17b: {  	[sflag:s26] =	ssyncset.done $0x0  }
0x17c: {  	s13 =	sadd.s32 $0x12800, s1;
	[sflag:s26] =	ssyncadd.s32 $0xFFFFC000  }
0x17d: {  	[hbm4b:s13+s4] =	stream.linear.scatter [tilespmem:s28], [sflag:$0x8], $0x4000, $0x38;
	[tilespmem:$0x17160] =	vst v63  }
0x17e: {  	_ =	swait.ge [sflag:s31], $0x4000  }
0x17f: {  	[sflag:s31] =	ssyncset.done $0x0  }
0x180: {  	s13 =	sadd.s32 $0x13000, s1;
	[sflag:s31] =	ssyncadd.s32 $0xFFFFC000  }
0x181: {  	[hbm4b:s13+s4] =	stream.linear.scatter [tilespmem:s17], [sflag:$0x9], $0x4000, $0x38;
	[tilespmem:$0x17160] =	vst v63  }
0x182: {  	_ =	swait.ge [sflag:s6], $0x4000  }
0x183: {  	[sflag:s6] =	ssyncset.done $0x0  }
0x184: {  	p1 =	seq.s32 s30, $0x168000;
	s13 =	sadd.s32 $0x13800, s1;
	[sflag:s6] =	ssyncadd.s32 $0xFFFFC000  }
0x185: {  	[hbm4b:s13+s4] =	stream.linear.scatter [tilespmem:s21], [sflag:$0xA], $0x4000, $0x38;
	[tilespmem:$0x17160] =	vst v63  }
0x186: {  	s11 =	sshrl.u32 @!p1 s16, $0x3;
	s13 =	rddreg [dreg:$0x0]  }
0x187: {  	s11 =	sadd.s32 @!p1 s13, s11;
	s13 =	simm.s32 @!p1 $0x0  }
0x188: {  	[tilespmem:s13], [sflag:$0xB] =	stream.linear.gather @!p1 [hbm4b:s11+s13], $0x1400, $0x38;
	[tilespmem:$0x17160] =	vst v63  }
0x189: {  	_ =	swait.ge [sflag:s20], $0x1400  }
0x18a: {  	[sflag:s20] =	ssyncset.done $0x0  }
0x18b: {  	[sflag:s20] =	ssyncadd.s32 $0xFFFFEC00  }
0x18c: {  	_ =	swait.ge [sflag:s24], $0x4000  }
0x18d: {  	[sflag:s24] =	ssyncset.done $0x0  }
0x18e: {  	[sflag:s24] =	ssyncadd.s32 $0xFFFFC000  }
0x18f: {  	[tilespmem:s19], [sflag:$0x1] =	stream.indirect.gather [spmem:s3], $0x80, s12, s15, $0xb8;
	[tilespmem:$0x17160] =	vst v63  }
0x190: {  	_ =	swait.ge [sflag:s29], $0x4000  }
0x191: {  	[sflag:s29] =	ssyncset.done $0x0  }
0x192: {  	s13 =	simm.s32 $0x1480;
	[sflag:s29] =	ssyncadd.s32 $0xFFFFC000  }
0x193: {  	[tilespmem:s23], [sflag:$0x2] =	stream.indirect.gather [spmem:s3], $0x80, s13, s15, $0xb8;
	[tilespmem:$0x17160] =	vst v63  }
0x194: {  	_ =	swait.ge [sflag:s2], $0x4000  }
0x195: {  	[sflag:s2] =	ssyncset.done $0x0  }
0x196: {  	s13 =	simm.s32 $0x1500;
	[sflag:s2] =	ssyncadd.s32 $0xFFFFC000  }
0x197: {  	[tilespmem:s28], [sflag:$0x3] =	stream.indirect.gather [spmem:s3], $0x80, s13, s15, $0xb8;
	[tilespmem:$0x17160] =	vst v63  }
0x198: {  	_ =	swait.ge [sflag:s7], $0x4000  }
0x199: {  	[sflag:s7] =	ssyncset.done $0x0  }
0x19a: {  	s13 =	simm.s32 $0x1580;
	[sflag:s7] =	ssyncadd.s32 $0xFFFFC000  }
0x19b: {  	[tilespmem:s17], [sflag:$0x4] =	stream.indirect.gather [spmem:s3], $0x80, s13, s15, $0xb8;
	[tilespmem:$0x17160] =	vst v63  }
0x19c: {  	_ =	swait.ge [sflag:s18], $0x4000  }
0x19d: {  	[sflag:s18] =	ssyncset.done $0x0  }
0x19e: {  	s13 =	sadd.s32 $0x14000, s1;
	[sflag:s18] =	ssyncadd.s32 $0xFFFFC000  }
0x19f: {  	[hbm4b:s13+s4] =	stream.linear.scatter [tilespmem:s19], [sflag:$0x6], $0x4000, $0x38;
	[tilespmem:$0x17160] =	vst v63  }
0x1a0: {  	_ =	swait.ge [sflag:s8], $0x4000  }
0x1a1: {  	[sflag:s8] =	ssyncset.done $0x0  }
0x1a2: {  	s13 =	simm.s32 $0x1600;
	[sflag:s8] =	ssyncadd.s32 $0xFFFFC000  }
0x1a3: {  	[tilespmem:s21], [sflag:$0x5] =	stream.indirect.gather [spmem:s3], $0x80, s13, s15, $0xb8;
	[tilespmem:$0x17160] =	vst v63  }
0x1a4: {  	_ =	swait.ge [sflag:s22], $0x4000  }
0x1a5: {  	s11 =	sadd.s32 s30, s10;
	[sflag:s22] =	ssyncset.done $0x0  }
0x1a6: {  	s13 =	sadd.s32 $0x800, s11;
	[sflag:s22] =	ssyncadd.s32 $0xFFFFC000  }
0x1a7: {  	[hbm4b:s13+s4] =	stream.linear.scatter [tilespmem:s23], [sflag:$0x7], $0x4000, $0x38;
	[tilespmem:$0x17160] =	vst v63  }
0x1a8: {  	_ =	swait.ge [sflag:s24], $0x4000  }
0x1a9: {  	[sflag:s24] =	ssyncset.done $0x0  }
0x1aa: {  	s13 =	simm.s32 $0x1680;
	[sflag:s24] =	ssyncadd.s32 $0xFFFFC000  }
0x1ab: {  	[tilespmem:s19], [sflag:$0x1] =	stream.indirect.gather [spmem:s3], $0x80, s13, s15, $0xb8;
	[tilespmem:$0x17160] =	vst v63  }
0x1ac: {  	_ =	swait.ge [sflag:s26], $0x4000  }
0x1ad: {  	[sflag:s26] =	ssyncset.done $0x0  }
0x1ae: {  	s13 =	sadd.s32 $0x1000, s11;
	[sflag:s26] =	ssyncadd.s32 $0xFFFFC000  }
0x1af: {  	[hbm4b:s13+s4] =	stream.linear.scatter [tilespmem:s28], [sflag:$0x8], $0x4000, $0x38;
	[tilespmem:$0x17160] =	vst v63  }
0x1b0: {  	_ =	swait.ge [sflag:s29], $0x4000  }
0x1b1: {  	[sflag:s29] =	ssyncset.done $0x0  }
0x1b2: {  	s13 =	simm.s32 $0x1700;
	[sflag:s29] =	ssyncadd.s32 $0xFFFFC000  }
0x1b3: {  	[tilespmem:s23], [sflag:$0x2] =	stream.indirect.gather [spmem:s3], $0x80, s13, s15, $0xb8;
	[tilespmem:$0x17160] =	vst v63  }
0x1b4: {  	_ =	swait.ge [sflag:s31], $0x4000  }
0x1b5: {  	[sflag:s31] =	ssyncset.done $0x0  }
0x1b6: {  	s13 =	sadd.s32 $0x1800, s11;
	[sflag:s31] =	ssyncadd.s32 $0xFFFFC000  }
0x1b7: {  	[hbm4b:s13+s4] =	stream.linear.scatter [tilespmem:s17], [sflag:$0x9], $0x4000, $0x38;
	[tilespmem:$0x17160] =	vst v63  }
0x1b8: {  	_ =	swait.ge [sflag:s2], $0x4000  }
0x1b9: {  	[sflag:s2] =	ssyncset.done $0x0  }
0x1ba: {  	s13 =	simm.s32 $0x1780;
	[sflag:s2] =	ssyncadd.s32 $0xFFFFC000  }
0x1bb: {  	[tilespmem:s28], [sflag:$0x3] =	stream.indirect.gather [spmem:s3], $0x80, s13, s15, $0xb8;
	[tilespmem:$0x17160] =	vst v63  }
0x1bc: {  	_ =	swait.ge [sflag:s6], $0x4000  }
0x1bd: {  	[sflag:s6] =	ssyncset.done $0x0  }
0x1be: {  	s13 =	sadd.s32 $0x2000, s11;
	[sflag:s6] =	ssyncadd.s32 $0xFFFFC000  }
0x1bf: {  	[hbm4b:s13+s4] =	stream.linear.scatter [tilespmem:s21], [sflag:$0xA], $0x4000, $0x38;
	[tilespmem:$0x17160] =	vst v63  }
0x1c0: {  	_ =	swait.ge [sflag:s7], $0x4000  }
0x1c1: {  	[sflag:s7] =	ssyncset.done $0x0  }
0x1c2: {  	s13 =	simm.s32 $0x1800;
	[sflag:s7] =	ssyncadd.s32 $0xFFFFC000  }
0x1c3: {  	[tilespmem:s17], [sflag:$0x4] =	stream.indirect.gather [spmem:s3], $0x80, s13, s15, $0xb8;
	[tilespmem:$0x17160] =	vst v63  }
0x1c4: {  	_ =	swait.ge [sflag:s18], $0x4000  }
0x1c5: {  	[sflag:s18] =	ssyncset.done $0x0  }
0x1c6: {  	s13 =	sadd.s32 $0x2800, s11;
	[sflag:s18] =	ssyncadd.s32 $0xFFFFC000  }
0x1c7: {  	[hbm4b:s13+s4] =	stream.linear.scatter [tilespmem:s19], [sflag:$0x6], $0x4000, $0x38;
	[tilespmem:$0x17160] =	vst v63  }
0x1c8: {  	_ =	swait.ge [sflag:s8], $0x4000  }
0x1c9: {  	[sflag:s8] =	ssyncset.done $0x0  }
0x1ca: {  	s13 =	simm.s32 $0x1880;
	[sflag:s8] =	ssyncadd.s32 $0xFFFFC000  }
0x1cb: {  	[tilespmem:s21], [sflag:$0x5] =	stream.indirect.gather [spmem:s3], $0x80, s13, s15, $0xb8;
	[tilespmem:$0x17160] =	vst v63  }
0x1cc: {  	_ =	swait.ge [sflag:s22], $0x4000  }
0x1cd: {  	[sflag:s22] =	ssyncset.done $0x0  }
0x1ce: {  	s13 =	sadd.s32 $0x3000, s11;
	[sflag:s22] =	ssyncadd.s32 $0xFFFFC000  }
0x1cf: {  	[hbm4b:s13+s4] =	stream.linear.scatter [tilespmem:s23], [sflag:$0x7], $0x4000, $0x38;
	[tilespmem:$0x17160] =	vst v63  }
0x1d0: {  	_ =	swait.ge [sflag:s24], $0x4000  }
0x1d1: {  	[sflag:s24] =	ssyncset.done $0x0  }
0x1d2: {  	s13 =	simm.s32 $0x1900;
	[sflag:s24] =	ssyncadd.s32 $0xFFFFC000  }
0x1d3: {  	[tilespmem:s19], [sflag:$0x1] =	stream.indirect.gather [spmem:s3], $0x80, s13, s15, $0xb8;
	[tilespmem:$0x17160] =	vst v63  }
0x1d4: {  	_ =	swait.ge [sflag:s26], $0x4000  }
0x1d5: {  	[sflag:s26] =	ssyncset.done $0x0  }
0x1d6: {  	s11 =	sadd.s32 $0x3800, s11;
	[sflag:s26] =	ssyncadd.s32 $0xFFFFC000  }
0x1d7: {  	[hbm4b:s11+s4] =	stream.linear.scatter [tilespmem:s28], [sflag:$0x8], $0x4000, $0x38;
	[tilespmem:$0x17160] =	vst v63  }
0x1d8: {  	_ =	swait.ge [sflag:s29], $0x4000  }
0x1d9: {  	[sflag:s29] =	ssyncset.done $0x0  }
0x1da: {  	s13 =	simm.s32 $0x1980;
	[sflag:s29] =	ssyncadd.s32 $0xFFFFC000  }
0x1db: {  	[tilespmem:s23], [sflag:$0x2] =	stream.indirect.gather [spmem:s3], $0x80, s13, s15, $0xb8;
	[tilespmem:$0x17160] =	vst v63  }
0x1dc: {  	_ =	swait.ge [sflag:s31], $0x4000  }
0x1dd: {  	[sflag:s31] =	ssyncset.done $0x0  }
0x1de: {  	s13 =	sadd.s32 $0x18000, s1;
	[sflag:s31] =	ssyncadd.s32 $0xFFFFC000  }
0x1df: {  	[hbm4b:s13+s4] =	stream.linear.scatter [tilespmem:s17], [sflag:$0x9], $0x4000, $0x38;
	[tilespmem:$0x17160] =	vst v63  }
0x1e0: {  	_ =	swait.ge [sflag:s2], $0x4000  }
0x1e1: {  	[sflag:s2] =	ssyncset.done $0x0  }
0x1e2: {  	s13 =	simm.s32 $0x1A00;
	[sflag:s2] =	ssyncadd.s32 $0xFFFFC000  }
0x1e3: {  	[tilespmem:s28], [sflag:$0x3] =	stream.indirect.gather [spmem:s3], $0x80, s13, s15, $0xb8;
	[tilespmem:$0x17160] =	vst v63  }
0x1e4: {  	_ =	swait.ge [sflag:s6], $0x4000  }
0x1e5: {  	[sflag:s6] =	ssyncset.done $0x0  }
0x1e6: {  	s13 =	sadd.s32 $0x18800, s1;
	[sflag:s6] =	ssyncadd.s32 $0xFFFFC000  }
0x1e7: {  	[hbm4b:s13+s4] =	stream.linear.scatter [tilespmem:s21], [sflag:$0xA], $0x4000, $0x38;
	[tilespmem:$0x17160] =	vst v63  }
0x1e8: {  	_ =	swait.ge [sflag:s7], $0x4000  }
0x1e9: {  	[sflag:s7] =	ssyncset.done $0x0  }
0x1ea: {  	s13 =	simm.s32 $0x1A80;
	[sflag:s7] =	ssyncadd.s32 $0xFFFFC000  }
0x1eb: {  	[tilespmem:s17], [sflag:$0x4] =	stream.indirect.gather [spmem:s3], $0x80, s13, s15, $0xb8;
	[tilespmem:$0x17160] =	vst v63  }
0x1ec: {  	_ =	swait.ge [sflag:s18], $0x4000  }
0x1ed: {  	[sflag:s18] =	ssyncset.done $0x0  }
0x1ee: {  	s13 =	sadd.s32 $0x19000, s1;
	[sflag:s18] =	ssyncadd.s32 $0xFFFFC000  }
0x1ef: {  	[hbm4b:s13+s4] =	stream.linear.scatter [tilespmem:s19], [sflag:$0x6], $0x4000, $0x38;
	[tilespmem:$0x17160] =	vst v63  }
0x1f0: {  	_ =	swait.ge [sflag:s8], $0x4000  }
0x1f1: {  	[sflag:s8] =	ssyncset.done $0x0  }
0x1f2: {  	s13 =	simm.s32 $0x1B00;
	[sflag:s8] =	ssyncadd.s32 $0xFFFFC000  }
0x1f3: {  	[tilespmem:s21], [sflag:$0x5] =	stream.indirect.gather [spmem:s3], $0x80, s13, s15, $0xb8;
	[tilespmem:$0x17160] =	vst v63  }
0x1f4: {  	_ =	swait.ge [sflag:s22], $0x4000  }
0x1f5: {  	[sflag:s22] =	ssyncset.done $0x0  }
0x1f6: {  	s13 =	sadd.s32 $0x19800, s1;
	[sflag:s22] =	ssyncadd.s32 $0xFFFFC000  }
0x1f7: {  	[hbm4b:s13+s4] =	stream.linear.scatter [tilespmem:s23], [sflag:$0x7], $0x4000, $0x38;
	[tilespmem:$0x17160] =	vst v63  }
0x1f8: {  	_ =	swait.ge [sflag:s24], $0x4000  }
0x1f9: {  	[sflag:s24] =	ssyncset.done $0x0  }
0x1fa: {  	s13 =	simm.s32 $0x1B80;
	[sflag:s24] =	ssyncadd.s32 $0xFFFFC000  }
0x1fb: {  	[tilespmem:s19], [sflag:$0x1] =	stream.indirect.gather [spmem:s3], $0x80, s13, s15, $0xb8;
	[tilespmem:$0x17160] =	vst v63  }
0x1fc: {  	_ =	swait.ge [sflag:s26], $0x4000  }
0x1fd: {  	[sflag:s26] =	ssyncset.done $0x0  }
0x1fe: {  	s13 =	sadd.s32 $0x1A000, s1;
	[sflag:s26] =	ssyncadd.s32 $0xFFFFC000  }
0x1ff: {  	[hbm4b:s13+s4] =	stream.linear.scatter [tilespmem:s28], [sflag:$0x8], $0x4000, $0x38;
	[tilespmem:$0x17160] =	vst v63  }
0x200: {  	_ =	swait.ge [sflag:s29], $0x4000  }
0x201: {  	[sflag:s29] =	ssyncset.done $0x0  }
0x202: {  	s13 =	simm.s32 $0x1C00;
	[sflag:s29] =	ssyncadd.s32 $0xFFFFC000  }
0x203: {  	[tilespmem:s23], [sflag:$0x2] =	stream.indirect.gather [spmem:s3], $0x80, s13, s15, $0xb8;
	[tilespmem:$0x17160] =	vst v63  }
0x204: {  	_ =	swait.ge [sflag:s31], $0x4000  }
0x205: {  	[sflag:s31] =	ssyncset.done $0x0  }
0x206: {  	s13 =	sadd.s32 $0x1A800, s1;
	[sflag:s31] =	ssyncadd.s32 $0xFFFFC000  }
0x207: {  	[hbm4b:s13+s4] =	stream.linear.scatter [tilespmem:s17], [sflag:$0x9], $0x4000, $0x38;
	[tilespmem:$0x17160] =	vst v63  }
0x208: {  	_ =	swait.ge [sflag:s2], $0x4000  }
0x209: {  	[sflag:s2] =	ssyncset.done $0x0  }
0x20a: {  	s13 =	simm.s32 $0x1C80;
	[sflag:s2] =	ssyncadd.s32 $0xFFFFC000  }
0x20b: {  	[tilespmem:s28], [sflag:$0x3] =	stream.indirect.gather [spmem:s3], $0x80, s13, s15, $0xb8;
	[tilespmem:$0x17160] =	vst v63  }
0x20c: {  	_ =	swait.ge [sflag:s6], $0x4000  }
0x20d: {  	[sflag:s6] =	ssyncset.done $0x0  }
0x20e: {  	s13 =	sadd.s32 $0x1B000, s1;
	[sflag:s6] =	ssyncadd.s32 $0xFFFFC000  }
0x20f: {  	[hbm4b:s13+s4] =	stream.linear.scatter [tilespmem:s21], [sflag:$0xA], $0x4000, $0x38;
	[tilespmem:$0x17160] =	vst v63  }
0x210: {  	_ =	swait.ge [sflag:s7], $0x4000  }
0x211: {  	[sflag:s7] =	ssyncset.done $0x0  }
0x212: {  	s13 =	simm.s32 $0x1D00;
	[sflag:s7] =	ssyncadd.s32 $0xFFFFC000  }
0x213: {  	[tilespmem:s17], [sflag:$0x4] =	stream.indirect.gather [spmem:s3], $0x80, s13, s15, $0xb8;
	[tilespmem:$0x17160] =	vst v63  }
0x214: {  	_ =	swait.ge [sflag:s18], $0x4000  }
0x215: {  	[sflag:s18] =	ssyncset.done $0x0  }
0x216: {  	s13 =	sadd.s32 $0x1B800, s1;
	[sflag:s18] =	ssyncadd.s32 $0xFFFFC000  }
0x217: {  	[hbm4b:s13+s4] =	stream.linear.scatter [tilespmem:s19], [sflag:$0x6], $0x4000, $0x38;
	[tilespmem:$0x17160] =	vst v63  }
0x218: {  	_ =	swait.ge [sflag:s8], $0x4000  }
0x219: {  	[sflag:s8] =	ssyncset.done $0x0  }
0x21a: {  	s13 =	simm.s32 $0x1D80;
	[sflag:s8] =	ssyncadd.s32 $0xFFFFC000  }
0x21b: {  	[tilespmem:s21], [sflag:$0x5] =	stream.indirect.gather [spmem:s3], $0x80, s13, s15, $0xb8;
	[tilespmem:$0x17160] =	vst v63  }
0x21c: {  	_ =	swait.ge [sflag:s22], $0x4000  }
0x21d: {  	[sflag:s22] =	ssyncset.done $0x0  }
0x21e: {  	s13 =	sadd.s32 $0x1C000, s1;
	[sflag:s22] =	ssyncadd.s32 $0xFFFFC000  }
0x21f: {  	[hbm4b:s13+s4] =	stream.linear.scatter [tilespmem:s23], [sflag:$0x7], $0x4000, $0x38;
	[tilespmem:$0x17160] =	vst v63  }
0x220: {  	_ =	swait.ge [sflag:s24], $0x4000  }
0x221: {  	[sflag:s24] =	ssyncset.done $0x0  }
0x222: {  	s13 =	simm.s32 $0x1E00;
	[sflag:s24] =	ssyncadd.s32 $0xFFFFC000  }
0x223: {  	[tilespmem:s19], [sflag:$0x1] =	stream.indirect.gather [spmem:s3], $0x80, s13, s15, $0xb8;
	[tilespmem:$0x17160] =	vst v63  }
0x224: {  	_ =	swait.ge [sflag:s26], $0x4000  }
0x225: {  	[sflag:s26] =	ssyncset.done $0x0  }
0x226: {  	s13 =	sadd.s32 $0x1C800, s1;
	[sflag:s26] =	ssyncadd.s32 $0xFFFFC000  }
0x227: {  	[hbm4b:s13+s4] =	stream.linear.scatter [tilespmem:s28], [sflag:$0x8], $0x4000, $0x38;
	[tilespmem:$0x17160] =	vst v63  }
0x228: {  	_ =	swait.ge [sflag:s29], $0x4000  }
0x229: {  	[sflag:s29] =	ssyncset.done $0x0  }
0x22a: {  	s13 =	simm.s32 $0x1E80;
	[sflag:s29] =	ssyncadd.s32 $0xFFFFC000  }
0x22b: {  	[tilespmem:s23], [sflag:$0x2] =	stream.indirect.gather [spmem:s3], $0x80, s13, s15, $0xb8;
	[tilespmem:$0x17160] =	vst v63  }
0x22c: {  	_ =	swait.ge [sflag:s31], $0x4000  }
0x22d: {  	[sflag:s31] =	ssyncset.done $0x0  }
0x22e: {  	s13 =	sadd.s32 $0x1D000, s1;
	[sflag:s31] =	ssyncadd.s32 $0xFFFFC000  }
0x22f: {  	[hbm4b:s13+s4] =	stream.linear.scatter [tilespmem:s17], [sflag:$0x9], $0x4000, $0x38;
	[tilespmem:$0x17160] =	vst v63  }
0x230: {  	_ =	swait.ge [sflag:s2], $0x4000  }
0x231: {  	[sflag:s2] =	ssyncset.done $0x0  }
0x232: {  	s13 =	simm.s32 $0x1F00;
	[sflag:s2] =	ssyncadd.s32 $0xFFFFC000  }
0x233: {  	[tilespmem:s28], [sflag:$0x3] =	stream.indirect.gather [spmem:s3], $0x80, s13, s15, $0xb8;
	[tilespmem:$0x17160] =	vst v63  }
0x234: {  	_ =	swait.ge [sflag:s6], $0x4000  }
0x235: {  	[sflag:s6] =	ssyncset.done $0x0  }
0x236: {  	s13 =	sadd.s32 $0x1D800, s1;
	[sflag:s6] =	ssyncadd.s32 $0xFFFFC000  }
0x237: {  	[hbm4b:s13+s4] =	stream.linear.scatter [tilespmem:s21], [sflag:$0xA], $0x4000, $0x38;
	[tilespmem:$0x17160] =	vst v63  }
0x238: {  	_ =	swait.ge [sflag:s7], $0x4000  }
0x239: {  	[sflag:s7] =	ssyncset.done $0x0  }
0x23a: {  	s13 =	simm.s32 $0x1F80;
	[sflag:s7] =	ssyncadd.s32 $0xFFFFC000  }
0x23b: {  	[tilespmem:s17], [sflag:$0x4] =	stream.indirect.gather [spmem:s3], $0x80, s13, s15, $0xb8;
	[tilespmem:$0x17160] =	vst v63  }
0x23c: {  	_ =	swait.ge [sflag:s18], $0x4000  }
0x23d: {  	[sflag:s18] =	ssyncset.done $0x0  }
0x23e: {  	s13 =	sadd.s32 $0x1E000, s1;
	[sflag:s18] =	ssyncadd.s32 $0xFFFFC000  }
0x23f: {  	[hbm4b:s13+s4] =	stream.linear.scatter [tilespmem:s19], [sflag:$0x6], $0x4000, $0x38;
	[tilespmem:$0x17160] =	vst v63  }
0x240: {  	_ =	swait.ge [sflag:s8], $0x4000  }
0x241: {  	[sflag:s8] =	ssyncset.done $0x0  }
0x242: {  	s13 =	simm.s32 $0x2000;
	[sflag:s8] =	ssyncadd.s32 $0xFFFFC000  }
0x243: {  	[tilespmem:s21], [sflag:$0x5] =	stream.indirect.gather [spmem:s3], $0x80, s13, s15, $0xb8;
	[tilespmem:$0x17160] =	vst v63  }
0x244: {  	_ =	swait.ge [sflag:s22], $0x4000  }
0x245: {  	[sflag:s22] =	ssyncset.done $0x0  }
0x246: {  	s13 =	sadd.s32 $0x1E800, s1;
	[sflag:s22] =	ssyncadd.s32 $0xFFFFC000  }
0x247: {  	[hbm4b:s13+s4] =	stream.linear.scatter [tilespmem:s23], [sflag:$0x7], $0x4000, $0x38;
	[tilespmem:$0x17160] =	vst v63  }
0x248: {  	_ =	swait.ge [sflag:s24], $0x4000  }
0x249: {  	[sflag:s24] =	ssyncset.done $0x0  }
0x24a: {  	s13 =	simm.s32 $0x2080;
	[sflag:s24] =	ssyncadd.s32 $0xFFFFC000  }
0x24b: {  	[tilespmem:s19], [sflag:$0x1] =	stream.indirect.gather [spmem:s3], $0x80, s13, s15, $0xb8;
	[tilespmem:$0x17160] =	vst v63  }
0x24c: {  	_ =	swait.ge [sflag:s26], $0x4000  }
0x24d: {  	[sflag:s26] =	ssyncset.done $0x0  }
0x24e: {  	s13 =	sadd.s32 $0x1F000, s1;
	[sflag:s26] =	ssyncadd.s32 $0xFFFFC000  }
0x24f: {  	[hbm4b:s13+s4] =	stream.linear.scatter [tilespmem:s28], [sflag:$0x8], $0x4000, $0x38;
	[tilespmem:$0x17160] =	vst v63  }
0x250: {  	_ =	swait.ge [sflag:s29], $0x4000  }
0x251: {  	[sflag:s29] =	ssyncset.done $0x0  }
0x252: {  	s13 =	simm.s32 $0x2100;
	[sflag:s29] =	ssyncadd.s32 $0xFFFFC000  }
0x253: {  	[tilespmem:s23], [sflag:$0x2] =	stream.indirect.gather [spmem:s3], $0x80, s13, s15, $0xb8;
	[tilespmem:$0x17160] =	vst v63  }
0x254: {  	_ =	swait.ge [sflag:s31], $0x4000  }
0x255: {  	[sflag:s31] =	ssyncset.done $0x0  }
0x256: {  	s13 =	sadd.s32 $0x1F800, s1;
	[sflag:s31] =	ssyncadd.s32 $0xFFFFC000  }
0x257: {  	[hbm4b:s13+s4] =	stream.linear.scatter [tilespmem:s17], [sflag:$0x9], $0x4000, $0x38;
	[tilespmem:$0x17160] =	vst v63  }
0x258: {  	_ =	swait.ge [sflag:s2], $0x4000  }
0x259: {  	[sflag:s2] =	ssyncset.done $0x0  }
0x25a: {  	s13 =	simm.s32 $0x2180;
	[sflag:s2] =	ssyncadd.s32 $0xFFFFC000  }
0x25b: {  	[tilespmem:s28], [sflag:$0x3] =	stream.indirect.gather [spmem:s3], $0x80, s13, s15, $0xb8;
	[tilespmem:$0x17160] =	vst v63  }
0x25c: {  	_ =	swait.ge [sflag:s6], $0x4000  }
0x25d: {  	[sflag:s6] =	ssyncset.done $0x0  }
0x25e: {  	s13 =	sadd.s32 $0x20000, s1;
	[sflag:s6] =	ssyncadd.s32 $0xFFFFC000  }
0x25f: {  	[hbm4b:s13+s4] =	stream.linear.scatter [tilespmem:s21], [sflag:$0xA], $0x4000, $0x38;
	[tilespmem:$0x17160] =	vst v63  }
0x260: {  	_ =	swait.ge [sflag:s7], $0x4000  }
0x261: {  	[sflag:s7] =	ssyncset.done $0x0  }
0x262: {  	s13 =	simm.s32 $0x2200;
	[sflag:s7] =	ssyncadd.s32 $0xFFFFC000  }
0x263: {  	[tilespmem:s17], [sflag:$0x4] =	stream.indirect.gather [spmem:s3], $0x80, s13, s15, $0xb8;
	[tilespmem:$0x17160] =	vst v63  }
0x264: {  	_ =	swait.ge [sflag:s18], $0x4000  }
0x265: {  	[sflag:s18] =	ssyncset.done $0x0  }
0x266: {  	s13 =	sadd.s32 $0x20800, s1;
	[sflag:s18] =	ssyncadd.s32 $0xFFFFC000  }
0x267: {  	[hbm4b:s13+s4] =	stream.linear.scatter [tilespmem:s19], [sflag:$0x6], $0x4000, $0x38;
	[tilespmem:$0x17160] =	vst v63  }
0x268: {  	_ =	swait.ge [sflag:s8], $0x4000  }
0x269: {  	[sflag:s8] =	ssyncset.done $0x0  }
0x26a: {  	s13 =	simm.s32 $0x2280;
	[sflag:s8] =	ssyncadd.s32 $0xFFFFC000  }
0x26b: {  	[tilespmem:s21], [sflag:$0x5] =	stream.indirect.gather [spmem:s3], $0x80, s13, s15, $0xb8;
	[tilespmem:$0x17160] =	vst v63  }
0x26c: {  	_ =	swait.ge [sflag:s22], $0x4000  }
0x26d: {  	[sflag:s22] =	ssyncset.done $0x0  }
0x26e: {  	s13 =	sadd.s32 $0x21000, s1;
	[sflag:s22] =	ssyncadd.s32 $0xFFFFC000  }
0x26f: {  	[hbm4b:s13+s4] =	stream.linear.scatter [tilespmem:s23], [sflag:$0x7], $0x4000, $0x38;
	[tilespmem:$0x17160] =	vst v63  }
0x270: {  	_ =	swait.ge [sflag:s24], $0x4000  }
0x271: {  	[sflag:s24] =	ssyncset.done $0x0  }
0x272: {  	s13 =	simm.s32 $0x2300;
	[sflag:s24] =	ssyncadd.s32 $0xFFFFC000  }
0x273: {  	[tilespmem:s19], [sflag:$0x1] =	stream.indirect.gather [spmem:s3], $0x80, s13, s15, $0xb8;
	[tilespmem:$0x17160] =	vst v63  }
0x274: {  	_ =	swait.ge [sflag:s26], $0x4000  }
0x275: {  	[sflag:s26] =	ssyncset.done $0x0  }
0x276: {  	s13 =	sadd.s32 $0x21800, s1;
	[sflag:s26] =	ssyncadd.s32 $0xFFFFC000  }
0x277: {  	[hbm4b:s13+s4] =	stream.linear.scatter [tilespmem:s28], [sflag:$0x8], $0x4000, $0x38;
	[tilespmem:$0x17160] =	vst v63  }
0x278: {  	_ =	swait.ge [sflag:s29], $0x4000  }
0x279: {  	[sflag:s29] =	ssyncset.done $0x0  }
0x27a: {  	s13 =	simm.s32 $0x2380;
	[sflag:s29] =	ssyncadd.s32 $0xFFFFC000  }
0x27b: {  	[tilespmem:s23], [sflag:$0x2] =	stream.indirect.gather [spmem:s3], $0x80, s13, s15, $0xb8;
	[tilespmem:$0x17160] =	vst v63  }
0x27c: {  	_ =	swait.ge [sflag:s31], $0x4000  }
0x27d: {  	[sflag:s31] =	ssyncset.done $0x0  }
0x27e: {  	s13 =	sadd.s32 $0x22000, s1;
	[sflag:s31] =	ssyncadd.s32 $0xFFFFC000  }
0x27f: {  	[hbm4b:s13+s4] =	stream.linear.scatter [tilespmem:s17], [sflag:$0x9], $0x4000, $0x38;
	[tilespmem:$0x17160] =	vst v63  }
0x280: {  	_ =	swait.ge [sflag:s2], $0x4000  }
0x281: {  	[sflag:s2] =	ssyncset.done $0x0  }
0x282: {  	s13 =	simm.s32 $0x2400;
	[sflag:s2] =	ssyncadd.s32 $0xFFFFC000  }
0x283: {  	[tilespmem:s28], [sflag:$0x3] =	stream.indirect.gather [spmem:s3], $0x80, s13, s15, $0xb8;
	[tilespmem:$0x17160] =	vst v63  }
0x284: {  	_ =	swait.ge [sflag:s6], $0x4000  }
0x285: {  	[sflag:s6] =	ssyncset.done $0x0  }
0x286: {  	s13 =	sadd.s32 $0x22800, s1;
	[sflag:s6] =	ssyncadd.s32 $0xFFFFC000  }
0x287: {  	[hbm4b:s13+s4] =	stream.linear.scatter [tilespmem:s21], [sflag:$0xA], $0x4000, $0x38;
	[tilespmem:$0x17160] =	vst v63  }
0x288: {  	_ =	swait.ge [sflag:s7], $0x4000  }
0x289: {  	[sflag:s7] =	ssyncset.done $0x0  }
0x28a: {  	s13 =	simm.s32 $0x2480;
	[sflag:s7] =	ssyncadd.s32 $0xFFFFC000  }
0x28b: {  	[tilespmem:s17], [sflag:$0x4] =	stream.indirect.gather [spmem:s3], $0x80, s13, s15, $0xb8;
	[tilespmem:$0x17160] =	vst v63  }
0x28c: {  	_ =	swait.ge [sflag:s18], $0x4000  }
0x28d: {  	[sflag:s18] =	ssyncset.done $0x0  }
0x28e: {  	s13 =	sadd.s32 $0x23000, s1;
	[sflag:s18] =	ssyncadd.s32 $0xFFFFC000  }
0x28f: {  	[hbm4b:s13+s4] =	stream.linear.scatter [tilespmem:s19], [sflag:$0x6], $0x4000, $0x38;
	[tilespmem:$0x17160] =	vst v63  }
0x290: {  	_ =	swait.ge [sflag:s8], $0x4000  }
0x291: {  	[sflag:s8] =	ssyncset.done $0x0  }
0x292: {  	s13 =	simm.s32 $0x2500;
	[sflag:s8] =	ssyncadd.s32 $0xFFFFC000  }
0x293: {  	[tilespmem:s21], [sflag:$0x5] =	stream.indirect.gather [spmem:s3], $0x80, s13, s15, $0xb8;
	[tilespmem:$0x17160] =	vst v63  }
0x294: {  	_ =	swait.ge [sflag:s22], $0x4000  }
0x295: {  	[sflag:s22] =	ssyncset.done $0x0  }
0x296: {  	s13 =	sadd.s32 $0x23800, s1;
	[sflag:s22] =	ssyncadd.s32 $0xFFFFC000  }
0x297: {  	[hbm4b:s13+s4] =	stream.linear.scatter [tilespmem:s23], [sflag:$0x7], $0x4000, $0x38;
	[tilespmem:$0x17160] =	vst v63  }
0x298: {  	_ =	swait.ge [sflag:s24], $0x4000  }
0x299: {  	[sflag:s24] =	ssyncset.done $0x0  }
0x29a: {  	s13 =	simm.s32 $0x2580;
	[sflag:s24] =	ssyncadd.s32 $0xFFFFC000  }
0x29b: {  	[tilespmem:s19], [sflag:$0x1] =	stream.indirect.gather [spmem:s3], $0x80, s13, s15, $0xb8;
	[tilespmem:$0x17160] =	vst v63  }
0x29c: {  	_ =	swait.ge [sflag:s26], $0x4000  }
0x29d: {  	[sflag:s26] =	ssyncset.done $0x0  }
0x29e: {  	s13 =	sadd.s32 $0x24000, s1;
	[sflag:s26] =	ssyncadd.s32 $0xFFFFC000  }
0x29f: {  	[hbm4b:s13+s4] =	stream.linear.scatter [tilespmem:s28], [sflag:$0x8], $0x4000, $0x38;
	[tilespmem:$0x17160] =	vst v63  }
0x2a0: {  	_ =	swait.ge [sflag:s29], $0x4000  }
0x2a1: {  	[sflag:s29] =	ssyncset.done $0x0  }
0x2a2: {  	s13 =	simm.s32 $0x2600;
	[sflag:s29] =	ssyncadd.s32 $0xFFFFC000  }
0x2a3: {  	[tilespmem:s23], [sflag:$0x2] =	stream.indirect.gather [spmem:s3], $0x80, s13, s15, $0xb8;
	[tilespmem:$0x17160] =	vst v63  }
0x2a4: {  	_ =	swait.ge [sflag:s31], $0x4000  }
0x2a5: {  	[sflag:s31] =	ssyncset.done $0x0  }
0x2a6: {  	s13 =	sadd.s32 $0x24800, s1;
	[sflag:s31] =	ssyncadd.s32 $0xFFFFC000  }
0x2a7: {  	[hbm4b:s13+s4] =	stream.linear.scatter [tilespmem:s17], [sflag:$0x9], $0x4000, $0x38;
	[tilespmem:$0x17160] =	vst v63  }
0x2a8: {  	_ =	swait.ge [sflag:s2], $0x4000  }
0x2a9: {  	[sflag:s2] =	ssyncset.done $0x0  }
0x2aa: {  	s13 =	simm.s32 $0x2680;
	[sflag:s2] =	ssyncadd.s32 $0xFFFFC000  }
0x2ab: {  	[tilespmem:s28], [sflag:$0x3] =	stream.indirect.gather [spmem:s3], $0x80, s13, s15, $0xb8;
	[tilespmem:$0x17160] =	vst v63  }
0x2ac: {  	_ =	swait.ge [sflag:s6], $0x4000  }
0x2ad: {  	[sflag:s6] =	ssyncset.done $0x0  }
0x2ae: {  	s13 =	sadd.s32 $0x25000, s1;
	[sflag:s6] =	ssyncadd.s32 $0xFFFFC000  }
0x2af: {  	[hbm4b:s13+s4] =	stream.linear.scatter [tilespmem:s21], [sflag:$0xA], $0x4000, $0x38;
	[tilespmem:$0x17160] =	vst v63  }
0x2b0: {  	_ =	swait.ge [sflag:s7], $0x4000  }
0x2b1: {  	[sflag:s7] =	ssyncset.done $0x0  }
0x2b2: {  	[sflag:s7] =	ssyncadd.s32 $0xFFFFC000  }
0x2b3: {  	[tilespmem:s17], [sflag:$0x4] =	stream.indirect.gather [spmem:s3], $0x80, s5, s15, $0xb8;
	[tilespmem:$0x17160] =	vst v63  }
0x2b4: {  	_ =	swait.ge [sflag:s18], $0x4000  }
0x2b5: {  	[sflag:s18] =	ssyncset.done $0x0  }
0x2b6: {  	s13 =	sadd.s32 $0x25800, s1;
	[sflag:s18] =	ssyncadd.s32 $0xFFFFC000  }
0x2b7: {  	[hbm4b:s13+s4] =	stream.linear.scatter [tilespmem:s19], [sflag:$0x6], $0x4000, $0x38;
	[tilespmem:$0x17160] =	vst v63  }
0x2b8: {  	_ =	swait.ge [sflag:s8], $0x4000  }
0x2b9: {  	[sflag:s8] =	ssyncset.done $0x0  }
0x2ba: {  	[sflag:s8] =	ssyncadd.s32 $0xFFFFC000  }
0x2bb: {  	[tilespmem:s21], [sflag:$0x5] =	stream.indirect.gather [spmem:s3], $0x80, s0, s15, $0xb8;
	[tilespmem:$0x17160] =	vst v63  }
0x2bc: {  	_ =	swait.ge [sflag:s22], $0x4000  }
0x2bd: {  	[sflag:s22] =	ssyncset.done $0x0  }
0x2be: {  	s13 =	sadd.s32 $0x26000, s1;
	[sflag:s22] =	ssyncadd.s32 $0xFFFFC000  }
0x2bf: {  	[hbm4b:s13+s4] =	stream.linear.scatter [tilespmem:s23], [sflag:$0x7], $0x4000, $0x38;
	[tilespmem:$0x17160] =	vst v63  }
0x2c0: {  	_ =	swait.ge [sflag:s26], $0x4000  }
0x2c1: {  	[sflag:s26] =	ssyncset.done $0x0  }
0x2c2: {  	s13 =	sadd.s32 $0x26800, s1;
	[sflag:s26] =	ssyncadd.s32 $0xFFFFC000  }
0x2c3: {  	[hbm4b:s13+s4] =	stream.linear.scatter [tilespmem:s28], [sflag:$0x8], $0x4000, $0x38;
	[tilespmem:$0x17160] =	vst v63  }
0x2c4: {  	_ =	swait.ge [sflag:s31], $0x4000  }
0x2c5: {  	[sflag:s31] =	ssyncset.done $0x0  }
0x2c6: {  	s13 =	sadd.s32 $0x27000, s1;
	[sflag:s31] =	ssyncadd.s32 $0xFFFFC000  }
0x2c7: {  	[hbm4b:s13+s4] =	stream.linear.scatter [tilespmem:s17], [sflag:$0x9], $0x4000, $0x38;
	[tilespmem:$0x17160] =	vst v63  }
.Ltmp2:
0x2c8: {  	_ = 	snop;
	(pc) =	sbr.rel @p1 .LBB2_4-.Ltmp2, $4  }
0x2c9: {  	_ =	swait.ge [sflag:s6], $0x4000  }
0x2ca: {  	[sflag:s6] =	ssyncset.done $0x0  }
0x2cb: {  	s1 =	sadd.s32 $0x27800, s1;
	[sflag:s6] =	ssyncadd.s32 $0xFFFFC000  }
0x2cc: {  	[hbm4b:s1+s4] =	stream.linear.scatter [tilespmem:s21], [sflag:$0xA], $0x4000, $0x38;
	[tilespmem:$0x17160] =	vst v63  }
.Ltmp3:
0x2cd: {  	(pc) =	sbr.rel .LBB2_2-.Ltmp3, $3  }
0x2ce: {  	_ =	sdelay $0x1  }
0x2cf: {  	[tilespmem:s12], [sflag:$0xC] =	stream.linear.gather [hbm4b:s25+s4], $0x1400, $0x38;
	[tilespmem:$0x17160] =	vst v63  }
0x2d0: {  	s30 =	sadd.s32 $0x28000, s30;
	s25 =	sadd.s32 $0x500, s25;
	s16 =	sadd.s32 $0x2800, s16  }
.LBB2_5:
0x2d1: {  	_ =	sfence.sel $0x180000  }
0x2d2: {  	[bflag:$0x0] =	sbarrier.arrive $0xFFFF  }
0x2d3: {  	_ =	strace $0x90000047  }
0x2d4: {  	[bflag:$0x2] =	sbarrier.arrive $0xFFFF  }
0x2d5: {  	s0 =	rddreg [dreg:$0x4]  }
0x2d6: {  	s0 =	sadd.s32 @!p0 $0x100000, s0  }
0x2d7: {  	[sflag:s0] =	ssyncadd.tile.s32 @!p0 $0x1;
	_ =	shalt  }
.Lfunc_end2:
_tile_overlayer_lowered:
.L_overlay_start_2:
0x2d8: {  	(tag) =	ssettag $0x2  }
0x2d9: {  	s0 =	rddreg [dreg:$0x0];
	s2 =	stileid.u32  }
0x2da: {  	s1 =	rddreg [dreg:$0x1];
	p0 =	sne.s32 s2, $0x0  }
0x2db: {  	s3 =	rddreg [dreg:$0x2];
	[bflag:$0x3] =	sbarrier.arrive $0xFFFF;
	s2 =	simm.s32 @!p0 $0x1C0D  }
0x2dc: {  	[timem:s3], [sflag:s2] =	dma.local @!p0 [hbm:s0], s1  }
0x2dd: {  	s0 =	simm.s32 @!p0 $0xD  }
0x2de: {  	_ =	swait.ge @!p0 [sflag:s0], s1  }
0x2df: {  	s1 =	ssub.s32 @!p0 $0x0, s1;
	[sflag:s0] =	ssyncset.done @!p0 $0x0  }
0x2e0: {  	[sflag:s0] =	ssyncadd.s32 @!p0 s1  }
0x2e1: {  	[bflag:$0x3] =	sbarrier.arrive $0xFFFF  }
0x2e2: {  	_ =	shalt  }

</sc_bundles>
